<compile_context>
chip_gen: v7x
topology: tpu7x:2x2x1
jax: 0.10.2.dev20260603
libtpu: 0.0.44.dev20260713+nightly
codegen_flags: <defaults>
</compile_context>

<pallas_src>
import jax
import jax.numpy as jnp
from jax import lax
from jax.experimental import pallas as pl
from jax.experimental.pallas import tpu as pltpu
from jax.experimental.pallas import tpu_sc as plsc

B = 1024
L = 200
H = 128
OUT_L = L + 1
EPS = 1e-12

NC = 2
NS = 16
NW = NC * NS
B_PER_W = B // NW

G0 = 104
G1 = L - G0
POS_STAGE = 208


def _body(ids_hbm, vec_hbm, emb_hbm, pos_hbm, gam_hbm, bet_hbm, out_hbm,
          ids_v, vecs_v, buf0, buf1, buf2, pos_v, gam_v, bet_v,
          sg0, sg1, sg2, so0, so1, so2):
    wid = lax.axis_index("s") * NC + lax.axis_index("c")
    base = wid * B_PER_W

    pltpu.sync_copy(pos_hbm.at[pl.ds(0, POS_STAGE)], pos_v)
    pltpu.sync_copy(gam_hbm, gam_v)
    pltpu.sync_copy(bet_hbm, bet_v)
    pltpu.sync_copy(ids_hbm.at[pl.ds(base * L, B_PER_W * L)], ids_v)
    pltpu.sync_copy(vec_hbm.at[wid], vecs_v)

    bufs = (buf0, buf1, buf2)
    sgs = (sg0, sg1, sg2)
    sos = (so0, so1, so2)

    gam = [gam_v[pl.ds(16 * k, 16)] for k in range(8)]
    bet = [bet_v[pl.ds(16 * k, 16)] for k in range(8)]

    def ln_row(x):
        s = x[0]
        sq = x[0] * x[0]
        for k in range(1, 8):
            s = s + x[k]
            sq = sq + x[k] * x[k]
        tot = jnp.sum(s)
        tot2 = jnp.sum(sq)
        mean = jnp.full((16,), tot, jnp.float32) * (1.0 / H)
        ex2 = jnp.full((16,), tot2, jnp.float32) * (1.0 / H)
        var = jnp.maximum(ex2 - mean * mean, 0.0) + EPS
        bits = plsc.bitcast(var, jnp.int32)
        y = plsc.bitcast(0x5F3759DF - lax.shift_right_logical(bits, 1),
                         jnp.float32)
        h = 0.5 * var
        for _ in range(2):
            y = y * (1.5 - h * (y * y))
        return [(x[k] - mean) * y * gam[k] + bet[k] for k in range(8)]

    def issue_gather(i, bufm, semm):
        pltpu.async_copy(emb_hbm.at[ids_v.at[pl.ds(i * L, G0)]],
                         bufm.at[pl.ds(1, G0)], semm)
        pltpu.async_copy(emb_hbm.at[ids_v.at[pl.ds(i * L + G0, G1)]],
                         bufm.at[pl.ds(1 + G0, G1)], semm)

    def wait_gather(bufm, semm):
        pltpu.make_async_copy(emb_hbm.at[pl.ds(0, L)],
                              bufm.at[pl.ds(1, L)], semm).wait()

    def compute(i, bufm):
        x0 = [vecs_v[i, pl.ds(16 * k, 16)] + pos_v[1, pl.ds(16 * k, 16)]
              for k in range(8)]
        y0 = ln_row(x0)
        for k in range(8):
            bufm[0, pl.ds(16 * k, 16)] = y0[k]

        def row_quad(t, rcarry):
            js = (4 * t + 1, 4 * t + 2, 4 * t + 3, 4 * t + 4)
            xs = [[bufm[j, pl.ds(16 * k, 16)] + pos_v[j + 1, pl.ds(16 * k, 16)]
                   for k in range(8)] for j in js]
            ys = [ln_row(x) for x in xs]
            for j, y in zip(js, ys):
                for k in range(8):
                    bufm[j, pl.ds(16 * k, 16)] = y[k]
            return rcarry

        lax.fori_loop(0, L // 4, row_quad, 0)

    issue_gather(0, buf0, sg0)
    issue_gather(1, buf1, sg1)

    def k_body(k, carry):
        for m in range(3):
            i = 3 * k + m
            bufm, sgm, som = bufs[m], sgs[m], sos[m]
            nxt = (m + 2) % 3

            @pl.when(i < B_PER_W)
            def _process():
                wait_gather(bufm, sgm)
                compute(i, bufm)
                pltpu.async_copy(bufm, out_hbm.at[base + i], som)

                @pl.when(i + 2 < B_PER_W)
                def _refill():
                    @pl.when(i >= 1)
                    def _drain():
                        pltpu.make_async_copy(
                            bufs[nxt], out_hbm.at[base + i - 1],
                            sos[nxt]).wait()
                    issue_gather(i + 2, bufs[nxt], sgs[nxt])
        return carry

    lax.fori_loop(0, (B_PER_W + 2) // 3, k_body, 0)
    pltpu.make_async_copy(buf2, out_hbm.at[base + B_PER_W - 3], so2).wait()
    pltpu.make_async_copy(buf0, out_hbm.at[base + B_PER_W - 2], so0).wait()
    pltpu.make_async_copy(buf1, out_hbm.at[base + B_PER_W - 1], so1).wait()


@jax.jit
def kernel(input_ids, vectors, word_emb, pos_emb, ln_gamma, ln_beta):
    ids_flat = input_ids.astype(jnp.int32).reshape(B * L)
    vec3 = vectors.reshape(NW, B_PER_W, H)
    mesh = plsc.VectorSubcoreMesh(core_axis_name="c", subcore_axis_name="s",
                                  num_cores=NC, num_subcores=NS)
    run = pl.kernel(
        _body,
        out_type=jax.ShapeDtypeStruct((B, OUT_L, H), jnp.float32),
        mesh=mesh,
        compiler_params=pltpu.CompilerParams(needs_layout_passes=False),
        scratch_types=[
            pltpu.VMEM((B_PER_W * L,), jnp.int32),
            pltpu.VMEM((B_PER_W, H), jnp.float32),
            pltpu.VMEM((OUT_L, H), jnp.float32),
            pltpu.VMEM((OUT_L, H), jnp.float32),
            pltpu.VMEM((OUT_L, H), jnp.float32),
            pltpu.VMEM((POS_STAGE, H), jnp.float32),
            pltpu.VMEM((H,), jnp.float32),
            pltpu.VMEM((H,), jnp.float32),
            pltpu.SemaphoreType.DMA,
            pltpu.SemaphoreType.DMA,
            pltpu.SemaphoreType.DMA,
            pltpu.SemaphoreType.DMA,
            pltpu.SemaphoreType.DMA,
            pltpu.SemaphoreType.DMA,
        ],
    )
    return run(ids_flat, vec3, word_emb, pos_emb, ln_gamma, ln_beta)

# --- scband reference (transcript-rebuilt; emitter-appended) ---
"""Pipeline reference for scband-vector-text-first-embeddings-6957847019915 (READ-ONLY COPY).

The authoritative reference and input builder live on the scoring server;
editing this copy changes nothing except your own understanding.
"""

import jax, jax.numpy as jnp
import numpy as np

VOCAB = 100000
HIDDEN = 128
MAX_POS = 512
PAD = 0
EPS = 1e-12
B = 1024
L = 200


def setup_inputs(seed: int = 0) -> dict:
    key = jax.random.key(seed)
    k1, k2, k3, k4 = jax.random.split(key, 4)
    input_ids = jax.random.randint(k1, (B, L), 0, VOCAB, dtype=jnp.int64 if jax.config.jax_enable_x64 else jnp.int32)
    vectors = jax.random.normal(k2, (B, HIDDEN), dtype=jnp.float32)
    word_emb = jax.random.normal(k3, (VOCAB, HIDDEN), dtype=jnp.float32) * 0.02
    # padding_idx row zeroed, matching nn.Embedding(padding_idx=PAD)
    word_emb = word_emb.at[PAD].set(0.0)
    # position table has max_position_embedding + padding_idx + 1 rows
    pos_emb = jax.random.normal(k4, (MAX_POS + PAD + 1, HIDDEN), dtype=jnp.float32) * 0.02
    pos_emb = pos_emb.at[PAD].set(0.0)
    ln_gamma = jnp.ones((HIDDEN,), dtype=jnp.float32)
    ln_beta = jnp.zeros((HIDDEN,), dtype=jnp.float32)
    return {
        "input_ids": input_ids,
        "vectors": vectors,
        "word_emb": word_emb,
        "pos_emb": pos_emb,
        "ln_gamma": ln_gamma,
        "ln_beta": ln_beta,
    }


def reference(input_ids, vectors, word_emb, pos_emb, ln_gamma, ln_beta):
    b, l = input_ids.shape
    # all rows are full-length (uniform batch): position ids run PAD+1 .. l+PAD+1 inclusive (length l+1)
    position_ids = jnp.arange(PAD + 1, l + PAD + 2, dtype=input_ids.dtype)
    position_ids = jnp.broadcast_to(position_ids[None, :], (b, l + 1))
    inputs_embeds = jnp.take(word_emb, input_ids, axis=0)          # [B, L, H]
    position_embeddings = jnp.take(pos_emb, position_ids, axis=0)  # [B, L+1, H]
    x = jnp.concatenate([vectors[:, None, :], inputs_embeds], axis=1)  # [B, L+1, H]
    x = x + position_embeddings
    mean = jnp.mean(x, axis=-1, keepdims=True)
    var = jnp.mean(jnp.square(x - mean), axis=-1, keepdims=True)
    xn = (x - mean) / jnp.sqrt(var + EPS)
    out = xn * ln_gamma + ln_beta
    # dropout_prob=0.0 / eval mode -> identity
    return out

if __name__ == "__main__":
    import jax
    _d = setup_inputs()
    print(jax.jit(kernel)(*tuple(_d.values())))

</pallas_src>

<mosaic_0001>
#map = affine_map<(d0, d1) -> (0)>
#map1 = affine_map<(d0, d1) -> (0, 0, 0)>
#map2 = affine_map<(d0, d1) -> (0, 0)>
module attributes {stable_mosaic.version = 14 : i64} {
  func.func @_body(%arg0: i32, %arg1: i32, %arg2: memref<204800xi32, #tpu.memory_space<hbm>>, %arg3: memref<32x32x128xf32, #tpu.memory_space<hbm>>, %arg4: memref<100000x128xf32, #tpu.memory_space<hbm>>, %arg5: memref<513x128xf32, #tpu.memory_space<hbm>>, %arg6: memref<128xf32, #tpu.memory_space<hbm>>, %arg7: memref<128xf32, #tpu.memory_space<hbm>>, %arg8: memref<1024x201x128xf32, #tpu.memory_space<hbm>>, %arg9: memref<6400xi32, #tpu.memory_space<vmem>>, %arg10: memref<32x128xf32, #tpu.memory_space<vmem>>, %arg11: memref<201x128xf32, #tpu.memory_space<vmem>>, %arg12: memref<201x128xf32, #tpu.memory_space<vmem>>, %arg13: memref<201x128xf32, #tpu.memory_space<vmem>>, %arg14: memref<208x128xf32, #tpu.memory_space<vmem>>, %arg15: memref<128xf32, #tpu.memory_space<vmem>>, %arg16: memref<128xf32, #tpu.memory_space<vmem>>, %arg17: memref<!tpu.dma_semaphore, #tpu.memory_space<semaphore_mem>>, %arg18: memref<!tpu.dma_semaphore, #tpu.memory_space<semaphore_mem>>, %arg19: memref<!tpu.dma_semaphore, #tpu.memory_space<semaphore_mem>>, %arg20: memref<!tpu.dma_semaphore, #tpu.memory_space<semaphore_mem>>, %arg21: memref<!tpu.dma_semaphore, #tpu.memory_space<semaphore_mem>>, %arg22: memref<!tpu.dma_semaphore, #tpu.memory_space<semaphore_mem>>) attributes {dimension_semantics = [#tpu.dimension_semantics<core_parallel>, #tpu.dimension_semantics<subcore_parallel>], iteration_bounds = array<i64: 2, 16>, scalar_prefetch = 0 : i64, scratch_operands = 14 : i64, tpu.core_type = #tpu.core_type<sc_vector_subcore>, window_params = [{transform_indices = #map}, {transform_indices = #map1}, {transform_indices = #map2}, {transform_indices = #map2}, {transform_indices = #map}, {transform_indices = #map}, {transform_indices = #map1}]} {
    %mul3A = arith.constant 2 : i32
    %mul3A_0 = arith.muli %arg1, %mul3A : i32
    %add3A = arith.addi %mul3A_0, %arg0 : i32
    %mul3A_1 = arith.constant 32 : i32
    %mul3A_2 = arith.muli %add3A, %mul3A_1 : i32
    "tpu.region"() ({
      %run_scoped3A = tpu.sem_alloc : memref<!tpu.dma_semaphore, #tpu.memory_space<semaphore_mem>>
      %dma_start3A_106 = arith.constant 0 : i32
      %dma_start3A_107 = arith.constant 0 : i32
      %dma_start3A_108 = tpu.memref_slice %arg5[%dma_start3A_106, %dma_start3A_107] : memref<513x128xf32, #tpu.memory_space<hbm>> -> memref<208x128xf32, #tpu.memory_space<hbm>>
      %dma_start3A_109 = arith.constant 0 : i32
      %dma_start3A_110 = arith.constant 0 : i32
      %dma_start3A_111 = tpu.memref_slice %arg5[%dma_start3A_109, %dma_start3A_110] : memref<513x128xf32, #tpu.memory_space<hbm>> -> memref<208x128xf32, #tpu.memory_space<hbm>>
      tpu.enqueue_dma source(%dma_start3A_111 : memref<208x128xf32, #tpu.memory_space<hbm>>) target(%arg14 : memref<208x128xf32, #tpu.memory_space<vmem>>) target_semaphore(%run_scoped3A : memref<!tpu.dma_semaphore, #tpu.memory_space<semaphore_mem>>)
      %dma_wait3A_112 = arith.constant 0 : i32
      %dma_wait3A_113 = arith.constant 0 : i32
      %dma_wait3A_114 = tpu.memref_slice %arg5[%dma_wait3A_112, %dma_wait3A_113] : memref<513x128xf32, #tpu.memory_space<hbm>> -> memref<208x128xf32, #tpu.memory_space<hbm>>
      %dma_wait3A_115 = arith.constant 0 : i32
      %dma_wait3A_116 = arith.constant 0 : i32
      %dma_wait3A_117 = tpu.memref_slice %arg5[%dma_wait3A_115, %dma_wait3A_116] : memref<513x128xf32, #tpu.memory_space<hbm>> -> memref<208x128xf32, #tpu.memory_space<hbm>>
      tpu.wait_dma2 semaphore(%run_scoped3A : memref<!tpu.dma_semaphore, #tpu.memory_space<semaphore_mem>>) src(%dma_wait3A_117 : memref<208x128xf32, #tpu.memory_space<hbm>>) dst(%arg14 : memref<208x128xf32, #tpu.memory_space<vmem>>)
      tpu.yield
    }) : () -> ()
    "tpu.region"() ({
      %run_scoped3A = tpu.sem_alloc : memref<!tpu.dma_semaphore, #tpu.memory_space<semaphore_mem>>
      tpu.enqueue_dma source(%arg6 : memref<128xf32, #tpu.memory_space<hbm>>) target(%arg15 : memref<128xf32, #tpu.memory_space<vmem>>) target_semaphore(%run_scoped3A : memref<!tpu.dma_semaphore, #tpu.memory_space<semaphore_mem>>)
      tpu.wait_dma2 semaphore(%run_scoped3A : memref<!tpu.dma_semaphore, #tpu.memory_space<semaphore_mem>>) src(%arg6 : memref<128xf32, #tpu.memory_space<hbm>>) dst(%arg15 : memref<128xf32, #tpu.memory_space<vmem>>)
      tpu.yield
    }) : () -> ()
    "tpu.region"() ({
      %run_scoped3A = tpu.sem_alloc : memref<!tpu.dma_semaphore, #tpu.memory_space<semaphore_mem>>
      tpu.enqueue_dma source(%arg7 : memref<128xf32, #tpu.memory_space<hbm>>) target(%arg16 : memref<128xf32, #tpu.memory_space<vmem>>) target_semaphore(%run_scoped3A : memref<!tpu.dma_semaphore, #tpu.memory_space<semaphore_mem>>)
      tpu.wait_dma2 semaphore(%run_scoped3A : memref<!tpu.dma_semaphore, #tpu.memory_space<semaphore_mem>>) src(%arg7 : memref<128xf32, #tpu.memory_space<hbm>>) dst(%arg16 : memref<128xf32, #tpu.memory_space<vmem>>)
      tpu.yield
    }) : () -> ()
    %mul3A_3 = arith.constant 200 : i32
    %mul3A_4 = arith.muli %mul3A_2, %mul3A_3 : i32
    "tpu.region"() ({
      %run_scoped3A = tpu.sem_alloc : memref<!tpu.dma_semaphore, #tpu.memory_space<semaphore_mem>>
      %dma_start3A_106 = tpu.memref_slice %arg2[%mul3A_4] : memref<204800xi32, #tpu.memory_space<hbm>> -> memref<6400xi32, #tpu.memory_space<hbm>>
      %dma_start3A_107 = tpu.memref_slice %arg2[%mul3A_4] : memref<204800xi32, #tpu.memory_space<hbm>> -> memref<6400xi32, #tpu.memory_space<hbm>>
      tpu.enqueue_dma source(%dma_start3A_107 : memref<6400xi32, #tpu.memory_space<hbm>>) target(%arg9 : memref<6400xi32, #tpu.memory_space<vmem>>) target_semaphore(%run_scoped3A : memref<!tpu.dma_semaphore, #tpu.memory_space<semaphore_mem>>)
      %dma_wait3A_108 = tpu.memref_slice %arg2[%mul3A_4] : memref<204800xi32, #tpu.memory_space<hbm>> -> memref<6400xi32, #tpu.memory_space<hbm>>
      %dma_wait3A_109 = tpu.memref_slice %arg2[%mul3A_4] : memref<204800xi32, #tpu.memory_space<hbm>> -> memref<6400xi32, #tpu.memory_space<hbm>>
      tpu.wait_dma2 semaphore(%run_scoped3A : memref<!tpu.dma_semaphore, #tpu.memory_space<semaphore_mem>>) src(%dma_wait3A_109 : memref<6400xi32, #tpu.memory_space<hbm>>) dst(%arg9 : memref<6400xi32, #tpu.memory_space<vmem>>)
      tpu.yield
    }) : () -> ()
    "tpu.region"() ({
      %run_scoped3A = tpu.sem_alloc : memref<!tpu.dma_semaphore, #tpu.memory_space<semaphore_mem>>
      %dma_start3A_106 = arith.constant 0 : i32
      %dma_start3A_107 = arith.constant 0 : i32
      %dma_start3A_108 = tpu.memref_slice %arg3[%add3A, %dma_start3A_106, %dma_start3A_107] : memref<32x32x128xf32, #tpu.memory_space<hbm>> -> memref<1x32x128xf32, #tpu.memory_space<hbm>>
      %dma_start3A_109 = tpu.memref_squeeze %dma_start3A_108 : memref<1x32x128xf32, #tpu.memory_space<hbm>> -> memref<32x128xf32, #tpu.memory_space<hbm>>
      %dma_start3A_110 = arith.constant 0 : i32
      %dma_start3A_111 = arith.constant 0 : i32
      %dma_start3A_112 = tpu.memref_slice %arg3[%add3A, %dma_start3A_110, %dma_start3A_111] : memref<32x32x128xf32, #tpu.memory_space<hbm>> -> memref<1x32x128xf32, #tpu.memory_space<hbm>>
      %dma_start3A_113 = tpu.memref_squeeze %dma_start3A_112 : memref<1x32x128xf32, #tpu.memory_space<hbm>> -> memref<32x128xf32, #tpu.memory_space<hbm>>
      tpu.enqueue_dma source(%dma_start3A_113 : memref<32x128xf32, #tpu.memory_space<hbm>>) target(%arg10 : memref<32x128xf32, #tpu.memory_space<vmem>>) target_semaphore(%run_scoped3A : memref<!tpu.dma_semaphore, #tpu.memory_space<semaphore_mem>>)
      %dma_wait3A_114 = arith.constant 0 : i32
      %dma_wait3A_115 = arith.constant 0 : i32
      %dma_wait3A_116 = tpu.memref_slice %arg3[%add3A, %dma_wait3A_114, %dma_wait3A_115] : memref<32x32x128xf32, #tpu.memory_space<hbm>> -> memref<1x32x128xf32, #tpu.memory_space<hbm>>
      %dma_wait3A_117 = tpu.memref_squeeze %dma_wait3A_116 : memref<1x32x128xf32, #tpu.memory_space<hbm>> -> memref<32x128xf32, #tpu.memory_space<hbm>>
      %dma_wait3A_118 = arith.constant 0 : i32
      %dma_wait3A_119 = arith.constant 0 : i32
      %dma_wait3A_120 = tpu.memref_slice %arg3[%add3A, %dma_wait3A_118, %dma_wait3A_119] : memref<32x32x128xf32, #tpu.memory_space<hbm>> -> memref<1x32x128xf32, #tpu.memory_space<hbm>>
      %dma_wait3A_121 = tpu.memref_squeeze %dma_wait3A_120 : memref<1x32x128xf32, #tpu.memory_space<hbm>> -> memref<32x128xf32, #tpu.memory_space<hbm>>
      tpu.wait_dma2 semaphore(%run_scoped3A : memref<!tpu.dma_semaphore, #tpu.memory_space<semaphore_mem>>) src(%dma_wait3A_121 : memref<32x128xf32, #tpu.memory_space<hbm>>) dst(%arg10 : memref<32x128xf32, #tpu.memory_space<vmem>>)
      tpu.yield
    }) : () -> ()
    %get3A = arith.constant 0 : index
    %get3A_5 = tpu.vector_load %arg15[%get3A] {strides = array<i32>} : memref<128xf32, #tpu.memory_space<vmem>>, vector<16xf32>,
    %get3A_6 = arith.constant 16 : index
    %get3A_7 = tpu.vector_load %arg15[%get3A_6] {strides = array<i32>} : memref<128xf32, #tpu.memory_space<vmem>>, vector<16xf32>,
    %get3A_8 = arith.constant 32 : index
    %get3A_9 = tpu.vector_load %arg15[%get3A_8] {strides = array<i32>} : memref<128xf32, #tpu.memory_space<vmem>>, vector<16xf32>,
    %get3A_10 = arith.constant 48 : index
    %get3A_11 = tpu.vector_load %arg15[%get3A_10] {strides = array<i32>} : memref<128xf32, #tpu.memory_space<vmem>>, vector<16xf32>,
    %get3A_12 = arith.constant 64 : index
    %get3A_13 = tpu.vector_load %arg15[%get3A_12] {strides = array<i32>} : memref<128xf32, #tpu.memory_space<vmem>>, vector<16xf32>,
    %get3A_14 = arith.constant 80 : index
    %get3A_15 = tpu.vector_load %arg15[%get3A_14] {strides = array<i32>} : memref<128xf32, #tpu.memory_space<vmem>>, vector<16xf32>,
    %get3A_16 = arith.constant 96 : index
    %get3A_17 = tpu.vector_load %arg15[%get3A_16] {strides = array<i32>} : memref<128xf32, #tpu.memory_space<vmem>>, vector<16xf32>,
    %get3A_18 = arith.constant 112 : index
    %get3A_19 = tpu.vector_load %arg15[%get3A_18] {strides = array<i32>} : memref<128xf32, #tpu.memory_space<vmem>>, vector<16xf32>,
    %get3A_20 = arith.constant 0 : index
    %get3A_21 = tpu.vector_load %arg16[%get3A_20] {strides = array<i32>} : memref<128xf32, #tpu.memory_space<vmem>>, vector<16xf32>,
    %get3A_22 = arith.constant 16 : index
    %get3A_23 = tpu.vector_load %arg16[%get3A_22] {strides = array<i32>} : memref<128xf32, #tpu.memory_space<vmem>>, vector<16xf32>,
    %get3A_24 = arith.constant 32 : index
    %get3A_25 = tpu.vector_load %arg16[%get3A_24] {strides = array<i32>} : memref<128xf32, #tpu.memory_space<vmem>>, vector<16xf32>,
    %get3A_26 = arith.constant 48 : index
    %get3A_27 = tpu.vector_load %arg16[%get3A_26] {strides = array<i32>} : memref<128xf32, #tpu.memory_space<vmem>>, vector<16xf32>,
    %get3A_28 = arith.constant 64 : index
    %get3A_29 = tpu.vector_load %arg16[%get3A_28] {strides = array<i32>} : memref<128xf32, #tpu.memory_space<vmem>>, vector<16xf32>,
    %get3A_30 = arith.constant 80 : index
    %get3A_31 = tpu.vector_load %arg16[%get3A_30] {strides = array<i32>} : memref<128xf32, #tpu.memory_space<vmem>>, vector<16xf32>,
    %get3A_32 = arith.constant 96 : index
    %get3A_33 = tpu.vector_load %arg16[%get3A_32] {strides = array<i32>} : memref<128xf32, #tpu.memory_space<vmem>>, vector<16xf32>,
    %get3A_34 = arith.constant 112 : index
    %get3A_35 = tpu.vector_load %arg16[%get3A_34] {strides = array<i32>} : memref<128xf32, #tpu.memory_space<vmem>>, vector<16xf32>,
    %dma_start3A = arith.constant 1 : i32
    %dma_start3A_36 = arith.constant 0 : i32
    %dma_start3A_37 = tpu.memref_slice %arg11[%dma_start3A, %dma_start3A_36] : memref<201x128xf32, #tpu.memory_space<vmem>> -> memref<104x128xf32, #tpu.memory_space<vmem>>
    %dma_start3A_38 = arith.constant 0 : i32
    %dma_start3A_39 = tpu.memref_slice %arg9[%dma_start3A_38] : memref<6400xi32, #tpu.memory_space<vmem>> -> memref<104xi32, #tpu.memory_space<vmem>>
    %dma_start3A_40 = arith.constant 0 : i32
    %dma_start3A_41 = arith.constant 0 : i32
    %dma_start3A_42 = tpu.memref_slice %arg4[%dma_start3A_40, %dma_start3A_41] : memref<100000x128xf32, #tpu.memory_space<hbm>> -> memref<100000x128xf32, #tpu.memory_space<hbm>>
    tpu.enqueue_indirect_dma source(%dma_start3A_42 : memref<100000x128xf32, #tpu.memory_space<hbm>>) target(%dma_start3A_37 : memref<104x128xf32, #tpu.memory_space<vmem>>) offsets(%dma_start3A_39 : memref<104xi32, #tpu.memory_space<vmem>>) semaphore(%arg17 : memref<!tpu.dma_semaphore, #tpu.memory_space<semaphore_mem>>)
    %dma_start3A_43 = arith.constant 105 : i32
    %dma_start3A_44 = arith.constant 0 : i32
    %dma_start3A_45 = tpu.memref_slice %arg11[%dma_start3A_43, %dma_start3A_44] : memref<201x128xf32, #tpu.memory_space<vmem>> -> memref<96x128xf32, #tpu.memory_space<vmem>>
    %dma_start3A_46 = arith.constant 104 : i32
    %dma_start3A_47 = tpu.memref_slice %arg9[%dma_start3A_46] : memref<6400xi32, #tpu.memory_space<vmem>> -> memref<96xi32, #tpu.memory_space<vmem>>
    %dma_start3A_48 = arith.constant 0 : i32
    %dma_start3A_49 = arith.constant 0 : i32
    %dma_start3A_50 = tpu.memref_slice %arg4[%dma_start3A_48, %dma_start3A_49] : memref<100000x128xf32, #tpu.memory_space<hbm>> -> memref<100000x128xf32, #tpu.memory_space<hbm>>
    tpu.enqueue_indirect_dma source(%dma_start3A_50 : memref<100000x128xf32, #tpu.memory_space<hbm>>) target(%dma_start3A_45 : memref<96x128xf32, #tpu.memory_space<vmem>>) offsets(%dma_start3A_47 : memref<96xi32, #tpu.memory_space<vmem>>) semaphore(%arg17 : memref<!tpu.dma_semaphore, #tpu.memory_space<semaphore_mem>>)
    %dma_start3A_51 = arith.constant 1 : i32
    %dma_start3A_52 = arith.constant 0 : i32
    %dma_start3A_53 = tpu.memref_slice %arg12[%dma_start3A_51, %dma_start3A_52] : memref<201x128xf32, #tpu.memory_space<vmem>> -> memref<104x128xf32, #tpu.memory_space<vmem>>
    %dma_start3A_54 = arith.constant 200 : i32
    %dma_start3A_55 = tpu.memref_slice %arg9[%dma_start3A_54] : memref<6400xi32, #tpu.memory_space<vmem>> -> memref<104xi32, #tpu.memory_space<vmem>>
    %dma_start3A_56 = arith.constant 0 : i32
    %dma_start3A_57 = arith.constant 0 : i32
    %dma_start3A_58 = tpu.memref_slice %arg4[%dma_start3A_56, %dma_start3A_57] : memref<100000x128xf32, #tpu.memory_space<hbm>> -> memref<100000x128xf32, #tpu.memory_space<hbm>>
    tpu.enqueue_indirect_dma source(%dma_start3A_58 : memref<100000x128xf32, #tpu.memory_space<hbm>>) target(%dma_start3A_53 : memref<104x128xf32, #tpu.memory_space<vmem>>) offsets(%dma_start3A_55 : memref<104xi32, #tpu.memory_space<vmem>>) semaphore(%arg18 : memref<!tpu.dma_semaphore, #tpu.memory_space<semaphore_mem>>)
    %dma_start3A_59 = arith.constant 105 : i32
    %dma_start3A_60 = arith.constant 0 : i32
    %dma_start3A_61 = tpu.memref_slice %arg12[%dma_start3A_59, %dma_start3A_60] : memref<201x128xf32, #tpu.memory_space<vmem>> -> memref<96x128xf32, #tpu.memory_space<vmem>>
    %dma_start3A_62 = arith.constant 304 : i32
    %dma_start3A_63 = tpu.memref_slice %arg9[%dma_start3A_62] : memref<6400xi32, #tpu.memory_space<vmem>> -> memref<96xi32, #tpu.memory_space<vmem>>
    %dma_start3A_64 = arith.constant 0 : i32
    %dma_start3A_65 = arith.constant 0 : i32
    %dma_start3A_66 = tpu.memref_slice %arg4[%dma_start3A_64, %dma_start3A_65] : memref<100000x128xf32, #tpu.memory_space<hbm>> -> memref<100000x128xf32, #tpu.memory_space<hbm>>
    tpu.enqueue_indirect_dma source(%dma_start3A_66 : memref<100000x128xf32, #tpu.memory_space<hbm>>) target(%dma_start3A_61 : memref<96x128xf32, #tpu.memory_space<vmem>>) offsets(%dma_start3A_63 : memref<96xi32, #tpu.memory_space<vmem>>) semaphore(%arg18 : memref<!tpu.dma_semaphore, #tpu.memory_space<semaphore_mem>>)
    %scan3A = arith.constant 0 : i32
    %scan3A_67 = arith.constant 0 : i32
    %scan3A_68 = arith.constant 11 : i32
    %scan3A_69 = arith.addi %scan3A_67, %scan3A_68 : i32
    %scan3A_70 = arith.constant 1 : i32
    scf.for %scan3A_106 = %scan3A_67 to %scan3A_69 step %scan3A_70  : i32 {
      %mul3A_107 = arith.constant 3 : i32
      %mul3A_108 = arith.muli %mul3A_107, %scan3A_106 : i32
      %add3A_109 = arith.constant 0 : i32
      %add3A_110 = arith.addi %mul3A_108, %add3A_109 : i32
      %lt3A = arith.constant 32 : i32
      %lt3A_111 = arith.cmpi slt, %add3A_110, %lt3A : i32
      %convert_element_type3A = arith.extui %lt3A_111 : i1 to i32
      %cond3A = arith.constant 0 : i32
      %cond3A_112 = arith.cmpi ne, %convert_element_type3A, %cond3A : i32
      scf.if %cond3A_112 {
        %dma_wait3A_131 = arith.constant 1 : i32
        %dma_wait3A_132 = arith.constant 0 : i32
        %dma_wait3A_133 = tpu.memref_slice %arg11[%dma_wait3A_131, %dma_wait3A_132] : memref<201x128xf32, #tpu.memory_space<vmem>> -> memref<200x128xf32, #tpu.memory_space<vmem>>
        %dma_wait3A_134 = arith.constant 0 : i32
        %dma_wait3A_135 = arith.constant 0 : i32
        %dma_wait3A_136 = tpu.memref_slice %arg4[%dma_wait3A_134, %dma_wait3A_135] : memref<100000x128xf32, #tpu.memory_space<hbm>> -> memref<200x128xf32, #tpu.memory_space<hbm>>
        %dma_wait3A_137 = arith.constant 1 : i32
        %dma_wait3A_138 = arith.constant 0 : i32
        %dma_wait3A_139 = tpu.memref_slice %arg11[%dma_wait3A_137, %dma_wait3A_138] : memref<201x128xf32, #tpu.memory_space<vmem>> -> memref<200x128xf32, #tpu.memory_space<vmem>>
        %dma_wait3A_140 = arith.constant 0 : i32
        %dma_wait3A_141 = arith.constant 0 : i32
        %dma_wait3A_142 = tpu.memref_slice %arg4[%dma_wait3A_140, %dma_wait3A_141] : memref<100000x128xf32, #tpu.memory_space<hbm>> -> memref<200x128xf32, #tpu.memory_space<hbm>>
        tpu.wait_dma2 semaphore(%arg17 : memref<!tpu.dma_semaphore, #tpu.memory_space<semaphore_mem>>) src(%dma_wait3A_142 : memref<200x128xf32, #tpu.memory_space<hbm>>) dst(%dma_wait3A_139 : memref<200x128xf32, #tpu.memory_space<vmem>>)
        %get3A_143 = arith.index_cast %add3A_110 : i32 to index
        %get3A_144 = arith.constant 0 : index
        %get3A_145 = tpu.vector_load %arg10[%get3A_143, %get3A_144] {strides = array<i32>} : memref<32x128xf32, #tpu.memory_space<vmem>>, vector<16xf32>,
        %get3A_146 = arith.constant 1 : i32
        %get3A_147 = arith.index_cast %get3A_146 : i32 to index
        %get3A_148 = arith.constant 0 : index
        %get3A_149 = tpu.vector_load %arg14[%get3A_147, %get3A_148] {strides = array<i32>} : memref<208x128xf32, #tpu.memory_space<vmem>>, vector<16xf32>,
        %add3A_150 = arith.addf %get3A_145, %get3A_149 : vector<16xf32>
        %get3A_151 = arith.index_cast %add3A_110 : i32 to index
        %get3A_152 = arith.constant 16 : index
        %get3A_153 = tpu.vector_load %arg10[%get3A_151, %get3A_152] {strides = array<i32>} : memref<32x128xf32, #tpu.memory_space<vmem>>, vector<16xf32>,
        %get3A_154 = arith.constant 1 : i32
        %get3A_155 = arith.index_cast %get3A_154 : i32 to index
        %get3A_156 = arith.constant 16 : index
        %get3A_157 = tpu.vector_load %arg14[%get3A_155, %get3A_156] {strides = array<i32>} : memref<208x128xf32, #tpu.memory_space<vmem>>, vector<16xf32>,
        %add3A_158 = arith.addf %get3A_153, %get3A_157 : vector<16xf32>
        %get3A_159 = arith.index_cast %add3A_110 : i32 to index
        %get3A_160 = arith.constant 32 : index
        %get3A_161 = tpu.vector_load %arg10[%get3A_159, %get3A_160] {strides = array<i32>} : memref<32x128xf32, #tpu.memory_space<vmem>>, vector<16xf32>,
        %get3A_162 = arith.constant 1 : i32
        %get3A_163 = arith.index_cast %get3A_162 : i32 to index
        %get3A_164 = arith.constant 32 : index
        %get3A_165 = tpu.vector_load %arg14[%get3A_163, %get3A_164] {strides = array<i32>} : memref<208x128xf32, #tpu.memory_space<vmem>>, vector<16xf32>,
        %add3A_166 = arith.addf %get3A_161, %get3A_165 : vector<16xf32>
        %get3A_167 = arith.index_cast %add3A_110 : i32 to index
        %get3A_168 = arith.constant 48 : index
        %get3A_169 = tpu.vector_load %arg10[%get3A_167, %get3A_168] {strides = array<i32>} : memref<32x128xf32, #tpu.memory_space<vmem>>, vector<16xf32>,
        %get3A_170 = arith.constant 1 : i32
        %get3A_171 = arith.index_cast %get3A_170 : i32 to index
        %get3A_172 = arith.constant 48 : index
        %get3A_173 = tpu.vector_load %arg14[%get3A_171, %get3A_172] {strides = array<i32>} : memref<208x128xf32, #tpu.memory_space<vmem>>, vector<16xf32>,
        %add3A_174 = arith.addf %get3A_169, %get3A_173 : vector<16xf32>
        %get3A_175 = arith.index_cast %add3A_110 : i32 to index
        %get3A_176 = arith.constant 64 : index
        %get3A_177 = tpu.vector_load %arg10[%get3A_175, %get3A_176] {strides = array<i32>} : memref<32x128xf32, #tpu.memory_space<vmem>>, vector<16xf32>,
        %get3A_178 = arith.constant 1 : i32
        %get3A_179 = arith.index_cast %get3A_178 : i32 to index
        %get3A_180 = arith.constant 64 : index
        %get3A_181 = tpu.vector_load %arg14[%get3A_179, %get3A_180] {strides = array<i32>} : memref<208x128xf32, #tpu.memory_space<vmem>>, vector<16xf32>,
        %add3A_182 = arith.addf %get3A_177, %get3A_181 : vector<16xf32>
        %get3A_183 = arith.index_cast %add3A_110 : i32 to index
        %get3A_184 = arith.constant 80 : index
        %get3A_185 = tpu.vector_load %arg10[%get3A_183, %get3A_184] {strides = array<i32>} : memref<32x128xf32, #tpu.memory_space<vmem>>, vector<16xf32>,
        %get3A_186 = arith.constant 1 : i32
        %get3A_187 = arith.index_cast %get3A_186 : i32 to index
        %get3A_188 = arith.constant 80 : index
        %get3A_189 = tpu.vector_load %arg14[%get3A_187, %get3A_188] {strides = array<i32>} : memref<208x128xf32, #tpu.memory_space<vmem>>, vector<16xf32>,
        %add3A_190 = arith.addf %get3A_185, %get3A_189 : vector<16xf32>
        %get3A_191 = arith.index_cast %add3A_110 : i32 to index
        %get3A_192 = arith.constant 96 : index
        %get3A_193 = tpu.vector_load %arg10[%get3A_191, %get3A_192] {strides = array<i32>} : memref<32x128xf32, #tpu.memory_space<vmem>>, vector<16xf32>,
        %get3A_194 = arith.constant 1 : i32
        %get3A_195 = arith.index_cast %get3A_194 : i32 to index
        %get3A_196 = arith.constant 96 : index
        %get3A_197 = tpu.vector_load %arg14[%get3A_195, %get3A_196] {strides = array<i32>} : memref<208x128xf32, #tpu.memory_space<vmem>>, vector<16xf32>,
        %add3A_198 = arith.addf %get3A_193, %get3A_197 : vector<16xf32>
        %get3A_199 = arith.index_cast %add3A_110 : i32 to index
        %get3A_200 = arith.constant 112 : index
        %get3A_201 = tpu.vector_load %arg10[%get3A_199, %get3A_200] {strides = array<i32>} : memref<32x128xf32, #tpu.memory_space<vmem>>, vector<16xf32>,
        %get3A_202 = arith.constant 1 : i32
        %get3A_203 = arith.index_cast %get3A_202 : i32 to index
        %get3A_204 = arith.constant 112 : index
        %get3A_205 = tpu.vector_load %arg14[%get3A_203, %get3A_204] {strides = array<i32>} : memref<208x128xf32, #tpu.memory_space<vmem>>, vector<16xf32>,
        %add3A_206 = arith.addf %get3A_201, %get3A_205 : vector<16xf32>
        %mul3A_207 = arith.mulf %add3A_150, %add3A_150 : vector<16xf32>
        %add3A_208 = arith.addf %add3A_150, %add3A_158 : vector<16xf32>
        %mul3A_209 = arith.mulf %add3A_158, %add3A_158 : vector<16xf32>
        %add3A_210 = arith.addf %mul3A_207, %mul3A_209 : vector<16xf32>
        %add3A_211 = arith.addf %add3A_208, %add3A_166 : vector<16xf32>
        %mul3A_212 = arith.mulf %add3A_166, %add3A_166 : vector<16xf32>
        %add3A_213 = arith.addf %add3A_210, %mul3A_212 : vector<16xf32>
        %add3A_214 = arith.addf %add3A_211, %add3A_174 : vector<16xf32>
        %mul3A_215 = arith.mulf %add3A_174, %add3A_174 : vector<16xf32>
        %add3A_216 = arith.addf %add3A_213, %mul3A_215 : vector<16xf32>
        %add3A_217 = arith.addf %add3A_214, %add3A_182 : vector<16xf32>
        %mul3A_218 = arith.mulf %add3A_182, %add3A_182 : vector<16xf32>
        %add3A_219 = arith.addf %add3A_216, %mul3A_218 : vector<16xf32>
        %add3A_220 = arith.addf %add3A_217, %add3A_190 : vector<16xf32>
        %mul3A_221 = arith.mulf %add3A_190, %add3A_190 : vector<16xf32>
        %add3A_222 = arith.addf %add3A_219, %mul3A_221 : vector<16xf32>
        %add3A_223 = arith.addf %add3A_220, %add3A_198 : vector<16xf32>
        %mul3A_224 = arith.mulf %add3A_198, %add3A_198 : vector<16xf32>
        %add3A_225 = arith.addf %add3A_222, %mul3A_224 : vector<16xf32>
        %add3A_226 = arith.addf %add3A_223, %add3A_206 : vector<16xf32>
        %mul3A_227 = arith.mulf %add3A_206, %add3A_206 : vector<16xf32>
        %add3A_228 = arith.addf %add3A_225, %mul3A_227 : vector<16xf32>
        %reduce_sum3A = arith.constant true
        %reduce_sum3A_229 = vector.broadcast %reduce_sum3A : i1 to vector<16xi1>
        %reduce_sum3A_230 = tpu.scan <sum>, %add3A_226 masked %reduce_sum3A_229 : vector<16xf32>, vector<16xi1> -> vector<16xf32>
        %reduce_sum3A_231 = vector.extract %reduce_sum3A_230[15] : f32 from vector<16xf32>
        %reduce_sum3A_232 = arith.constant true
        %reduce_sum3A_233 = vector.broadcast %reduce_sum3A_232 : i1 to vector<16xi1>
        %reduce_sum3A_234 = tpu.scan <sum>, %add3A_228 masked %reduce_sum3A_233 : vector<16xf32>, vector<16xi1> -> vector<16xf32>
        %reduce_sum3A_235 = vector.extract %reduce_sum3A_234[15] : f32 from vector<16xf32>
        %broadcast_in_dim3A = vector.broadcast %reduce_sum3A_231 : f32 to vector<16xf32>
        %mul3A_236 = arith.constant 7.812500e-03 : f32
        %mul3A_237 = vector.broadcast %mul3A_236 : f32 to vector<16xf32>
        %mul3A_238 = arith.mulf %broadcast_in_dim3A, %mul3A_237 : vector<16xf32>
        %broadcast_in_dim3A_239 = vector.broadcast %reduce_sum3A_235 : f32 to vector<16xf32>
        %mul3A_240 = arith.constant 7.812500e-03 : f32
        %mul3A_241 = vector.broadcast %mul3A_240 : f32 to vector<16xf32>
        %mul3A_242 = arith.mulf %broadcast_in_dim3A_239, %mul3A_241 : vector<16xf32>
        %mul3A_243 = arith.mulf %mul3A_238, %mul3A_238 : vector<16xf32>
        %sub3A_244 = arith.subf %mul3A_242, %mul3A_243 : vector<16xf32>
        %max3A = arith.constant 0.000000e+00 : f32
        %max3A_245 = vector.broadcast %max3A : f32 to vector<16xf32>
        %max3A_246 = arith.maximumf %sub3A_244, %max3A_245 : vector<16xf32>
        %add3A_247 = arith.constant 9.99999996E-13 : f32
        %add3A_248 = vector.broadcast %add3A_247 : f32 to vector<16xf32>
        %add3A_249 = arith.addf %max3A_246, %add3A_248 : vector<16xf32>
        %bitcast3A = vector.bitcast %add3A_249 : vector<16xf32> to vector<16xi32>
        %shift_right_logical3A = arith.constant 1 : i32
        %shift_right_logical3A_250 = vector.broadcast %shift_right_logical3A : i32 to vector<16xi32>
        %shift_right_logical3A_251 = arith.shrui %bitcast3A, %shift_right_logical3A_250 : vector<16xi32>
        %sub3A_252 = arith.constant 1597463007 : i32
        %sub3A_253 = vector.broadcast %sub3A_252 : i32 to vector<16xi32>
        %sub3A_254 = arith.subi %sub3A_253, %shift_right_logical3A_251 : vector<16xi32>
        %bitcast3A_255 = vector.bitcast %sub3A_254 : vector<16xi32> to vector<16xf32>
        %mul3A_256 = arith.constant 5.000000e-01 : f32
        %mul3A_257 = vector.broadcast %mul3A_256 : f32 to vector<16xf32>
        %mul3A_258 = arith.mulf %mul3A_257, %add3A_249 : vector<16xf32>
        %mul3A_259 = arith.mulf %bitcast3A_255, %bitcast3A_255 : vector<16xf32>
        %mul3A_260 = arith.mulf %mul3A_258, %mul3A_259 : vector<16xf32>
        %sub3A_261 = arith.constant 1.500000e+00 : f32
        %sub3A_262 = vector.broadcast %sub3A_261 : f32 to vector<16xf32>
        %sub3A_263 = arith.subf %sub3A_262, %mul3A_260 : vector<16xf32>
        %mul3A_264 = arith.mulf %bitcast3A_255, %sub3A_263 : vector<16xf32>
        %mul3A_265 = arith.mulf %mul3A_264, %mul3A_264 : vector<16xf32>
        %mul3A_266 = arith.mulf %mul3A_258, %mul3A_265 : vector<16xf32>
        %sub3A_267 = arith.constant 1.500000e+00 : f32
        %sub3A_268 = vector.broadcast %sub3A_267 : f32 to vector<16xf32>
        %sub3A_269 = arith.subf %sub3A_268, %mul3A_266 : vector<16xf32>
        %mul3A_270 = arith.mulf %mul3A_264, %sub3A_269 : vector<16xf32>
        %sub3A_271 = arith.subf %add3A_150, %mul3A_238 : vector<16xf32>
        %mul3A_272 = arith.mulf %sub3A_271, %mul3A_270 : vector<16xf32>
        %mul3A_273 = arith.mulf %mul3A_272, %get3A_5 : vector<16xf32>
        %add3A_274 = arith.addf %mul3A_273, %get3A_21 : vector<16xf32>
        %sub3A_275 = arith.subf %add3A_158, %mul3A_238 : vector<16xf32>
        %mul3A_276 = arith.mulf %sub3A_275, %mul3A_270 : vector<16xf32>
        %mul3A_277 = arith.mulf %mul3A_276, %get3A_7 : vector<16xf32>
        %add3A_278 = arith.addf %mul3A_277, %get3A_23 : vector<16xf32>
        %sub3A_279 = arith.subf %add3A_166, %mul3A_238 : vector<16xf32>
        %mul3A_280 = arith.mulf %sub3A_279, %mul3A_270 : vector<16xf32>
        %mul3A_281 = arith.mulf %mul3A_280, %get3A_9 : vector<16xf32>
        %add3A_282 = arith.addf %mul3A_281, %get3A_25 : vector<16xf32>
        %sub3A_283 = arith.subf %add3A_174, %mul3A_238 : vector<16xf32>
        %mul3A_284 = arith.mulf %sub3A_283, %mul3A_270 : vector<16xf32>
        %mul3A_285 = arith.mulf %mul3A_284, %get3A_11 : vector<16xf32>
        %add3A_286 = arith.addf %mul3A_285, %get3A_27 : vector<16xf32>
        %sub3A_287 = arith.subf %add3A_182, %mul3A_238 : vector<16xf32>
        %mul3A_288 = arith.mulf %sub3A_287, %mul3A_270 : vector<16xf32>
        %mul3A_289 = arith.mulf %mul3A_288, %get3A_13 : vector<16xf32>
        %add3A_290 = arith.addf %mul3A_289, %get3A_29 : vector<16xf32>
        %sub3A_291 = arith.subf %add3A_190, %mul3A_238 : vector<16xf32>
        %mul3A_292 = arith.mulf %sub3A_291, %mul3A_270 : vector<16xf32>
        %mul3A_293 = arith.mulf %mul3A_292, %get3A_15 : vector<16xf32>
        %add3A_294 = arith.addf %mul3A_293, %get3A_31 : vector<16xf32>
        %sub3A_295 = arith.subf %add3A_198, %mul3A_238 : vector<16xf32>
        %mul3A_296 = arith.mulf %sub3A_295, %mul3A_270 : vector<16xf32>
        %mul3A_297 = arith.mulf %mul3A_296, %get3A_17 : vector<16xf32>
        %add3A_298 = arith.addf %mul3A_297, %get3A_33 : vector<16xf32>
        %sub3A_299 = arith.subf %add3A_206, %mul3A_238 : vector<16xf32>
        %mul3A_300 = arith.mulf %sub3A_299, %mul3A_270 : vector<16xf32>
        %mul3A_301 = arith.mulf %mul3A_300, %get3A_19 : vector<16xf32>
        %add3A_302 = arith.addf %mul3A_301, %get3A_35 : vector<16xf32>
        %swap3A = arith.constant 0 : i32
        %swap3A_303 = arith.index_cast %swap3A : i32 to index
        %swap3A_304 = arith.constant 0 : index
        %swap3A_305 = tpu.vector_load %arg11[%swap3A_303, %swap3A_304] {strides = array<i32>} : memref<201x128xf32, #tpu.memory_space<vmem>>, vector<16xf32>,
        tpu.vector_store %arg11[%swap3A_303, %swap3A_304], %add3A_274 {strides = array<i32>} : memref<201x128xf32, #tpu.memory_space<vmem>>, vector<16xf32>,
        %swap3A_306 = arith.constant 0 : i32
        %swap3A_307 = arith.index_cast %swap3A_306 : i32 to index
        %swap3A_308 = arith.constant 16 : index
        %swap3A_309 = tpu.vector_load %arg11[%swap3A_307, %swap3A_308] {strides = array<i32>} : memref<201x128xf32, #tpu.memory_space<vmem>>, vector<16xf32>,
        tpu.vector_store %arg11[%swap3A_307, %swap3A_308], %add3A_278 {strides = array<i32>} : memref<201x128xf32, #tpu.memory_space<vmem>>, vector<16xf32>,
        %swap3A_310 = arith.constant 0 : i32
        %swap3A_311 = arith.index_cast %swap3A_310 : i32 to index
        %swap3A_312 = arith.constant 32 : index
        %swap3A_313 = tpu.vector_load %arg11[%swap3A_311, %swap3A_312] {strides = array<i32>} : memref<201x128xf32, #tpu.memory_space<vmem>>, vector<16xf32>,
        tpu.vector_store %arg11[%swap3A_311, %swap3A_312], %add3A_282 {strides = array<i32>} : memref<201x128xf32, #tpu.memory_space<vmem>>, vector<16xf32>,
        %swap3A_314 = arith.constant 0 : i32
        %swap3A_315 = arith.index_cast %swap3A_314 : i32 to index
        %swap3A_316 = arith.constant 48 : index
        %swap3A_317 = tpu.vector_load %arg11[%swap3A_315, %swap3A_316] {strides = array<i32>} : memref<201x128xf32, #tpu.memory_space<vmem>>, vector<16xf32>,
        tpu.vector_store %arg11[%swap3A_315, %swap3A_316], %add3A_286 {strides = array<i32>} : memref<201x128xf32, #tpu.memory_space<vmem>>, vector<16xf32>,
        %swap3A_318 = arith.constant 0 : i32
        %swap3A_319 = arith.index_cast %swap3A_318 : i32 to index
        %swap3A_320 = arith.constant 64 : index
        %swap3A_321 = tpu.vector_load %arg11[%swap3A_319, %swap3A_320] {strides = array<i32>} : memref<201x128xf32, #tpu.memory_space<vmem>>, vector<16xf32>,
        tpu.vector_store %arg11[%swap3A_319, %swap3A_320], %add3A_290 {strides = array<i32>} : memref<201x128xf32, #tpu.memory_space<vmem>>, vector<16xf32>,
        %swap3A_322 = arith.constant 0 : i32
        %swap3A_323 = arith.index_cast %swap3A_322 : i32 to index
        %swap3A_324 = arith.constant 80 : index
        %swap3A_325 = tpu.vector_load %arg11[%swap3A_323, %swap3A_324] {strides = array<i32>} : memref<201x128xf32, #tpu.memory_space<vmem>>, vector<16xf32>,
        tpu.vector_store %arg11[%swap3A_323, %swap3A_324], %add3A_294 {strides = array<i32>} : memref<201x128xf32, #tpu.memory_space<vmem>>, vector<16xf32>,
        %swap3A_326 = arith.constant 0 : i32
        %swap3A_327 = arith.index_cast %swap3A_326 : i32 to index
        %swap3A_328 = arith.constant 96 : index
        %swap3A_329 = tpu.vector_load %arg11[%swap3A_327, %swap3A_328] {strides = array<i32>} : memref<201x128xf32, #tpu.memory_space<vmem>>, vector<16xf32>,
        tpu.vector_store %arg11[%swap3A_327, %swap3A_328], %add3A_298 {strides = array<i32>} : memref<201x128xf32, #tpu.memory_space<vmem>>, vector<16xf32>,
        %swap3A_330 = arith.constant 0 : i32
        %swap3A_331 = arith.index_cast %swap3A_330 : i32 to index
        %swap3A_332 = arith.constant 112 : index
        %swap3A_333 = tpu.vector_load %arg11[%swap3A_331, %swap3A_332] {strides = array<i32>} : memref<201x128xf32, #tpu.memory_space<vmem>>, vector<16xf32>,
        tpu.vector_store %arg11[%swap3A_331, %swap3A_332], %add3A_302 {strides = array<i32>} : memref<201x128xf32, #tpu.memory_space<vmem>>, vector<16xf32>,
        %scan3A_334 = arith.constant 0 : i32
        %scan3A_335 = arith.constant 0 : i32
        %scan3A_336 = arith.constant 50 : i32
        %scan3A_337 = arith.addi %scan3A_335, %scan3A_336 : i32
        %scan3A_338 = arith.constant 1 : i32
        scf.for %scan3A_356 = %scan3A_335 to %scan3A_337 step %scan3A_338  : i32 {
          %mul3A_357 = arith.constant 4 : i32
          %mul3A_358 = arith.muli %mul3A_357, %scan3A_356 : i32
          %add3A_359 = arith.constant 1 : i32
          %add3A_360 = arith.addi %mul3A_358, %add3A_359 : i32
          %mul3A_361 = arith.constant 4 : i32
          %mul3A_362 = arith.muli %mul3A_361, %scan3A_356 : i32
          %add3A_363 = arith.constant 2 : i32
          %add3A_364 = arith.addi %mul3A_362, %add3A_363 : i32
          %mul3A_365 = arith.constant 4 : i32
          %mul3A_366 = arith.muli %mul3A_365, %scan3A_356 : i32
          %add3A_367 = arith.constant 3 : i32
          %add3A_368 = arith.addi %mul3A_366, %add3A_367 : i32
          %mul3A_369 = arith.constant 4 : i32
          %mul3A_370 = arith.muli %mul3A_369, %scan3A_356 : i32
          %add3A_371 = arith.constant 4 : i32
          %add3A_372 = arith.addi %mul3A_370, %add3A_371 : i32
          %get3A_373 = arith.index_cast %add3A_360 : i32 to index
          %get3A_374 = arith.constant 0 : index
          %get3A_375 = tpu.vector_load %arg11[%get3A_373, %get3A_374] {strides = array<i32>} : memref<201x128xf32, #tpu.memory_space<vmem>>, vector<16xf32>,
          %add3A_376 = arith.constant 1 : i32
          %add3A_377 = arith.addi %add3A_360, %add3A_376 : i32
          %get3A_378 = arith.index_cast %add3A_377 : i32 to index
          %get3A_379 = arith.constant 0 : index
          %get3A_380 = tpu.vector_load %arg14[%get3A_378, %get3A_379] {strides = array<i32>} : memref<208x128xf32, #tpu.memory_space<vmem>>, vector<16xf32>,
          %add3A_381 = arith.addf %get3A_375, %get3A_380 : vector<16xf32>
          %get3A_382 = arith.index_cast %add3A_360 : i32 to index
          %get3A_383 = arith.constant 16 : index
          %get3A_384 = tpu.vector_load %arg11[%get3A_382, %get3A_383] {strides = array<i32>} : memref<201x128xf32, #tpu.memory_space<vmem>>, vector<16xf32>,
          %add3A_385 = arith.constant 1 : i32
          %add3A_386 = arith.addi %add3A_360, %add3A_385 : i32
          %get3A_387 = arith.index_cast %add3A_386 : i32 to index
          %get3A_388 = arith.constant 16 : index
          %get3A_389 = tpu.vector_load %arg14[%get3A_387, %get3A_388] {strides = array<i32>} : memref<208x128xf32, #tpu.memory_space<vmem>>, vector<16xf32>,
          %add3A_390 = arith.addf %get3A_384, %get3A_389 : vector<16xf32>
          %get3A_391 = arith.index_cast %add3A_360 : i32 to index
          %get3A_392 = arith.constant 32 : index
          %get3A_393 = tpu.vector_load %arg11[%get3A_391, %get3A_392] {strides = array<i32>} : memref<201x128xf32, #tpu.memory_space<vmem>>, vector<16xf32>,
          %add3A_394 = arith.constant 1 : i32
          %add3A_395 = arith.addi %add3A_360, %add3A_394 : i32
          %get3A_396 = arith.index_cast %add3A_395 : i32 to index
          %get3A_397 = arith.constant 32 : index
          %get3A_398 = tpu.vector_load %arg14[%get3A_396, %get3A_397] {strides = array<i32>} : memref<208x128xf32, #tpu.memory_space<vmem>>, vector<16xf32>,
          %add3A_399 = arith.addf %get3A_393, %get3A_398 : vector<16xf32>
          %get3A_400 = arith.index_cast %add3A_360 : i32 to index
          %get3A_401 = arith.constant 48 : index
          %get3A_402 = tpu.vector_load %arg11[%get3A_400, %get3A_401] {strides = array<i32>} : memref<201x128xf32, #tpu.memory_space<vmem>>, vector<16xf32>,
          %add3A_403 = arith.constant 1 : i32
          %add3A_404 = arith.addi %add3A_360, %add3A_403 : i32
          %get3A_405 = arith.index_cast %add3A_404 : i32 to index
          %get3A_406 = arith.constant 48 : index
          %get3A_407 = tpu.vector_load %arg14[%get3A_405, %get3A_406] {strides = array<i32>} : memref<208x128xf32, #tpu.memory_space<vmem>>, vector<16xf32>,
          %add3A_408 = arith.addf %get3A_402, %get3A_407 : vector<16xf32>
          %get3A_409 = arith.index_cast %add3A_360 : i32 to index
          %get3A_410 = arith.constant 64 : index
          %get3A_411 = tpu.vector_load %arg11[%get3A_409, %get3A_410] {strides = array<i32>} : memref<201x128xf32, #tpu.memory_space<vmem>>, vector<16xf32>,
          %add3A_412 = arith.constant 1 : i32
          %add3A_413 = arith.addi %add3A_360, %add3A_412 : i32
          %get3A_414 = arith.index_cast %add3A_413 : i32 to index
          %get3A_415 = arith.constant 64 : index
          %get3A_416 = tpu.vector_load %arg14[%get3A_414, %get3A_415] {strides = array<i32>} : memref<208x128xf32, #tpu.memory_space<vmem>>, vector<16xf32>,
          %add3A_417 = arith.addf %get3A_411, %get3A_416 : vector<16xf32>
          %get3A_418 = arith.index_cast %add3A_360 : i32 to index
          %get3A_419 = arith.constant 80 : index
          %get3A_420 = tpu.vector_load %arg11[%get3A_418, %get3A_419] {strides = array<i32>} : memref<201x128xf32, #tpu.memory_space<vmem>>, vector<16xf32>,
          %add3A_421 = arith.constant 1 : i32
          %add3A_422 = arith.addi %add3A_360, %add3A_421 : i32
          %get3A_423 = arith.index_cast %add3A_422 : i32 to index
          %get3A_424 = arith.constant 80 : index
          %get3A_425 = tpu.vector_load %arg14[%get3A_423, %get3A_424] {strides = array<i32>} : memref<208x128xf32, #tpu.memory_space<vmem>>, vector<16xf32>,
          %add3A_426 = arith.addf %get3A_420, %get3A_425 : vector<16xf32>
          %get3A_427 = arith.index_cast %add3A_360 : i32 to index
          %get3A_428 = arith.constant 96 : index
          %get3A_429 = tpu.vector_load %arg11[%get3A_427, %get3A_428] {strides = array<i32>} : memref<201x128xf32, #tpu.memory_space<vmem>>, vector<16xf32>,
          %add3A_430 = arith.constant 1 : i32
          %add3A_431 = arith.addi %add3A_360, %add3A_430 : i32
          %get3A_432 = arith.index_cast %add3A_431 : i32 to index
          %get3A_433 = arith.constant 96 : index
          %get3A_434 = tpu.vector_load %arg14[%get3A_432, %get3A_433] {strides = array<i32>} : memref<208x128xf32, #tpu.memory_space<vmem>>, vector<16xf32>,
          %add3A_435 = arith.addf %get3A_429, %get3A_434 : vector<16xf32>
          %get3A_436 = arith.index_cast %add3A_360 : i32 to index
          %get3A_437 = arith.constant 112 : index
          %get3A_438 = tpu.vector_load %arg11[%get3A_436, %get3A_437] {strides = array<i32>} : memref<201x128xf32, #tpu.memory_space<vmem>>, vector<16xf32>,
          %add3A_439 = arith.constant 1 : i32
          %add3A_440 = arith.addi %add3A_360, %add3A_439 : i32
          %get3A_441 = arith.index_cast %add3A_440 : i32 to index
          %get3A_442 = arith.constant 112 : index
          %get3A_443 = tpu.vector_load %arg14[%get3A_441, %get3A_442] {strides = array<i32>} : memref<208x128xf32, #tpu.memory_space<vmem>>, vector<16xf32>,
          %add3A_444 = arith.addf %get3A_438, %get3A_443 : vector<16xf32>
          %get3A_445 = arith.index_cast %add3A_364 : i32 to index
          %get3A_446 = arith.constant 0 : index
          %get3A_447 = tpu.vector_load %arg11[%get3A_445, %get3A_446] {strides = array<i32>} : memref<201x128xf32, #tpu.memory_space<vmem>>, vector<16xf32>,
          %add3A_448 = arith.constant 1 : i32
          %add3A_449 = arith.addi %add3A_364, %add3A_448 : i32
          %get3A_450 = arith.index_cast %add3A_449 : i32 to index
          %get3A_451 = arith.constant 0 : index
          %get3A_452 = tpu.vector_load %arg14[%get3A_450, %get3A_451] {strides = array<i32>} : memref<208x128xf32, #tpu.memory_space<vmem>>, vector<16xf32>,
          %add3A_453 = arith.addf %get3A_447, %get3A_452 : vector<16xf32>
          %get3A_454 = arith.index_cast %add3A_364 : i32 to index
          %get3A_455 = arith.constant 16 : index
          %get3A_456 = tpu.vector_load %arg11[%get3A_454, %get3A_455] {strides = array<i32>} : memref<201x128xf32, #tpu.memory_space<vmem>>, vector<16xf32>,
          %add3A_457 = arith.constant 1 : i32
          %add3A_458 = arith.addi %add3A_364, %add3A_457 : i32
          %get3A_459 = arith.index_cast %add3A_458 : i32 to index
          %get3A_460 = arith.constant 16 : index
          %get3A_461 = tpu.vector_load %arg14[%get3A_459, %get3A_460] {strides = array<i32>} : memref<208x128xf32, #tpu.memory_space<vmem>>, vector<16xf32>,
          %add3A_462 = arith.addf %get3A_456, %get3A_461 : vector<16xf32>
          %get3A_463 = arith.index_cast %add3A_364 : i32 to index
          %get3A_464 = arith.constant 32 : index
          %get3A_465 = tpu.vector_load %arg11[%get3A_463, %get3A_464] {strides = array<i32>} : memref<201x128xf32, #tpu.memory_space<vmem>>, vector<16xf32>,
          %add3A_466 = arith.constant 1 : i32
          %add3A_467 = arith.addi %add3A_364, %add3A_466 : i32
          %get3A_468 = arith.index_cast %add3A_467 : i32 to index
          %get3A_469 = arith.constant 32 : index
          %get3A_470 = tpu.vector_load %arg14[%get3A_468, %get3A_469] {strides = array<i32>} : memref<208x128xf32, #tpu.memory_space<vmem>>, vector<16xf32>,
          %add3A_471 = arith.addf %get3A_465, %get3A_470 : vector<16xf32>
          %get3A_472 = arith.index_cast %add3A_364 : i32 to index
          %get3A_473 = arith.constant 48 : index
          %get3A_474 = tpu.vector_load %arg11[%get3A_472, %get3A_473] {strides = array<i32>} : memref<201x128xf32, #tpu.memory_space<vmem>>, vector<16xf32>,
          %add3A_475 = arith.constant 1 : i32
          %add3A_476 = arith.addi %add3A_364, %add3A_475 : i32
          %get3A_477 = arith.index_cast %add3A_476 : i32 to index
          %get3A_478 = arith.constant 48 : index
          %get3A_479 = tpu.vector_load %arg14[%get3A_477, %get3A_478] {strides = array<i32>} : memref<208x128xf32, #tpu.memory_space<vmem>>, vector<16xf32>,
          %add3A_480 = arith.addf %get3A_474, %get3A_479 : vector<16xf32>
          %get3A_481 = arith.index_cast %add3A_364 : i32 to index
          %get3A_482 = arith.constant 64 : index
          %get3A_483 = tpu.vector_load %arg11[%get3A_481, %get3A_482] {strides = array<i32>} : memref<201x128xf32, #tpu.memory_space<vmem>>, vector<16xf32>,
          %add3A_484 = arith.constant 1 : i32
          %add3A_485 = arith.addi %add3A_364, %add3A_484 : i32
          %get3A_486 = arith.index_cast %add3A_485 : i32 to index
          %get3A_487 = arith.constant 64 : index
          %get3A_488 = tpu.vector_load %arg14[%get3A_486, %get3A_487] {strides = array<i32>} : memref<208x128xf32, #tpu.memory_space<vmem>>, vector<16xf32>,
          %add3A_489 = arith.addf %get3A_483, %get3A_488 : vector<16xf32>
          %get3A_490 = arith.index_cast %add3A_364 : i32 to index
          %get3A_491 = arith.constant 80 : index
          %get3A_492 = tpu.vector_load %arg11[%get3A_490, %get3A_491] {strides = array<i32>} : memref<201x128xf32, #tpu.memory_space<vmem>>, vector<16xf32>,
          %add3A_493 = arith.constant 1 : i32
          %add3A_494 = arith.addi %add3A_364, %add3A_493 : i32
          %get3A_495 = arith.index_cast %add3A_494 : i32 to index
          %get3A_496 = arith.constant 80 : index
          %get3A_497 = tpu.vector_load %arg14[%get3A_495, %get3A_496] {strides = array<i32>} : memref<208x128xf32, #tpu.memory_space<vmem>>, vector<16xf32>,
          %add3A_498 = arith.addf %get3A_492, %get3A_497 : vector<16xf32>
          %get3A_499 = arith.index_cast %add3A_364 : i32 to index
          %get3A_500 = arith.constant 96 : index
          %get3A_501 = tpu.vector_load %arg11[%get3A_499, %get3A_500] {strides = array<i32>} : memref<201x128xf32, #tpu.memory_space<vmem>>, vector<16xf32>,
          %add3A_502 = arith.constant 1 : i32
          %add3A_503 = arith.addi %add3A_364, %add3A_502 : i32
          %get3A_504 = arith.index_cast %add3A_503 : i32 to index
          %get3A_505 = arith.constant 96 : index
          %get3A_506 = tpu.vector_load %arg14[%get3A_504, %get3A_505] {strides = array<i32>} : memref<208x128xf32, #tpu.memory_space<vmem>>, vector<16xf32>,
          %add3A_507 = arith.addf %get3A_501, %get3A_506 : vector<16xf32>
          %get3A_508 = arith.index_cast %add3A_364 : i32 to index
          %get3A_509 = arith.constant 112 : index
          %get3A_510 = tpu.vector_load %arg11[%get3A_508, %get3A_509] {strides = array<i32>} : memref<201x128xf32, #tpu.memory_space<vmem>>, vector<16xf32>,
          %add3A_511 = arith.constant 1 : i32
          %add3A_512 = arith.addi %add3A_364, %add3A_511 : i32
          %get3A_513 = arith.index_cast %add3A_512 : i32 to index
          %get3A_514 = arith.constant 112 : index
          %get3A_515 = tpu.vector_load %arg14[%get3A_513, %get3A_514] {strides = array<i32>} : memref<208x128xf32, #tpu.memory_space<vmem>>, vector<16xf32>,
          %add3A_516 = arith.addf %get3A_510, %get3A_515 : vector<16xf32>
          %get3A_517 = arith.index_cast %add3A_368 : i32 to index
          %get3A_518 = arith.constant 0 : index
          %get3A_519 = tpu.vector_load %arg11[%get3A_517, %get3A_518] {strides = array<i32>} : memref<201x128xf32, #tpu.memory_space<vmem>>, vector<16xf32>,
          %add3A_520 = arith.constant 1 : i32
          %add3A_521 = arith.addi %add3A_368, %add3A_520 : i32
          %get3A_522 = arith.index_cast %add3A_521 : i32 to index
          %get3A_523 = arith.constant 0 : index
          %get3A_524 = tpu.vector_load %arg14[%get3A_522, %get3A_523] {strides = array<i32>} : memref<208x128xf32, #tpu.memory_space<vmem>>, vector<16xf32>,
          %add3A_525 = arith.addf %get3A_519, %get3A_524 : vector<16xf32>
          %get3A_526 = arith.index_cast %add3A_368 : i32 to index
          %get3A_527 = arith.constant 16 : index
          %get3A_528 = tpu.vector_load %arg11[%get3A_526, %get3A_527] {strides = array<i32>} : memref<201x128xf32, #tpu.memory_space<vmem>>, vector<16xf32>,
          %add3A_529 = arith.constant 1 : i32
          %add3A_530 = arith.addi %add3A_368, %add3A_529 : i32
          %get3A_531 = arith.index_cast %add3A_530 : i32 to index
          %get3A_532 = arith.constant 16 : index
          %get3A_533 = tpu.vector_load %arg14[%get3A_531, %get3A_532] {strides = array<i32>} : memref<208x128xf32, #tpu.memory_space<vmem>>, vector<16xf32>,
          %add3A_534 = arith.addf %get3A_528, %get3A_533 : vector<16xf32>
          %get3A_535 = arith.index_cast %add3A_368 : i32 to index
          %get3A_536 = arith.constant 32 : index
          %get3A_537 = tpu.vector_load %arg11[%get3A_535, %get3A_536] {strides = array<i32>} : memref<201x128xf32, #tpu.memory_space<vmem>>, vector<16xf32>,
          %add3A_538 = arith.constant 1 : i32
          %add3A_539 = arith.addi %add3A_368, %add3A_538 : i32
          %get3A_540 = arith.index_cast %add3A_539 : i32 to index
          %get3A_541 = arith.constant 32 : index
          %get3A_542 = tpu.vector_load %arg14[%get3A_540, %get3A_541] {strides = array<i32>} : memref<208x128xf32, #tpu.memory_space<vmem>>, vector<16xf32>,
          %add3A_543 = arith.addf %get3A_537, %get3A_542 : vector<16xf32>
          %get3A_544 = arith.index_cast %add3A_368 : i32 to index
          %get3A_545 = arith.constant 48 : index
          %get3A_546 = tpu.vector_load %arg11[%get3A_544, %get3A_545] {strides = array<i32>} : memref<201x128xf32, #tpu.memory_space<vmem>>, vector<16xf32>,
          %add3A_547 = arith.constant 1 : i32
          %add3A_548 = arith.addi %add3A_368, %add3A_547 : i32
          %get3A_549 = arith.index_cast %add3A_548 : i32 to index
          %get3A_550 = arith.constant 48 : index
          %get3A_551 = tpu.vector_load %arg14[%get3A_549, %get3A_550] {strides = array<i32>} : memref<208x128xf32, #tpu.memory_space<vmem>>, vector<16xf32>,
          %add3A_552 = arith.addf %get3A_546, %get3A_551 : vector<16xf32>
          %get3A_553 = arith.index_cast %add3A_368 : i32 to index
          %get3A_554 = arith.constant 64 : index
          %get3A_555 = tpu.vector_load %arg11[%get3A_553, %get3A_554] {strides = array<i32>} : memref<201x128xf32, #tpu.memory_space<vmem>>, vector<16xf32>,
          %add3A_556 = arith.constant 1 : i32
          %add3A_557 = arith.addi %add3A_368, %add3A_556 : i32
          %get3A_558 = arith.index_cast %add3A_557 : i32 to index
          %get3A_559 = arith.constant 64 : index
          %get3A_560 = tpu.vector_load %arg14[%get3A_558, %get3A_559] {strides = array<i32>} : memref<208x128xf32, #tpu.memory_space<vmem>>, vector<16xf32>,
          %add3A_561 = arith.addf %get3A_555, %get3A_560 : vector<16xf32>
          %get3A_562 = arith.index_cast %add3A_368 : i32 to index
          %get3A_563 = arith.constant 80 : index
          %get3A_564 = tpu.vector_load %arg11[%get3A_562, %get3A_563] {strides = array<i32>} : memref<201x128xf32, #tpu.memory_space<vmem>>, vector<16xf32>,
          %add3A_565 = arith.constant 1 : i32
          %add3A_566 = arith.addi %add3A_368, %add3A_565 : i32
          %get3A_567 = arith.index_cast %add3A_566 : i32 to index
          %get3A_568 = arith.constant 80 : index
          %get3A_569 = tpu.vector_load %arg14[%get3A_567, %get3A_568] {strides = array<i32>} : memref<208x128xf32, #tpu.memory_space<vmem>>, vector<16xf32>,
          %add3A_570 = arith.addf %get3A_564, %get3A_569 : vector<16xf32>
          %get3A_571 = arith.index_cast %add3A_368 : i32 to index
          %get3A_572 = arith.constant 96 : index
          %get3A_573 = tpu.vector_load %arg11[%get3A_571, %get3A_572] {strides = array<i32>} : memref<201x128xf32, #tpu.memory_space<vmem>>, vector<16xf32>,
          %add3A_574 = arith.constant 1 : i32
          %add3A_575 = arith.addi %add3A_368, %add3A_574 : i32
          %get3A_576 = arith.index_cast %add3A_575 : i32 to index
          %get3A_577 = arith.constant 96 : index
          %get3A_578 = tpu.vector_load %arg14[%get3A_576, %get3A_577] {strides = array<i32>} : memref<208x128xf32, #tpu.memory_space<vmem>>, vector<16xf32>,
          %add3A_579 = arith.addf %get3A_573, %get3A_578 : vector<16xf32>
          %get3A_580 = arith.index_cast %add3A_368 : i32 to index
          %get3A_581 = arith.constant 112 : index
          %get3A_582 = tpu.vector_load %arg11[%get3A_580, %get3A_581] {strides = array<i32>} : memref<201x128xf32, #tpu.memory_space<vmem>>, vector<16xf32>,
          %add3A_583 = arith.constant 1 : i32
          %add3A_584 = arith.addi %add3A_368, %add3A_583 : i32
          %get3A_585 = arith.index_cast %add3A_584 : i32 to index
          %get3A_586 = arith.constant 112 : index
          %get3A_587 = tpu.vector_load %arg14[%get3A_585, %get3A_586] {strides = array<i32>} : memref<208x128xf32, #tpu.memory_space<vmem>>, vector<16xf32>,
          %add3A_588 = arith.addf %get3A_582, %get3A_587 : vector<16xf32>
          %get3A_589 = arith.index_cast %add3A_372 : i32 to index
          %get3A_590 = arith.constant 0 : index
          %get3A_591 = tpu.vector_load %arg11[%get3A_589, %get3A_590] {strides = array<i32>} : memref<201x128xf32, #tpu.memory_space<vmem>>, vector<16xf32>,
          %add3A_592 = arith.constant 1 : i32
          %add3A_593 = arith.addi %add3A_372, %add3A_592 : i32
          %get3A_594 = arith.index_cast %add3A_593 : i32 to index
          %get3A_595 = arith.constant 0 : index
          %get3A_596 = tpu.vector_load %arg14[%get3A_594, %get3A_595] {strides = array<i32>} : memref<208x128xf32, #tpu.memory_space<vmem>>, vector<16xf32>,
          %add3A_597 = arith.addf %get3A_591, %get3A_596 : vector<16xf32>
          %get3A_598 = arith.index_cast %add3A_372 : i32 to index
          %get3A_599 = arith.constant 16 : index
          %get3A_600 = tpu.vector_load %arg11[%get3A_598, %get3A_599] {strides = array<i32>} : memref<201x128xf32, #tpu.memory_space<vmem>>, vector<16xf32>,
          %add3A_601 = arith.constant 1 : i32
          %add3A_602 = arith.addi %add3A_372, %add3A_601 : i32
          %get3A_603 = arith.index_cast %add3A_602 : i32 to index
          %get3A_604 = arith.constant 16 : index
          %get3A_605 = tpu.vector_load %arg14[%get3A_603, %get3A_604] {strides = array<i32>} : memref<208x128xf32, #tpu.memory_space<vmem>>, vector<16xf32>,
          %add3A_606 = arith.addf %get3A_600, %get3A_605 : vector<16xf32>
          %get3A_607 = arith.index_cast %add3A_372 : i32 to index
          %get3A_608 = arith.constant 32 : index
          %get3A_609 = tpu.vector_load %arg11[%get3A_607, %get3A_608] {strides = array<i32>} : memref<201x128xf32, #tpu.memory_space<vmem>>, vector<16xf32>,
          %add3A_610 = arith.constant 1 : i32
          %add3A_611 = arith.addi %add3A_372, %add3A_610 : i32
          %get3A_612 = arith.index_cast %add3A_611 : i32 to index
          %get3A_613 = arith.constant 32 : index
          %get3A_614 = tpu.vector_load %arg14[%get3A_612, %get3A_613] {strides = array<i32>} : memref<208x128xf32, #tpu.memory_space<vmem>>, vector<16xf32>,
          %add3A_615 = arith.addf %get3A_609, %get3A_614 : vector<16xf32>
          %get3A_616 = arith.index_cast %add3A_372 : i32 to index
          %get3A_617 = arith.constant 48 : index
          %get3A_618 = tpu.vector_load %arg11[%get3A_616, %get3A_617] {strides = array<i32>} : memref<201x128xf32, #tpu.memory_space<vmem>>, vector<16xf32>,
          %add3A_619 = arith.constant 1 : i32
          %add3A_620 = arith.addi %add3A_372, %add3A_619 : i32
          %get3A_621 = arith.index_cast %add3A_620 : i32 to index
          %get3A_622 = arith.constant 48 : index
          %get3A_623 = tpu.vector_load %arg14[%get3A_621, %get3A_622] {strides = array<i32>} : memref<208x128xf32, #tpu.memory_space<vmem>>, vector<16xf32>,
          %add3A_624 = arith.addf %get3A_618, %get3A_623 : vector<16xf32>
          %get3A_625 = arith.index_cast %add3A_372 : i32 to index
          %get3A_626 = arith.constant 64 : index
          %get3A_627 = tpu.vector_load %arg11[%get3A_625, %get3A_626] {strides = array<i32>} : memref<201x128xf32, #tpu.memory_space<vmem>>, vector<16xf32>,
          %add3A_628 = arith.constant 1 : i32
          %add3A_629 = arith.addi %add3A_372, %add3A_628 : i32
          %get3A_630 = arith.index_cast %add3A_629 : i32 to index
          %get3A_631 = arith.constant 64 : index
          %get3A_632 = tpu.vector_load %arg14[%get3A_630, %get3A_631] {strides = array<i32>} : memref<208x128xf32, #tpu.memory_space<vmem>>, vector<16xf32>,
          %add3A_633 = arith.addf %get3A_627, %get3A_632 : vector<16xf32>
          %get3A_634 = arith.index_cast %add3A_372 : i32 to index
          %get3A_635 = arith.constant 80 : index
          %get3A_636 = tpu.vector_load %arg11[%get3A_634, %get3A_635] {strides = array<i32>} : memref<201x128xf32, #tpu.memory_space<vmem>>, vector<16xf32>,
          %add3A_637 = arith.constant 1 : i32
          %add3A_638 = arith.addi %add3A_372, %add3A_637 : i32
          %get3A_639 = arith.index_cast %add3A_638 : i32 to index
          %get3A_640 = arith.constant 80 : index
          %get3A_641 = tpu.vector_load %arg14[%get3A_639, %get3A_640] {strides = array<i32>} : memref<208x128xf32, #tpu.memory_space<vmem>>, vector<16xf32>,
          %add3A_642 = arith.addf %get3A_636, %get3A_641 : vector<16xf32>
          %get3A_643 = arith.index_cast %add3A_372 : i32 to index
          %get3A_644 = arith.constant 96 : index
          %get3A_645 = tpu.vector_load %arg11[%get3A_643, %get3A_644] {strides = array<i32>} : memref<201x128xf32, #tpu.memory_space<vmem>>, vector<16xf32>,
          %add3A_646 = arith.constant 1 : i32
          %add3A_647 = arith.addi %add3A_372, %add3A_646 : i32
          %get3A_648 = arith.index_cast %add3A_647 : i32 to index
          %get3A_649 = arith.constant 96 : index
          %get3A_650 = tpu.vector_load %arg14[%get3A_648, %get3A_649] {strides = array<i32>} : memref<208x128xf32, #tpu.memory_space<vmem>>, vector<16xf32>,
          %add3A_651 = arith.addf %get3A_645, %get3A_650 : vector<16xf32>
          %get3A_652 = arith.index_cast %add3A_372 : i32 to index
          %get3A_653 = arith.constant 112 : index
          %get3A_654 = tpu.vector_load %arg11[%get3A_652, %get3A_653] {strides = array<i32>} : memref<201x128xf32, #tpu.memory_space<vmem>>, vector<16xf32>,
          %add3A_655 = arith.constant 1 : i32
          %add3A_656 = arith.addi %add3A_372, %add3A_655 : i32
          %get3A_657 = arith.index_cast %add3A_656 : i32 to index
          %get3A_658 = arith.constant 112 : index
          %get3A_659 = tpu.vector_load %arg14[%get3A_657, %get3A_658] {strides = array<i32>} : memref<208x128xf32, #tpu.memory_space<vmem>>, vector<16xf32>,
          %add3A_660 = arith.addf %get3A_654, %get3A_659 : vector<16xf32>
          %mul3A_661 = arith.mulf %add3A_381, %add3A_381 : vector<16xf32>
          %add3A_662 = arith.addf %add3A_381, %add3A_390 : vector<16xf32>
          %mul3A_663 = arith.mulf %add3A_390, %add3A_390 : vector<16xf32>
          %add3A_664 = arith.addf %mul3A_661, %mul3A_663 : vector<16xf32>
          %add3A_665 = arith.addf %add3A_662, %add3A_399 : vector<16xf32>
          %mul3A_666 = arith.mulf %add3A_399, %add3A_399 : vector<16xf32>
          %add3A_667 = arith.addf %add3A_664, %mul3A_666 : vector<16xf32>
          %add3A_668 = arith.addf %add3A_665, %add3A_408 : vector<16xf32>
          %mul3A_669 = arith.mulf %add3A_408, %add3A_408 : vector<16xf32>
          %add3A_670 = arith.addf %add3A_667, %mul3A_669 : vector<16xf32>
          %add3A_671 = arith.addf %add3A_668, %add3A_417 : vector<16xf32>
          %mul3A_672 = arith.mulf %add3A_417, %add3A_417 : vector<16xf32>
          %add3A_673 = arith.addf %add3A_670, %mul3A_672 : vector<16xf32>
          %add3A_674 = arith.addf %add3A_671, %add3A_426 : vector<16xf32>
          %mul3A_675 = arith.mulf %add3A_426, %add3A_426 : vector<16xf32>
          %add3A_676 = arith.addf %add3A_673, %mul3A_675 : vector<16xf32>
          %add3A_677 = arith.addf %add3A_674, %add3A_435 : vector<16xf32>
          %mul3A_678 = arith.mulf %add3A_435, %add3A_435 : vector<16xf32>
          %add3A_679 = arith.addf %add3A_676, %mul3A_678 : vector<16xf32>
          %add3A_680 = arith.addf %add3A_677, %add3A_444 : vector<16xf32>
          %mul3A_681 = arith.mulf %add3A_444, %add3A_444 : vector<16xf32>
          %add3A_682 = arith.addf %add3A_679, %mul3A_681 : vector<16xf32>
          %reduce_sum3A_683 = arith.constant true
          %reduce_sum3A_684 = vector.broadcast %reduce_sum3A_683 : i1 to vector<16xi1>
          %reduce_sum3A_685 = tpu.scan <sum>, %add3A_680 masked %reduce_sum3A_684 : vector<16xf32>, vector<16xi1> -> vector<16xf32>
          %reduce_sum3A_686 = vector.extract %reduce_sum3A_685[15] : f32 from vector<16xf32>
          %reduce_sum3A_687 = arith.constant true
          %reduce_sum3A_688 = vector.broadcast %reduce_sum3A_687 : i1 to vector<16xi1>
          %reduce_sum3A_689 = tpu.scan <sum>, %add3A_682 masked %reduce_sum3A_688 : vector<16xf32>, vector<16xi1> -> vector<16xf32>
          %reduce_sum3A_690 = vector.extract %reduce_sum3A_689[15] : f32 from vector<16xf32>
          %broadcast_in_dim3A_691 = vector.broadcast %reduce_sum3A_686 : f32 to vector<16xf32>
          %mul3A_692 = arith.constant 7.812500e-03 : f32
          %mul3A_693 = vector.broadcast %mul3A_692 : f32 to vector<16xf32>
          %mul3A_694 = arith.mulf %broadcast_in_dim3A_691, %mul3A_693 : vector<16xf32>
          %broadcast_in_dim3A_695 = vector.broadcast %reduce_sum3A_690 : f32 to vector<16xf32>
          %mul3A_696 = arith.constant 7.812500e-03 : f32
          %mul3A_697 = vector.broadcast %mul3A_696 : f32 to vector<16xf32>
          %mul3A_698 = arith.mulf %broadcast_in_dim3A_695, %mul3A_697 : vector<16xf32>
          %mul3A_699 = arith.mulf %mul3A_694, %mul3A_694 : vector<16xf32>
          %sub3A_700 = arith.subf %mul3A_698, %mul3A_699 : vector<16xf32>
          %max3A_701 = arith.constant 0.000000e+00 : f32
          %max3A_702 = vector.broadcast %max3A_701 : f32 to vector<16xf32>
          %max3A_703 = arith.maximumf %sub3A_700, %max3A_702 : vector<16xf32>
          %add3A_704 = arith.constant 9.99999996E-13 : f32
          %add3A_705 = vector.broadcast %add3A_704 : f32 to vector<16xf32>
          %add3A_706 = arith.addf %max3A_703, %add3A_705 : vector<16xf32>
          %bitcast3A_707 = vector.bitcast %add3A_706 : vector<16xf32> to vector<16xi32>
          %shift_right_logical3A_708 = arith.constant 1 : i32
          %shift_right_logical3A_709 = vector.broadcast %shift_right_logical3A_708 : i32 to vector<16xi32>
          %shift_right_logical3A_710 = arith.shrui %bitcast3A_707, %shift_right_logical3A_709 : vector<16xi32>
          %sub3A_711 = arith.constant 1597463007 : i32
          %sub3A_712 = vector.broadcast %sub3A_711 : i32 to vector<16xi32>
          %sub3A_713 = arith.subi %sub3A_712, %shift_right_logical3A_710 : vector<16xi32>
          %bitcast3A_714 = vector.bitcast %sub3A_713 : vector<16xi32> to vector<16xf32>
          %mul3A_715 = arith.constant 5.000000e-01 : f32
          %mul3A_716 = vector.broadcast %mul3A_715 : f32 to vector<16xf32>
          %mul3A_717 = arith.mulf %mul3A_716, %add3A_706 : vector<16xf32>
          %mul3A_718 = arith.mulf %bitcast3A_714, %bitcast3A_714 : vector<16xf32>
          %mul3A_719 = arith.mulf %mul3A_717, %mul3A_718 : vector<16xf32>
          %sub3A_720 = arith.constant 1.500000e+00 : f32
          %sub3A_721 = vector.broadcast %sub3A_720 : f32 to vector<16xf32>
          %sub3A_722 = arith.subf %sub3A_721, %mul3A_719 : vector<16xf32>
          %mul3A_723 = arith.mulf %bitcast3A_714, %sub3A_722 : vector<16xf32>
          %mul3A_724 = arith.mulf %mul3A_723, %mul3A_723 : vector<16xf32>
          %mul3A_725 = arith.mulf %mul3A_717, %mul3A_724 : vector<16xf32>
          %sub3A_726 = arith.constant 1.500000e+00 : f32
          %sub3A_727 = vector.broadcast %sub3A_726 : f32 to vector<16xf32>
          %sub3A_728 = arith.subf %sub3A_727, %mul3A_725 : vector<16xf32>
          %mul3A_729 = arith.mulf %mul3A_723, %sub3A_728 : vector<16xf32>
          %sub3A_730 = arith.subf %add3A_381, %mul3A_694 : vector<16xf32>
          %mul3A_731 = arith.mulf %sub3A_730, %mul3A_729 : vector<16xf32>
          %mul3A_732 = arith.mulf %mul3A_731, %get3A_5 : vector<16xf32>
          %add3A_733 = arith.addf %mul3A_732, %get3A_21 : vector<16xf32>
          %sub3A_734 = arith.subf %add3A_390, %mul3A_694 : vector<16xf32>
          %mul3A_735 = arith.mulf %sub3A_734, %mul3A_729 : vector<16xf32>
          %mul3A_736 = arith.mulf %mul3A_735, %get3A_7 : vector<16xf32>
          %add3A_737 = arith.addf %mul3A_736, %get3A_23 : vector<16xf32>
          %sub3A_738 = arith.subf %add3A_399, %mul3A_694 : vector<16xf32>
          %mul3A_739 = arith.mulf %sub3A_738, %mul3A_729 : vector<16xf32>
          %mul3A_740 = arith.mulf %mul3A_739, %get3A_9 : vector<16xf32>
          %add3A_741 = arith.addf %mul3A_740, %get3A_25 : vector<16xf32>
          %sub3A_742 = arith.subf %add3A_408, %mul3A_694 : vector<16xf32>
          %mul3A_743 = arith.mulf %sub3A_742, %mul3A_729 : vector<16xf32>
          %mul3A_744 = arith.mulf %mul3A_743, %get3A_11 : vector<16xf32>
          %add3A_745 = arith.addf %mul3A_744, %get3A_27 : vector<16xf32>
          %sub3A_746 = arith.subf %add3A_417, %mul3A_694 : vector<16xf32>
          %mul3A_747 = arith.mulf %sub3A_746, %mul3A_729 : vector<16xf32>
          %mul3A_748 = arith.mulf %mul3A_747, %get3A_13 : vector<16xf32>
          %add3A_749 = arith.addf %mul3A_748, %get3A_29 : vector<16xf32>
          %sub3A_750 = arith.subf %add3A_426, %mul3A_694 : vector<16xf32>
          %mul3A_751 = arith.mulf %sub3A_750, %mul3A_729 : vector<16xf32>
          %mul3A_752 = arith.mulf %mul3A_751, %get3A_15 : vector<16xf32>
          %add3A_753 = arith.addf %mul3A_752, %get3A_31 : vector<16xf32>
          %sub3A_754 = arith.subf %add3A_435, %mul3A_694 : vector<16xf32>
          %mul3A_755 = arith.mulf %sub3A_754, %mul3A_729 : vector<16xf32>
          %mul3A_756 = arith.mulf %mul3A_755, %get3A_17 : vector<16xf32>
          %add3A_757 = arith.addf %mul3A_756, %get3A_33 : vector<16xf32>
          %sub3A_758 = arith.subf %add3A_444, %mul3A_694 : vector<16xf32>
          %mul3A_759 = arith.mulf %sub3A_758, %mul3A_729 : vector<16xf32>
          %mul3A_760 = arith.mulf %mul3A_759, %get3A_19 : vector<16xf32>
          %add3A_761 = arith.addf %mul3A_760, %get3A_35 : vector<16xf32>
          %mul3A_762 = arith.mulf %add3A_453, %add3A_453 : vector<16xf32>
          %add3A_763 = arith.addf %add3A_453, %add3A_462 : vector<16xf32>
          %mul3A_764 = arith.mulf %add3A_462, %add3A_462 : vector<16xf32>
          %add3A_765 = arith.addf %mul3A_762, %mul3A_764 : vector<16xf32>
          %add3A_766 = arith.addf %add3A_763, %add3A_471 : vector<16xf32>
          %mul3A_767 = arith.mulf %add3A_471, %add3A_471 : vector<16xf32>
          %add3A_768 = arith.addf %add3A_765, %mul3A_767 : vector<16xf32>
          %add3A_769 = arith.addf %add3A_766, %add3A_480 : vector<16xf32>
          %mul3A_770 = arith.mulf %add3A_480, %add3A_480 : vector<16xf32>
          %add3A_771 = arith.addf %add3A_768, %mul3A_770 : vector<16xf32>
          %add3A_772 = arith.addf %add3A_769, %add3A_489 : vector<16xf32>
          %mul3A_773 = arith.mulf %add3A_489, %add3A_489 : vector<16xf32>
          %add3A_774 = arith.addf %add3A_771, %mul3A_773 : vector<16xf32>
          %add3A_775 = arith.addf %add3A_772, %add3A_498 : vector<16xf32>
          %mul3A_776 = arith.mulf %add3A_498, %add3A_498 : vector<16xf32>
          %add3A_777 = arith.addf %add3A_774, %mul3A_776 : vector<16xf32>
          %add3A_778 = arith.addf %add3A_775, %add3A_507 : vector<16xf32>
          %mul3A_779 = arith.mulf %add3A_507, %add3A_507 : vector<16xf32>
          %add3A_780 = arith.addf %add3A_777, %mul3A_779 : vector<16xf32>
          %add3A_781 = arith.addf %add3A_778, %add3A_516 : vector<16xf32>
          %mul3A_782 = arith.mulf %add3A_516, %add3A_516 : vector<16xf32>
          %add3A_783 = arith.addf %add3A_780, %mul3A_782 : vector<16xf32>
          %reduce_sum3A_784 = arith.constant true
          %reduce_sum3A_785 = vector.broadcast %reduce_sum3A_784 : i1 to vector<16xi1>
          %reduce_sum3A_786 = tpu.scan <sum>, %add3A_781 masked %reduce_sum3A_785 : vector<16xf32>, vector<16xi1> -> vector<16xf32>
          %reduce_sum3A_787 = vector.extract %reduce_sum3A_786[15] : f32 from vector<16xf32>
          %reduce_sum3A_788 = arith.constant true
          %reduce_sum3A_789 = vector.broadcast %reduce_sum3A_788 : i1 to vector<16xi1>
          %reduce_sum3A_790 = tpu.scan <sum>, %add3A_783 masked %reduce_sum3A_789 : vector<16xf32>, vector<16xi1> -> vector<16xf32>
          %reduce_sum3A_791 = vector.extract %reduce_sum3A_790[15] : f32 from vector<16xf32>
          %broadcast_in_dim3A_792 = vector.broadcast %reduce_sum3A_787 : f32 to vector<16xf32>
          %mul3A_793 = arith.constant 7.812500e-03 : f32
          %mul3A_794 = vector.broadcast %mul3A_793 : f32 to vector<16xf32>
          %mul3A_795 = arith.mulf %broadcast_in_dim3A_792, %mul3A_794 : vector<16xf32>
          %broadcast_in_dim3A_796 = vector.broadcast %reduce_sum3A_791 : f32 to vector<16xf32>
          %mul3A_797 = arith.constant 7.812500e-03 : f32
          %mul3A_798 = vector.broadcast %mul3A_797 : f32 to vector<16xf32>
          %mul3A_799 = arith.mulf %broadcast_in_dim3A_796, %mul3A_798 : vector<16xf32>
          %mul3A_800 = arith.mulf %mul3A_795, %mul3A_795 : vector<16xf32>
          %sub3A_801 = arith.subf %mul3A_799, %mul3A_800 : vector<16xf32>
          %max3A_802 = arith.constant 0.000000e+00 : f32
          %max3A_803 = vector.broadcast %max3A_802 : f32 to vector<16xf32>
          %max3A_804 = arith.maximumf %sub3A_801, %max3A_803 : vector<16xf32>
          %add3A_805 = arith.constant 9.99999996E-13 : f32
          %add3A_806 = vector.broadcast %add3A_805 : f32 to vector<16xf32>
          %add3A_807 = arith.addf %max3A_804, %add3A_806 : vector<16xf32>
          %bitcast3A_808 = vector.bitcast %add3A_807 : vector<16xf32> to vector<16xi32>
          %shift_right_logical3A_809 = arith.constant 1 : i32
          %shift_right_logical3A_810 = vector.broadcast %shift_right_logical3A_809 : i32 to vector<16xi32>
          %shift_right_logical3A_811 = arith.shrui %bitcast3A_808, %shift_right_logical3A_810 : vector<16xi32>
          %sub3A_812 = arith.constant 1597463007 : i32
          %sub3A_813 = vector.broadcast %sub3A_812 : i32 to vector<16xi32>
          %sub3A_814 = arith.subi %sub3A_813, %shift_right_logical3A_811 : vector<16xi32>
          %bitcast3A_815 = vector.bitcast %sub3A_814 : vector<16xi32> to vector<16xf32>
          %mul3A_816 = arith.constant 5.000000e-01 : f32
          %mul3A_817 = vector.broadcast %mul3A_816 : f32 to vector<16xf32>
          %mul3A_818 = arith.mulf %mul3A_817, %add3A_807 : vector<16xf32>
          %mul3A_819 = arith.mulf %bitcast3A_815, %bitcast3A_815 : vector<16xf32>
          %mul3A_820 = arith.mulf %mul3A_818, %mul3A_819 : vector<16xf32>
          %sub3A_821 = arith.constant 1.500000e+00 : f32
          %sub3A_822 = vector.broadcast %sub3A_821 : f32 to vector<16xf32>
          %sub3A_823 = arith.subf %sub3A_822, %mul3A_820 : vector<16xf32>
          %mul3A_824 = arith.mulf %bitcast3A_815, %sub3A_823 : vector<16xf32>
          %mul3A_825 = arith.mulf %mul3A_824, %mul3A_824 : vector<16xf32>
          %mul3A_826 = arith.mulf %mul3A_818, %mul3A_825 : vector<16xf32>
          %sub3A_827 = arith.constant 1.500000e+00 : f32
          %sub3A_828 = vector.broadcast %sub3A_827 : f32 to vector<16xf32>
          %sub3A_829 = arith.subf %sub3A_828, %mul3A_826 : vector<16xf32>
          %mul3A_830 = arith.mulf %mul3A_824, %sub3A_829 : vector<16xf32>
          %sub3A_831 = arith.subf %add3A_453, %mul3A_795 : vector<16xf32>
          %mul3A_832 = arith.mulf %sub3A_831, %mul3A_830 : vector<16xf32>
          %mul3A_833 = arith.mulf %mul3A_832, %get3A_5 : vector<16xf32>
          %add3A_834 = arith.addf %mul3A_833, %get3A_21 : vector<16xf32>
          %sub3A_835 = arith.subf %add3A_462, %mul3A_795 : vector<16xf32>
          %mul3A_836 = arith.mulf %sub3A_835, %mul3A_830 : vector<16xf32>
          %mul3A_837 = arith.mulf %mul3A_836, %get3A_7 : vector<16xf32>
          %add3A_838 = arith.addf %mul3A_837, %get3A_23 : vector<16xf32>
          %sub3A_839 = arith.subf %add3A_471, %mul3A_795 : vector<16xf32>
          %mul3A_840 = arith.mulf %sub3A_839, %mul3A_830 : vector<16xf32>
          %mul3A_841 = arith.mulf %mul3A_840, %get3A_9 : vector<16xf32>
          %add3A_842 = arith.addf %mul3A_841, %get3A_25 : vector<16xf32>
          %sub3A_843 = arith.subf %add3A_480, %mul3A_795 : vector<16xf32>
          %mul3A_844 = arith.mulf %sub3A_843, %mul3A_830 : vector<16xf32>
          %mul3A_845 = arith.mulf %mul3A_844, %get3A_11 : vector<16xf32>
          %add3A_846 = arith.addf %mul3A_845, %get3A_27 : vector<16xf32>
          %sub3A_847 = arith.subf %add3A_489, %mul3A_795 : vector<16xf32>
          %mul3A_848 = arith.mulf %sub3A_847, %mul3A_830 : vector<16xf32>
          %mul3A_849 = arith.mulf %mul3A_848, %get3A_13 : vector<16xf32>
          %add3A_850 = arith.addf %mul3A_849, %get3A_29 : vector<16xf32>
          %sub3A_851 = arith.subf %add3A_498, %mul3A_795 : vector<16xf32>
          %mul3A_852 = arith.mulf %sub3A_851, %mul3A_830 : vector<16xf32>
          %mul3A_853 = arith.mulf %mul3A_852, %get3A_15 : vector<16xf32>
          %add3A_854 = arith.addf %mul3A_853, %get3A_31 : vector<16xf32>
          %sub3A_855 = arith.subf %add3A_507, %mul3A_795 : vector<16xf32>
          %mul3A_856 = arith.mulf %sub3A_855, %mul3A_830 : vector<16xf32>
          %mul3A_857 = arith.mulf %mul3A_856, %get3A_17 : vector<16xf32>
          %add3A_858 = arith.addf %mul3A_857, %get3A_33 : vector<16xf32>
          %sub3A_859 = arith.subf %add3A_516, %mul3A_795 : vector<16xf32>
          %mul3A_860 = arith.mulf %sub3A_859, %mul3A_830 : vector<16xf32>
          %mul3A_861 = arith.mulf %mul3A_860, %get3A_19 : vector<16xf32>
          %add3A_862 = arith.addf %mul3A_861, %get3A_35 : vector<16xf32>
          %mul3A_863 = arith.mulf %add3A_525, %add3A_525 : vector<16xf32>
          %add3A_864 = arith.addf %add3A_525, %add3A_534 : vector<16xf32>
          %mul3A_865 = arith.mulf %add3A_534, %add3A_534 : vector<16xf32>
          %add3A_866 = arith.addf %mul3A_863, %mul3A_865 : vector<16xf32>
          %add3A_867 = arith.addf %add3A_864, %add3A_543 : vector<16xf32>
          %mul3A_868 = arith.mulf %add3A_543, %add3A_543 : vector<16xf32>
          %add3A_869 = arith.addf %add3A_866, %mul3A_868 : vector<16xf32>
          %add3A_870 = arith.addf %add3A_867, %add3A_552 : vector<16xf32>
          %mul3A_871 = arith.mulf %add3A_552, %add3A_552 : vector<16xf32>
          %add3A_872 = arith.addf %add3A_869, %mul3A_871 : vector<16xf32>
          %add3A_873 = arith.addf %add3A_870, %add3A_561 : vector<16xf32>
          %mul3A_874 = arith.mulf %add3A_561, %add3A_561 : vector<16xf32>
          %add3A_875 = arith.addf %add3A_872, %mul3A_874 : vector<16xf32>
          %add3A_876 = arith.addf %add3A_873, %add3A_570 : vector<16xf32>
          %mul3A_877 = arith.mulf %add3A_570, %add3A_570 : vector<16xf32>
          %add3A_878 = arith.addf %add3A_875, %mul3A_877 : vector<16xf32>
          %add3A_879 = arith.addf %add3A_876, %add3A_579 : vector<16xf32>
          %mul3A_880 = arith.mulf %add3A_579, %add3A_579 : vector<16xf32>
          %add3A_881 = arith.addf %add3A_878, %mul3A_880 : vector<16xf32>
          %add3A_882 = arith.addf %add3A_879, %add3A_588 : vector<16xf32>
          %mul3A_883 = arith.mulf %add3A_588, %add3A_588 : vector<16xf32>
          %add3A_884 = arith.addf %add3A_881, %mul3A_883 : vector<16xf32>
          %reduce_sum3A_885 = arith.constant true
          %reduce_sum3A_886 = vector.broadcast %reduce_sum3A_885 : i1 to vector<16xi1>
          %reduce_sum3A_887 = tpu.scan <sum>, %add3A_882 masked %reduce_sum3A_886 : vector<16xf32>, vector<16xi1> -> vector<16xf32>
          %reduce_sum3A_888 = vector.extract %reduce_sum3A_887[15] : f32 from vector<16xf32>
          %reduce_sum3A_889 = arith.constant true
          %reduce_sum3A_890 = vector.broadcast %reduce_sum3A_889 : i1 to vector<16xi1>
          %reduce_sum3A_891 = tpu.scan <sum>, %add3A_884 masked %reduce_sum3A_890 : vector<16xf32>, vector<16xi1> -> vector<16xf32>
          %reduce_sum3A_892 = vector.extract %reduce_sum3A_891[15] : f32 from vector<16xf32>
          %broadcast_in_dim3A_893 = vector.broadcast %reduce_sum3A_888 : f32 to vector<16xf32>
          %mul3A_894 = arith.constant 7.812500e-03 : f32
          %mul3A_895 = vector.broadcast %mul3A_894 : f32 to vector<16xf32>
          %mul3A_896 = arith.mulf %broadcast_in_dim3A_893, %mul3A_895 : vector<16xf32>
          %broadcast_in_dim3A_897 = vector.broadcast %reduce_sum3A_892 : f32 to vector<16xf32>
          %mul3A_898 = arith.constant 7.812500e-03 : f32
          %mul3A_899 = vector.broadcast %mul3A_898 : f32 to vector<16xf32>
          %mul3A_900 = arith.mulf %broadcast_in_dim3A_897, %mul3A_899 : vector<16xf32>
          %mul3A_901 = arith.mulf %mul3A_896, %mul3A_896 : vector<16xf32>
          %sub3A_902 = arith.subf %mul3A_900, %mul3A_901 : vector<16xf32>
          %max3A_903 = arith.constant 0.000000e+00 : f32
          %max3A_904 = vector.broadcast %max3A_903 : f32 to vector<16xf32>
          %max3A_905 = arith.maximumf %sub3A_902, %max3A_904 : vector<16xf32>
          %add3A_906 = arith.constant 9.99999996E-13 : f32
          %add3A_907 = vector.broadcast %add3A_906 : f32 to vector<16xf32>
          %add3A_908 = arith.addf %max3A_905, %add3A_907 : vector<16xf32>
          %bitcast3A_909 = vector.bitcast %add3A_908 : vector<16xf32> to vector<16xi32>
          %shift_right_logical3A_910 = arith.constant 1 : i32
          %shift_right_logical3A_911 = vector.broadcast %shift_right_logical3A_910 : i32 to vector<16xi32>
          %shift_right_logical3A_912 = arith.shrui %bitcast3A_909, %shift_right_logical3A_911 : vector<16xi32>
          %sub3A_913 = arith.constant 1597463007 : i32
          %sub3A_914 = vector.broadcast %sub3A_913 : i32 to vector<16xi32>
          %sub3A_915 = arith.subi %sub3A_914, %shift_right_logical3A_912 : vector<16xi32>
          %bitcast3A_916 = vector.bitcast %sub3A_915 : vector<16xi32> to vector<16xf32>
          %mul3A_917 = arith.constant 5.000000e-01 : f32
          %mul3A_918 = vector.broadcast %mul3A_917 : f32 to vector<16xf32>
          %mul3A_919 = arith.mulf %mul3A_918, %add3A_908 : vector<16xf32>
          %mul3A_920 = arith.mulf %bitcast3A_916, %bitcast3A_916 : vector<16xf32>
          %mul3A_921 = arith.mulf %mul3A_919, %mul3A_920 : vector<16xf32>
          %sub3A_922 = arith.constant 1.500000e+00 : f32
          %sub3A_923 = vector.broadcast %sub3A_922 : f32 to vector<16xf32>
          %sub3A_924 = arith.subf %sub3A_923, %mul3A_921 : vector<16xf32>
          %mul3A_925 = arith.mulf %bitcast3A_916, %sub3A_924 : vector<16xf32>
          %mul3A_926 = arith.mulf %mul3A_925, %mul3A_925 : vector<16xf32>
          %mul3A_927 = arith.mulf %mul3A_919, %mul3A_926 : vector<16xf32>
          %sub3A_928 = arith.constant 1.500000e+00 : f32
          %sub3A_929 = vector.broadcast %sub3A_928 : f32 to vector<16xf32>
          %sub3A_930 = arith.subf %sub3A_929, %mul3A_927 : vector<16xf32>
          %mul3A_931 = arith.mulf %mul3A_925, %sub3A_930 : vector<16xf32>
          %sub3A_932 = arith.subf %add3A_525, %mul3A_896 : vector<16xf32>
          %mul3A_933 = arith.mulf %sub3A_932, %mul3A_931 : vector<16xf32>
          %mul3A_934 = arith.mulf %mul3A_933, %get3A_5 : vector<16xf32>
          %add3A_935 = arith.addf %mul3A_934, %get3A_21 : vector<16xf32>
          %sub3A_936 = arith.subf %add3A_534, %mul3A_896 : vector<16xf32>
          %mul3A_937 = arith.mulf %sub3A_936, %mul3A_931 : vector<16xf32>
          %mul3A_938 = arith.mulf %mul3A_937, %get3A_7 : vector<16xf32>
          %add3A_939 = arith.addf %mul3A_938, %get3A_23 : vector<16xf32>
          %sub3A_940 = arith.subf %add3A_543, %mul3A_896 : vector<16xf32>
          %mul3A_941 = arith.mulf %sub3A_940, %mul3A_931 : vector<16xf32>
          %mul3A_942 = arith.mulf %mul3A_941, %get3A_9 : vector<16xf32>
          %add3A_943 = arith.addf %mul3A_942, %get3A_25 : vector<16xf32>
          %sub3A_944 = arith.subf %add3A_552, %mul3A_896 : vector<16xf32>
          %mul3A_945 = arith.mulf %sub3A_944, %mul3A_931 : vector<16xf32>
          %mul3A_946 = arith.mulf %mul3A_945, %get3A_11 : vector<16xf32>
          %add3A_947 = arith.addf %mul3A_946, %get3A_27 : vector<16xf32>
          %sub3A_948 = arith.subf %add3A_561, %mul3A_896 : vector<16xf32>
          %mul3A_949 = arith.mulf %sub3A_948, %mul3A_931 : vector<16xf32>
          %mul3A_950 = arith.mulf %mul3A_949, %get3A_13 : vector<16xf32>
          %add3A_951 = arith.addf %mul3A_950, %get3A_29 : vector<16xf32>
          %sub3A_952 = arith.subf %add3A_570, %mul3A_896 : vector<16xf32>
          %mul3A_953 = arith.mulf %sub3A_952, %mul3A_931 : vector<16xf32>
          %mul3A_954 = arith.mulf %mul3A_953, %get3A_15 : vector<16xf32>
          %add3A_955 = arith.addf %mul3A_954, %get3A_31 : vector<16xf32>
          %sub3A_956 = arith.subf %add3A_579, %mul3A_896 : vector<16xf32>
          %mul3A_957 = arith.mulf %sub3A_956, %mul3A_931 : vector<16xf32>
          %mul3A_958 = arith.mulf %mul3A_957, %get3A_17 : vector<16xf32>
          %add3A_959 = arith.addf %mul3A_958, %get3A_33 : vector<16xf32>
          %sub3A_960 = arith.subf %add3A_588, %mul3A_896 : vector<16xf32>
          %mul3A_961 = arith.mulf %sub3A_960, %mul3A_931 : vector<16xf32>
          %mul3A_962 = arith.mulf %mul3A_961, %get3A_19 : vector<16xf32>
          %add3A_963 = arith.addf %mul3A_962, %get3A_35 : vector<16xf32>
          %mul3A_964 = arith.mulf %add3A_597, %add3A_597 : vector<16xf32>
          %add3A_965 = arith.addf %add3A_597, %add3A_606 : vector<16xf32>
          %mul3A_966 = arith.mulf %add3A_606, %add3A_606 : vector<16xf32>
          %add3A_967 = arith.addf %mul3A_964, %mul3A_966 : vector<16xf32>
          %add3A_968 = arith.addf %add3A_965, %add3A_615 : vector<16xf32>
          %mul3A_969 = arith.mulf %add3A_615, %add3A_615 : vector<16xf32>
          %add3A_970 = arith.addf %add3A_967, %mul3A_969 : vector<16xf32>
          %add3A_971 = arith.addf %add3A_968, %add3A_624 : vector<16xf32>
          %mul3A_972 = arith.mulf %add3A_624, %add3A_624 : vector<16xf32>
          %add3A_973 = arith.addf %add3A_970, %mul3A_972 : vector<16xf32>
          %add3A_974 = arith.addf %add3A_971, %add3A_633 : vector<16xf32>
          %mul3A_975 = arith.mulf %add3A_633, %add3A_633 : vector<16xf32>
          %add3A_976 = arith.addf %add3A_973, %mul3A_975 : vector<16xf32>
          %add3A_977 = arith.addf %add3A_974, %add3A_642 : vector<16xf32>
          %mul3A_978 = arith.mulf %add3A_642, %add3A_642 : vector<16xf32>
          %add3A_979 = arith.addf %add3A_976, %mul3A_978 : vector<16xf32>
          %add3A_980 = arith.addf %add3A_977, %add3A_651 : vector<16xf32>
          %mul3A_981 = arith.mulf %add3A_651, %add3A_651 : vector<16xf32>
          %add3A_982 = arith.addf %add3A_979, %mul3A_981 : vector<16xf32>
          %add3A_983 = arith.addf %add3A_980, %add3A_660 : vector<16xf32>
          %mul3A_984 = arith.mulf %add3A_660, %add3A_660 : vector<16xf32>
          %add3A_985 = arith.addf %add3A_982, %mul3A_984 : vector<16xf32>
          %reduce_sum3A_986 = arith.constant true
          %reduce_sum3A_987 = vector.broadcast %reduce_sum3A_986 : i1 to vector<16xi1>
          %reduce_sum3A_988 = tpu.scan <sum>, %add3A_983 masked %reduce_sum3A_987 : vector<16xf32>, vector<16xi1> -> vector<16xf32>
          %reduce_sum3A_989 = vector.extract %reduce_sum3A_988[15] : f32 from vector<16xf32>
          %reduce_sum3A_990 = arith.constant true
          %reduce_sum3A_991 = vector.broadcast %reduce_sum3A_990 : i1 to vector<16xi1>
          %reduce_sum3A_992 = tpu.scan <sum>, %add3A_985 masked %reduce_sum3A_991 : vector<16xf32>, vector<16xi1> -> vector<16xf32>
          %reduce_sum3A_993 = vector.extract %reduce_sum3A_992[15] : f32 from vector<16xf32>
          %broadcast_in_dim3A_994 = vector.broadcast %reduce_sum3A_989 : f32 to vector<16xf32>
          %mul3A_995 = arith.constant 7.812500e-03 : f32
          %mul3A_996 = vector.broadcast %mul3A_995 : f32 to vector<16xf32>
          %mul3A_997 = arith.mulf %broadcast_in_dim3A_994, %mul3A_996 : vector<16xf32>
          %broadcast_in_dim3A_998 = vector.broadcast %reduce_sum3A_993 : f32 to vector<16xf32>
          %mul3A_999 = arith.constant 7.812500e-03 : f32
          %mul3A_1000 = vector.broadcast %mul3A_999 : f32 to vector<16xf32>
          %mul3A_1001 = arith.mulf %broadcast_in_dim3A_998, %mul3A_1000 : vector<16xf32>
          %mul3A_1002 = arith.mulf %mul3A_997, %mul3A_997 : vector<16xf32>
          %sub3A_1003 = arith.subf %mul3A_1001, %mul3A_1002 : vector<16xf32>
          %max3A_1004 = arith.constant 0.000000e+00 : f32
          %max3A_1005 = vector.broadcast %max3A_1004 : f32 to vector<16xf32>
          %max3A_1006 = arith.maximumf %sub3A_1003, %max3A_1005 : vector<16xf32>
          %add3A_1007 = arith.constant 9.99999996E-13 : f32
          %add3A_1008 = vector.broadcast %add3A_1007 : f32 to vector<16xf32>
          %add3A_1009 = arith.addf %max3A_1006, %add3A_1008 : vector<16xf32>
          %bitcast3A_1010 = vector.bitcast %add3A_1009 : vector<16xf32> to vector<16xi32>
          %shift_right_logical3A_1011 = arith.constant 1 : i32
          %shift_right_logical3A_1012 = vector.broadcast %shift_right_logical3A_1011 : i32 to vector<16xi32>
          %shift_right_logical3A_1013 = arith.shrui %bitcast3A_1010, %shift_right_logical3A_1012 : vector<16xi32>
          %sub3A_1014 = arith.constant 1597463007 : i32
          %sub3A_1015 = vector.broadcast %sub3A_1014 : i32 to vector<16xi32>
          %sub3A_1016 = arith.subi %sub3A_1015, %shift_right_logical3A_1013 : vector<16xi32>
          %bitcast3A_1017 = vector.bitcast %sub3A_1016 : vector<16xi32> to vector<16xf32>
          %mul3A_1018 = arith.constant 5.000000e-01 : f32
          %mul3A_1019 = vector.broadcast %mul3A_1018 : f32 to vector<16xf32>
          %mul3A_1020 = arith.mulf %mul3A_1019, %add3A_1009 : vector<16xf32>
          %mul3A_1021 = arith.mulf %bitcast3A_1017, %bitcast3A_1017 : vector<16xf32>
          %mul3A_1022 = arith.mulf %mul3A_1020, %mul3A_1021 : vector<16xf32>
          %sub3A_1023 = arith.constant 1.500000e+00 : f32
          %sub3A_1024 = vector.broadcast %sub3A_1023 : f32 to vector<16xf32>
          %sub3A_1025 = arith.subf %sub3A_1024, %mul3A_1022 : vector<16xf32>
          %mul3A_1026 = arith.mulf %bitcast3A_1017, %sub3A_1025 : vector<16xf32>
          %mul3A_1027 = arith.mulf %mul3A_1026, %mul3A_1026 : vector<16xf32>
          %mul3A_1028 = arith.mulf %mul3A_1020, %mul3A_1027 : vector<16xf32>
          %sub3A_1029 = arith.constant 1.500000e+00 : f32
          %sub3A_1030 = vector.broadcast %sub3A_1029 : f32 to vector<16xf32>
          %sub3A_1031 = arith.subf %sub3A_1030, %mul3A_1028 : vector<16xf32>
          %mul3A_1032 = arith.mulf %mul3A_1026, %sub3A_1031 : vector<16xf32>
          %sub3A_1033 = arith.subf %add3A_597, %mul3A_997 : vector<16xf32>
          %mul3A_1034 = arith.mulf %sub3A_1033, %mul3A_1032 : vector<16xf32>
          %mul3A_1035 = arith.mulf %mul3A_1034, %get3A_5 : vector<16xf32>
          %add3A_1036 = arith.addf %mul3A_1035, %get3A_21 : vector<16xf32>
          %sub3A_1037 = arith.subf %add3A_606, %mul3A_997 : vector<16xf32>
          %mul3A_1038 = arith.mulf %sub3A_1037, %mul3A_1032 : vector<16xf32>
          %mul3A_1039 = arith.mulf %mul3A_1038, %get3A_7 : vector<16xf32>
          %add3A_1040 = arith.addf %mul3A_1039, %get3A_23 : vector<16xf32>
          %sub3A_1041 = arith.subf %add3A_615, %mul3A_997 : vector<16xf32>
          %mul3A_1042 = arith.mulf %sub3A_1041, %mul3A_1032 : vector<16xf32>
          %mul3A_1043 = arith.mulf %mul3A_1042, %get3A_9 : vector<16xf32>
          %add3A_1044 = arith.addf %mul3A_1043, %get3A_25 : vector<16xf32>
          %sub3A_1045 = arith.subf %add3A_624, %mul3A_997 : vector<16xf32>
          %mul3A_1046 = arith.mulf %sub3A_1045, %mul3A_1032 : vector<16xf32>
          %mul3A_1047 = arith.mulf %mul3A_1046, %get3A_11 : vector<16xf32>
          %add3A_1048 = arith.addf %mul3A_1047, %get3A_27 : vector<16xf32>
          %sub3A_1049 = arith.subf %add3A_633, %mul3A_997 : vector<16xf32>
          %mul3A_1050 = arith.mulf %sub3A_1049, %mul3A_1032 : vector<16xf32>
          %mul3A_1051 = arith.mulf %mul3A_1050, %get3A_13 : vector<16xf32>
          %add3A_1052 = arith.addf %mul3A_1051, %get3A_29 : vector<16xf32>
          %sub3A_1053 = arith.subf %add3A_642, %mul3A_997 : vector<16xf32>
          %mul3A_1054 = arith.mulf %sub3A_1053, %mul3A_1032 : vector<16xf32>
          %mul3A_1055 = arith.mulf %mul3A_1054, %get3A_15 : vector<16xf32>
          %add3A_1056 = arith.addf %mul3A_1055, %get3A_31 : vector<16xf32>
          %sub3A_1057 = arith.subf %add3A_651, %mul3A_997 : vector<16xf32>
          %mul3A_1058 = arith.mulf %sub3A_1057, %mul3A_1032 : vector<16xf32>
          %mul3A_1059 = arith.mulf %mul3A_1058, %get3A_17 : vector<16xf32>
          %add3A_1060 = arith.addf %mul3A_1059, %get3A_33 : vector<16xf32>
          %sub3A_1061 = arith.subf %add3A_660, %mul3A_997 : vector<16xf32>
          %mul3A_1062 = arith.mulf %sub3A_1061, %mul3A_1032 : vector<16xf32>
          %mul3A_1063 = arith.mulf %mul3A_1062, %get3A_19 : vector<16xf32>
          %add3A_1064 = arith.addf %mul3A_1063, %get3A_35 : vector<16xf32>
          %swap3A_1065 = arith.index_cast %add3A_360 : i32 to index
          %swap3A_1066 = arith.constant 0 : index
          %swap3A_1067 = tpu.vector_load %arg11[%swap3A_1065, %swap3A_1066] {strides = array<i32>} : memref<201x128xf32, #tpu.memory_space<vmem>>, vector<16xf32>,
          tpu.vector_store %arg11[%swap3A_1065, %swap3A_1066], %add3A_733 {strides = array<i32>} : memref<201x128xf32, #tpu.memory_space<vmem>>, vector<16xf32>,
          %swap3A_1068 = arith.index_cast %add3A_360 : i32 to index
          %swap3A_1069 = arith.constant 16 : index
          %swap3A_1070 = tpu.vector_load %arg11[%swap3A_1068, %swap3A_1069] {strides = array<i32>} : memref<201x128xf32, #tpu.memory_space<vmem>>, vector<16xf32>,
          tpu.vector_store %arg11[%swap3A_1068, %swap3A_1069], %add3A_737 {strides = array<i32>} : memref<201x128xf32, #tpu.memory_space<vmem>>, vector<16xf32>,
          %swap3A_1071 = arith.index_cast %add3A_360 : i32 to index
          %swap3A_1072 = arith.constant 32 : index
          %swap3A_1073 = tpu.vector_load %arg11[%swap3A_1071, %swap3A_1072] {strides = array<i32>} : memref<201x128xf32, #tpu.memory_space<vmem>>, vector<16xf32>,
          tpu.vector_store %arg11[%swap3A_1071, %swap3A_1072], %add3A_741 {strides = array<i32>} : memref<201x128xf32, #tpu.memory_space<vmem>>, vector<16xf32>,
          %swap3A_1074 = arith.index_cast %add3A_360 : i32 to index
          %swap3A_1075 = arith.constant 48 : index
          %swap3A_1076 = tpu.vector_load %arg11[%swap3A_1074, %swap3A_1075] {strides = array<i32>} : memref<201x128xf32, #tpu.memory_space<vmem>>, vector<16xf32>,
          tpu.vector_store %arg11[%swap3A_1074, %swap3A_1075], %add3A_745 {strides = array<i32>} : memref<201x128xf32, #tpu.memory_space<vmem>>, vector<16xf32>,
          %swap3A_1077 = arith.index_cast %add3A_360 : i32 to index
          %swap3A_1078 = arith.constant 64 : index
          %swap3A_1079 = tpu.vector_load %arg11[%swap3A_1077, %swap3A_1078] {strides = array<i32>} : memref<201x128xf32, #tpu.memory_space<vmem>>, vector<16xf32>,
          tpu.vector_store %arg11[%swap3A_1077, %swap3A_1078], %add3A_749 {strides = array<i32>} : memref<201x128xf32, #tpu.memory_space<vmem>>, vector<16xf32>,
          %swap3A_1080 = arith.index_cast %add3A_360 : i32 to index
          %swap3A_1081 = arith.constant 80 : index
          %swap3A_1082 = tpu.vector_load %arg11[%swap3A_1080, %swap3A_1081] {strides = array<i32>} : memref<201x128xf32, #tpu.memory_space<vmem>>, vector<16xf32>,
          tpu.vector_store %arg11[%swap3A_1080, %swap3A_1081], %add3A_753 {strides = array<i32>} : memref<201x128xf32, #tpu.memory_space<vmem>>, vector<16xf32>,
          %swap3A_1083 = arith.index_cast %add3A_360 : i32 to index
          %swap3A_1084 = arith.constant 96 : index
          %swap3A_1085 = tpu.vector_load %arg11[%swap3A_1083, %swap3A_1084] {strides = array<i32>} : memref<201x128xf32, #tpu.memory_space<vmem>>, vector<16xf32>,
          tpu.vector_store %arg11[%swap3A_1083, %swap3A_1084], %add3A_757 {strides = array<i32>} : memref<201x128xf32, #tpu.memory_space<vmem>>, vector<16xf32>,
          %swap3A_1086 = arith.index_cast %add3A_360 : i32 to index
          %swap3A_1087 = arith.constant 112 : index
          %swap3A_1088 = tpu.vector_load %arg11[%swap3A_1086, %swap3A_1087] {strides = array<i32>} : memref<201x128xf32, #tpu.memory_space<vmem>>, vector<16xf32>,
          tpu.vector_store %arg11[%swap3A_1086, %swap3A_1087], %add3A_761 {strides = array<i32>} : memref<201x128xf32, #tpu.memory_space<vmem>>, vector<16xf32>,
          %swap3A_1089 = arith.index_cast %add3A_364 : i32 to index
          %swap3A_1090 = arith.constant 0 : index
          %swap3A_1091 = tpu.vector_load %arg11[%swap3A_1089, %swap3A_1090] {strides = array<i32>} : memref<201x128xf32, #tpu.memory_space<vmem>>, vector<16xf32>,
          tpu.vector_store %arg11[%swap3A_1089, %swap3A_1090], %add3A_834 {strides = array<i32>} : memref<201x128xf32, #tpu.memory_space<vmem>>, vector<16xf32>,
          %swap3A_1092 = arith.index_cast %add3A_364 : i32 to index
          %swap3A_1093 = arith.constant 16 : index
          %swap3A_1094 = tpu.vector_load %arg11[%swap3A_1092, %swap3A_1093] {strides = array<i32>} : memref<201x128xf32, #tpu.memory_space<vmem>>, vector<16xf32>,
          tpu.vector_store %arg11[%swap3A_1092, %swap3A_1093], %add3A_838 {strides = array<i32>} : memref<201x128xf32, #tpu.memory_space<vmem>>, vector<16xf32>,
          %swap3A_1095 = arith.index_cast %add3A_364 : i32 to index
          %swap3A_1096 = arith.constant 32 : index
          %swap3A_1097 = tpu.vector_load %arg11[%swap3A_1095, %swap3A_1096] {strides = array<i32>} : memref<201x128xf32, #tpu.memory_space<vmem>>, vector<16xf32>,
          tpu.vector_store %arg11[%swap3A_1095, %swap3A_1096], %add3A_842 {strides = array<i32>} : memref<201x128xf32, #tpu.memory_space<vmem>>, vector<16xf32>,
          %swap3A_1098 = arith.index_cast %add3A_364 : i32 to index
          %swap3A_1099 = arith.constant 48 : index
          %swap3A_1100 = tpu.vector_load %arg11[%swap3A_1098, %swap3A_1099] {strides = array<i32>} : memref<201x128xf32, #tpu.memory_space<vmem>>, vector<16xf32>,
          tpu.vector_store %arg11[%swap3A_1098, %swap3A_1099], %add3A_846 {strides = array<i32>} : memref<201x128xf32, #tpu.memory_space<vmem>>, vector<16xf32>,
          %swap3A_1101 = arith.index_cast %add3A_364 : i32 to index
          %swap3A_1102 = arith.constant 64 : index
          %swap3A_1103 = tpu.vector_load %arg11[%swap3A_1101, %swap3A_1102] {strides = array<i32>} : memref<201x128xf32, #tpu.memory_space<vmem>>, vector<16xf32>,
          tpu.vector_store %arg11[%swap3A_1101, %swap3A_1102], %add3A_850 {strides = array<i32>} : memref<201x128xf32, #tpu.memory_space<vmem>>, vector<16xf32>,
          %swap3A_1104 = arith.index_cast %add3A_364 : i32 to index
          %swap3A_1105 = arith.constant 80 : index
          %swap3A_1106 = tpu.vector_load %arg11[%swap3A_1104, %swap3A_1105] {strides = array<i32>} : memref<201x128xf32, #tpu.memory_space<vmem>>, vector<16xf32>,
          tpu.vector_store %arg11[%swap3A_1104, %swap3A_1105], %add3A_854 {strides = array<i32>} : memref<201x128xf32, #tpu.memory_space<vmem>>, vector<16xf32>,
          %swap3A_1107 = arith.index_cast %add3A_364 : i32 to index
          %swap3A_1108 = arith.constant 96 : index
          %swap3A_1109 = tpu.vector_load %arg11[%swap3A_1107, %swap3A_1108] {strides = array<i32>} : memref<201x128xf32, #tpu.memory_space<vmem>>, vector<16xf32>,
          tpu.vector_store %arg11[%swap3A_1107, %swap3A_1108], %add3A_858 {strides = array<i32>} : memref<201x128xf32, #tpu.memory_space<vmem>>, vector<16xf32>,
          %swap3A_1110 = arith.index_cast %add3A_364 : i32 to index
          %swap3A_1111 = arith.constant 112 : index
          %swap3A_1112 = tpu.vector_load %arg11[%swap3A_1110, %swap3A_1111] {strides = array<i32>} : memref<201x128xf32, #tpu.memory_space<vmem>>, vector<16xf32>,
          tpu.vector_store %arg11[%swap3A_1110, %swap3A_1111], %add3A_862 {strides = array<i32>} : memref<201x128xf32, #tpu.memory_space<vmem>>, vector<16xf32>,
          %swap3A_1113 = arith.index_cast %add3A_368 : i32 to index
          %swap3A_1114 = arith.constant 0 : index
          %swap3A_1115 = tpu.vector_load %arg11[%swap3A_1113, %swap3A_1114] {strides = array<i32>} : memref<201x128xf32, #tpu.memory_space<vmem>>, vector<16xf32>,
          tpu.vector_store %arg11[%swap3A_1113, %swap3A_1114], %add3A_935 {strides = array<i32>} : memref<201x128xf32, #tpu.memory_space<vmem>>, vector<16xf32>,
          %swap3A_1116 = arith.index_cast %add3A_368 : i32 to index
          %swap3A_1117 = arith.constant 16 : index
          %swap3A_1118 = tpu.vector_load %arg11[%swap3A_1116, %swap3A_1117] {strides = array<i32>} : memref<201x128xf32, #tpu.memory_space<vmem>>, vector<16xf32>,
          tpu.vector_store %arg11[%swap3A_1116, %swap3A_1117], %add3A_939 {strides = array<i32>} : memref<201x128xf32, #tpu.memory_space<vmem>>, vector<16xf32>,
          %swap3A_1119 = arith.index_cast %add3A_368 : i32 to index
          %swap3A_1120 = arith.constant 32 : index
          %swap3A_1121 = tpu.vector_load %arg11[%swap3A_1119, %swap3A_1120] {strides = array<i32>} : memref<201x128xf32, #tpu.memory_space<vmem>>, vector<16xf32>,
          tpu.vector_store %arg11[%swap3A_1119, %swap3A_1120], %add3A_943 {strides = array<i32>} : memref<201x128xf32, #tpu.memory_space<vmem>>, vector<16xf32>,
          %swap3A_1122 = arith.index_cast %add3A_368 : i32 to index
          %swap3A_1123 = arith.constant 48 : index
          %swap3A_1124 = tpu.vector_load %arg11[%swap3A_1122, %swap3A_1123] {strides = array<i32>} : memref<201x128xf32, #tpu.memory_space<vmem>>, vector<16xf32>,
          tpu.vector_store %arg11[%swap3A_1122, %swap3A_1123], %add3A_947 {strides = array<i32>} : memref<201x128xf32, #tpu.memory_space<vmem>>, vector<16xf32>,
          %swap3A_1125 = arith.index_cast %add3A_368 : i32 to index
          %swap3A_1126 = arith.constant 64 : index
          %swap3A_1127 = tpu.vector_load %arg11[%swap3A_1125, %swap3A_1126] {strides = array<i32>} : memref<201x128xf32, #tpu.memory_space<vmem>>, vector<16xf32>,
          tpu.vector_store %arg11[%swap3A_1125, %swap3A_1126], %add3A_951 {strides = array<i32>} : memref<201x128xf32, #tpu.memory_space<vmem>>, vector<16xf32>,
          %swap3A_1128 = arith.index_cast %add3A_368 : i32 to index
          %swap3A_1129 = arith.constant 80 : index
          %swap3A_1130 = tpu.vector_load %arg11[%swap3A_1128, %swap3A_1129] {strides = array<i32>} : memref<201x128xf32, #tpu.memory_space<vmem>>, vector<16xf32>,
          tpu.vector_store %arg11[%swap3A_1128, %swap3A_1129], %add3A_955 {strides = array<i32>} : memref<201x128xf32, #tpu.memory_space<vmem>>, vector<16xf32>,
          %swap3A_1131 = arith.index_cast %add3A_368 : i32 to index
          %swap3A_1132 = arith.constant 96 : index
          %swap3A_1133 = tpu.vector_load %arg11[%swap3A_1131, %swap3A_1132] {strides = array<i32>} : memref<201x128xf32, #tpu.memory_space<vmem>>, vector<16xf32>,
          tpu.vector_store %arg11[%swap3A_1131, %swap3A_1132], %add3A_959 {strides = array<i32>} : memref<201x128xf32, #tpu.memory_space<vmem>>, vector<16xf32>,
          %swap3A_1134 = arith.index_cast %add3A_368 : i32 to index
          %swap3A_1135 = arith.constant 112 : index
          %swap3A_1136 = tpu.vector_load %arg11[%swap3A_1134, %swap3A_1135] {strides = array<i32>} : memref<201x128xf32, #tpu.memory_space<vmem>>, vector<16xf32>,
          tpu.vector_store %arg11[%swap3A_1134, %swap3A_1135], %add3A_963 {strides = array<i32>} : memref<201x128xf32, #tpu.memory_space<vmem>>, vector<16xf32>,
          %swap3A_1137 = arith.index_cast %add3A_372 : i32 to index
          %swap3A_1138 = arith.constant 0 : index
          %swap3A_1139 = tpu.vector_load %arg11[%swap3A_1137, %swap3A_1138] {strides = array<i32>} : memref<201x128xf32, #tpu.memory_space<vmem>>, vector<16xf32>,
          tpu.vector_store %arg11[%swap3A_1137, %swap3A_1138], %add3A_1036 {strides = array<i32>} : memref<201x128xf32, #tpu.memory_space<vmem>>, vector<16xf32>,
          %swap3A_1140 = arith.index_cast %add3A_372 : i32 to index
          %swap3A_1141 = arith.constant 16 : index
          %swap3A_1142 = tpu.vector_load %arg11[%swap3A_1140, %swap3A_1141] {strides = array<i32>} : memref<201x128xf32, #tpu.memory_space<vmem>>, vector<16xf32>,
          tpu.vector_store %arg11[%swap3A_1140, %swap3A_1141], %add3A_1040 {strides = array<i32>} : memref<201x128xf32, #tpu.memory_space<vmem>>, vector<16xf32>,
          %swap3A_1143 = arith.index_cast %add3A_372 : i32 to index
          %swap3A_1144 = arith.constant 32 : index
          %swap3A_1145 = tpu.vector_load %arg11[%swap3A_1143, %swap3A_1144] {strides = array<i32>} : memref<201x128xf32, #tpu.memory_space<vmem>>, vector<16xf32>,
          tpu.vector_store %arg11[%swap3A_1143, %swap3A_1144], %add3A_1044 {strides = array<i32>} : memref<201x128xf32, #tpu.memory_space<vmem>>, vector<16xf32>,
          %swap3A_1146 = arith.index_cast %add3A_372 : i32 to index
          %swap3A_1147 = arith.constant 48 : index
          %swap3A_1148 = tpu.vector_load %arg11[%swap3A_1146, %swap3A_1147] {strides = array<i32>} : memref<201x128xf32, #tpu.memory_space<vmem>>, vector<16xf32>,
          tpu.vector_store %arg11[%swap3A_1146, %swap3A_1147], %add3A_1048 {strides = array<i32>} : memref<201x128xf32, #tpu.memory_space<vmem>>, vector<16xf32>,
          %swap3A_1149 = arith.index_cast %add3A_372 : i32 to index
          %swap3A_1150 = arith.constant 64 : index
          %swap3A_1151 = tpu.vector_load %arg11[%swap3A_1149, %swap3A_1150] {strides = array<i32>} : memref<201x128xf32, #tpu.memory_space<vmem>>, vector<16xf32>,
          tpu.vector_store %arg11[%swap3A_1149, %swap3A_1150], %add3A_1052 {strides = array<i32>} : memref<201x128xf32, #tpu.memory_space<vmem>>, vector<16xf32>,
          %swap3A_1152 = arith.index_cast %add3A_372 : i32 to index
          %swap3A_1153 = arith.constant 80 : index
          %swap3A_1154 = tpu.vector_load %arg11[%swap3A_1152, %swap3A_1153] {strides = array<i32>} : memref<201x128xf32, #tpu.memory_space<vmem>>, vector<16xf32>,
          tpu.vector_store %arg11[%swap3A_1152, %swap3A_1153], %add3A_1056 {strides = array<i32>} : memref<201x128xf32, #tpu.memory_space<vmem>>, vector<16xf32>,
          %swap3A_1155 = arith.index_cast %add3A_372 : i32 to index
          %swap3A_1156 = arith.constant 96 : index
          %swap3A_1157 = tpu.vector_load %arg11[%swap3A_1155, %swap3A_1156] {strides = array<i32>} : memref<201x128xf32, #tpu.memory_space<vmem>>, vector<16xf32>,
          tpu.vector_store %arg11[%swap3A_1155, %swap3A_1156], %add3A_1060 {strides = array<i32>} : memref<201x128xf32, #tpu.memory_space<vmem>>, vector<16xf32>,
          %swap3A_1158 = arith.index_cast %add3A_372 : i32 to index
          %swap3A_1159 = arith.constant 112 : index
          %swap3A_1160 = tpu.vector_load %arg11[%swap3A_1158, %swap3A_1159] {strides = array<i32>} : memref<201x128xf32, #tpu.memory_space<vmem>>, vector<16xf32>,
          tpu.vector_store %arg11[%swap3A_1158, %swap3A_1159], %add3A_1064 {strides = array<i32>} : memref<201x128xf32, #tpu.memory_space<vmem>>, vector<16xf32>,
        }
        %scan3A_339 = arith.constant 50 : i32
        %add3A_340 = arith.addi %mul3A_2, %add3A_110 : i32
        %dma_start3A_341 = arith.constant 0 : i32
        %dma_start3A_342 = arith.constant 0 : i32
        %dma_start3A_343 = tpu.memref_slice %arg8[%add3A_340, %dma_start3A_341, %dma_start3A_342] : memref<1024x201x128xf32, #tpu.memory_space<hbm>> -> memref<1x201x128xf32, #tpu.memory_space<hbm>>
        %dma_start3A_344 = tpu.memref_squeeze %dma_start3A_343 : memref<1x201x128xf32, #tpu.memory_space<hbm>> -> memref<201x128xf32, #tpu.memory_space<hbm>>
        %dma_start3A_345 = arith.constant 0 : i32
        %dma_start3A_346 = arith.constant 0 : i32
        %dma_start3A_347 = tpu.memref_slice %arg8[%add3A_340, %dma_start3A_345, %dma_start3A_346] : memref<1024x201x128xf32, #tpu.memory_space<hbm>> -> memref<1x201x128xf32, #tpu.memory_space<hbm>>
        %dma_start3A_348 = tpu.memref_squeeze %dma_start3A_347 : memref<1x201x128xf32, #tpu.memory_space<hbm>> -> memref<201x128xf32, #tpu.memory_space<hbm>>
        tpu.enqueue_dma source(%arg11 : memref<201x128xf32, #tpu.memory_space<vmem>>) target(%dma_start3A_348 : memref<201x128xf32, #tpu.memory_space<hbm>>) target_semaphore(%arg20 : memref<!tpu.dma_semaphore, #tpu.memory_space<semaphore_mem>>)
        %add3A_349 = arith.constant 2 : i32
        %add3A_350 = arith.addi %add3A_110, %add3A_349 : i32
        %lt3A_351 = arith.constant 32 : i32
        %lt3A_352 = arith.cmpi slt, %add3A_350, %lt3A_351 : i32
        %convert_element_type3A_353 = arith.extui %lt3A_352 : i1 to i32
        %cond3A_354 = arith.constant 0 : i32
        %cond3A_355 = arith.cmpi ne, %convert_element_type3A_353, %cond3A_354 : i32
        scf.if %cond3A_355 {
          %ge3A = arith.constant 1 : i32
          %ge3A_356 = arith.cmpi sge, %add3A_110, %ge3A : i32
          %convert_element_type3A_357 = arith.extui %ge3A_356 : i1 to i32
          %cond3A_358 = arith.constant 0 : i32
          %cond3A_359 = arith.cmpi ne, %convert_element_type3A_357, %cond3A_358 : i32
          scf.if %cond3A_359 {
            %add3A_382 = arith.addi %mul3A_2, %add3A_110 : i32
            %sub3A_383 = arith.constant 1 : i32
            %sub3A_384 = arith.subi %add3A_382, %sub3A_383 : i32
            %dma_wait3A_385 = arith.constant 0 : i32
            %dma_wait3A_386 = arith.constant 0 : i32
            %dma_wait3A_387 = tpu.memref_slice %arg8[%sub3A_384, %dma_wait3A_385, %dma_wait3A_386] : memref<1024x201x128xf32, #tpu.memory_space<hbm>> -> memref<1x201x128xf32, #tpu.memory_space<hbm>>
            %dma_wait3A_388 = tpu.memref_squeeze %dma_wait3A_387 : memref<1x201x128xf32, #tpu.memory_space<hbm>> -> memref<201x128xf32, #tpu.memory_space<hbm>>
            %dma_wait3A_389 = arith.constant 0 : i32
            %dma_wait3A_390 = arith.constant 0 : i32
            %dma_wait3A_391 = tpu.memref_slice %arg8[%sub3A_384, %dma_wait3A_389, %dma_wait3A_390] : memref<1024x201x128xf32, #tpu.memory_space<hbm>> -> memref<1x201x128xf32, #tpu.memory_space<hbm>>
            %dma_wait3A_392 = tpu.memref_squeeze %dma_wait3A_391 : memref<1x201x128xf32, #tpu.memory_space<hbm>> -> memref<201x128xf32, #tpu.memory_space<hbm>>
            tpu.wait_dma2 semaphore(%arg22 : memref<!tpu.dma_semaphore, #tpu.memory_space<semaphore_mem>>) src(%arg13 : memref<201x128xf32, #tpu.memory_space<vmem>>) dst(%dma_wait3A_392 : memref<201x128xf32, #tpu.memory_space<hbm>>)
          } else {
          }
          %add3A_360 = arith.constant 2 : i32
          %add3A_361 = arith.addi %add3A_110, %add3A_360 : i32
          %mul3A_362 = arith.constant 200 : i32
          %mul3A_363 = arith.muli %add3A_361, %mul3A_362 : i32
          %dma_start3A_364 = arith.constant 1 : i32
          %dma_start3A_365 = arith.constant 0 : i32
          %dma_start3A_366 = tpu.memref_slice %arg13[%dma_start3A_364, %dma_start3A_365] : memref<201x128xf32, #tpu.memory_space<vmem>> -> memref<104x128xf32, #tpu.memory_space<vmem>>
          %dma_start3A_367 = tpu.memref_slice %arg9[%mul3A_363] : memref<6400xi32, #tpu.memory_space<vmem>> -> memref<104xi32, #tpu.memory_space<vmem>>
          %dma_start3A_368 = arith.constant 0 : i32
          %dma_start3A_369 = arith.constant 0 : i32
          %dma_start3A_370 = tpu.memref_slice %arg4[%dma_start3A_368, %dma_start3A_369] : memref<100000x128xf32, #tpu.memory_space<hbm>> -> memref<100000x128xf32, #tpu.memory_space<hbm>>
          tpu.enqueue_indirect_dma source(%dma_start3A_370 : memref<100000x128xf32, #tpu.memory_space<hbm>>) target(%dma_start3A_366 : memref<104x128xf32, #tpu.memory_space<vmem>>) offsets(%dma_start3A_367 : memref<104xi32, #tpu.memory_space<vmem>>) semaphore(%arg19 : memref<!tpu.dma_semaphore, #tpu.memory_space<semaphore_mem>>)
          %mul3A_371 = arith.constant 200 : i32
          %mul3A_372 = arith.muli %add3A_361, %mul3A_371 : i32
          %add3A_373 = arith.constant 104 : i32
          %add3A_374 = arith.addi %mul3A_372, %add3A_373 : i32
          %dma_start3A_375 = arith.constant 105 : i32
          %dma_start3A_376 = arith.constant 0 : i32
          %dma_start3A_377 = tpu.memref_slice %arg13[%dma_start3A_375, %dma_start3A_376] : memref<201x128xf32, #tpu.memory_space<vmem>> -> memref<96x128xf32, #tpu.memory_space<vmem>>
          %dma_start3A_378 = tpu.memref_slice %arg9[%add3A_374] : memref<6400xi32, #tpu.memory_space<vmem>> -> memref<96xi32, #tpu.memory_space<vmem>>
          %dma_start3A_379 = arith.constant 0 : i32
          %dma_start3A_380 = arith.constant 0 : i32
          %dma_start3A_381 = tpu.memref_slice %arg4[%dma_start3A_379, %dma_start3A_380] : memref<100000x128xf32, #tpu.memory_space<hbm>> -> memref<100000x128xf32, #tpu.memory_space<hbm>>
          tpu.enqueue_indirect_dma source(%dma_start3A_381 : memref<100000x128xf32, #tpu.memory_space<hbm>>) target(%dma_start3A_377 : memref<96x128xf32, #tpu.memory_space<vmem>>) offsets(%dma_start3A_378 : memref<96xi32, #tpu.memory_space<vmem>>) semaphore(%arg19 : memref<!tpu.dma_semaphore, #tpu.memory_space<semaphore_mem>>)
        } else {
        }
      } else {
      }
      %mul3A_113 = arith.constant 3 : i32
      %mul3A_114 = arith.muli %mul3A_113, %scan3A_106 : i32
      %add3A_115 = arith.constant 1 : i32
      %add3A_116 = arith.addi %mul3A_114, %add3A_115 : i32
      %lt3A_117 = arith.constant 32 : i32
      %lt3A_118 = arith.cmpi slt, %add3A_116, %lt3A_117 : i32
      %convert_element_type3A_119 = arith.extui %lt3A_118 : i1 to i32
      %cond3A_120 = arith.constant 0 : i32
      %cond3A_121 = arith.cmpi ne, %convert_element_type3A_119, %cond3A_120 : i32
      scf.if %cond3A_121 {
        %dma_wait3A_131 = arith.constant 1 : i32
        %dma_wait3A_132 = arith.constant 0 : i32
        %dma_wait3A_133 = tpu.memref_slice %arg12[%dma_wait3A_131, %dma_wait3A_132] : memref<201x128xf32, #tpu.memory_space<vmem>> -> memref<200x128xf32, #tpu.memory_space<vmem>>
        %dma_wait3A_134 = arith.constant 0 : i32
        %dma_wait3A_135 = arith.constant 0 : i32
        %dma_wait3A_136 = tpu.memref_slice %arg4[%dma_wait3A_134, %dma_wait3A_135] : memref<100000x128xf32, #tpu.memory_space<hbm>> -> memref<200x128xf32, #tpu.memory_space<hbm>>
        %dma_wait3A_137 = arith.constant 1 : i32
        %dma_wait3A_138 = arith.constant 0 : i32
        %dma_wait3A_139 = tpu.memref_slice %arg12[%dma_wait3A_137, %dma_wait3A_138] : memref<201x128xf32, #tpu.memory_space<vmem>> -> memref<200x128xf32, #tpu.memory_space<vmem>>
        %dma_wait3A_140 = arith.constant 0 : i32
        %dma_wait3A_141 = arith.constant 0 : i32
        %dma_wait3A_142 = tpu.memref_slice %arg4[%dma_wait3A_140, %dma_wait3A_141] : memref<100000x128xf32, #tpu.memory_space<hbm>> -> memref<200x128xf32, #tpu.memory_space<hbm>>
        tpu.wait_dma2 semaphore(%arg18 : memref<!tpu.dma_semaphore, #tpu.memory_space<semaphore_mem>>) src(%dma_wait3A_142 : memref<200x128xf32, #tpu.memory_space<hbm>>) dst(%dma_wait3A_139 : memref<200x128xf32, #tpu.memory_space<vmem>>)
        %get3A_143 = arith.index_cast %add3A_116 : i32 to index
        %get3A_144 = arith.constant 0 : index
        %get3A_145 = tpu.vector_load %arg10[%get3A_143, %get3A_144] {strides = array<i32>} : memref<32x128xf32, #tpu.memory_space<vmem>>, vector<16xf32>,
        %get3A_146 = arith.constant 1 : i32
        %get3A_147 = arith.index_cast %get3A_146 : i32 to index
        %get3A_148 = arith.constant 0 : index
        %get3A_149 = tpu.vector_load %arg14[%get3A_147, %get3A_148] {strides = array<i32>} : memref<208x128xf32, #tpu.memory_space<vmem>>, vector<16xf32>,
        %add3A_150 = arith.addf %get3A_145, %get3A_149 : vector<16xf32>
        %get3A_151 = arith.index_cast %add3A_116 : i32 to index
        %get3A_152 = arith.constant 16 : index
        %get3A_153 = tpu.vector_load %arg10[%get3A_151, %get3A_152] {strides = array<i32>} : memref<32x128xf32, #tpu.memory_space<vmem>>, vector<16xf32>,
        %get3A_154 = arith.constant 1 : i32
        %get3A_155 = arith.index_cast %get3A_154 : i32 to index
        %get3A_156 = arith.constant 16 : index
        %get3A_157 = tpu.vector_load %arg14[%get3A_155, %get3A_156] {strides = array<i32>} : memref<208x128xf32, #tpu.memory_space<vmem>>, vector<16xf32>,
        %add3A_158 = arith.addf %get3A_153, %get3A_157 : vector<16xf32>
        %get3A_159 = arith.index_cast %add3A_116 : i32 to index
        %get3A_160 = arith.constant 32 : index
        %get3A_161 = tpu.vector_load %arg10[%get3A_159, %get3A_160] {strides = array<i32>} : memref<32x128xf32, #tpu.memory_space<vmem>>, vector<16xf32>,
        %get3A_162 = arith.constant 1 : i32
        %get3A_163 = arith.index_cast %get3A_162 : i32 to index
        %get3A_164 = arith.constant 32 : index
        %get3A_165 = tpu.vector_load %arg14[%get3A_163, %get3A_164] {strides = array<i32>} : memref<208x128xf32, #tpu.memory_space<vmem>>, vector<16xf32>,
        %add3A_166 = arith.addf %get3A_161, %get3A_165 : vector<16xf32>
        %get3A_167 = arith.index_cast %add3A_116 : i32 to index
        %get3A_168 = arith.constant 48 : index
        %get3A_169 = tpu.vector_load %arg10[%get3A_167, %get3A_168] {strides = array<i32>} : memref<32x128xf32, #tpu.memory_space<vmem>>, vector<16xf32>,
        %get3A_170 = arith.constant 1 : i32
        %get3A_171 = arith.index_cast %get3A_170 : i32 to index
        %get3A_172 = arith.constant 48 : index
        %get3A_173 = tpu.vector_load %arg14[%get3A_171, %get3A_172] {strides = array<i32>} : memref<208x128xf32, #tpu.memory_space<vmem>>, vector<16xf32>,
        %add3A_174 = arith.addf %get3A_169, %get3A_173 : vector<16xf32>
        %get3A_175 = arith.index_cast %add3A_116 : i32 to index
        %get3A_176 = arith.constant 64 : index
        %get3A_177 = tpu.vector_load %arg10[%get3A_175, %get3A_176] {strides = array<i32>} : memref<32x128xf32, #tpu.memory_space<vmem>>, vector<16xf32>,
        %get3A_178 = arith.constant 1 : i32
        %get3A_179 = arith.index_cast %get3A_178 : i32 to index
        %get3A_180 = arith.constant 64 : index
        %get3A_181 = tpu.vector_load %arg14[%get3A_179, %get3A_180] {strides = array<i32>} : memref<208x128xf32, #tpu.memory_space<vmem>>, vector<16xf32>,
        %add3A_182 = arith.addf %get3A_177, %get3A_181 : vector<16xf32>
        %get3A_183 = arith.index_cast %add3A_116 : i32 to index
        %get3A_184 = arith.constant 80 : index
        %get3A_185 = tpu.vector_load %arg10[%get3A_183, %get3A_184] {strides = array<i32>} : memref<32x128xf32, #tpu.memory_space<vmem>>, vector<16xf32>,
        %get3A_186 = arith.constant 1 : i32
        %get3A_187 = arith.index_cast %get3A_186 : i32 to index
        %get3A_188 = arith.constant 80 : index
        %get3A_189 = tpu.vector_load %arg14[%get3A_187, %get3A_188] {strides = array<i32>} : memref<208x128xf32, #tpu.memory_space<vmem>>, vector<16xf32>,
        %add3A_190 = arith.addf %get3A_185, %get3A_189 : vector<16xf32>
        %get3A_191 = arith.index_cast %add3A_116 : i32 to index
        %get3A_192 = arith.constant 96 : index
        %get3A_193 = tpu.vector_load %arg10[%get3A_191, %get3A_192] {strides = array<i32>} : memref<32x128xf32, #tpu.memory_space<vmem>>, vector<16xf32>,
        %get3A_194 = arith.constant 1 : i32
        %get3A_195 = arith.index_cast %get3A_194 : i32 to index
        %get3A_196 = arith.constant 96 : index
        %get3A_197 = tpu.vector_load %arg14[%get3A_195, %get3A_196] {strides = array<i32>} : memref<208x128xf32, #tpu.memory_space<vmem>>, vector<16xf32>,
        %add3A_198 = arith.addf %get3A_193, %get3A_197 : vector<16xf32>
        %get3A_199 = arith.index_cast %add3A_116 : i32 to index
        %get3A_200 = arith.constant 112 : index
        %get3A_201 = tpu.vector_load %arg10[%get3A_199, %get3A_200] {strides = array<i32>} : memref<32x128xf32, #tpu.memory_space<vmem>>, vector<16xf32>,
        %get3A_202 = arith.constant 1 : i32
        %get3A_203 = arith.index_cast %get3A_202 : i32 to index
        %get3A_204 = arith.constant 112 : index
        %get3A_205 = tpu.vector_load %arg14[%get3A_203, %get3A_204] {strides = array<i32>} : memref<208x128xf32, #tpu.memory_space<vmem>>, vector<16xf32>,
        %add3A_206 = arith.addf %get3A_201, %get3A_205 : vector<16xf32>
        %mul3A_207 = arith.mulf %add3A_150, %add3A_150 : vector<16xf32>
        %add3A_208 = arith.addf %add3A_150, %add3A_158 : vector<16xf32>
        %mul3A_209 = arith.mulf %add3A_158, %add3A_158 : vector<16xf32>
        %add3A_210 = arith.addf %mul3A_207, %mul3A_209 : vector<16xf32>
        %add3A_211 = arith.addf %add3A_208, %add3A_166 : vector<16xf32>
        %mul3A_212 = arith.mulf %add3A_166, %add3A_166 : vector<16xf32>
        %add3A_213 = arith.addf %add3A_210, %mul3A_212 : vector<16xf32>
        %add3A_214 = arith.addf %add3A_211, %add3A_174 : vector<16xf32>
        %mul3A_215 = arith.mulf %add3A_174, %add3A_174 : vector<16xf32>
        %add3A_216 = arith.addf %add3A_213, %mul3A_215 : vector<16xf32>
        %add3A_217 = arith.addf %add3A_214, %add3A_182 : vector<16xf32>
        %mul3A_218 = arith.mulf %add3A_182, %add3A_182 : vector<16xf32>
        %add3A_219 = arith.addf %add3A_216, %mul3A_218 : vector<16xf32>
        %add3A_220 = arith.addf %add3A_217, %add3A_190 : vector<16xf32>
        %mul3A_221 = arith.mulf %add3A_190, %add3A_190 : vector<16xf32>
        %add3A_222 = arith.addf %add3A_219, %mul3A_221 : vector<16xf32>
        %add3A_223 = arith.addf %add3A_220, %add3A_198 : vector<16xf32>
        %mul3A_224 = arith.mulf %add3A_198, %add3A_198 : vector<16xf32>
        %add3A_225 = arith.addf %add3A_222, %mul3A_224 : vector<16xf32>
        %add3A_226 = arith.addf %add3A_223, %add3A_206 : vector<16xf32>
        %mul3A_227 = arith.mulf %add3A_206, %add3A_206 : vector<16xf32>
        %add3A_228 = arith.addf %add3A_225, %mul3A_227 : vector<16xf32>
        %reduce_sum3A = arith.constant true
        %reduce_sum3A_229 = vector.broadcast %reduce_sum3A : i1 to vector<16xi1>
        %reduce_sum3A_230 = tpu.scan <sum>, %add3A_226 masked %reduce_sum3A_229 : vector<16xf32>, vector<16xi1> -> vector<16xf32>
        %reduce_sum3A_231 = vector.extract %reduce_sum3A_230[15] : f32 from vector<16xf32>
        %reduce_sum3A_232 = arith.constant true
        %reduce_sum3A_233 = vector.broadcast %reduce_sum3A_232 : i1 to vector<16xi1>
        %reduce_sum3A_234 = tpu.scan <sum>, %add3A_228 masked %reduce_sum3A_233 : vector<16xf32>, vector<16xi1> -> vector<16xf32>
        %reduce_sum3A_235 = vector.extract %reduce_sum3A_234[15] : f32 from vector<16xf32>
        %broadcast_in_dim3A = vector.broadcast %reduce_sum3A_231 : f32 to vector<16xf32>
        %mul3A_236 = arith.constant 7.812500e-03 : f32
        %mul3A_237 = vector.broadcast %mul3A_236 : f32 to vector<16xf32>
        %mul3A_238 = arith.mulf %broadcast_in_dim3A, %mul3A_237 : vector<16xf32>
        %broadcast_in_dim3A_239 = vector.broadcast %reduce_sum3A_235 : f32 to vector<16xf32>
        %mul3A_240 = arith.constant 7.812500e-03 : f32
        %mul3A_241 = vector.broadcast %mul3A_240 : f32 to vector<16xf32>
        %mul3A_242 = arith.mulf %broadcast_in_dim3A_239, %mul3A_241 : vector<16xf32>
        %mul3A_243 = arith.mulf %mul3A_238, %mul3A_238 : vector<16xf32>
        %sub3A_244 = arith.subf %mul3A_242, %mul3A_243 : vector<16xf32>
        %max3A = arith.constant 0.000000e+00 : f32
        %max3A_245 = vector.broadcast %max3A : f32 to vector<16xf32>
        %max3A_246 = arith.maximumf %sub3A_244, %max3A_245 : vector<16xf32>
        %add3A_247 = arith.constant 9.99999996E-13 : f32
        %add3A_248 = vector.broadcast %add3A_247 : f32 to vector<16xf32>
        %add3A_249 = arith.addf %max3A_246, %add3A_248 : vector<16xf32>
        %bitcast3A = vector.bitcast %add3A_249 : vector<16xf32> to vector<16xi32>
        %shift_right_logical3A = arith.constant 1 : i32
        %shift_right_logical3A_250 = vector.broadcast %shift_right_logical3A : i32 to vector<16xi32>
        %shift_right_logical3A_251 = arith.shrui %bitcast3A, %shift_right_logical3A_250 : vector<16xi32>
        %sub3A_252 = arith.constant 1597463007 : i32
        %sub3A_253 = vector.broadcast %sub3A_252 : i32 to vector<16xi32>
        %sub3A_254 = arith.subi %sub3A_253, %shift_right_logical3A_251 : vector<16xi32>
        %bitcast3A_255 = vector.bitcast %sub3A_254 : vector<16xi32> to vector<16xf32>
        %mul3A_256 = arith.constant 5.000000e-01 : f32
        %mul3A_257 = vector.broadcast %mul3A_256 : f32 to vector<16xf32>
        %mul3A_258 = arith.mulf %mul3A_257, %add3A_249 : vector<16xf32>
        %mul3A_259 = arith.mulf %bitcast3A_255, %bitcast3A_255 : vector<16xf32>
        %mul3A_260 = arith.mulf %mul3A_258, %mul3A_259 : vector<16xf32>
        %sub3A_261 = arith.constant 1.500000e+00 : f32
        %sub3A_262 = vector.broadcast %sub3A_261 : f32 to vector<16xf32>
        %sub3A_263 = arith.subf %sub3A_262, %mul3A_260 : vector<16xf32>
        %mul3A_264 = arith.mulf %bitcast3A_255, %sub3A_263 : vector<16xf32>
        %mul3A_265 = arith.mulf %mul3A_264, %mul3A_264 : vector<16xf32>
        %mul3A_266 = arith.mulf %mul3A_258, %mul3A_265 : vector<16xf32>
        %sub3A_267 = arith.constant 1.500000e+00 : f32
        %sub3A_268 = vector.broadcast %sub3A_267 : f32 to vector<16xf32>
        %sub3A_269 = arith.subf %sub3A_268, %mul3A_266 : vector<16xf32>
        %mul3A_270 = arith.mulf %mul3A_264, %sub3A_269 : vector<16xf32>
        %sub3A_271 = arith.subf %add3A_150, %mul3A_238 : vector<16xf32>
        %mul3A_272 = arith.mulf %sub3A_271, %mul3A_270 : vector<16xf32>
        %mul3A_273 = arith.mulf %mul3A_272, %get3A_5 : vector<16xf32>
        %add3A_274 = arith.addf %mul3A_273, %get3A_21 : vector<16xf32>
        %sub3A_275 = arith.subf %add3A_158, %mul3A_238 : vector<16xf32>
        %mul3A_276 = arith.mulf %sub3A_275, %mul3A_270 : vector<16xf32>
        %mul3A_277 = arith.mulf %mul3A_276, %get3A_7 : vector<16xf32>
        %add3A_278 = arith.addf %mul3A_277, %get3A_23 : vector<16xf32>
        %sub3A_279 = arith.subf %add3A_166, %mul3A_238 : vector<16xf32>
        %mul3A_280 = arith.mulf %sub3A_279, %mul3A_270 : vector<16xf32>
        %mul3A_281 = arith.mulf %mul3A_280, %get3A_9 : vector<16xf32>
        %add3A_282 = arith.addf %mul3A_281, %get3A_25 : vector<16xf32>
        %sub3A_283 = arith.subf %add3A_174, %mul3A_238 : vector<16xf32>
        %mul3A_284 = arith.mulf %sub3A_283, %mul3A_270 : vector<16xf32>
        %mul3A_285 = arith.mulf %mul3A_284, %get3A_11 : vector<16xf32>
        %add3A_286 = arith.addf %mul3A_285, %get3A_27 : vector<16xf32>
        %sub3A_287 = arith.subf %add3A_182, %mul3A_238 : vector<16xf32>
        %mul3A_288 = arith.mulf %sub3A_287, %mul3A_270 : vector<16xf32>
        %mul3A_289 = arith.mulf %mul3A_288, %get3A_13 : vector<16xf32>
        %add3A_290 = arith.addf %mul3A_289, %get3A_29 : vector<16xf32>
        %sub3A_291 = arith.subf %add3A_190, %mul3A_238 : vector<16xf32>
        %mul3A_292 = arith.mulf %sub3A_291, %mul3A_270 : vector<16xf32>
        %mul3A_293 = arith.mulf %mul3A_292, %get3A_15 : vector<16xf32>
        %add3A_294 = arith.addf %mul3A_293, %get3A_31 : vector<16xf32>
        %sub3A_295 = arith.subf %add3A_198, %mul3A_238 : vector<16xf32>
        %mul3A_296 = arith.mulf %sub3A_295, %mul3A_270 : vector<16xf32>
        %mul3A_297 = arith.mulf %mul3A_296, %get3A_17 : vector<16xf32>
        %add3A_298 = arith.addf %mul3A_297, %get3A_33 : vector<16xf32>
        %sub3A_299 = arith.subf %add3A_206, %mul3A_238 : vector<16xf32>
        %mul3A_300 = arith.mulf %sub3A_299, %mul3A_270 : vector<16xf32>
        %mul3A_301 = arith.mulf %mul3A_300, %get3A_19 : vector<16xf32>
        %add3A_302 = arith.addf %mul3A_301, %get3A_35 : vector<16xf32>
        %swap3A = arith.constant 0 : i32
        %swap3A_303 = arith.index_cast %swap3A : i32 to index
        %swap3A_304 = arith.constant 0 : index
        %swap3A_305 = tpu.vector_load %arg12[%swap3A_303, %swap3A_304] {strides = array<i32>} : memref<201x128xf32, #tpu.memory_space<vmem>>, vector<16xf32>,
        tpu.vector_store %arg12[%swap3A_303, %swap3A_304], %add3A_274 {strides = array<i32>} : memref<201x128xf32, #tpu.memory_space<vmem>>, vector<16xf32>,
        %swap3A_306 = arith.constant 0 : i32
        %swap3A_307 = arith.index_cast %swap3A_306 : i32 to index
        %swap3A_308 = arith.constant 16 : index
        %swap3A_309 = tpu.vector_load %arg12[%swap3A_307, %swap3A_308] {strides = array<i32>} : memref<201x128xf32, #tpu.memory_space<vmem>>, vector<16xf32>,
        tpu.vector_store %arg12[%swap3A_307, %swap3A_308], %add3A_278 {strides = array<i32>} : memref<201x128xf32, #tpu.memory_space<vmem>>, vector<16xf32>,
        %swap3A_310 = arith.constant 0 : i32
        %swap3A_311 = arith.index_cast %swap3A_310 : i32 to index
        %swap3A_312 = arith.constant 32 : index
        %swap3A_313 = tpu.vector_load %arg12[%swap3A_311, %swap3A_312] {strides = array<i32>} : memref<201x128xf32, #tpu.memory_space<vmem>>, vector<16xf32>,
        tpu.vector_store %arg12[%swap3A_311, %swap3A_312], %add3A_282 {strides = array<i32>} : memref<201x128xf32, #tpu.memory_space<vmem>>, vector<16xf32>,
        %swap3A_314 = arith.constant 0 : i32
        %swap3A_315 = arith.index_cast %swap3A_314 : i32 to index
        %swap3A_316 = arith.constant 48 : index
        %swap3A_317 = tpu.vector_load %arg12[%swap3A_315, %swap3A_316] {strides = array<i32>} : memref<201x128xf32, #tpu.memory_space<vmem>>, vector<16xf32>,
        tpu.vector_store %arg12[%swap3A_315, %swap3A_316], %add3A_286 {strides = array<i32>} : memref<201x128xf32, #tpu.memory_space<vmem>>, vector<16xf32>,
        %swap3A_318 = arith.constant 0 : i32
        %swap3A_319 = arith.index_cast %swap3A_318 : i32 to index
        %swap3A_320 = arith.constant 64 : index
        %swap3A_321 = tpu.vector_load %arg12[%swap3A_319, %swap3A_320] {strides = array<i32>} : memref<201x128xf32, #tpu.memory_space<vmem>>, vector<16xf32>,
        tpu.vector_store %arg12[%swap3A_319, %swap3A_320], %add3A_290 {strides = array<i32>} : memref<201x128xf32, #tpu.memory_space<vmem>>, vector<16xf32>,
        %swap3A_322 = arith.constant 0 : i32
        %swap3A_323 = arith.index_cast %swap3A_322 : i32 to index
        %swap3A_324 = arith.constant 80 : index
        %swap3A_325 = tpu.vector_load %arg12[%swap3A_323, %swap3A_324] {strides = array<i32>} : memref<201x128xf32, #tpu.memory_space<vmem>>, vector<16xf32>,
        tpu.vector_store %arg12[%swap3A_323, %swap3A_324], %add3A_294 {strides = array<i32>} : memref<201x128xf32, #tpu.memory_space<vmem>>, vector<16xf32>,
        %swap3A_326 = arith.constant 0 : i32
        %swap3A_327 = arith.index_cast %swap3A_326 : i32 to index
        %swap3A_328 = arith.constant 96 : index
        %swap3A_329 = tpu.vector_load %arg12[%swap3A_327, %swap3A_328] {strides = array<i32>} : memref<201x128xf32, #tpu.memory_space<vmem>>, vector<16xf32>,
        tpu.vector_store %arg12[%swap3A_327, %swap3A_328], %add3A_298 {strides = array<i32>} : memref<201x128xf32, #tpu.memory_space<vmem>>, vector<16xf32>,
        %swap3A_330 = arith.constant 0 : i32
        %swap3A_331 = arith.index_cast %swap3A_330 : i32 to index
        %swap3A_332 = arith.constant 112 : index
        %swap3A_333 = tpu.vector_load %arg12[%swap3A_331, %swap3A_332] {strides = array<i32>} : memref<201x128xf32, #tpu.memory_space<vmem>>, vector<16xf32>,
        tpu.vector_store %arg12[%swap3A_331, %swap3A_332], %add3A_302 {strides = array<i32>} : memref<201x128xf32, #tpu.memory_space<vmem>>, vector<16xf32>,
        %scan3A_334 = arith.constant 0 : i32
        %scan3A_335 = arith.constant 0 : i32
        %scan3A_336 = arith.constant 50 : i32
        %scan3A_337 = arith.addi %scan3A_335, %scan3A_336 : i32
        %scan3A_338 = arith.constant 1 : i32
        scf.for %scan3A_356 = %scan3A_335 to %scan3A_337 step %scan3A_338  : i32 {
          %mul3A_357 = arith.constant 4 : i32
          %mul3A_358 = arith.muli %mul3A_357, %scan3A_356 : i32
          %add3A_359 = arith.constant 1 : i32
          %add3A_360 = arith.addi %mul3A_358, %add3A_359 : i32
          %mul3A_361 = arith.constant 4 : i32
          %mul3A_362 = arith.muli %mul3A_361, %scan3A_356 : i32
          %add3A_363 = arith.constant 2 : i32
          %add3A_364 = arith.addi %mul3A_362, %add3A_363 : i32
          %mul3A_365 = arith.constant 4 : i32
          %mul3A_366 = arith.muli %mul3A_365, %scan3A_356 : i32
          %add3A_367 = arith.constant 3 : i32
          %add3A_368 = arith.addi %mul3A_366, %add3A_367 : i32
          %mul3A_369 = arith.constant 4 : i32
          %mul3A_370 = arith.muli %mul3A_369, %scan3A_356 : i32
          %add3A_371 = arith.constant 4 : i32
          %add3A_372 = arith.addi %mul3A_370, %add3A_371 : i32
          %get3A_373 = arith.index_cast %add3A_360 : i32 to index
          %get3A_374 = arith.constant 0 : index
          %get3A_375 = tpu.vector_load %arg12[%get3A_373, %get3A_374] {strides = array<i32>} : memref<201x128xf32, #tpu.memory_space<vmem>>, vector<16xf32>,
          %add3A_376 = arith.constant 1 : i32
          %add3A_377 = arith.addi %add3A_360, %add3A_376 : i32
          %get3A_378 = arith.index_cast %add3A_377 : i32 to index
          %get3A_379 = arith.constant 0 : index
          %get3A_380 = tpu.vector_load %arg14[%get3A_378, %get3A_379] {strides = array<i32>} : memref<208x128xf32, #tpu.memory_space<vmem>>, vector<16xf32>,
          %add3A_381 = arith.addf %get3A_375, %get3A_380 : vector<16xf32>
          %get3A_382 = arith.index_cast %add3A_360 : i32 to index
          %get3A_383 = arith.constant 16 : index
          %get3A_384 = tpu.vector_load %arg12[%get3A_382, %get3A_383] {strides = array<i32>} : memref<201x128xf32, #tpu.memory_space<vmem>>, vector<16xf32>,
          %add3A_385 = arith.constant 1 : i32
          %add3A_386 = arith.addi %add3A_360, %add3A_385 : i32
          %get3A_387 = arith.index_cast %add3A_386 : i32 to index
          %get3A_388 = arith.constant 16 : index
          %get3A_389 = tpu.vector_load %arg14[%get3A_387, %get3A_388] {strides = array<i32>} : memref<208x128xf32, #tpu.memory_space<vmem>>, vector<16xf32>,
          %add3A_390 = arith.addf %get3A_384, %get3A_389 : vector<16xf32>
          %get3A_391 = arith.index_cast %add3A_360 : i32 to index
          %get3A_392 = arith.constant 32 : index
          %get3A_393 = tpu.vector_load %arg12[%get3A_391, %get3A_392] {strides = array<i32>} : memref<201x128xf32, #tpu.memory_space<vmem>>, vector<16xf32>,
          %add3A_394 = arith.constant 1 : i32
          %add3A_395 = arith.addi %add3A_360, %add3A_394 : i32
          %get3A_396 = arith.index_cast %add3A_395 : i32 to index
          %get3A_397 = arith.constant 32 : index
          %get3A_398 = tpu.vector_load %arg14[%get3A_396, %get3A_397] {strides = array<i32>} : memref<208x128xf32, #tpu.memory_space<vmem>>, vector<16xf32>,
          %add3A_399 = arith.addf %get3A_393, %get3A_398 : vector<16xf32>
          %get3A_400 = arith.index_cast %add3A_360 : i32 to index
          %get3A_401 = arith.constant 48 : index
          %get3A_402 = tpu.vector_load %arg12[%get3A_400, %get3A_401] {strides = array<i32>} : memref<201x128xf32, #tpu.memory_space<vmem>>, vector<16xf32>,
          %add3A_403 = arith.constant 1 : i32
          %add3A_404 = arith.addi %add3A_360, %add3A_403 : i32
          %get3A_405 = arith.index_cast %add3A_404 : i32 to index
          %get3A_406 = arith.constant 48 : index
          %get3A_407 = tpu.vector_load %arg14[%get3A_405, %get3A_406] {strides = array<i32>} : memref<208x128xf32, #tpu.memory_space<vmem>>, vector<16xf32>,
          %add3A_408 = arith.addf %get3A_402, %get3A_407 : vector<16xf32>
          %get3A_409 = arith.index_cast %add3A_360 : i32 to index
          %get3A_410 = arith.constant 64 : index
          %get3A_411 = tpu.vector_load %arg12[%get3A_409, %get3A_410] {strides = array<i32>} : memref<201x128xf32, #tpu.memory_space<vmem>>, vector<16xf32>,
          %add3A_412 = arith.constant 1 : i32
          %add3A_413 = arith.addi %add3A_360, %add3A_412 : i32
          %get3A_414 = arith.index_cast %add3A_413 : i32 to index
          %get3A_415 = arith.constant 64 : index
          %get3A_416 = tpu.vector_load %arg14[%get3A_414, %get3A_415] {strides = array<i32>} : memref<208x128xf32, #tpu.memory_space<vmem>>, vector<16xf32>,
          %add3A_417 = arith.addf %get3A_411, %get3A_416 : vector<16xf32>
          %get3A_418 = arith.index_cast %add3A_360 : i32 to index
          %get3A_419 = arith.constant 80 : index
          %get3A_420 = tpu.vector_load %arg12[%get3A_418, %get3A_419] {strides = array<i32>} : memref<201x128xf32, #tpu.memory_space<vmem>>, vector<16xf32>,
          %add3A_421 = arith.constant 1 : i32
          %add3A_422 = arith.addi %add3A_360, %add3A_421 : i32
          %get3A_423 = arith.index_cast %add3A_422 : i32 to index
          %get3A_424 = arith.constant 80 : index
          %get3A_425 = tpu.vector_load %arg14[%get3A_423, %get3A_424] {strides = array<i32>} : memref<208x128xf32, #tpu.memory_space<vmem>>, vector<16xf32>,
          %add3A_426 = arith.addf %get3A_420, %get3A_425 : vector<16xf32>
          %get3A_427 = arith.index_cast %add3A_360 : i32 to index
          %get3A_428 = arith.constant 96 : index
          %get3A_429 = tpu.vector_load %arg12[%get3A_427, %get3A_428] {strides = array<i32>} : memref<201x128xf32, #tpu.memory_space<vmem>>, vector<16xf32>,
          %add3A_430 = arith.constant 1 : i32
          %add3A_431 = arith.addi %add3A_360, %add3A_430 : i32
          %get3A_432 = arith.index_cast %add3A_431 : i32 to index
          %get3A_433 = arith.constant 96 : index
          %get3A_434 = tpu.vector_load %arg14[%get3A_432, %get3A_433] {strides = array<i32>} : memref<208x128xf32, #tpu.memory_space<vmem>>, vector<16xf32>,
          %add3A_435 = arith.addf %get3A_429, %get3A_434 : vector<16xf32>
          %get3A_436 = arith.index_cast %add3A_360 : i32 to index
          %get3A_437 = arith.constant 112 : index
          %get3A_438 = tpu.vector_load %arg12[%get3A_436, %get3A_437] {strides = array<i32>} : memref<201x128xf32, #tpu.memory_space<vmem>>, vector<16xf32>,
          %add3A_439 = arith.constant 1 : i32
          %add3A_440 = arith.addi %add3A_360, %add3A_439 : i32
          %get3A_441 = arith.index_cast %add3A_440 : i32 to index
          %get3A_442 = arith.constant 112 : index
          %get3A_443 = tpu.vector_load %arg14[%get3A_441, %get3A_442] {strides = array<i32>} : memref<208x128xf32, #tpu.memory_space<vmem>>, vector<16xf32>,
          %add3A_444 = arith.addf %get3A_438, %get3A_443 : vector<16xf32>
          %get3A_445 = arith.index_cast %add3A_364 : i32 to index
          %get3A_446 = arith.constant 0 : index
          %get3A_447 = tpu.vector_load %arg12[%get3A_445, %get3A_446] {strides = array<i32>} : memref<201x128xf32, #tpu.memory_space<vmem>>, vector<16xf32>,
          %add3A_448 = arith.constant 1 : i32
          %add3A_449 = arith.addi %add3A_364, %add3A_448 : i32
          %get3A_450 = arith.index_cast %add3A_449 : i32 to index
          %get3A_451 = arith.constant 0 : index
          %get3A_452 = tpu.vector_load %arg14[%get3A_450, %get3A_451] {strides = array<i32>} : memref<208x128xf32, #tpu.memory_space<vmem>>, vector<16xf32>,
          %add3A_453 = arith.addf %get3A_447, %get3A_452 : vector<16xf32>
          %get3A_454 = arith.index_cast %add3A_364 : i32 to index
          %get3A_455 = arith.constant 16 : index
          %get3A_456 = tpu.vector_load %arg12[%get3A_454, %get3A_455] {strides = array<i32>} : memref<201x128xf32, #tpu.memory_space<vmem>>, vector<16xf32>,
          %add3A_457 = arith.constant 1 : i32
          %add3A_458 = arith.addi %add3A_364, %add3A_457 : i32
          %get3A_459 = arith.index_cast %add3A_458 : i32 to index
          %get3A_460 = arith.constant 16 : index
          %get3A_461 = tpu.vector_load %arg14[%get3A_459, %get3A_460] {strides = array<i32>} : memref<208x128xf32, #tpu.memory_space<vmem>>, vector<16xf32>,
          %add3A_462 = arith.addf %get3A_456, %get3A_461 : vector<16xf32>
          %get3A_463 = arith.index_cast %add3A_364 : i32 to index
          %get3A_464 = arith.constant 32 : index
          %get3A_465 = tpu.vector_load %arg12[%get3A_463, %get3A_464] {strides = array<i32>} : memref<201x128xf32, #tpu.memory_space<vmem>>, vector<16xf32>,
          %add3A_466 = arith.constant 1 : i32
          %add3A_467 = arith.addi %add3A_364, %add3A_466 : i32
          %get3A_468 = arith.index_cast %add3A_467 : i32 to index
          %get3A_469 = arith.constant 32 : index
          %get3A_470 = tpu.vector_load %arg14[%get3A_468, %get3A_469] {strides = array<i32>} : memref<208x128xf32, #tpu.memory_space<vmem>>, vector<16xf32>,
          %add3A_471 = arith.addf %get3A_465, %get3A_470 : vector<16xf32>
          %get3A_472 = arith.index_cast %add3A_364 : i32 to index
          %get3A_473 = arith.constant 48 : index
          %get3A_474 = tpu.vector_load %arg12[%get3A_472, %get3A_473] {strides = array<i32>} : memref<201x128xf32, #tpu.memory_space<vmem>>, vector<16xf32>,
          %add3A_475 = arith.constant 1 : i32
          %add3A_476 = arith.addi %add3A_364, %add3A_475 : i32
          %get3A_477 = arith.index_cast %add3A_476 : i32 to index
          %get3A_478 = arith.constant 48 : index
          %get3A_479 = tpu.vector_load %arg14[%get3A_477, %get3A_478] {strides = array<i32>} : memref<208x128xf32, #tpu.memory_space<vmem>>, vector<16xf32>,
          %add3A_480 = arith.addf %get3A_474, %get3A_479 : vector<16xf32>
          %get3A_481 = arith.index_cast %add3A_364 : i32 to index
          %get3A_482 = arith.constant 64 : index
          %get3A_483 = tpu.vector_load %arg12[%get3A_481, %get3A_482] {strides = array<i32>} : memref<201x128xf32, #tpu.memory_space<vmem>>, vector<16xf32>,
          %add3A_484 = arith.constant 1 : i32
          %add3A_485 = arith.addi %add3A_364, %add3A_484 : i32
          %get3A_486 = arith.index_cast %add3A_485 : i32 to index
          %get3A_487 = arith.constant 64 : index
          %get3A_488 = tpu.vector_load %arg14[%get3A_486, %get3A_487] {strides = array<i32>} : memref<208x128xf32, #tpu.memory_space<vmem>>, vector<16xf32>,
          %add3A_489 = arith.addf %get3A_483, %get3A_488 : vector<16xf32>
          %get3A_490 = arith.index_cast %add3A_364 : i32 to index
          %get3A_491 = arith.constant 80 : index
          %get3A_492 = tpu.vector_load %arg12[%get3A_490, %get3A_491] {strides = array<i32>} : memref<201x128xf32, #tpu.memory_space<vmem>>, vector<16xf32>,
          %add3A_493 = arith.constant 1 : i32
          %add3A_494 = arith.addi %add3A_364, %add3A_493 : i32
          %get3A_495 = arith.index_cast %add3A_494 : i32 to index
          %get3A_496 = arith.constant 80 : index
          %get3A_497 = tpu.vector_load %arg14[%get3A_495, %get3A_496] {strides = array<i32>} : memref<208x128xf32, #tpu.memory_space<vmem>>, vector<16xf32>,
          %add3A_498 = arith.addf %get3A_492, %get3A_497 : vector<16xf32>
          %get3A_499 = arith.index_cast %add3A_364 : i32 to index
          %get3A_500 = arith.constant 96 : index
          %get3A_501 = tpu.vector_load %arg12[%get3A_499, %get3A_500] {strides = array<i32>} : memref<201x128xf32, #tpu.memory_space<vmem>>, vector<16xf32>,
          %add3A_502 = arith.constant 1 : i32
          %add3A_503 = arith.addi %add3A_364, %add3A_502 : i32
          %get3A_504 = arith.index_cast %add3A_503 : i32 to index
          %get3A_505 = arith.constant 96 : index
          %get3A_506 = tpu.vector_load %arg14[%get3A_504, %get3A_505] {strides = array<i32>} : memref<208x128xf32, #tpu.memory_space<vmem>>, vector<16xf32>,
          %add3A_507 = arith.addf %get3A_501, %get3A_506 : vector<16xf32>
          %get3A_508 = arith.index_cast %add3A_364 : i32 to index
          %get3A_509 = arith.constant 112 : index
          %get3A_510 = tpu.vector_load %arg12[%get3A_508, %get3A_509] {strides = array<i32>} : memref<201x128xf32, #tpu.memory_space<vmem>>, vector<16xf32>,
          %add3A_511 = arith.constant 1 : i32
          %add3A_512 = arith.addi %add3A_364, %add3A_511 : i32
          %get3A_513 = arith.index_cast %add3A_512 : i32 to index
          %get3A_514 = arith.constant 112 : index
          %get3A_515 = tpu.vector_load %arg14[%get3A_513, %get3A_514] {strides = array<i32>} : memref<208x128xf32, #tpu.memory_space<vmem>>, vector<16xf32>,
          %add3A_516 = arith.addf %get3A_510, %get3A_515 : vector<16xf32>
          %get3A_517 = arith.index_cast %add3A_368 : i32 to index
          %get3A_518 = arith.constant 0 : index
          %get3A_519 = tpu.vector_load %arg12[%get3A_517, %get3A_518] {strides = array<i32>} : memref<201x128xf32, #tpu.memory_space<vmem>>, vector<16xf32>,
          %add3A_520 = arith.constant 1 : i32
          %add3A_521 = arith.addi %add3A_368, %add3A_520 : i32
          %get3A_522 = arith.index_cast %add3A_521 : i32 to index
          %get3A_523 = arith.constant 0 : index
          %get3A_524 = tpu.vector_load %arg14[%get3A_522, %get3A_523] {strides = array<i32>} : memref<208x128xf32, #tpu.memory_space<vmem>>, vector<16xf32>,
          %add3A_525 = arith.addf %get3A_519, %get3A_524 : vector<16xf32>
          %get3A_526 = arith.index_cast %add3A_368 : i32 to index
          %get3A_527 = arith.constant 16 : index
          %get3A_528 = tpu.vector_load %arg12[%get3A_526, %get3A_527] {strides = array<i32>} : memref<201x128xf32, #tpu.memory_space<vmem>>, vector<16xf32>,
          %add3A_529 = arith.constant 1 : i32
          %add3A_530 = arith.addi %add3A_368, %add3A_529 : i32
          %get3A_531 = arith.index_cast %add3A_530 : i32 to index
          %get3A_532 = arith.constant 16 : index
          %get3A_533 = tpu.vector_load %arg14[%get3A_531, %get3A_532] {strides = array<i32>} : memref<208x128xf32, #tpu.memory_space<vmem>>, vector<16xf32>,
          %add3A_534 = arith.addf %get3A_528, %get3A_533 : vector<16xf32>
          %get3A_535 = arith.index_cast %add3A_368 : i32 to index
          %get3A_536 = arith.constant 32 : index
          %get3A_537 = tpu.vector_load %arg12[%get3A_535, %get3A_536] {strides = array<i32>} : memref<201x128xf32, #tpu.memory_space<vmem>>, vector<16xf32>,
          %add3A_538 = arith.constant 1 : i32
          %add3A_539 = arith.addi %add3A_368, %add3A_538 : i32
          %get3A_540 = arith.index_cast %add3A_539 : i32 to index
          %get3A_541 = arith.constant 32 : index
          %get3A_542 = tpu.vector_load %arg14[%get3A_540, %get3A_541] {strides = array<i32>} : memref<208x128xf32, #tpu.memory_space<vmem>>, vector<16xf32>,
          %add3A_543 = arith.addf %get3A_537, %get3A_542 : vector<16xf32>
          %get3A_544 = arith.index_cast %add3A_368 : i32 to index
          %get3A_545 = arith.constant 48 : index
          %get3A_546 = tpu.vector_load %arg12[%get3A_544, %get3A_545] {strides = array<i32>} : memref<201x128xf32, #tpu.memory_space<vmem>>, vector<16xf32>,
          %add3A_547 = arith.constant 1 : i32
          %add3A_548 = arith.addi %add3A_368, %add3A_547 : i32
          %get3A_549 = arith.index_cast %add3A_548 : i32 to index
          %get3A_550 = arith.constant 48 : index
          %get3A_551 = tpu.vector_load %arg14[%get3A_549, %get3A_550] {strides = array<i32>} : memref<208x128xf32, #tpu.memory_space<vmem>>, vector<16xf32>,
          %add3A_552 = arith.addf %get3A_546, %get3A_551 : vector<16xf32>
          %get3A_553 = arith.index_cast %add3A_368 : i32 to index
          %get3A_554 = arith.constant 64 : index
          %get3A_555 = tpu.vector_load %arg12[%get3A_553, %get3A_554] {strides = array<i32>} : memref<201x128xf32, #tpu.memory_space<vmem>>, vector<16xf32>,
          %add3A_556 = arith.constant 1 : i32
          %add3A_557 = arith.addi %add3A_368, %add3A_556 : i32
          %get3A_558 = arith.index_cast %add3A_557 : i32 to index
          %get3A_559 = arith.constant 64 : index
          %get3A_560 = tpu.vector_load %arg14[%get3A_558, %get3A_559] {strides = array<i32>} : memref<208x128xf32, #tpu.memory_space<vmem>>, vector<16xf32>,
          %add3A_561 = arith.addf %get3A_555, %get3A_560 : vector<16xf32>
          %get3A_562 = arith.index_cast %add3A_368 : i32 to index
          %get3A_563 = arith.constant 80 : index
          %get3A_564 = tpu.vector_load %arg12[%get3A_562, %get3A_563] {strides = array<i32>} : memref<201x128xf32, #tpu.memory_space<vmem>>, vector<16xf32>,
          %add3A_565 = arith.constant 1 : i32
          %add3A_566 = arith.addi %add3A_368, %add3A_565 : i32
          %get3A_567 = arith.index_cast %add3A_566 : i32 to index
          %get3A_568 = arith.constant 80 : index
          %get3A_569 = tpu.vector_load %arg14[%get3A_567, %get3A_568] {strides = array<i32>} : memref<208x128xf32, #tpu.memory_space<vmem>>, vector<16xf32>,
          %add3A_570 = arith.addf %get3A_564, %get3A_569 : vector<16xf32>
          %get3A_571 = arith.index_cast %add3A_368 : i32 to index
          %get3A_572 = arith.constant 96 : index
          %get3A_573 = tpu.vector_load %arg12[%get3A_571, %get3A_572] {strides = array<i32>} : memref<201x128xf32, #tpu.memory_space<vmem>>, vector<16xf32>,
          %add3A_574 = arith.constant 1 : i32
          %add3A_575 = arith.addi %add3A_368, %add3A_574 : i32
          %get3A_576 = arith.index_cast %add3A_575 : i32 to index
          %get3A_577 = arith.constant 96 : index
          %get3A_578 = tpu.vector_load %arg14[%get3A_576, %get3A_577] {strides = array<i32>} : memref<208x128xf32, #tpu.memory_space<vmem>>, vector<16xf32>,
          %add3A_579 = arith.addf %get3A_573, %get3A_578 : vector<16xf32>
          %get3A_580 = arith.index_cast %add3A_368 : i32 to index
          %get3A_581 = arith.constant 112 : index
          %get3A_582 = tpu.vector_load %arg12[%get3A_580, %get3A_581] {strides = array<i32>} : memref<201x128xf32, #tpu.memory_space<vmem>>, vector<16xf32>,
          %add3A_583 = arith.constant 1 : i32
          %add3A_584 = arith.addi %add3A_368, %add3A_583 : i32
          %get3A_585 = arith.index_cast %add3A_584 : i32 to index
          %get3A_586 = arith.constant 112 : index
          %get3A_587 = tpu.vector_load %arg14[%get3A_585, %get3A_586] {strides = array<i32>} : memref<208x128xf32, #tpu.memory_space<vmem>>, vector<16xf32>,
          %add3A_588 = arith.addf %get3A_582, %get3A_587 : vector<16xf32>
          %get3A_589 = arith.index_cast %add3A_372 : i32 to index
          %get3A_590 = arith.constant 0 : index
          %get3A_591 = tpu.vector_load %arg12[%get3A_589, %get3A_590] {strides = array<i32>} : memref<201x128xf32, #tpu.memory_space<vmem>>, vector<16xf32>,
          %add3A_592 = arith.constant 1 : i32
          %add3A_593 = arith.addi %add3A_372, %add3A_592 : i32
          %get3A_594 = arith.index_cast %add3A_593 : i32 to index
          %get3A_595 = arith.constant 0 : index
          %get3A_596 = tpu.vector_load %arg14[%get3A_594, %get3A_595] {strides = array<i32>} : memref<208x128xf32, #tpu.memory_space<vmem>>, vector<16xf32>,
          %add3A_597 = arith.addf %get3A_591, %get3A_596 : vector<16xf32>
          %get3A_598 = arith.index_cast %add3A_372 : i32 to index
          %get3A_599 = arith.constant 16 : index
          %get3A_600 = tpu.vector_load %arg12[%get3A_598, %get3A_599] {strides = array<i32>} : memref<201x128xf32, #tpu.memory_space<vmem>>, vector<16xf32>,
          %add3A_601 = arith.constant 1 : i32
          %add3A_602 = arith.addi %add3A_372, %add3A_601 : i32
          %get3A_603 = arith.index_cast %add3A_602 : i32 to index
          %get3A_604 = arith.constant 16 : index
          %get3A_605 = tpu.vector_load %arg14[%get3A_603, %get3A_604] {strides = array<i32>} : memref<208x128xf32, #tpu.memory_space<vmem>>, vector<16xf32>,
          %add3A_606 = arith.addf %get3A_600, %get3A_605 : vector<16xf32>
          %get3A_607 = arith.index_cast %add3A_372 : i32 to index
          %get3A_608 = arith.constant 32 : index
          %get3A_609 = tpu.vector_load %arg12[%get3A_607, %get3A_608] {strides = array<i32>} : memref<201x128xf32, #tpu.memory_space<vmem>>, vector<16xf32>,
          %add3A_610 = arith.constant 1 : i32
          %add3A_611 = arith.addi %add3A_372, %add3A_610 : i32
          %get3A_612 = arith.index_cast %add3A_611 : i32 to index
          %get3A_613 = arith.constant 32 : index
          %get3A_614 = tpu.vector_load %arg14[%get3A_612, %get3A_613] {strides = array<i32>} : memref<208x128xf32, #tpu.memory_space<vmem>>, vector<16xf32>,
          %add3A_615 = arith.addf %get3A_609, %get3A_614 : vector<16xf32>
          %get3A_616 = arith.index_cast %add3A_372 : i32 to index
          %get3A_617 = arith.constant 48 : index
          %get3A_618 = tpu.vector_load %arg12[%get3A_616, %get3A_617] {strides = array<i32>} : memref<201x128xf32, #tpu.memory_space<vmem>>, vector<16xf32>,
          %add3A_619 = arith.constant 1 : i32
          %add3A_620 = arith.addi %add3A_372, %add3A_619 : i32
          %get3A_621 = arith.index_cast %add3A_620 : i32 to index
          %get3A_622 = arith.constant 48 : index
          %get3A_623 = tpu.vector_load %arg14[%get3A_621, %get3A_622] {strides = array<i32>} : memref<208x128xf32, #tpu.memory_space<vmem>>, vector<16xf32>,
          %add3A_624 = arith.addf %get3A_618, %get3A_623 : vector<16xf32>
          %get3A_625 = arith.index_cast %add3A_372 : i32 to index
          %get3A_626 = arith.constant 64 : index
          %get3A_627 = tpu.vector_load %arg12[%get3A_625, %get3A_626] {strides = array<i32>} : memref<201x128xf32, #tpu.memory_space<vmem>>, vector<16xf32>,
          %add3A_628 = arith.constant 1 : i32
          %add3A_629 = arith.addi %add3A_372, %add3A_628 : i32
          %get3A_630 = arith.index_cast %add3A_629 : i32 to index
          %get3A_631 = arith.constant 64 : index
          %get3A_632 = tpu.vector_load %arg14[%get3A_630, %get3A_631] {strides = array<i32>} : memref<208x128xf32, #tpu.memory_space<vmem>>, vector<16xf32>,
          %add3A_633 = arith.addf %get3A_627, %get3A_632 : vector<16xf32>
          %get3A_634 = arith.index_cast %add3A_372 : i32 to index
          %get3A_635 = arith.constant 80 : index
          %get3A_636 = tpu.vector_load %arg12[%get3A_634, %get3A_635] {strides = array<i32>} : memref<201x128xf32, #tpu.memory_space<vmem>>, vector<16xf32>,
          %add3A_637 = arith.constant 1 : i32
          %add3A_638 = arith.addi %add3A_372, %add3A_637 : i32
          %get3A_639 = arith.index_cast %add3A_638 : i32 to index
          %get3A_640 = arith.constant 80 : index
          %get3A_641 = tpu.vector_load %arg14[%get3A_639, %get3A_640] {strides = array<i32>} : memref<208x128xf32, #tpu.memory_space<vmem>>, vector<16xf32>,
          %add3A_642 = arith.addf %get3A_636, %get3A_641 : vector<16xf32>
          %get3A_643 = arith.index_cast %add3A_372 : i32 to index
          %get3A_644 = arith.constant 96 : index
          %get3A_645 = tpu.vector_load %arg12[%get3A_643, %get3A_644] {strides = array<i32>} : memref<201x128xf32, #tpu.memory_space<vmem>>, vector<16xf32>,
          %add3A_646 = arith.constant 1 : i32
          %add3A_647 = arith.addi %add3A_372, %add3A_646 : i32
          %get3A_648 = arith.index_cast %add3A_647 : i32 to index
          %get3A_649 = arith.constant 96 : index
          %get3A_650 = tpu.vector_load %arg14[%get3A_648, %get3A_649] {strides = array<i32>} : memref<208x128xf32, #tpu.memory_space<vmem>>, vector<16xf32>,
          %add3A_651 = arith.addf %get3A_645, %get3A_650 : vector<16xf32>
          %get3A_652 = arith.index_cast %add3A_372 : i32 to index
          %get3A_653 = arith.constant 112 : index
          %get3A_654 = tpu.vector_load %arg12[%get3A_652, %get3A_653] {strides = array<i32>} : memref<201x128xf32, #tpu.memory_space<vmem>>, vector<16xf32>,
          %add3A_655 = arith.constant 1 : i32
          %add3A_656 = arith.addi %add3A_372, %add3A_655 : i32
          %get3A_657 = arith.index_cast %add3A_656 : i32 to index
          %get3A_658 = arith.constant 112 : index
          %get3A_659 = tpu.vector_load %arg14[%get3A_657, %get3A_658] {strides = array<i32>} : memref<208x128xf32, #tpu.memory_space<vmem>>, vector<16xf32>,
          %add3A_660 = arith.addf %get3A_654, %get3A_659 : vector<16xf32>
          %mul3A_661 = arith.mulf %add3A_381, %add3A_381 : vector<16xf32>
          %add3A_662 = arith.addf %add3A_381, %add3A_390 : vector<16xf32>
          %mul3A_663 = arith.mulf %add3A_390, %add3A_390 : vector<16xf32>
          %add3A_664 = arith.addf %mul3A_661, %mul3A_663 : vector<16xf32>
          %add3A_665 = arith.addf %add3A_662, %add3A_399 : vector<16xf32>
          %mul3A_666 = arith.mulf %add3A_399, %add3A_399 : vector<16xf32>
          %add3A_667 = arith.addf %add3A_664, %mul3A_666 : vector<16xf32>
          %add3A_668 = arith.addf %add3A_665, %add3A_408 : vector<16xf32>
          %mul3A_669 = arith.mulf %add3A_408, %add3A_408 : vector<16xf32>
          %add3A_670 = arith.addf %add3A_667, %mul3A_669 : vector<16xf32>
          %add3A_671 = arith.addf %add3A_668, %add3A_417 : vector<16xf32>
          %mul3A_672 = arith.mulf %add3A_417, %add3A_417 : vector<16xf32>
          %add3A_673 = arith.addf %add3A_670, %mul3A_672 : vector<16xf32>
          %add3A_674 = arith.addf %add3A_671, %add3A_426 : vector<16xf32>
          %mul3A_675 = arith.mulf %add3A_426, %add3A_426 : vector<16xf32>
          %add3A_676 = arith.addf %add3A_673, %mul3A_675 : vector<16xf32>
          %add3A_677 = arith.addf %add3A_674, %add3A_435 : vector<16xf32>
          %mul3A_678 = arith.mulf %add3A_435, %add3A_435 : vector<16xf32>
          %add3A_679 = arith.addf %add3A_676, %mul3A_678 : vector<16xf32>
          %add3A_680 = arith.addf %add3A_677, %add3A_444 : vector<16xf32>
          %mul3A_681 = arith.mulf %add3A_444, %add3A_444 : vector<16xf32>
          %add3A_682 = arith.addf %add3A_679, %mul3A_681 : vector<16xf32>
          %reduce_sum3A_683 = arith.constant true
          %reduce_sum3A_684 = vector.broadcast %reduce_sum3A_683 : i1 to vector<16xi1>
          %reduce_sum3A_685 = tpu.scan <sum>, %add3A_680 masked %reduce_sum3A_684 : vector<16xf32>, vector<16xi1> -> vector<16xf32>
          %reduce_sum3A_686 = vector.extract %reduce_sum3A_685[15] : f32 from vector<16xf32>
          %reduce_sum3A_687 = arith.constant true
          %reduce_sum3A_688 = vector.broadcast %reduce_sum3A_687 : i1 to vector<16xi1>
          %reduce_sum3A_689 = tpu.scan <sum>, %add3A_682 masked %reduce_sum3A_688 : vector<16xf32>, vector<16xi1> -> vector<16xf32>
          %reduce_sum3A_690 = vector.extract %reduce_sum3A_689[15] : f32 from vector<16xf32>
          %broadcast_in_dim3A_691 = vector.broadcast %reduce_sum3A_686 : f32 to vector<16xf32>
          %mul3A_692 = arith.constant 7.812500e-03 : f32
          %mul3A_693 = vector.broadcast %mul3A_692 : f32 to vector<16xf32>
          %mul3A_694 = arith.mulf %broadcast_in_dim3A_691, %mul3A_693 : vector<16xf32>
          %broadcast_in_dim3A_695 = vector.broadcast %reduce_sum3A_690 : f32 to vector<16xf32>
          %mul3A_696 = arith.constant 7.812500e-03 : f32
          %mul3A_697 = vector.broadcast %mul3A_696 : f32 to vector<16xf32>
          %mul3A_698 = arith.mulf %broadcast_in_dim3A_695, %mul3A_697 : vector<16xf32>
          %mul3A_699 = arith.mulf %mul3A_694, %mul3A_694 : vector<16xf32>
          %sub3A_700 = arith.subf %mul3A_698, %mul3A_699 : vector<16xf32>
          %max3A_701 = arith.constant 0.000000e+00 : f32
          %max3A_702 = vector.broadcast %max3A_701 : f32 to vector<16xf32>
          %max3A_703 = arith.maximumf %sub3A_700, %max3A_702 : vector<16xf32>
          %add3A_704 = arith.constant 9.99999996E-13 : f32
          %add3A_705 = vector.broadcast %add3A_704 : f32 to vector<16xf32>
          %add3A_706 = arith.addf %max3A_703, %add3A_705 : vector<16xf32>
          %bitcast3A_707 = vector.bitcast %add3A_706 : vector<16xf32> to vector<16xi32>
          %shift_right_logical3A_708 = arith.constant 1 : i32
          %shift_right_logical3A_709 = vector.broadcast %shift_right_logical3A_708 : i32 to vector<16xi32>
          %shift_right_logical3A_710 = arith.shrui %bitcast3A_707, %shift_right_logical3A_709 : vector<16xi32>
          %sub3A_711 = arith.constant 1597463007 : i32
          %sub3A_712 = vector.broadcast %sub3A_711 : i32 to vector<16xi32>
          %sub3A_713 = arith.subi %sub3A_712, %shift_right_logical3A_710 : vector<16xi32>
          %bitcast3A_714 = vector.bitcast %sub3A_713 : vector<16xi32> to vector<16xf32>
          %mul3A_715 = arith.constant 5.000000e-01 : f32
          %mul3A_716 = vector.broadcast %mul3A_715 : f32 to vector<16xf32>
          %mul3A_717 = arith.mulf %mul3A_716, %add3A_706 : vector<16xf32>
          %mul3A_718 = arith.mulf %bitcast3A_714, %bitcast3A_714 : vector<16xf32>
          %mul3A_719 = arith.mulf %mul3A_717, %mul3A_718 : vector<16xf32>
          %sub3A_720 = arith.constant 1.500000e+00 : f32
          %sub3A_721 = vector.broadcast %sub3A_720 : f32 to vector<16xf32>
          %sub3A_722 = arith.subf %sub3A_721, %mul3A_719 : vector<16xf32>
          %mul3A_723 = arith.mulf %bitcast3A_714, %sub3A_722 : vector<16xf32>
          %mul3A_724 = arith.mulf %mul3A_723, %mul3A_723 : vector<16xf32>
          %mul3A_725 = arith.mulf %mul3A_717, %mul3A_724 : vector<16xf32>
          %sub3A_726 = arith.constant 1.500000e+00 : f32
          %sub3A_727 = vector.broadcast %sub3A_726 : f32 to vector<16xf32>
          %sub3A_728 = arith.subf %sub3A_727, %mul3A_725 : vector<16xf32>
          %mul3A_729 = arith.mulf %mul3A_723, %sub3A_728 : vector<16xf32>
          %sub3A_730 = arith.subf %add3A_381, %mul3A_694 : vector<16xf32>
          %mul3A_731 = arith.mulf %sub3A_730, %mul3A_729 : vector<16xf32>
          %mul3A_732 = arith.mulf %mul3A_731, %get3A_5 : vector<16xf32>
          %add3A_733 = arith.addf %mul3A_732, %get3A_21 : vector<16xf32>
          %sub3A_734 = arith.subf %add3A_390, %mul3A_694 : vector<16xf32>
          %mul3A_735 = arith.mulf %sub3A_734, %mul3A_729 : vector<16xf32>
          %mul3A_736 = arith.mulf %mul3A_735, %get3A_7 : vector<16xf32>
          %add3A_737 = arith.addf %mul3A_736, %get3A_23 : vector<16xf32>
          %sub3A_738 = arith.subf %add3A_399, %mul3A_694 : vector<16xf32>
          %mul3A_739 = arith.mulf %sub3A_738, %mul3A_729 : vector<16xf32>
          %mul3A_740 = arith.mulf %mul3A_739, %get3A_9 : vector<16xf32>
          %add3A_741 = arith.addf %mul3A_740, %get3A_25 : vector<16xf32>
          %sub3A_742 = arith.subf %add3A_408, %mul3A_694 : vector<16xf32>
          %mul3A_743 = arith.mulf %sub3A_742, %mul3A_729 : vector<16xf32>
          %mul3A_744 = arith.mulf %mul3A_743, %get3A_11 : vector<16xf32>
          %add3A_745 = arith.addf %mul3A_744, %get3A_27 : vector<16xf32>
          %sub3A_746 = arith.subf %add3A_417, %mul3A_694 : vector<16xf32>
          %mul3A_747 = arith.mulf %sub3A_746, %mul3A_729 : vector<16xf32>
          %mul3A_748 = arith.mulf %mul3A_747, %get3A_13 : vector<16xf32>
          %add3A_749 = arith.addf %mul3A_748, %get3A_29 : vector<16xf32>
          %sub3A_750 = arith.subf %add3A_426, %mul3A_694 : vector<16xf32>
          %mul3A_751 = arith.mulf %sub3A_750, %mul3A_729 : vector<16xf32>
          %mul3A_752 = arith.mulf %mul3A_751, %get3A_15 : vector<16xf32>
          %add3A_753 = arith.addf %mul3A_752, %get3A_31 : vector<16xf32>
          %sub3A_754 = arith.subf %add3A_435, %mul3A_694 : vector<16xf32>
          %mul3A_755 = arith.mulf %sub3A_754, %mul3A_729 : vector<16xf32>
          %mul3A_756 = arith.mulf %mul3A_755, %get3A_17 : vector<16xf32>
          %add3A_757 = arith.addf %mul3A_756, %get3A_33 : vector<16xf32>
          %sub3A_758 = arith.subf %add3A_444, %mul3A_694 : vector<16xf32>
          %mul3A_759 = arith.mulf %sub3A_758, %mul3A_729 : vector<16xf32>
          %mul3A_760 = arith.mulf %mul3A_759, %get3A_19 : vector<16xf32>
          %add3A_761 = arith.addf %mul3A_760, %get3A_35 : vector<16xf32>
          %mul3A_762 = arith.mulf %add3A_453, %add3A_453 : vector<16xf32>
          %add3A_763 = arith.addf %add3A_453, %add3A_462 : vector<16xf32>
          %mul3A_764 = arith.mulf %add3A_462, %add3A_462 : vector<16xf32>
          %add3A_765 = arith.addf %mul3A_762, %mul3A_764 : vector<16xf32>
          %add3A_766 = arith.addf %add3A_763, %add3A_471 : vector<16xf32>
          %mul3A_767 = arith.mulf %add3A_471, %add3A_471 : vector<16xf32>
          %add3A_768 = arith.addf %add3A_765, %mul3A_767 : vector<16xf32>
          %add3A_769 = arith.addf %add3A_766, %add3A_480 : vector<16xf32>
          %mul3A_770 = arith.mulf %add3A_480, %add3A_480 : vector<16xf32>
          %add3A_771 = arith.addf %add3A_768, %mul3A_770 : vector<16xf32>
          %add3A_772 = arith.addf %add3A_769, %add3A_489 : vector<16xf32>
          %mul3A_773 = arith.mulf %add3A_489, %add3A_489 : vector<16xf32>
          %add3A_774 = arith.addf %add3A_771, %mul3A_773 : vector<16xf32>
          %add3A_775 = arith.addf %add3A_772, %add3A_498 : vector<16xf32>
          %mul3A_776 = arith.mulf %add3A_498, %add3A_498 : vector<16xf32>
          %add3A_777 = arith.addf %add3A_774, %mul3A_776 : vector<16xf32>
          %add3A_778 = arith.addf %add3A_775, %add3A_507 : vector<16xf32>
          %mul3A_779 = arith.mulf %add3A_507, %add3A_507 : vector<16xf32>
          %add3A_780 = arith.addf %add3A_777, %mul3A_779 : vector<16xf32>
          %add3A_781 = arith.addf %add3A_778, %add3A_516 : vector<16xf32>
          %mul3A_782 = arith.mulf %add3A_516, %add3A_516 : vector<16xf32>
          %add3A_783 = arith.addf %add3A_780, %mul3A_782 : vector<16xf32>
          %reduce_sum3A_784 = arith.constant true
          %reduce_sum3A_785 = vector.broadcast %reduce_sum3A_784 : i1 to vector<16xi1>
          %reduce_sum3A_786 = tpu.scan <sum>, %add3A_781 masked %reduce_sum3A_785 : vector<16xf32>, vector<16xi1> -> vector<16xf32>
          %reduce_sum3A_787 = vector.extract %reduce_sum3A_786[15] : f32 from vector<16xf32>
          %reduce_sum3A_788 = arith.constant true
          %reduce_sum3A_789 = vector.broadcast %reduce_sum3A_788 : i1 to vector<16xi1>
          %reduce_sum3A_790 = tpu.scan <sum>, %add3A_783 masked %reduce_sum3A_789 : vector<16xf32>, vector<16xi1> -> vector<16xf32>
          %reduce_sum3A_791 = vector.extract %reduce_sum3A_790[15] : f32 from vector<16xf32>
          %broadcast_in_dim3A_792 = vector.broadcast %reduce_sum3A_787 : f32 to vector<16xf32>
          %mul3A_793 = arith.constant 7.812500e-03 : f32
          %mul3A_794 = vector.broadcast %mul3A_793 : f32 to vector<16xf32>
          %mul3A_795 = arith.mulf %broadcast_in_dim3A_792, %mul3A_794 : vector<16xf32>
          %broadcast_in_dim3A_796 = vector.broadcast %reduce_sum3A_791 : f32 to vector<16xf32>
          %mul3A_797 = arith.constant 7.812500e-03 : f32
          %mul3A_798 = vector.broadcast %mul3A_797 : f32 to vector<16xf32>
          %mul3A_799 = arith.mulf %broadcast_in_dim3A_796, %mul3A_798 : vector<16xf32>
          %mul3A_800 = arith.mulf %mul3A_795, %mul3A_795 : vector<16xf32>
          %sub3A_801 = arith.subf %mul3A_799, %mul3A_800 : vector<16xf32>
          %max3A_802 = arith.constant 0.000000e+00 : f32
          %max3A_803 = vector.broadcast %max3A_802 : f32 to vector<16xf32>
          %max3A_804 = arith.maximumf %sub3A_801, %max3A_803 : vector<16xf32>
          %add3A_805 = arith.constant 9.99999996E-13 : f32
          %add3A_806 = vector.broadcast %add3A_805 : f32 to vector<16xf32>
          %add3A_807 = arith.addf %max3A_804, %add3A_806 : vector<16xf32>
          %bitcast3A_808 = vector.bitcast %add3A_807 : vector<16xf32> to vector<16xi32>
          %shift_right_logical3A_809 = arith.constant 1 : i32
          %shift_right_logical3A_810 = vector.broadcast %shift_right_logical3A_809 : i32 to vector<16xi32>
          %shift_right_logical3A_811 = arith.shrui %bitcast3A_808, %shift_right_logical3A_810 : vector<16xi32>
          %sub3A_812 = arith.constant 1597463007 : i32
          %sub3A_813 = vector.broadcast %sub3A_812 : i32 to vector<16xi32>
          %sub3A_814 = arith.subi %sub3A_813, %shift_right_logical3A_811 : vector<16xi32>
          %bitcast3A_815 = vector.bitcast %sub3A_814 : vector<16xi32> to vector<16xf32>
          %mul3A_816 = arith.constant 5.000000e-01 : f32
          %mul3A_817 = vector.broadcast %mul3A_816 : f32 to vector<16xf32>
          %mul3A_818 = arith.mulf %mul3A_817, %add3A_807 : vector<16xf32>
          %mul3A_819 = arith.mulf %bitcast3A_815, %bitcast3A_815 : vector<16xf32>
          %mul3A_820 = arith.mulf %mul3A_818, %mul3A_819 : vector<16xf32>
          %sub3A_821 = arith.constant 1.500000e+00 : f32
          %sub3A_822 = vector.broadcast %sub3A_821 : f32 to vector<16xf32>
          %sub3A_823 = arith.subf %sub3A_822, %mul3A_820 : vector<16xf32>
          %mul3A_824 = arith.mulf %bitcast3A_815, %sub3A_823 : vector<16xf32>
          %mul3A_825 = arith.mulf %mul3A_824, %mul3A_824 : vector<16xf32>
          %mul3A_826 = arith.mulf %mul3A_818, %mul3A_825 : vector<16xf32>
          %sub3A_827 = arith.constant 1.500000e+00 : f32
          %sub3A_828 = vector.broadcast %sub3A_827 : f32 to vector<16xf32>
          %sub3A_829 = arith.subf %sub3A_828, %mul3A_826 : vector<16xf32>
          %mul3A_830 = arith.mulf %mul3A_824, %sub3A_829 : vector<16xf32>
          %sub3A_831 = arith.subf %add3A_453, %mul3A_795 : vector<16xf32>
          %mul3A_832 = arith.mulf %sub3A_831, %mul3A_830 : vector<16xf32>
          %mul3A_833 = arith.mulf %mul3A_832, %get3A_5 : vector<16xf32>
          %add3A_834 = arith.addf %mul3A_833, %get3A_21 : vector<16xf32>
          %sub3A_835 = arith.subf %add3A_462, %mul3A_795 : vector<16xf32>
          %mul3A_836 = arith.mulf %sub3A_835, %mul3A_830 : vector<16xf32>
          %mul3A_837 = arith.mulf %mul3A_836, %get3A_7 : vector<16xf32>
          %add3A_838 = arith.addf %mul3A_837, %get3A_23 : vector<16xf32>
          %sub3A_839 = arith.subf %add3A_471, %mul3A_795 : vector<16xf32>
          %mul3A_840 = arith.mulf %sub3A_839, %mul3A_830 : vector<16xf32>
          %mul3A_841 = arith.mulf %mul3A_840, %get3A_9 : vector<16xf32>
          %add3A_842 = arith.addf %mul3A_841, %get3A_25 : vector<16xf32>
          %sub3A_843 = arith.subf %add3A_480, %mul3A_795 : vector<16xf32>
          %mul3A_844 = arith.mulf %sub3A_843, %mul3A_830 : vector<16xf32>
          %mul3A_845 = arith.mulf %mul3A_844, %get3A_11 : vector<16xf32>
          %add3A_846 = arith.addf %mul3A_845, %get3A_27 : vector<16xf32>
          %sub3A_847 = arith.subf %add3A_489, %mul3A_795 : vector<16xf32>
          %mul3A_848 = arith.mulf %sub3A_847, %mul3A_830 : vector<16xf32>
          %mul3A_849 = arith.mulf %mul3A_848, %get3A_13 : vector<16xf32>
          %add3A_850 = arith.addf %mul3A_849, %get3A_29 : vector<16xf32>
          %sub3A_851 = arith.subf %add3A_498, %mul3A_795 : vector<16xf32>
          %mul3A_852 = arith.mulf %sub3A_851, %mul3A_830 : vector<16xf32>
          %mul3A_853 = arith.mulf %mul3A_852, %get3A_15 : vector<16xf32>
          %add3A_854 = arith.addf %mul3A_853, %get3A_31 : vector<16xf32>
          %sub3A_855 = arith.subf %add3A_507, %mul3A_795 : vector<16xf32>
          %mul3A_856 = arith.mulf %sub3A_855, %mul3A_830 : vector<16xf32>
          %mul3A_857 = arith.mulf %mul3A_856, %get3A_17 : vector<16xf32>
          %add3A_858 = arith.addf %mul3A_857, %get3A_33 : vector<16xf32>
          %sub3A_859 = arith.subf %add3A_516, %mul3A_795 : vector<16xf32>
          %mul3A_860 = arith.mulf %sub3A_859, %mul3A_830 : vector<16xf32>
          %mul3A_861 = arith.mulf %mul3A_860, %get3A_19 : vector<16xf32>
          %add3A_862 = arith.addf %mul3A_861, %get3A_35 : vector<16xf32>
          %mul3A_863 = arith.mulf %add3A_525, %add3A_525 : vector<16xf32>
          %add3A_864 = arith.addf %add3A_525, %add3A_534 : vector<16xf32>
          %mul3A_865 = arith.mulf %add3A_534, %add3A_534 : vector<16xf32>
          %add3A_866 = arith.addf %mul3A_863, %mul3A_865 : vector<16xf32>
          %add3A_867 = arith.addf %add3A_864, %add3A_543 : vector<16xf32>
          %mul3A_868 = arith.mulf %add3A_543, %add3A_543 : vector<16xf32>
          %add3A_869 = arith.addf %add3A_866, %mul3A_868 : vector<16xf32>
          %add3A_870 = arith.addf %add3A_867, %add3A_552 : vector<16xf32>
          %mul3A_871 = arith.mulf %add3A_552, %add3A_552 : vector<16xf32>
          %add3A_872 = arith.addf %add3A_869, %mul3A_871 : vector<16xf32>
          %add3A_873 = arith.addf %add3A_870, %add3A_561 : vector<16xf32>
          %mul3A_874 = arith.mulf %add3A_561, %add3A_561 : vector<16xf32>
          %add3A_875 = arith.addf %add3A_872, %mul3A_874 : vector<16xf32>
          %add3A_876 = arith.addf %add3A_873, %add3A_570 : vector<16xf32>
          %mul3A_877 = arith.mulf %add3A_570, %add3A_570 : vector<16xf32>
          %add3A_878 = arith.addf %add3A_875, %mul3A_877 : vector<16xf32>
          %add3A_879 = arith.addf %add3A_876, %add3A_579 : vector<16xf32>
          %mul3A_880 = arith.mulf %add3A_579, %add3A_579 : vector<16xf32>
          %add3A_881 = arith.addf %add3A_878, %mul3A_880 : vector<16xf32>
          %add3A_882 = arith.addf %add3A_879, %add3A_588 : vector<16xf32>
          %mul3A_883 = arith.mulf %add3A_588, %add3A_588 : vector<16xf32>
          %add3A_884 = arith.addf %add3A_881, %mul3A_883 : vector<16xf32>
          %reduce_sum3A_885 = arith.constant true
          %reduce_sum3A_886 = vector.broadcast %reduce_sum3A_885 : i1 to vector<16xi1>
          %reduce_sum3A_887 = tpu.scan <sum>, %add3A_882 masked %reduce_sum3A_886 : vector<16xf32>, vector<16xi1> -> vector<16xf32>
          %reduce_sum3A_888 = vector.extract %reduce_sum3A_887[15] : f32 from vector<16xf32>
          %reduce_sum3A_889 = arith.constant true
          %reduce_sum3A_890 = vector.broadcast %reduce_sum3A_889 : i1 to vector<16xi1>
          %reduce_sum3A_891 = tpu.scan <sum>, %add3A_884 masked %reduce_sum3A_890 : vector<16xf32>, vector<16xi1> -> vector<16xf32>
          %reduce_sum3A_892 = vector.extract %reduce_sum3A_891[15] : f32 from vector<16xf32>
          %broadcast_in_dim3A_893 = vector.broadcast %reduce_sum3A_888 : f32 to vector<16xf32>
          %mul3A_894 = arith.constant 7.812500e-03 : f32
          %mul3A_895 = vector.broadcast %mul3A_894 : f32 to vector<16xf32>
          %mul3A_896 = arith.mulf %broadcast_in_dim3A_893, %mul3A_895 : vector<16xf32>
          %broadcast_in_dim3A_897 = vector.broadcast %reduce_sum3A_892 : f32 to vector<16xf32>
          %mul3A_898 = arith.constant 7.812500e-03 : f32
          %mul3A_899 = vector.broadcast %mul3A_898 : f32 to vector<16xf32>
          %mul3A_900 = arith.mulf %broadcast_in_dim3A_897, %mul3A_899 : vector<16xf32>
          %mul3A_901 = arith.mulf %mul3A_896, %mul3A_896 : vector<16xf32>
          %sub3A_902 = arith.subf %mul3A_900, %mul3A_901 : vector<16xf32>
          %max3A_903 = arith.constant 0.000000e+00 : f32
          %max3A_904 = vector.broadcast %max3A_903 : f32 to vector<16xf32>
          %max3A_905 = arith.maximumf %sub3A_902, %max3A_904 : vector<16xf32>
          %add3A_906 = arith.constant 9.99999996E-13 : f32
          %add3A_907 = vector.broadcast %add3A_906 : f32 to vector<16xf32>
          %add3A_908 = arith.addf %max3A_905, %add3A_907 : vector<16xf32>
          %bitcast3A_909 = vector.bitcast %add3A_908 : vector<16xf32> to vector<16xi32>
          %shift_right_logical3A_910 = arith.constant 1 : i32
          %shift_right_logical3A_911 = vector.broadcast %shift_right_logical3A_910 : i32 to vector<16xi32>
          %shift_right_logical3A_912 = arith.shrui %bitcast3A_909, %shift_right_logical3A_911 : vector<16xi32>
          %sub3A_913 = arith.constant 1597463007 : i32
          %sub3A_914 = vector.broadcast %sub3A_913 : i32 to vector<16xi32>
          %sub3A_915 = arith.subi %sub3A_914, %shift_right_logical3A_912 : vector<16xi32>
          %bitcast3A_916 = vector.bitcast %sub3A_915 : vector<16xi32> to vector<16xf32>
          %mul3A_917 = arith.constant 5.000000e-01 : f32
          %mul3A_918 = vector.broadcast %mul3A_917 : f32 to vector<16xf32>
          %mul3A_919 = arith.mulf %mul3A_918, %add3A_908 : vector<16xf32>
          %mul3A_920 = arith.mulf %bitcast3A_916, %bitcast3A_916 : vector<16xf32>
          %mul3A_921 = arith.mulf %mul3A_919, %mul3A_920 : vector<16xf32>
          %sub3A_922 = arith.constant 1.500000e+00 : f32
          %sub3A_923 = vector.broadcast %sub3A_922 : f32 to vector<16xf32>
          %sub3A_924 = arith.subf %sub3A_923, %mul3A_921 : vector<16xf32>
          %mul3A_925 = arith.mulf %bitcast3A_916, %sub3A_924 : vector<16xf32>
          %mul3A_926 = arith.mulf %mul3A_925, %mul3A_925 : vector<16xf32>
          %mul3A_927 = arith.mulf %mul3A_919, %mul3A_926 : vector<16xf32>
          %sub3A_928 = arith.constant 1.500000e+00 : f32
          %sub3A_929 = vector.broadcast %sub3A_928 : f32 to vector<16xf32>
          %sub3A_930 = arith.subf %sub3A_929, %mul3A_927 : vector<16xf32>
          %mul3A_931 = arith.mulf %mul3A_925, %sub3A_930 : vector<16xf32>
          %sub3A_932 = arith.subf %add3A_525, %mul3A_896 : vector<16xf32>
          %mul3A_933 = arith.mulf %sub3A_932, %mul3A_931 : vector<16xf32>
          %mul3A_934 = arith.mulf %mul3A_933, %get3A_5 : vector<16xf32>
          %add3A_935 = arith.addf %mul3A_934, %get3A_21 : vector<16xf32>
          %sub3A_936 = arith.subf %add3A_534, %mul3A_896 : vector<16xf32>
          %mul3A_937 = arith.mulf %sub3A_936, %mul3A_931 : vector<16xf32>
          %mul3A_938 = arith.mulf %mul3A_937, %get3A_7 : vector<16xf32>
          %add3A_939 = arith.addf %mul3A_938, %get3A_23 : vector<16xf32>
          %sub3A_940 = arith.subf %add3A_543, %mul3A_896 : vector<16xf32>
          %mul3A_941 = arith.mulf %sub3A_940, %mul3A_931 : vector<16xf32>
          %mul3A_942 = arith.mulf %mul3A_941, %get3A_9 : vector<16xf32>
          %add3A_943 = arith.addf %mul3A_942, %get3A_25 : vector<16xf32>
          %sub3A_944 = arith.subf %add3A_552, %mul3A_896 : vector<16xf32>
          %mul3A_945 = arith.mulf %sub3A_944, %mul3A_931 : vector<16xf32>
          %mul3A_946 = arith.mulf %mul3A_945, %get3A_11 : vector<16xf32>
          %add3A_947 = arith.addf %mul3A_946, %get3A_27 : vector<16xf32>
          %sub3A_948 = arith.subf %add3A_561, %mul3A_896 : vector<16xf32>
          %mul3A_949 = arith.mulf %sub3A_948, %mul3A_931 : vector<16xf32>
          %mul3A_950 = arith.mulf %mul3A_949, %get3A_13 : vector<16xf32>
          %add3A_951 = arith.addf %mul3A_950, %get3A_29 : vector<16xf32>
          %sub3A_952 = arith.subf %add3A_570, %mul3A_896 : vector<16xf32>
          %mul3A_953 = arith.mulf %sub3A_952, %mul3A_931 : vector<16xf32>
          %mul3A_954 = arith.mulf %mul3A_953, %get3A_15 : vector<16xf32>
          %add3A_955 = arith.addf %mul3A_954, %get3A_31 : vector<16xf32>
          %sub3A_956 = arith.subf %add3A_579, %mul3A_896 : vector<16xf32>
          %mul3A_957 = arith.mulf %sub3A_956, %mul3A_931 : vector<16xf32>
          %mul3A_958 = arith.mulf %mul3A_957, %get3A_17 : vector<16xf32>
          %add3A_959 = arith.addf %mul3A_958, %get3A_33 : vector<16xf32>
          %sub3A_960 = arith.subf %add3A_588, %mul3A_896 : vector<16xf32>
          %mul3A_961 = arith.mulf %sub3A_960, %mul3A_931 : vector<16xf32>
          %mul3A_962 = arith.mulf %mul3A_961, %get3A_19 : vector<16xf32>
          %add3A_963 = arith.addf %mul3A_962, %get3A_35 : vector<16xf32>
          %mul3A_964 = arith.mulf %add3A_597, %add3A_597 : vector<16xf32>
          %add3A_965 = arith.addf %add3A_597, %add3A_606 : vector<16xf32>
          %mul3A_966 = arith.mulf %add3A_606, %add3A_606 : vector<16xf32>
          %add3A_967 = arith.addf %mul3A_964, %mul3A_966 : vector<16xf32>
          %add3A_968 = arith.addf %add3A_965, %add3A_615 : vector<16xf32>
          %mul3A_969 = arith.mulf %add3A_615, %add3A_615 : vector<16xf32>
          %add3A_970 = arith.addf %add3A_967, %mul3A_969 : vector<16xf32>
          %add3A_971 = arith.addf %add3A_968, %add3A_624 : vector<16xf32>
          %mul3A_972 = arith.mulf %add3A_624, %add3A_624 : vector<16xf32>
          %add3A_973 = arith.addf %add3A_970, %mul3A_972 : vector<16xf32>
          %add3A_974 = arith.addf %add3A_971, %add3A_633 : vector<16xf32>
          %mul3A_975 = arith.mulf %add3A_633, %add3A_633 : vector<16xf32>
          %add3A_976 = arith.addf %add3A_973, %mul3A_975 : vector<16xf32>
          %add3A_977 = arith.addf %add3A_974, %add3A_642 : vector<16xf32>
          %mul3A_978 = arith.mulf %add3A_642, %add3A_642 : vector<16xf32>
          %add3A_979 = arith.addf %add3A_976, %mul3A_978 : vector<16xf32>
          %add3A_980 = arith.addf %add3A_977, %add3A_651 : vector<16xf32>
          %mul3A_981 = arith.mulf %add3A_651, %add3A_651 : vector<16xf32>
          %add3A_982 = arith.addf %add3A_979, %mul3A_981 : vector<16xf32>
          %add3A_983 = arith.addf %add3A_980, %add3A_660 : vector<16xf32>
          %mul3A_984 = arith.mulf %add3A_660, %add3A_660 : vector<16xf32>
          %add3A_985 = arith.addf %add3A_982, %mul3A_984 : vector<16xf32>
          %reduce_sum3A_986 = arith.constant true
          %reduce_sum3A_987 = vector.broadcast %reduce_sum3A_986 : i1 to vector<16xi1>
          %reduce_sum3A_988 = tpu.scan <sum>, %add3A_983 masked %reduce_sum3A_987 : vector<16xf32>, vector<16xi1> -> vector<16xf32>
          %reduce_sum3A_989 = vector.extract %reduce_sum3A_988[15] : f32 from vector<16xf32>
          %reduce_sum3A_990 = arith.constant true
          %reduce_sum3A_991 = vector.broadcast %reduce_sum3A_990 : i1 to vector<16xi1>
          %reduce_sum3A_992 = tpu.scan <sum>, %add3A_985 masked %reduce_sum3A_991 : vector<16xf32>, vector<16xi1> -> vector<16xf32>
          %reduce_sum3A_993 = vector.extract %reduce_sum3A_992[15] : f32 from vector<16xf32>
          %broadcast_in_dim3A_994 = vector.broadcast %reduce_sum3A_989 : f32 to vector<16xf32>
          %mul3A_995 = arith.constant 7.812500e-03 : f32
          %mul3A_996 = vector.broadcast %mul3A_995 : f32 to vector<16xf32>
          %mul3A_997 = arith.mulf %broadcast_in_dim3A_994, %mul3A_996 : vector<16xf32>
          %broadcast_in_dim3A_998 = vector.broadcast %reduce_sum3A_993 : f32 to vector<16xf32>
          %mul3A_999 = arith.constant 7.812500e-03 : f32
          %mul3A_1000 = vector.broadcast %mul3A_999 : f32 to vector<16xf32>
          %mul3A_1001 = arith.mulf %broadcast_in_dim3A_998, %mul3A_1000 : vector<16xf32>
          %mul3A_1002 = arith.mulf %mul3A_997, %mul3A_997 : vector<16xf32>
          %sub3A_1003 = arith.subf %mul3A_1001, %mul3A_1002 : vector<16xf32>
          %max3A_1004 = arith.constant 0.000000e+00 : f32
          %max3A_1005 = vector.broadcast %max3A_1004 : f32 to vector<16xf32>
          %max3A_1006 = arith.maximumf %sub3A_1003, %max3A_1005 : vector<16xf32>
          %add3A_1007 = arith.constant 9.99999996E-13 : f32
          %add3A_1008 = vector.broadcast %add3A_1007 : f32 to vector<16xf32>
          %add3A_1009 = arith.addf %max3A_1006, %add3A_1008 : vector<16xf32>
          %bitcast3A_1010 = vector.bitcast %add3A_1009 : vector<16xf32> to vector<16xi32>
          %shift_right_logical3A_1011 = arith.constant 1 : i32
          %shift_right_logical3A_1012 = vector.broadcast %shift_right_logical3A_1011 : i32 to vector<16xi32>
          %shift_right_logical3A_1013 = arith.shrui %bitcast3A_1010, %shift_right_logical3A_1012 : vector<16xi32>
          %sub3A_1014 = arith.constant 1597463007 : i32
          %sub3A_1015 = vector.broadcast %sub3A_1014 : i32 to vector<16xi32>
          %sub3A_1016 = arith.subi %sub3A_1015, %shift_right_logical3A_1013 : vector<16xi32>
          %bitcast3A_1017 = vector.bitcast %sub3A_1016 : vector<16xi32> to vector<16xf32>
          %mul3A_1018 = arith.constant 5.000000e-01 : f32
          %mul3A_1019 = vector.broadcast %mul3A_1018 : f32 to vector<16xf32>
          %mul3A_1020 = arith.mulf %mul3A_1019, %add3A_1009 : vector<16xf32>
          %mul3A_1021 = arith.mulf %bitcast3A_1017, %bitcast3A_1017 : vector<16xf32>
          %mul3A_1022 = arith.mulf %mul3A_1020, %mul3A_1021 : vector<16xf32>
          %sub3A_1023 = arith.constant 1.500000e+00 : f32
          %sub3A_1024 = vector.broadcast %sub3A_1023 : f32 to vector<16xf32>
          %sub3A_1025 = arith.subf %sub3A_1024, %mul3A_1022 : vector<16xf32>
          %mul3A_1026 = arith.mulf %bitcast3A_1017, %sub3A_1025 : vector<16xf32>
          %mul3A_1027 = arith.mulf %mul3A_1026, %mul3A_1026 : vector<16xf32>
          %mul3A_1028 = arith.mulf %mul3A_1020, %mul3A_1027 : vector<16xf32>
          %sub3A_1029 = arith.constant 1.500000e+00 : f32
          %sub3A_1030 = vector.broadcast %sub3A_1029 : f32 to vector<16xf32>
          %sub3A_1031 = arith.subf %sub3A_1030, %mul3A_1028 : vector<16xf32>
          %mul3A_1032 = arith.mulf %mul3A_1026, %sub3A_1031 : vector<16xf32>
          %sub3A_1033 = arith.subf %add3A_597, %mul3A_997 : vector<16xf32>
          %mul3A_1034 = arith.mulf %sub3A_1033, %mul3A_1032 : vector<16xf32>
          %mul3A_1035 = arith.mulf %mul3A_1034, %get3A_5 : vector<16xf32>
          %add3A_1036 = arith.addf %mul3A_1035, %get3A_21 : vector<16xf32>
          %sub3A_1037 = arith.subf %add3A_606, %mul3A_997 : vector<16xf32>
          %mul3A_1038 = arith.mulf %sub3A_1037, %mul3A_1032 : vector<16xf32>
          %mul3A_1039 = arith.mulf %mul3A_1038, %get3A_7 : vector<16xf32>
          %add3A_1040 = arith.addf %mul3A_1039, %get3A_23 : vector<16xf32>
          %sub3A_1041 = arith.subf %add3A_615, %mul3A_997 : vector<16xf32>
          %mul3A_1042 = arith.mulf %sub3A_1041, %mul3A_1032 : vector<16xf32>
          %mul3A_1043 = arith.mulf %mul3A_1042, %get3A_9 : vector<16xf32>
          %add3A_1044 = arith.addf %mul3A_1043, %get3A_25 : vector<16xf32>
          %sub3A_1045 = arith.subf %add3A_624, %mul3A_997 : vector<16xf32>
          %mul3A_1046 = arith.mulf %sub3A_1045, %mul3A_1032 : vector<16xf32>
          %mul3A_1047 = arith.mulf %mul3A_1046, %get3A_11 : vector<16xf32>
          %add3A_1048 = arith.addf %mul3A_1047, %get3A_27 : vector<16xf32>
          %sub3A_1049 = arith.subf %add3A_633, %mul3A_997 : vector<16xf32>
          %mul3A_1050 = arith.mulf %sub3A_1049, %mul3A_1032 : vector<16xf32>
          %mul3A_1051 = arith.mulf %mul3A_1050, %get3A_13 : vector<16xf32>
          %add3A_1052 = arith.addf %mul3A_1051, %get3A_29 : vector<16xf32>
          %sub3A_1053 = arith.subf %add3A_642, %mul3A_997 : vector<16xf32>
          %mul3A_1054 = arith.mulf %sub3A_1053, %mul3A_1032 : vector<16xf32>
          %mul3A_1055 = arith.mulf %mul3A_1054, %get3A_15 : vector<16xf32>
          %add3A_1056 = arith.addf %mul3A_1055, %get3A_31 : vector<16xf32>
          %sub3A_1057 = arith.subf %add3A_651, %mul3A_997 : vector<16xf32>
          %mul3A_1058 = arith.mulf %sub3A_1057, %mul3A_1032 : vector<16xf32>
          %mul3A_1059 = arith.mulf %mul3A_1058, %get3A_17 : vector<16xf32>
          %add3A_1060 = arith.addf %mul3A_1059, %get3A_33 : vector<16xf32>
          %sub3A_1061 = arith.subf %add3A_660, %mul3A_997 : vector<16xf32>
          %mul3A_1062 = arith.mulf %sub3A_1061, %mul3A_1032 : vector<16xf32>
          %mul3A_1063 = arith.mulf %mul3A_1062, %get3A_19 : vector<16xf32>
          %add3A_1064 = arith.addf %mul3A_1063, %get3A_35 : vector<16xf32>
          %swap3A_1065 = arith.index_cast %add3A_360 : i32 to index
          %swap3A_1066 = arith.constant 0 : index
          %swap3A_1067 = tpu.vector_load %arg12[%swap3A_1065, %swap3A_1066] {strides = array<i32>} : memref<201x128xf32, #tpu.memory_space<vmem>>, vector<16xf32>,
          tpu.vector_store %arg12[%swap3A_1065, %swap3A_1066], %add3A_733 {strides = array<i32>} : memref<201x128xf32, #tpu.memory_space<vmem>>, vector<16xf32>,
          %swap3A_1068 = arith.index_cast %add3A_360 : i32 to index
          %swap3A_1069 = arith.constant 16 : index
          %swap3A_1070 = tpu.vector_load %arg12[%swap3A_1068, %swap3A_1069] {strides = array<i32>} : memref<201x128xf32, #tpu.memory_space<vmem>>, vector<16xf32>,
          tpu.vector_store %arg12[%swap3A_1068, %swap3A_1069], %add3A_737 {strides = array<i32>} : memref<201x128xf32, #tpu.memory_space<vmem>>, vector<16xf32>,
          %swap3A_1071 = arith.index_cast %add3A_360 : i32 to index
          %swap3A_1072 = arith.constant 32 : index
          %swap3A_1073 = tpu.vector_load %arg12[%swap3A_1071, %swap3A_1072] {strides = array<i32>} : memref<201x128xf32, #tpu.memory_space<vmem>>, vector<16xf32>,
          tpu.vector_store %arg12[%swap3A_1071, %swap3A_1072], %add3A_741 {strides = array<i32>} : memref<201x128xf32, #tpu.memory_space<vmem>>, vector<16xf32>,
          %swap3A_1074 = arith.index_cast %add3A_360 : i32 to index
          %swap3A_1075 = arith.constant 48 : index
          %swap3A_1076 = tpu.vector_load %arg12[%swap3A_1074, %swap3A_1075] {strides = array<i32>} : memref<201x128xf32, #tpu.memory_space<vmem>>, vector<16xf32>,
          tpu.vector_store %arg12[%swap3A_1074, %swap3A_1075], %add3A_745 {strides = array<i32>} : memref<201x128xf32, #tpu.memory_space<vmem>>, vector<16xf32>,
          %swap3A_1077 = arith.index_cast %add3A_360 : i32 to index
          %swap3A_1078 = arith.constant 64 : index
          %swap3A_1079 = tpu.vector_load %arg12[%swap3A_1077, %swap3A_1078] {strides = array<i32>} : memref<201x128xf32, #tpu.memory_space<vmem>>, vector<16xf32>,
          tpu.vector_store %arg12[%swap3A_1077, %swap3A_1078], %add3A_749 {strides = array<i32>} : memref<201x128xf32, #tpu.memory_space<vmem>>, vector<16xf32>,
          %swap3A_1080 = arith.index_cast %add3A_360 : i32 to index
          %swap3A_1081 = arith.constant 80 : index
          %swap3A_1082 = tpu.vector_load %arg12[%swap3A_1080, %swap3A_1081] {strides = array<i32>} : memref<201x128xf32, #tpu.memory_space<vmem>>, vector<16xf32>,
          tpu.vector_store %arg12[%swap3A_1080, %swap3A_1081], %add3A_753 {strides = array<i32>} : memref<201x128xf32, #tpu.memory_space<vmem>>, vector<16xf32>,
          %swap3A_1083 = arith.index_cast %add3A_360 : i32 to index
          %swap3A_1084 = arith.constant 96 : index
          %swap3A_1085 = tpu.vector_load %arg12[%swap3A_1083, %swap3A_1084] {strides = array<i32>} : memref<201x128xf32, #tpu.memory_space<vmem>>, vector<16xf32>,
          tpu.vector_store %arg12[%swap3A_1083, %swap3A_1084], %add3A_757 {strides = array<i32>} : memref<201x128xf32, #tpu.memory_space<vmem>>, vector<16xf32>,
          %swap3A_1086 = arith.index_cast %add3A_360 : i32 to index
          %swap3A_1087 = arith.constant 112 : index
          %swap3A_1088 = tpu.vector_load %arg12[%swap3A_1086, %swap3A_1087] {strides = array<i32>} : memref<201x128xf32, #tpu.memory_space<vmem>>, vector<16xf32>,
          tpu.vector_store %arg12[%swap3A_1086, %swap3A_1087], %add3A_761 {strides = array<i32>} : memref<201x128xf32, #tpu.memory_space<vmem>>, vector<16xf32>,
          %swap3A_1089 = arith.index_cast %add3A_364 : i32 to index
          %swap3A_1090 = arith.constant 0 : index
          %swap3A_1091 = tpu.vector_load %arg12[%swap3A_1089, %swap3A_1090] {strides = array<i32>} : memref<201x128xf32, #tpu.memory_space<vmem>>, vector<16xf32>,
          tpu.vector_store %arg12[%swap3A_1089, %swap3A_1090], %add3A_834 {strides = array<i32>} : memref<201x128xf32, #tpu.memory_space<vmem>>, vector<16xf32>,
          %swap3A_1092 = arith.index_cast %add3A_364 : i32 to index
          %swap3A_1093 = arith.constant 16 : index
          %swap3A_1094 = tpu.vector_load %arg12[%swap3A_1092, %swap3A_1093] {strides = array<i32>} : memref<201x128xf32, #tpu.memory_space<vmem>>, vector<16xf32>,
          tpu.vector_store %arg12[%swap3A_1092, %swap3A_1093], %add3A_838 {strides = array<i32>} : memref<201x128xf32, #tpu.memory_space<vmem>>, vector<16xf32>,
          %swap3A_1095 = arith.index_cast %add3A_364 : i32 to index
          %swap3A_1096 = arith.constant 32 : index
          %swap3A_1097 = tpu.vector_load %arg12[%swap3A_1095, %swap3A_1096] {strides = array<i32>} : memref<201x128xf32, #tpu.memory_space<vmem>>, vector<16xf32>,
          tpu.vector_store %arg12[%swap3A_1095, %swap3A_1096], %add3A_842 {strides = array<i32>} : memref<201x128xf32, #tpu.memory_space<vmem>>, vector<16xf32>,
          %swap3A_1098 = arith.index_cast %add3A_364 : i32 to index
          %swap3A_1099 = arith.constant 48 : index
          %swap3A_1100 = tpu.vector_load %arg12[%swap3A_1098, %swap3A_1099] {strides = array<i32>} : memref<201x128xf32, #tpu.memory_space<vmem>>, vector<16xf32>,
          tpu.vector_store %arg12[%swap3A_1098, %swap3A_1099], %add3A_846 {strides = array<i32>} : memref<201x128xf32, #tpu.memory_space<vmem>>, vector<16xf32>,
          %swap3A_1101 = arith.index_cast %add3A_364 : i32 to index
          %swap3A_1102 = arith.constant 64 : index
          %swap3A_1103 = tpu.vector_load %arg12[%swap3A_1101, %swap3A_1102] {strides = array<i32>} : memref<201x128xf32, #tpu.memory_space<vmem>>, vector<16xf32>,
          tpu.vector_store %arg12[%swap3A_1101, %swap3A_1102], %add3A_850 {strides = array<i32>} : memref<201x128xf32, #tpu.memory_space<vmem>>, vector<16xf32>,
          %swap3A_1104 = arith.index_cast %add3A_364 : i32 to index
          %swap3A_1105 = arith.constant 80 : index
          %swap3A_1106 = tpu.vector_load %arg12[%swap3A_1104, %swap3A_1105] {strides = array<i32>} : memref<201x128xf32, #tpu.memory_space<vmem>>, vector<16xf32>,
          tpu.vector_store %arg12[%swap3A_1104, %swap3A_1105], %add3A_854 {strides = array<i32>} : memref<201x128xf32, #tpu.memory_space<vmem>>, vector<16xf32>,
          %swap3A_1107 = arith.index_cast %add3A_364 : i32 to index
          %swap3A_1108 = arith.constant 96 : index
          %swap3A_1109 = tpu.vector_load %arg12[%swap3A_1107, %swap3A_1108] {strides = array<i32>} : memref<201x128xf32, #tpu.memory_space<vmem>>, vector<16xf32>,
          tpu.vector_store %arg12[%swap3A_1107, %swap3A_1108], %add3A_858 {strides = array<i32>} : memref<201x128xf32, #tpu.memory_space<vmem>>, vector<16xf32>,
          %swap3A_1110 = arith.index_cast %add3A_364 : i32 to index
          %swap3A_1111 = arith.constant 112 : index
          %swap3A_1112 = tpu.vector_load %arg12[%swap3A_1110, %swap3A_1111] {strides = array<i32>} : memref<201x128xf32, #tpu.memory_space<vmem>>, vector<16xf32>,
          tpu.vector_store %arg12[%swap3A_1110, %swap3A_1111], %add3A_862 {strides = array<i32>} : memref<201x128xf32, #tpu.memory_space<vmem>>, vector<16xf32>,
          %swap3A_1113 = arith.index_cast %add3A_368 : i32 to index
          %swap3A_1114 = arith.constant 0 : index
          %swap3A_1115 = tpu.vector_load %arg12[%swap3A_1113, %swap3A_1114] {strides = array<i32>} : memref<201x128xf32, #tpu.memory_space<vmem>>, vector<16xf32>,
          tpu.vector_store %arg12[%swap3A_1113, %swap3A_1114], %add3A_935 {strides = array<i32>} : memref<201x128xf32, #tpu.memory_space<vmem>>, vector<16xf32>,
          %swap3A_1116 = arith.index_cast %add3A_368 : i32 to index
          %swap3A_1117 = arith.constant 16 : index
          %swap3A_1118 = tpu.vector_load %arg12[%swap3A_1116, %swap3A_1117] {strides = array<i32>} : memref<201x128xf32, #tpu.memory_space<vmem>>, vector<16xf32>,
          tpu.vector_store %arg12[%swap3A_1116, %swap3A_1117], %add3A_939 {strides = array<i32>} : memref<201x128xf32, #tpu.memory_space<vmem>>, vector<16xf32>,
          %swap3A_1119 = arith.index_cast %add3A_368 : i32 to index
          %swap3A_1120 = arith.constant 32 : index
          %swap3A_1121 = tpu.vector_load %arg12[%swap3A_1119, %swap3A_1120] {strides = array<i32>} : memref<201x128xf32, #tpu.memory_space<vmem>>, vector<16xf32>,
          tpu.vector_store %arg12[%swap3A_1119, %swap3A_1120], %add3A_943 {strides = array<i32>} : memref<201x128xf32, #tpu.memory_space<vmem>>, vector<16xf32>,
          %swap3A_1122 = arith.index_cast %add3A_368 : i32 to index
          %swap3A_1123 = arith.constant 48 : index
          %swap3A_1124 = tpu.vector_load %arg12[%swap3A_1122, %swap3A_1123] {strides = array<i32>} : memref<201x128xf32, #tpu.memory_space<vmem>>, vector<16xf32>,
          tpu.vector_store %arg12[%swap3A_1122, %swap3A_1123], %add3A_947 {strides = array<i32>} : memref<201x128xf32, #tpu.memory_space<vmem>>, vector<16xf32>,
          %swap3A_1125 = arith.index_cast %add3A_368 : i32 to index
          %swap3A_1126 = arith.constant 64 : index
          %swap3A_1127 = tpu.vector_load %arg12[%swap3A_1125, %swap3A_1126] {strides = array<i32>} : memref<201x128xf32, #tpu.memory_space<vmem>>, vector<16xf32>,
          tpu.vector_store %arg12[%swap3A_1125, %swap3A_1126], %add3A_951 {strides = array<i32>} : memref<201x128xf32, #tpu.memory_space<vmem>>, vector<16xf32>,
          %swap3A_1128 = arith.index_cast %add3A_368 : i32 to index
          %swap3A_1129 = arith.constant 80 : index
          %swap3A_1130 = tpu.vector_load %arg12[%swap3A_1128, %swap3A_1129] {strides = array<i32>} : memref<201x128xf32, #tpu.memory_space<vmem>>, vector<16xf32>,
          tpu.vector_store %arg12[%swap3A_1128, %swap3A_1129], %add3A_955 {strides = array<i32>} : memref<201x128xf32, #tpu.memory_space<vmem>>, vector<16xf32>,
          %swap3A_1131 = arith.index_cast %add3A_368 : i32 to index
          %swap3A_1132 = arith.constant 96 : index
          %swap3A_1133 = tpu.vector_load %arg12[%swap3A_1131, %swap3A_1132] {strides = array<i32>} : memref<201x128xf32, #tpu.memory_space<vmem>>, vector<16xf32>,
          tpu.vector_store %arg12[%swap3A_1131, %swap3A_1132], %add3A_959 {strides = array<i32>} : memref<201x128xf32, #tpu.memory_space<vmem>>, vector<16xf32>,
          %swap3A_1134 = arith.index_cast %add3A_368 : i32 to index
          %swap3A_1135 = arith.constant 112 : index
          %swap3A_1136 = tpu.vector_load %arg12[%swap3A_1134, %swap3A_1135] {strides = array<i32>} : memref<201x128xf32, #tpu.memory_space<vmem>>, vector<16xf32>,
          tpu.vector_store %arg12[%swap3A_1134, %swap3A_1135], %add3A_963 {strides = array<i32>} : memref<201x128xf32, #tpu.memory_space<vmem>>, vector<16xf32>,
          %swap3A_1137 = arith.index_cast %add3A_372 : i32 to index
          %swap3A_1138 = arith.constant 0 : index
          %swap3A_1139 = tpu.vector_load %arg12[%swap3A_1137, %swap3A_1138] {strides = array<i32>} : memref<201x128xf32, #tpu.memory_space<vmem>>, vector<16xf32>,
          tpu.vector_store %arg12[%swap3A_1137, %swap3A_1138], %add3A_1036 {strides = array<i32>} : memref<201x128xf32, #tpu.memory_space<vmem>>, vector<16xf32>,
          %swap3A_1140 = arith.index_cast %add3A_372 : i32 to index
          %swap3A_1141 = arith.constant 16 : index
          %swap3A_1142 = tpu.vector_load %arg12[%swap3A_1140, %swap3A_1141] {strides = array<i32>} : memref<201x128xf32, #tpu.memory_space<vmem>>, vector<16xf32>,
          tpu.vector_store %arg12[%swap3A_1140, %swap3A_1141], %add3A_1040 {strides = array<i32>} : memref<201x128xf32, #tpu.memory_space<vmem>>, vector<16xf32>,
          %swap3A_1143 = arith.index_cast %add3A_372 : i32 to index
          %swap3A_1144 = arith.constant 32 : index
          %swap3A_1145 = tpu.vector_load %arg12[%swap3A_1143, %swap3A_1144] {strides = array<i32>} : memref<201x128xf32, #tpu.memory_space<vmem>>, vector<16xf32>,
          tpu.vector_store %arg12[%swap3A_1143, %swap3A_1144], %add3A_1044 {strides = array<i32>} : memref<201x128xf32, #tpu.memory_space<vmem>>, vector<16xf32>,
          %swap3A_1146 = arith.index_cast %add3A_372 : i32 to index
          %swap3A_1147 = arith.constant 48 : index
          %swap3A_1148 = tpu.vector_load %arg12[%swap3A_1146, %swap3A_1147] {strides = array<i32>} : memref<201x128xf32, #tpu.memory_space<vmem>>, vector<16xf32>,
          tpu.vector_store %arg12[%swap3A_1146, %swap3A_1147], %add3A_1048 {strides = array<i32>} : memref<201x128xf32, #tpu.memory_space<vmem>>, vector<16xf32>,
          %swap3A_1149 = arith.index_cast %add3A_372 : i32 to index
          %swap3A_1150 = arith.constant 64 : index
          %swap3A_1151 = tpu.vector_load %arg12[%swap3A_1149, %swap3A_1150] {strides = array<i32>} : memref<201x128xf32, #tpu.memory_space<vmem>>, vector<16xf32>,
          tpu.vector_store %arg12[%swap3A_1149, %swap3A_1150], %add3A_1052 {strides = array<i32>} : memref<201x128xf32, #tpu.memory_space<vmem>>, vector<16xf32>,
          %swap3A_1152 = arith.index_cast %add3A_372 : i32 to index
          %swap3A_1153 = arith.constant 80 : index
          %swap3A_1154 = tpu.vector_load %arg12[%swap3A_1152, %swap3A_1153] {strides = array<i32>} : memref<201x128xf32, #tpu.memory_space<vmem>>, vector<16xf32>,
          tpu.vector_store %arg12[%swap3A_1152, %swap3A_1153], %add3A_1056 {strides = array<i32>} : memref<201x128xf32, #tpu.memory_space<vmem>>, vector<16xf32>,
          %swap3A_1155 = arith.index_cast %add3A_372 : i32 to index
          %swap3A_1156 = arith.constant 96 : index
          %swap3A_1157 = tpu.vector_load %arg12[%swap3A_1155, %swap3A_1156] {strides = array<i32>} : memref<201x128xf32, #tpu.memory_space<vmem>>, vector<16xf32>,
          tpu.vector_store %arg12[%swap3A_1155, %swap3A_1156], %add3A_1060 {strides = array<i32>} : memref<201x128xf32, #tpu.memory_space<vmem>>, vector<16xf32>,
          %swap3A_1158 = arith.index_cast %add3A_372 : i32 to index
          %swap3A_1159 = arith.constant 112 : index
          %swap3A_1160 = tpu.vector_load %arg12[%swap3A_1158, %swap3A_1159] {strides = array<i32>} : memref<201x128xf32, #tpu.memory_space<vmem>>, vector<16xf32>,
          tpu.vector_store %arg12[%swap3A_1158, %swap3A_1159], %add3A_1064 {strides = array<i32>} : memref<201x128xf32, #tpu.memory_space<vmem>>, vector<16xf32>,
        }
        %scan3A_339 = arith.constant 50 : i32
        %add3A_340 = arith.addi %mul3A_2, %add3A_116 : i32
        %dma_start3A_341 = arith.constant 0 : i32
        %dma_start3A_342 = arith.constant 0 : i32
        %dma_start3A_343 = tpu.memref_slice %arg8[%add3A_340, %dma_start3A_341, %dma_start3A_342] : memref<1024x201x128xf32, #tpu.memory_space<hbm>> -> memref<1x201x128xf32, #tpu.memory_space<hbm>>
        %dma_start3A_344 = tpu.memref_squeeze %dma_start3A_343 : memref<1x201x128xf32, #tpu.memory_space<hbm>> -> memref<201x128xf32, #tpu.memory_space<hbm>>
        %dma_start3A_345 = arith.constant 0 : i32
        %dma_start3A_346 = arith.constant 0 : i32
        %dma_start3A_347 = tpu.memref_slice %arg8[%add3A_340, %dma_start3A_345, %dma_start3A_346] : memref<1024x201x128xf32, #tpu.memory_space<hbm>> -> memref<1x201x128xf32, #tpu.memory_space<hbm>>
        %dma_start3A_348 = tpu.memref_squeeze %dma_start3A_347 : memref<1x201x128xf32, #tpu.memory_space<hbm>> -> memref<201x128xf32, #tpu.memory_space<hbm>>
        tpu.enqueue_dma source(%arg12 : memref<201x128xf32, #tpu.memory_space<vmem>>) target(%dma_start3A_348 : memref<201x128xf32, #tpu.memory_space<hbm>>) target_semaphore(%arg21 : memref<!tpu.dma_semaphore, #tpu.memory_space<semaphore_mem>>)
        %add3A_349 = arith.constant 2 : i32
        %add3A_350 = arith.addi %add3A_116, %add3A_349 : i32
        %lt3A_351 = arith.constant 32 : i32
        %lt3A_352 = arith.cmpi slt, %add3A_350, %lt3A_351 : i32
        %convert_element_type3A_353 = arith.extui %lt3A_352 : i1 to i32
        %cond3A_354 = arith.constant 0 : i32
        %cond3A_355 = arith.cmpi ne, %convert_element_type3A_353, %cond3A_354 : i32
        scf.if %cond3A_355 {
          %ge3A = arith.constant 1 : i32
          %ge3A_356 = arith.cmpi sge, %add3A_116, %ge3A : i32
          %convert_element_type3A_357 = arith.extui %ge3A_356 : i1 to i32
          %cond3A_358 = arith.constant 0 : i32
          %cond3A_359 = arith.cmpi ne, %convert_element_type3A_357, %cond3A_358 : i32
          scf.if %cond3A_359 {
            %add3A_382 = arith.addi %mul3A_2, %add3A_116 : i32
            %sub3A_383 = arith.constant 1 : i32
            %sub3A_384 = arith.subi %add3A_382, %sub3A_383 : i32
            %dma_wait3A_385 = arith.constant 0 : i32
            %dma_wait3A_386 = arith.constant 0 : i32
            %dma_wait3A_387 = tpu.memref_slice %arg8[%sub3A_384, %dma_wait3A_385, %dma_wait3A_386] : memref<1024x201x128xf32, #tpu.memory_space<hbm>> -> memref<1x201x128xf32, #tpu.memory_space<hbm>>
            %dma_wait3A_388 = tpu.memref_squeeze %dma_wait3A_387 : memref<1x201x128xf32, #tpu.memory_space<hbm>> -> memref<201x128xf32, #tpu.memory_space<hbm>>
            %dma_wait3A_389 = arith.constant 0 : i32
            %dma_wait3A_390 = arith.constant 0 : i32
            %dma_wait3A_391 = tpu.memref_slice %arg8[%sub3A_384, %dma_wait3A_389, %dma_wait3A_390] : memref<1024x201x128xf32, #tpu.memory_space<hbm>> -> memref<1x201x128xf32, #tpu.memory_space<hbm>>
            %dma_wait3A_392 = tpu.memref_squeeze %dma_wait3A_391 : memref<1x201x128xf32, #tpu.memory_space<hbm>> -> memref<201x128xf32, #tpu.memory_space<hbm>>
            tpu.wait_dma2 semaphore(%arg20 : memref<!tpu.dma_semaphore, #tpu.memory_space<semaphore_mem>>) src(%arg11 : memref<201x128xf32, #tpu.memory_space<vmem>>) dst(%dma_wait3A_392 : memref<201x128xf32, #tpu.memory_space<hbm>>)
          } else {
          }
          %add3A_360 = arith.constant 2 : i32
          %add3A_361 = arith.addi %add3A_116, %add3A_360 : i32
          %mul3A_362 = arith.constant 200 : i32
          %mul3A_363 = arith.muli %add3A_361, %mul3A_362 : i32
          %dma_start3A_364 = arith.constant 1 : i32
          %dma_start3A_365 = arith.constant 0 : i32
          %dma_start3A_366 = tpu.memref_slice %arg11[%dma_start3A_364, %dma_start3A_365] : memref<201x128xf32, #tpu.memory_space<vmem>> -> memref<104x128xf32, #tpu.memory_space<vmem>>
          %dma_start3A_367 = tpu.memref_slice %arg9[%mul3A_363] : memref<6400xi32, #tpu.memory_space<vmem>> -> memref<104xi32, #tpu.memory_space<vmem>>
          %dma_start3A_368 = arith.constant 0 : i32
          %dma_start3A_369 = arith.constant 0 : i32
          %dma_start3A_370 = tpu.memref_slice %arg4[%dma_start3A_368, %dma_start3A_369] : memref<100000x128xf32, #tpu.memory_space<hbm>> -> memref<100000x128xf32, #tpu.memory_space<hbm>>
          tpu.enqueue_indirect_dma source(%dma_start3A_370 : memref<100000x128xf32, #tpu.memory_space<hbm>>) target(%dma_start3A_366 : memref<104x128xf32, #tpu.memory_space<vmem>>) offsets(%dma_start3A_367 : memref<104xi32, #tpu.memory_space<vmem>>) semaphore(%arg17 : memref<!tpu.dma_semaphore, #tpu.memory_space<semaphore_mem>>)
          %mul3A_371 = arith.constant 200 : i32
          %mul3A_372 = arith.muli %add3A_361, %mul3A_371 : i32
          %add3A_373 = arith.constant 104 : i32
          %add3A_374 = arith.addi %mul3A_372, %add3A_373 : i32
          %dma_start3A_375 = arith.constant 105 : i32
          %dma_start3A_376 = arith.constant 0 : i32
          %dma_start3A_377 = tpu.memref_slice %arg11[%dma_start3A_375, %dma_start3A_376] : memref<201x128xf32, #tpu.memory_space<vmem>> -> memref<96x128xf32, #tpu.memory_space<vmem>>
          %dma_start3A_378 = tpu.memref_slice %arg9[%add3A_374] : memref<6400xi32, #tpu.memory_space<vmem>> -> memref<96xi32, #tpu.memory_space<vmem>>
          %dma_start3A_379 = arith.constant 0 : i32
          %dma_start3A_380 = arith.constant 0 : i32
          %dma_start3A_381 = tpu.memref_slice %arg4[%dma_start3A_379, %dma_start3A_380] : memref<100000x128xf32, #tpu.memory_space<hbm>> -> memref<100000x128xf32, #tpu.memory_space<hbm>>
          tpu.enqueue_indirect_dma source(%dma_start3A_381 : memref<100000x128xf32, #tpu.memory_space<hbm>>) target(%dma_start3A_377 : memref<96x128xf32, #tpu.memory_space<vmem>>) offsets(%dma_start3A_378 : memref<96xi32, #tpu.memory_space<vmem>>) semaphore(%arg17 : memref<!tpu.dma_semaphore, #tpu.memory_space<semaphore_mem>>)
        } else {
        }
      } else {
      }
      %mul3A_122 = arith.constant 3 : i32
      %mul3A_123 = arith.muli %mul3A_122, %scan3A_106 : i32
      %add3A_124 = arith.constant 2 : i32
      %add3A_125 = arith.addi %mul3A_123, %add3A_124 : i32
      %lt3A_126 = arith.constant 32 : i32
      %lt3A_127 = arith.cmpi slt, %add3A_125, %lt3A_126 : i32
      %convert_element_type3A_128 = arith.extui %lt3A_127 : i1 to i32
      %cond3A_129 = arith.constant 0 : i32
      %cond3A_130 = arith.cmpi ne, %convert_element_type3A_128, %cond3A_129 : i32
      scf.if %cond3A_130 {
        %dma_wait3A_131 = arith.constant 1 : i32
        %dma_wait3A_132 = arith.constant 0 : i32
        %dma_wait3A_133 = tpu.memref_slice %arg13[%dma_wait3A_131, %dma_wait3A_132] : memref<201x128xf32, #tpu.memory_space<vmem>> -> memref<200x128xf32, #tpu.memory_space<vmem>>
        %dma_wait3A_134 = arith.constant 0 : i32
        %dma_wait3A_135 = arith.constant 0 : i32
        %dma_wait3A_136 = tpu.memref_slice %arg4[%dma_wait3A_134, %dma_wait3A_135] : memref<100000x128xf32, #tpu.memory_space<hbm>> -> memref<200x128xf32, #tpu.memory_space<hbm>>
        %dma_wait3A_137 = arith.constant 1 : i32
        %dma_wait3A_138 = arith.constant 0 : i32
        %dma_wait3A_139 = tpu.memref_slice %arg13[%dma_wait3A_137, %dma_wait3A_138] : memref<201x128xf32, #tpu.memory_space<vmem>> -> memref<200x128xf32, #tpu.memory_space<vmem>>
        %dma_wait3A_140 = arith.constant 0 : i32
        %dma_wait3A_141 = arith.constant 0 : i32
        %dma_wait3A_142 = tpu.memref_slice %arg4[%dma_wait3A_140, %dma_wait3A_141] : memref<100000x128xf32, #tpu.memory_space<hbm>> -> memref<200x128xf32, #tpu.memory_space<hbm>>
        tpu.wait_dma2 semaphore(%arg19 : memref<!tpu.dma_semaphore, #tpu.memory_space<semaphore_mem>>) src(%dma_wait3A_142 : memref<200x128xf32, #tpu.memory_space<hbm>>) dst(%dma_wait3A_139 : memref<200x128xf32, #tpu.memory_space<vmem>>)
        %get3A_143 = arith.index_cast %add3A_125 : i32 to index
        %get3A_144 = arith.constant 0 : index
        %get3A_145 = tpu.vector_load %arg10[%get3A_143, %get3A_144] {strides = array<i32>} : memref<32x128xf32, #tpu.memory_space<vmem>>, vector<16xf32>,
        %get3A_146 = arith.constant 1 : i32
        %get3A_147 = arith.index_cast %get3A_146 : i32 to index
        %get3A_148 = arith.constant 0 : index
        %get3A_149 = tpu.vector_load %arg14[%get3A_147, %get3A_148] {strides = array<i32>} : memref<208x128xf32, #tpu.memory_space<vmem>>, vector<16xf32>,
        %add3A_150 = arith.addf %get3A_145, %get3A_149 : vector<16xf32>
        %get3A_151 = arith.index_cast %add3A_125 : i32 to index
        %get3A_152 = arith.constant 16 : index
        %get3A_153 = tpu.vector_load %arg10[%get3A_151, %get3A_152] {strides = array<i32>} : memref<32x128xf32, #tpu.memory_space<vmem>>, vector<16xf32>,
        %get3A_154 = arith.constant 1 : i32
        %get3A_155 = arith.index_cast %get3A_154 : i32 to index
        %get3A_156 = arith.constant 16 : index
        %get3A_157 = tpu.vector_load %arg14[%get3A_155, %get3A_156] {strides = array<i32>} : memref<208x128xf32, #tpu.memory_space<vmem>>, vector<16xf32>,
        %add3A_158 = arith.addf %get3A_153, %get3A_157 : vector<16xf32>
        %get3A_159 = arith.index_cast %add3A_125 : i32 to index
        %get3A_160 = arith.constant 32 : index
        %get3A_161 = tpu.vector_load %arg10[%get3A_159, %get3A_160] {strides = array<i32>} : memref<32x128xf32, #tpu.memory_space<vmem>>, vector<16xf32>,
        %get3A_162 = arith.constant 1 : i32
        %get3A_163 = arith.index_cast %get3A_162 : i32 to index
        %get3A_164 = arith.constant 32 : index
        %get3A_165 = tpu.vector_load %arg14[%get3A_163, %get3A_164] {strides = array<i32>} : memref<208x128xf32, #tpu.memory_space<vmem>>, vector<16xf32>,
        %add3A_166 = arith.addf %get3A_161, %get3A_165 : vector<16xf32>
        %get3A_167 = arith.index_cast %add3A_125 : i32 to index
        %get3A_168 = arith.constant 48 : index
        %get3A_169 = tpu.vector_load %arg10[%get3A_167, %get3A_168] {strides = array<i32>} : memref<32x128xf32, #tpu.memory_space<vmem>>, vector<16xf32>,
        %get3A_170 = arith.constant 1 : i32
        %get3A_171 = arith.index_cast %get3A_170 : i32 to index
        %get3A_172 = arith.constant 48 : index
        %get3A_173 = tpu.vector_load %arg14[%get3A_171, %get3A_172] {strides = array<i32>} : memref<208x128xf32, #tpu.memory_space<vmem>>, vector<16xf32>,
        %add3A_174 = arith.addf %get3A_169, %get3A_173 : vector<16xf32>
        %get3A_175 = arith.index_cast %add3A_125 : i32 to index
        %get3A_176 = arith.constant 64 : index
        %get3A_177 = tpu.vector_load %arg10[%get3A_175, %get3A_176] {strides = array<i32>} : memref<32x128xf32, #tpu.memory_space<vmem>>, vector<16xf32>,
        %get3A_178 = arith.constant 1 : i32
        %get3A_179 = arith.index_cast %get3A_178 : i32 to index
        %get3A_180 = arith.constant 64 : index
        %get3A_181 = tpu.vector_load %arg14[%get3A_179, %get3A_180] {strides = array<i32>} : memref<208x128xf32, #tpu.memory_space<vmem>>, vector<16xf32>,
        %add3A_182 = arith.addf %get3A_177, %get3A_181 : vector<16xf32>
        %get3A_183 = arith.index_cast %add3A_125 : i32 to index
        %get3A_184 = arith.constant 80 : index
        %get3A_185 = tpu.vector_load %arg10[%get3A_183, %get3A_184] {strides = array<i32>} : memref<32x128xf32, #tpu.memory_space<vmem>>, vector<16xf32>,
        %get3A_186 = arith.constant 1 : i32
        %get3A_187 = arith.index_cast %get3A_186 : i32 to index
        %get3A_188 = arith.constant 80 : index
        %get3A_189 = tpu.vector_load %arg14[%get3A_187, %get3A_188] {strides = array<i32>} : memref<208x128xf32, #tpu.memory_space<vmem>>, vector<16xf32>,
        %add3A_190 = arith.addf %get3A_185, %get3A_189 : vector<16xf32>
        %get3A_191 = arith.index_cast %add3A_125 : i32 to index
        %get3A_192 = arith.constant 96 : index
        %get3A_193 = tpu.vector_load %arg10[%get3A_191, %get3A_192] {strides = array<i32>} : memref<32x128xf32, #tpu.memory_space<vmem>>, vector<16xf32>,
        %get3A_194 = arith.constant 1 : i32
        %get3A_195 = arith.index_cast %get3A_194 : i32 to index
        %get3A_196 = arith.constant 96 : index
        %get3A_197 = tpu.vector_load %arg14[%get3A_195, %get3A_196] {strides = array<i32>} : memref<208x128xf32, #tpu.memory_space<vmem>>, vector<16xf32>,
        %add3A_198 = arith.addf %get3A_193, %get3A_197 : vector<16xf32>
        %get3A_199 = arith.index_cast %add3A_125 : i32 to index
        %get3A_200 = arith.constant 112 : index
        %get3A_201 = tpu.vector_load %arg10[%get3A_199, %get3A_200] {strides = array<i32>} : memref<32x128xf32, #tpu.memory_space<vmem>>, vector<16xf32>,
        %get3A_202 = arith.constant 1 : i32
        %get3A_203 = arith.index_cast %get3A_202 : i32 to index
        %get3A_204 = arith.constant 112 : index
        %get3A_205 = tpu.vector_load %arg14[%get3A_203, %get3A_204] {strides = array<i32>} : memref<208x128xf32, #tpu.memory_space<vmem>>, vector<16xf32>,
        %add3A_206 = arith.addf %get3A_201, %get3A_205 : vector<16xf32>
        %mul3A_207 = arith.mulf %add3A_150, %add3A_150 : vector<16xf32>
        %add3A_208 = arith.addf %add3A_150, %add3A_158 : vector<16xf32>
        %mul3A_209 = arith.mulf %add3A_158, %add3A_158 : vector<16xf32>
        %add3A_210 = arith.addf %mul3A_207, %mul3A_209 : vector<16xf32>
        %add3A_211 = arith.addf %add3A_208, %add3A_166 : vector<16xf32>
        %mul3A_212 = arith.mulf %add3A_166, %add3A_166 : vector<16xf32>
        %add3A_213 = arith.addf %add3A_210, %mul3A_212 : vector<16xf32>
        %add3A_214 = arith.addf %add3A_211, %add3A_174 : vector<16xf32>
        %mul3A_215 = arith.mulf %add3A_174, %add3A_174 : vector<16xf32>
        %add3A_216 = arith.addf %add3A_213, %mul3A_215 : vector<16xf32>
        %add3A_217 = arith.addf %add3A_214, %add3A_182 : vector<16xf32>
        %mul3A_218 = arith.mulf %add3A_182, %add3A_182 : vector<16xf32>
        %add3A_219 = arith.addf %add3A_216, %mul3A_218 : vector<16xf32>
        %add3A_220 = arith.addf %add3A_217, %add3A_190 : vector<16xf32>
        %mul3A_221 = arith.mulf %add3A_190, %add3A_190 : vector<16xf32>
        %add3A_222 = arith.addf %add3A_219, %mul3A_221 : vector<16xf32>
        %add3A_223 = arith.addf %add3A_220, %add3A_198 : vector<16xf32>
        %mul3A_224 = arith.mulf %add3A_198, %add3A_198 : vector<16xf32>
        %add3A_225 = arith.addf %add3A_222, %mul3A_224 : vector<16xf32>
        %add3A_226 = arith.addf %add3A_223, %add3A_206 : vector<16xf32>
        %mul3A_227 = arith.mulf %add3A_206, %add3A_206 : vector<16xf32>
        %add3A_228 = arith.addf %add3A_225, %mul3A_227 : vector<16xf32>
        %reduce_sum3A = arith.constant true
        %reduce_sum3A_229 = vector.broadcast %reduce_sum3A : i1 to vector<16xi1>
        %reduce_sum3A_230 = tpu.scan <sum>, %add3A_226 masked %reduce_sum3A_229 : vector<16xf32>, vector<16xi1> -> vector<16xf32>
        %reduce_sum3A_231 = vector.extract %reduce_sum3A_230[15] : f32 from vector<16xf32>
        %reduce_sum3A_232 = arith.constant true
        %reduce_sum3A_233 = vector.broadcast %reduce_sum3A_232 : i1 to vector<16xi1>
        %reduce_sum3A_234 = tpu.scan <sum>, %add3A_228 masked %reduce_sum3A_233 : vector<16xf32>, vector<16xi1> -> vector<16xf32>
        %reduce_sum3A_235 = vector.extract %reduce_sum3A_234[15] : f32 from vector<16xf32>
        %broadcast_in_dim3A = vector.broadcast %reduce_sum3A_231 : f32 to vector<16xf32>
        %mul3A_236 = arith.constant 7.812500e-03 : f32
        %mul3A_237 = vector.broadcast %mul3A_236 : f32 to vector<16xf32>
        %mul3A_238 = arith.mulf %broadcast_in_dim3A, %mul3A_237 : vector<16xf32>
        %broadcast_in_dim3A_239 = vector.broadcast %reduce_sum3A_235 : f32 to vector<16xf32>
        %mul3A_240 = arith.constant 7.812500e-03 : f32
        %mul3A_241 = vector.broadcast %mul3A_240 : f32 to vector<16xf32>
        %mul3A_242 = arith.mulf %broadcast_in_dim3A_239, %mul3A_241 : vector<16xf32>
        %mul3A_243 = arith.mulf %mul3A_238, %mul3A_238 : vector<16xf32>
        %sub3A_244 = arith.subf %mul3A_242, %mul3A_243 : vector<16xf32>
        %max3A = arith.constant 0.000000e+00 : f32
        %max3A_245 = vector.broadcast %max3A : f32 to vector<16xf32>
        %max3A_246 = arith.maximumf %sub3A_244, %max3A_245 : vector<16xf32>
        %add3A_247 = arith.constant 9.99999996E-13 : f32
        %add3A_248 = vector.broadcast %add3A_247 : f32 to vector<16xf32>
        %add3A_249 = arith.addf %max3A_246, %add3A_248 : vector<16xf32>
        %bitcast3A = vector.bitcast %add3A_249 : vector<16xf32> to vector<16xi32>
        %shift_right_logical3A = arith.constant 1 : i32
        %shift_right_logical3A_250 = vector.broadcast %shift_right_logical3A : i32 to vector<16xi32>
        %shift_right_logical3A_251 = arith.shrui %bitcast3A, %shift_right_logical3A_250 : vector<16xi32>
        %sub3A_252 = arith.constant 1597463007 : i32
        %sub3A_253 = vector.broadcast %sub3A_252 : i32 to vector<16xi32>
        %sub3A_254 = arith.subi %sub3A_253, %shift_right_logical3A_251 : vector<16xi32>
        %bitcast3A_255 = vector.bitcast %sub3A_254 : vector<16xi32> to vector<16xf32>
        %mul3A_256 = arith.constant 5.000000e-01 : f32
        %mul3A_257 = vector.broadcast %mul3A_256 : f32 to vector<16xf32>
        %mul3A_258 = arith.mulf %mul3A_257, %add3A_249 : vector<16xf32>
        %mul3A_259 = arith.mulf %bitcast3A_255, %bitcast3A_255 : vector<16xf32>
        %mul3A_260 = arith.mulf %mul3A_258, %mul3A_259 : vector<16xf32>
        %sub3A_261 = arith.constant 1.500000e+00 : f32
        %sub3A_262 = vector.broadcast %sub3A_261 : f32 to vector<16xf32>
        %sub3A_263 = arith.subf %sub3A_262, %mul3A_260 : vector<16xf32>
        %mul3A_264 = arith.mulf %bitcast3A_255, %sub3A_263 : vector<16xf32>
        %mul3A_265 = arith.mulf %mul3A_264, %mul3A_264 : vector<16xf32>
        %mul3A_266 = arith.mulf %mul3A_258, %mul3A_265 : vector<16xf32>
        %sub3A_267 = arith.constant 1.500000e+00 : f32
        %sub3A_268 = vector.broadcast %sub3A_267 : f32 to vector<16xf32>
        %sub3A_269 = arith.subf %sub3A_268, %mul3A_266 : vector<16xf32>
        %mul3A_270 = arith.mulf %mul3A_264, %sub3A_269 : vector<16xf32>
        %sub3A_271 = arith.subf %add3A_150, %mul3A_238 : vector<16xf32>
        %mul3A_272 = arith.mulf %sub3A_271, %mul3A_270 : vector<16xf32>
        %mul3A_273 = arith.mulf %mul3A_272, %get3A_5 : vector<16xf32>
        %add3A_274 = arith.addf %mul3A_273, %get3A_21 : vector<16xf32>
        %sub3A_275 = arith.subf %add3A_158, %mul3A_238 : vector<16xf32>
        %mul3A_276 = arith.mulf %sub3A_275, %mul3A_270 : vector<16xf32>
        %mul3A_277 = arith.mulf %mul3A_276, %get3A_7 : vector<16xf32>
        %add3A_278 = arith.addf %mul3A_277, %get3A_23 : vector<16xf32>
        %sub3A_279 = arith.subf %add3A_166, %mul3A_238 : vector<16xf32>
        %mul3A_280 = arith.mulf %sub3A_279, %mul3A_270 : vector<16xf32>
        %mul3A_281 = arith.mulf %mul3A_280, %get3A_9 : vector<16xf32>
        %add3A_282 = arith.addf %mul3A_281, %get3A_25 : vector<16xf32>
        %sub3A_283 = arith.subf %add3A_174, %mul3A_238 : vector<16xf32>
        %mul3A_284 = arith.mulf %sub3A_283, %mul3A_270 : vector<16xf32>
        %mul3A_285 = arith.mulf %mul3A_284, %get3A_11 : vector<16xf32>
        %add3A_286 = arith.addf %mul3A_285, %get3A_27 : vector<16xf32>
        %sub3A_287 = arith.subf %add3A_182, %mul3A_238 : vector<16xf32>
        %mul3A_288 = arith.mulf %sub3A_287, %mul3A_270 : vector<16xf32>
        %mul3A_289 = arith.mulf %mul3A_288, %get3A_13 : vector<16xf32>
        %add3A_290 = arith.addf %mul3A_289, %get3A_29 : vector<16xf32>
        %sub3A_291 = arith.subf %add3A_190, %mul3A_238 : vector<16xf32>
        %mul3A_292 = arith.mulf %sub3A_291, %mul3A_270 : vector<16xf32>
        %mul3A_293 = arith.mulf %mul3A_292, %get3A_15 : vector<16xf32>
        %add3A_294 = arith.addf %mul3A_293, %get3A_31 : vector<16xf32>
        %sub3A_295 = arith.subf %add3A_198, %mul3A_238 : vector<16xf32>
        %mul3A_296 = arith.mulf %sub3A_295, %mul3A_270 : vector<16xf32>
        %mul3A_297 = arith.mulf %mul3A_296, %get3A_17 : vector<16xf32>
        %add3A_298 = arith.addf %mul3A_297, %get3A_33 : vector<16xf32>
        %sub3A_299 = arith.subf %add3A_206, %mul3A_238 : vector<16xf32>
        %mul3A_300 = arith.mulf %sub3A_299, %mul3A_270 : vector<16xf32>
        %mul3A_301 = arith.mulf %mul3A_300, %get3A_19 : vector<16xf32>
        %add3A_302 = arith.addf %mul3A_301, %get3A_35 : vector<16xf32>
        %swap3A = arith.constant 0 : i32
        %swap3A_303 = arith.index_cast %swap3A : i32 to index
        %swap3A_304 = arith.constant 0 : index
        %swap3A_305 = tpu.vector_load %arg13[%swap3A_303, %swap3A_304] {strides = array<i32>} : memref<201x128xf32, #tpu.memory_space<vmem>>, vector<16xf32>,
        tpu.vector_store %arg13[%swap3A_303, %swap3A_304], %add3A_274 {strides = array<i32>} : memref<201x128xf32, #tpu.memory_space<vmem>>, vector<16xf32>,
        %swap3A_306 = arith.constant 0 : i32
        %swap3A_307 = arith.index_cast %swap3A_306 : i32 to index
        %swap3A_308 = arith.constant 16 : index
        %swap3A_309 = tpu.vector_load %arg13[%swap3A_307, %swap3A_308] {strides = array<i32>} : memref<201x128xf32, #tpu.memory_space<vmem>>, vector<16xf32>,
        tpu.vector_store %arg13[%swap3A_307, %swap3A_308], %add3A_278 {strides = array<i32>} : memref<201x128xf32, #tpu.memory_space<vmem>>, vector<16xf32>,
        %swap3A_310 = arith.constant 0 : i32
        %swap3A_311 = arith.index_cast %swap3A_310 : i32 to index
        %swap3A_312 = arith.constant 32 : index
        %swap3A_313 = tpu.vector_load %arg13[%swap3A_311, %swap3A_312] {strides = array<i32>} : memref<201x128xf32, #tpu.memory_space<vmem>>, vector<16xf32>,
        tpu.vector_store %arg13[%swap3A_311, %swap3A_312], %add3A_282 {strides = array<i32>} : memref<201x128xf32, #tpu.memory_space<vmem>>, vector<16xf32>,
        %swap3A_314 = arith.constant 0 : i32
        %swap3A_315 = arith.index_cast %swap3A_314 : i32 to index
        %swap3A_316 = arith.constant 48 : index
        %swap3A_317 = tpu.vector_load %arg13[%swap3A_315, %swap3A_316] {strides = array<i32>} : memref<201x128xf32, #tpu.memory_space<vmem>>, vector<16xf32>,
        tpu.vector_store %arg13[%swap3A_315, %swap3A_316], %add3A_286 {strides = array<i32>} : memref<201x128xf32, #tpu.memory_space<vmem>>, vector<16xf32>,
        %swap3A_318 = arith.constant 0 : i32
        %swap3A_319 = arith.index_cast %swap3A_318 : i32 to index
        %swap3A_320 = arith.constant 64 : index
        %swap3A_321 = tpu.vector_load %arg13[%swap3A_319, %swap3A_320] {strides = array<i32>} : memref<201x128xf32, #tpu.memory_space<vmem>>, vector<16xf32>,
        tpu.vector_store %arg13[%swap3A_319, %swap3A_320], %add3A_290 {strides = array<i32>} : memref<201x128xf32, #tpu.memory_space<vmem>>, vector<16xf32>,
        %swap3A_322 = arith.constant 0 : i32
        %swap3A_323 = arith.index_cast %swap3A_322 : i32 to index
        %swap3A_324 = arith.constant 80 : index
        %swap3A_325 = tpu.vector_load %arg13[%swap3A_323, %swap3A_324] {strides = array<i32>} : memref<201x128xf32, #tpu.memory_space<vmem>>, vector<16xf32>,
        tpu.vector_store %arg13[%swap3A_323, %swap3A_324], %add3A_294 {strides = array<i32>} : memref<201x128xf32, #tpu.memory_space<vmem>>, vector<16xf32>,
        %swap3A_326 = arith.constant 0 : i32
        %swap3A_327 = arith.index_cast %swap3A_326 : i32 to index
        %swap3A_328 = arith.constant 96 : index
        %swap3A_329 = tpu.vector_load %arg13[%swap3A_327, %swap3A_328] {strides = array<i32>} : memref<201x128xf32, #tpu.memory_space<vmem>>, vector<16xf32>,
        tpu.vector_store %arg13[%swap3A_327, %swap3A_328], %add3A_298 {strides = array<i32>} : memref<201x128xf32, #tpu.memory_space<vmem>>, vector<16xf32>,
        %swap3A_330 = arith.constant 0 : i32
        %swap3A_331 = arith.index_cast %swap3A_330 : i32 to index
        %swap3A_332 = arith.constant 112 : index
        %swap3A_333 = tpu.vector_load %arg13[%swap3A_331, %swap3A_332] {strides = array<i32>} : memref<201x128xf32, #tpu.memory_space<vmem>>, vector<16xf32>,
        tpu.vector_store %arg13[%swap3A_331, %swap3A_332], %add3A_302 {strides = array<i32>} : memref<201x128xf32, #tpu.memory_space<vmem>>, vector<16xf32>,
        %scan3A_334 = arith.constant 0 : i32
        %scan3A_335 = arith.constant 0 : i32
        %scan3A_336 = arith.constant 50 : i32
        %scan3A_337 = arith.addi %scan3A_335, %scan3A_336 : i32
        %scan3A_338 = arith.constant 1 : i32
        scf.for %scan3A_356 = %scan3A_335 to %scan3A_337 step %scan3A_338  : i32 {
          %mul3A_357 = arith.constant 4 : i32
          %mul3A_358 = arith.muli %mul3A_357, %scan3A_356 : i32
          %add3A_359 = arith.constant 1 : i32
          %add3A_360 = arith.addi %mul3A_358, %add3A_359 : i32
          %mul3A_361 = arith.constant 4 : i32
          %mul3A_362 = arith.muli %mul3A_361, %scan3A_356 : i32
          %add3A_363 = arith.constant 2 : i32
          %add3A_364 = arith.addi %mul3A_362, %add3A_363 : i32
          %mul3A_365 = arith.constant 4 : i32
          %mul3A_366 = arith.muli %mul3A_365, %scan3A_356 : i32
          %add3A_367 = arith.constant 3 : i32
          %add3A_368 = arith.addi %mul3A_366, %add3A_367 : i32
          %mul3A_369 = arith.constant 4 : i32
          %mul3A_370 = arith.muli %mul3A_369, %scan3A_356 : i32
          %add3A_371 = arith.constant 4 : i32
          %add3A_372 = arith.addi %mul3A_370, %add3A_371 : i32
          %get3A_373 = arith.index_cast %add3A_360 : i32 to index
          %get3A_374 = arith.constant 0 : index
          %get3A_375 = tpu.vector_load %arg13[%get3A_373, %get3A_374] {strides = array<i32>} : memref<201x128xf32, #tpu.memory_space<vmem>>, vector<16xf32>,
          %add3A_376 = arith.constant 1 : i32
          %add3A_377 = arith.addi %add3A_360, %add3A_376 : i32
          %get3A_378 = arith.index_cast %add3A_377 : i32 to index
          %get3A_379 = arith.constant 0 : index
          %get3A_380 = tpu.vector_load %arg14[%get3A_378, %get3A_379] {strides = array<i32>} : memref<208x128xf32, #tpu.memory_space<vmem>>, vector<16xf32>,
          %add3A_381 = arith.addf %get3A_375, %get3A_380 : vector<16xf32>
          %get3A_382 = arith.index_cast %add3A_360 : i32 to index
          %get3A_383 = arith.constant 16 : index
          %get3A_384 = tpu.vector_load %arg13[%get3A_382, %get3A_383] {strides = array<i32>} : memref<201x128xf32, #tpu.memory_space<vmem>>, vector<16xf32>,
          %add3A_385 = arith.constant 1 : i32
          %add3A_386 = arith.addi %add3A_360, %add3A_385 : i32
          %get3A_387 = arith.index_cast %add3A_386 : i32 to index
          %get3A_388 = arith.constant 16 : index
          %get3A_389 = tpu.vector_load %arg14[%get3A_387, %get3A_388] {strides = array<i32>} : memref<208x128xf32, #tpu.memory_space<vmem>>, vector<16xf32>,
          %add3A_390 = arith.addf %get3A_384, %get3A_389 : vector<16xf32>
          %get3A_391 = arith.index_cast %add3A_360 : i32 to index
          %get3A_392 = arith.constant 32 : index
          %get3A_393 = tpu.vector_load %arg13[%get3A_391, %get3A_392] {strides = array<i32>} : memref<201x128xf32, #tpu.memory_space<vmem>>, vector<16xf32>,
          %add3A_394 = arith.constant 1 : i32
          %add3A_395 = arith.addi %add3A_360, %add3A_394 : i32
          %get3A_396 = arith.index_cast %add3A_395 : i32 to index
          %get3A_397 = arith.constant 32 : index
          %get3A_398 = tpu.vector_load %arg14[%get3A_396, %get3A_397] {strides = array<i32>} : memref<208x128xf32, #tpu.memory_space<vmem>>, vector<16xf32>,
          %add3A_399 = arith.addf %get3A_393, %get3A_398 : vector<16xf32>
          %get3A_400 = arith.index_cast %add3A_360 : i32 to index
          %get3A_401 = arith.constant 48 : index
          %get3A_402 = tpu.vector_load %arg13[%get3A_400, %get3A_401] {strides = array<i32>} : memref<201x128xf32, #tpu.memory_space<vmem>>, vector<16xf32>,
          %add3A_403 = arith.constant 1 : i32
          %add3A_404 = arith.addi %add3A_360, %add3A_403 : i32
          %get3A_405 = arith.index_cast %add3A_404 : i32 to index
          %get3A_406 = arith.constant 48 : index
          %get3A_407 = tpu.vector_load %arg14[%get3A_405, %get3A_406] {strides = array<i32>} : memref<208x128xf32, #tpu.memory_space<vmem>>, vector<16xf32>,
          %add3A_408 = arith.addf %get3A_402, %get3A_407 : vector<16xf32>
          %get3A_409 = arith.index_cast %add3A_360 : i32 to index
          %get3A_410 = arith.constant 64 : index
          %get3A_411 = tpu.vector_load %arg13[%get3A_409, %get3A_410] {strides = array<i32>} : memref<201x128xf32, #tpu.memory_space<vmem>>, vector<16xf32>,
          %add3A_412 = arith.constant 1 : i32
          %add3A_413 = arith.addi %add3A_360, %add3A_412 : i32
          %get3A_414 = arith.index_cast %add3A_413 : i32 to index
          %get3A_415 = arith.constant 64 : index
          %get3A_416 = tpu.vector_load %arg14[%get3A_414, %get3A_415] {strides = array<i32>} : memref<208x128xf32, #tpu.memory_space<vmem>>, vector<16xf32>,
          %add3A_417 = arith.addf %get3A_411, %get3A_416 : vector<16xf32>
          %get3A_418 = arith.index_cast %add3A_360 : i32 to index
          %get3A_419 = arith.constant 80 : index
          %get3A_420 = tpu.vector_load %arg13[%get3A_418, %get3A_419] {strides = array<i32>} : memref<201x128xf32, #tpu.memory_space<vmem>>, vector<16xf32>,
          %add3A_421 = arith.constant 1 : i32
          %add3A_422 = arith.addi %add3A_360, %add3A_421 : i32
          %get3A_423 = arith.index_cast %add3A_422 : i32 to index
          %get3A_424 = arith.constant 80 : index
          %get3A_425 = tpu.vector_load %arg14[%get3A_423, %get3A_424] {strides = array<i32>} : memref<208x128xf32, #tpu.memory_space<vmem>>, vector<16xf32>,
          %add3A_426 = arith.addf %get3A_420, %get3A_425 : vector<16xf32>
          %get3A_427 = arith.index_cast %add3A_360 : i32 to index
          %get3A_428 = arith.constant 96 : index
          %get3A_429 = tpu.vector_load %arg13[%get3A_427, %get3A_428] {strides = array<i32>} : memref<201x128xf32, #tpu.memory_space<vmem>>, vector<16xf32>,
          %add3A_430 = arith.constant 1 : i32
          %add3A_431 = arith.addi %add3A_360, %add3A_430 : i32
          %get3A_432 = arith.index_cast %add3A_431 : i32 to index
          %get3A_433 = arith.constant 96 : index
          %get3A_434 = tpu.vector_load %arg14[%get3A_432, %get3A_433] {strides = array<i32>} : memref<208x128xf32, #tpu.memory_space<vmem>>, vector<16xf32>,
          %add3A_435 = arith.addf %get3A_429, %get3A_434 : vector<16xf32>
          %get3A_436 = arith.index_cast %add3A_360 : i32 to index
          %get3A_437 = arith.constant 112 : index
          %get3A_438 = tpu.vector_load %arg13[%get3A_436, %get3A_437] {strides = array<i32>} : memref<201x128xf32, #tpu.memory_space<vmem>>, vector<16xf32>,
          %add3A_439 = arith.constant 1 : i32
          %add3A_440 = arith.addi %add3A_360, %add3A_439 : i32
          %get3A_441 = arith.index_cast %add3A_440 : i32 to index
          %get3A_442 = arith.constant 112 : index
          %get3A_443 = tpu.vector_load %arg14[%get3A_441, %get3A_442] {strides = array<i32>} : memref<208x128xf32, #tpu.memory_space<vmem>>, vector<16xf32>,
          %add3A_444 = arith.addf %get3A_438, %get3A_443 : vector<16xf32>
          %get3A_445 = arith.index_cast %add3A_364 : i32 to index
          %get3A_446 = arith.constant 0 : index
          %get3A_447 = tpu.vector_load %arg13[%get3A_445, %get3A_446] {strides = array<i32>} : memref<201x128xf32, #tpu.memory_space<vmem>>, vector<16xf32>,
          %add3A_448 = arith.constant 1 : i32
          %add3A_449 = arith.addi %add3A_364, %add3A_448 : i32
          %get3A_450 = arith.index_cast %add3A_449 : i32 to index
          %get3A_451 = arith.constant 0 : index
          %get3A_452 = tpu.vector_load %arg14[%get3A_450, %get3A_451] {strides = array<i32>} : memref<208x128xf32, #tpu.memory_space<vmem>>, vector<16xf32>,
          %add3A_453 = arith.addf %get3A_447, %get3A_452 : vector<16xf32>
          %get3A_454 = arith.index_cast %add3A_364 : i32 to index
          %get3A_455 = arith.constant 16 : index
          %get3A_456 = tpu.vector_load %arg13[%get3A_454, %get3A_455] {strides = array<i32>} : memref<201x128xf32, #tpu.memory_space<vmem>>, vector<16xf32>,
          %add3A_457 = arith.constant 1 : i32
          %add3A_458 = arith.addi %add3A_364, %add3A_457 : i32
          %get3A_459 = arith.index_cast %add3A_458 : i32 to index
          %get3A_460 = arith.constant 16 : index
          %get3A_461 = tpu.vector_load %arg14[%get3A_459, %get3A_460] {strides = array<i32>} : memref<208x128xf32, #tpu.memory_space<vmem>>, vector<16xf32>,
          %add3A_462 = arith.addf %get3A_456, %get3A_461 : vector<16xf32>
          %get3A_463 = arith.index_cast %add3A_364 : i32 to index
          %get3A_464 = arith.constant 32 : index
          %get3A_465 = tpu.vector_load %arg13[%get3A_463, %get3A_464] {strides = array<i32>} : memref<201x128xf32, #tpu.memory_space<vmem>>, vector<16xf32>,
          %add3A_466 = arith.constant 1 : i32
          %add3A_467 = arith.addi %add3A_364, %add3A_466 : i32
          %get3A_468 = arith.index_cast %add3A_467 : i32 to index
          %get3A_469 = arith.constant 32 : index
          %get3A_470 = tpu.vector_load %arg14[%get3A_468, %get3A_469] {strides = array<i32>} : memref<208x128xf32, #tpu.memory_space<vmem>>, vector<16xf32>,
          %add3A_471 = arith.addf %get3A_465, %get3A_470 : vector<16xf32>
          %get3A_472 = arith.index_cast %add3A_364 : i32 to index
          %get3A_473 = arith.constant 48 : index
          %get3A_474 = tpu.vector_load %arg13[%get3A_472, %get3A_473] {strides = array<i32>} : memref<201x128xf32, #tpu.memory_space<vmem>>, vector<16xf32>,
          %add3A_475 = arith.constant 1 : i32
          %add3A_476 = arith.addi %add3A_364, %add3A_475 : i32
          %get3A_477 = arith.index_cast %add3A_476 : i32 to index
          %get3A_478 = arith.constant 48 : index
          %get3A_479 = tpu.vector_load %arg14[%get3A_477, %get3A_478] {strides = array<i32>} : memref<208x128xf32, #tpu.memory_space<vmem>>, vector<16xf32>,
          %add3A_480 = arith.addf %get3A_474, %get3A_479 : vector<16xf32>
          %get3A_481 = arith.index_cast %add3A_364 : i32 to index
          %get3A_482 = arith.constant 64 : index
          %get3A_483 = tpu.vector_load %arg13[%get3A_481, %get3A_482] {strides = array<i32>} : memref<201x128xf32, #tpu.memory_space<vmem>>, vector<16xf32>,
          %add3A_484 = arith.constant 1 : i32
          %add3A_485 = arith.addi %add3A_364, %add3A_484 : i32
          %get3A_486 = arith.index_cast %add3A_485 : i32 to index
          %get3A_487 = arith.constant 64 : index
          %get3A_488 = tpu.vector_load %arg14[%get3A_486, %get3A_487] {strides = array<i32>} : memref<208x128xf32, #tpu.memory_space<vmem>>, vector<16xf32>,
          %add3A_489 = arith.addf %get3A_483, %get3A_488 : vector<16xf32>
          %get3A_490 = arith.index_cast %add3A_364 : i32 to index
          %get3A_491 = arith.constant 80 : index
          %get3A_492 = tpu.vector_load %arg13[%get3A_490, %get3A_491] {strides = array<i32>} : memref<201x128xf32, #tpu.memory_space<vmem>>, vector<16xf32>,
          %add3A_493 = arith.constant 1 : i32
          %add3A_494 = arith.addi %add3A_364, %add3A_493 : i32
          %get3A_495 = arith.index_cast %add3A_494 : i32 to index
          %get3A_496 = arith.constant 80 : index
          %get3A_497 = tpu.vector_load %arg14[%get3A_495, %get3A_496] {strides = array<i32>} : memref<208x128xf32, #tpu.memory_space<vmem>>, vector<16xf32>,
          %add3A_498 = arith.addf %get3A_492, %get3A_497 : vector<16xf32>
          %get3A_499 = arith.index_cast %add3A_364 : i32 to index
          %get3A_500 = arith.constant 96 : index
          %get3A_501 = tpu.vector_load %arg13[%get3A_499, %get3A_500] {strides = array<i32>} : memref<201x128xf32, #tpu.memory_space<vmem>>, vector<16xf32>,
          %add3A_502 = arith.constant 1 : i32
          %add3A_503 = arith.addi %add3A_364, %add3A_502 : i32
          %get3A_504 = arith.index_cast %add3A_503 : i32 to index
          %get3A_505 = arith.constant 96 : index
          %get3A_506 = tpu.vector_load %arg14[%get3A_504, %get3A_505] {strides = array<i32>} : memref<208x128xf32, #tpu.memory_space<vmem>>, vector<16xf32>,
          %add3A_507 = arith.addf %get3A_501, %get3A_506 : vector<16xf32>
          %get3A_508 = arith.index_cast %add3A_364 : i32 to index
          %get3A_509 = arith.constant 112 : index
          %get3A_510 = tpu.vector_load %arg13[%get3A_508, %get3A_509] {strides = array<i32>} : memref<201x128xf32, #tpu.memory_space<vmem>>, vector<16xf32>,
          %add3A_511 = arith.constant 1 : i32
          %add3A_512 = arith.addi %add3A_364, %add3A_511 : i32
          %get3A_513 = arith.index_cast %add3A_512 : i32 to index
          %get3A_514 = arith.constant 112 : index
          %get3A_515 = tpu.vector_load %arg14[%get3A_513, %get3A_514] {strides = array<i32>} : memref<208x128xf32, #tpu.memory_space<vmem>>, vector<16xf32>,
          %add3A_516 = arith.addf %get3A_510, %get3A_515 : vector<16xf32>
          %get3A_517 = arith.index_cast %add3A_368 : i32 to index
          %get3A_518 = arith.constant 0 : index
          %get3A_519 = tpu.vector_load %arg13[%get3A_517, %get3A_518] {strides = array<i32>} : memref<201x128xf32, #tpu.memory_space<vmem>>, vector<16xf32>,
          %add3A_520 = arith.constant 1 : i32
          %add3A_521 = arith.addi %add3A_368, %add3A_520 : i32
          %get3A_522 = arith.index_cast %add3A_521 : i32 to index
          %get3A_523 = arith.constant 0 : index
          %get3A_524 = tpu.vector_load %arg14[%get3A_522, %get3A_523] {strides = array<i32>} : memref<208x128xf32, #tpu.memory_space<vmem>>, vector<16xf32>,
          %add3A_525 = arith.addf %get3A_519, %get3A_524 : vector<16xf32>
          %get3A_526 = arith.index_cast %add3A_368 : i32 to index
          %get3A_527 = arith.constant 16 : index
          %get3A_528 = tpu.vector_load %arg13[%get3A_526, %get3A_527] {strides = array<i32>} : memref<201x128xf32, #tpu.memory_space<vmem>>, vector<16xf32>,
          %add3A_529 = arith.constant 1 : i32
          %add3A_530 = arith.addi %add3A_368, %add3A_529 : i32
          %get3A_531 = arith.index_cast %add3A_530 : i32 to index
          %get3A_532 = arith.constant 16 : index
          %get3A_533 = tpu.vector_load %arg14[%get3A_531, %get3A_532] {strides = array<i32>} : memref<208x128xf32, #tpu.memory_space<vmem>>, vector<16xf32>,
          %add3A_534 = arith.addf %get3A_528, %get3A_533 : vector<16xf32>
          %get3A_535 = arith.index_cast %add3A_368 : i32 to index
          %get3A_536 = arith.constant 32 : index
          %get3A_537 = tpu.vector_load %arg13[%get3A_535, %get3A_536] {strides = array<i32>} : memref<201x128xf32, #tpu.memory_space<vmem>>, vector<16xf32>,
          %add3A_538 = arith.constant 1 : i32
          %add3A_539 = arith.addi %add3A_368, %add3A_538 : i32
          %get3A_540 = arith.index_cast %add3A_539 : i32 to index
          %get3A_541 = arith.constant 32 : index
          %get3A_542 = tpu.vector_load %arg14[%get3A_540, %get3A_541] {strides = array<i32>} : memref<208x128xf32, #tpu.memory_space<vmem>>, vector<16xf32>,
          %add3A_543 = arith.addf %get3A_537, %get3A_542 : vector<16xf32>
          %get3A_544 = arith.index_cast %add3A_368 : i32 to index
          %get3A_545 = arith.constant 48 : index
          %get3A_546 = tpu.vector_load %arg13[%get3A_544, %get3A_545] {strides = array<i32>} : memref<201x128xf32, #tpu.memory_space<vmem>>, vector<16xf32>,
          %add3A_547 = arith.constant 1 : i32
          %add3A_548 = arith.addi %add3A_368, %add3A_547 : i32
          %get3A_549 = arith.index_cast %add3A_548 : i32 to index
          %get3A_550 = arith.constant 48 : index
          %get3A_551 = tpu.vector_load %arg14[%get3A_549, %get3A_550] {strides = array<i32>} : memref<208x128xf32, #tpu.memory_space<vmem>>, vector<16xf32>,
          %add3A_552 = arith.addf %get3A_546, %get3A_551 : vector<16xf32>
          %get3A_553 = arith.index_cast %add3A_368 : i32 to index
          %get3A_554 = arith.constant 64 : index
          %get3A_555 = tpu.vector_load %arg13[%get3A_553, %get3A_554] {strides = array<i32>} : memref<201x128xf32, #tpu.memory_space<vmem>>, vector<16xf32>,
          %add3A_556 = arith.constant 1 : i32
          %add3A_557 = arith.addi %add3A_368, %add3A_556 : i32
          %get3A_558 = arith.index_cast %add3A_557 : i32 to index
          %get3A_559 = arith.constant 64 : index
          %get3A_560 = tpu.vector_load %arg14[%get3A_558, %get3A_559] {strides = array<i32>} : memref<208x128xf32, #tpu.memory_space<vmem>>, vector<16xf32>,
          %add3A_561 = arith.addf %get3A_555, %get3A_560 : vector<16xf32>
          %get3A_562 = arith.index_cast %add3A_368 : i32 to index
          %get3A_563 = arith.constant 80 : index
          %get3A_564 = tpu.vector_load %arg13[%get3A_562, %get3A_563] {strides = array<i32>} : memref<201x128xf32, #tpu.memory_space<vmem>>, vector<16xf32>,
          %add3A_565 = arith.constant 1 : i32
          %add3A_566 = arith.addi %add3A_368, %add3A_565 : i32
          %get3A_567 = arith.index_cast %add3A_566 : i32 to index
          %get3A_568 = arith.constant 80 : index
          %get3A_569 = tpu.vector_load %arg14[%get3A_567, %get3A_568] {strides = array<i32>} : memref<208x128xf32, #tpu.memory_space<vmem>>, vector<16xf32>,
          %add3A_570 = arith.addf %get3A_564, %get3A_569 : vector<16xf32>
          %get3A_571 = arith.index_cast %add3A_368 : i32 to index
          %get3A_572 = arith.constant 96 : index
          %get3A_573 = tpu.vector_load %arg13[%get3A_571, %get3A_572] {strides = array<i32>} : memref<201x128xf32, #tpu.memory_space<vmem>>, vector<16xf32>,
          %add3A_574 = arith.constant 1 : i32
          %add3A_575 = arith.addi %add3A_368, %add3A_574 : i32
          %get3A_576 = arith.index_cast %add3A_575 : i32 to index
          %get3A_577 = arith.constant 96 : index
          %get3A_578 = tpu.vector_load %arg14[%get3A_576, %get3A_577] {strides = array<i32>} : memref<208x128xf32, #tpu.memory_space<vmem>>, vector<16xf32>,
          %add3A_579 = arith.addf %get3A_573, %get3A_578 : vector<16xf32>
          %get3A_580 = arith.index_cast %add3A_368 : i32 to index
          %get3A_581 = arith.constant 112 : index
          %get3A_582 = tpu.vector_load %arg13[%get3A_580, %get3A_581] {strides = array<i32>} : memref<201x128xf32, #tpu.memory_space<vmem>>, vector<16xf32>,
          %add3A_583 = arith.constant 1 : i32
          %add3A_584 = arith.addi %add3A_368, %add3A_583 : i32
          %get3A_585 = arith.index_cast %add3A_584 : i32 to index
          %get3A_586 = arith.constant 112 : index
          %get3A_587 = tpu.vector_load %arg14[%get3A_585, %get3A_586] {strides = array<i32>} : memref<208x128xf32, #tpu.memory_space<vmem>>, vector<16xf32>,
          %add3A_588 = arith.addf %get3A_582, %get3A_587 : vector<16xf32>
          %get3A_589 = arith.index_cast %add3A_372 : i32 to index
          %get3A_590 = arith.constant 0 : index
          %get3A_591 = tpu.vector_load %arg13[%get3A_589, %get3A_590] {strides = array<i32>} : memref<201x128xf32, #tpu.memory_space<vmem>>, vector<16xf32>,
          %add3A_592 = arith.constant 1 : i32
          %add3A_593 = arith.addi %add3A_372, %add3A_592 : i32
          %get3A_594 = arith.index_cast %add3A_593 : i32 to index
          %get3A_595 = arith.constant 0 : index
          %get3A_596 = tpu.vector_load %arg14[%get3A_594, %get3A_595] {strides = array<i32>} : memref<208x128xf32, #tpu.memory_space<vmem>>, vector<16xf32>,
          %add3A_597 = arith.addf %get3A_591, %get3A_596 : vector<16xf32>
          %get3A_598 = arith.index_cast %add3A_372 : i32 to index
          %get3A_599 = arith.constant 16 : index
          %get3A_600 = tpu.vector_load %arg13[%get3A_598, %get3A_599] {strides = array<i32>} : memref<201x128xf32, #tpu.memory_space<vmem>>, vector<16xf32>,
          %add3A_601 = arith.constant 1 : i32
          %add3A_602 = arith.addi %add3A_372, %add3A_601 : i32
          %get3A_603 = arith.index_cast %add3A_602 : i32 to index
          %get3A_604 = arith.constant 16 : index
          %get3A_605 = tpu.vector_load %arg14[%get3A_603, %get3A_604] {strides = array<i32>} : memref<208x128xf32, #tpu.memory_space<vmem>>, vector<16xf32>,
          %add3A_606 = arith.addf %get3A_600, %get3A_605 : vector<16xf32>
          %get3A_607 = arith.index_cast %add3A_372 : i32 to index
          %get3A_608 = arith.constant 32 : index
          %get3A_609 = tpu.vector_load %arg13[%get3A_607, %get3A_608] {strides = array<i32>} : memref<201x128xf32, #tpu.memory_space<vmem>>, vector<16xf32>,
          %add3A_610 = arith.constant 1 : i32
          %add3A_611 = arith.addi %add3A_372, %add3A_610 : i32
          %get3A_612 = arith.index_cast %add3A_611 : i32 to index
          %get3A_613 = arith.constant 32 : index
          %get3A_614 = tpu.vector_load %arg14[%get3A_612, %get3A_613] {strides = array<i32>} : memref<208x128xf32, #tpu.memory_space<vmem>>, vector<16xf32>,
          %add3A_615 = arith.addf %get3A_609, %get3A_614 : vector<16xf32>
          %get3A_616 = arith.index_cast %add3A_372 : i32 to index
          %get3A_617 = arith.constant 48 : index
          %get3A_618 = tpu.vector_load %arg13[%get3A_616, %get3A_617] {strides = array<i32>} : memref<201x128xf32, #tpu.memory_space<vmem>>, vector<16xf32>,
          %add3A_619 = arith.constant 1 : i32
          %add3A_620 = arith.addi %add3A_372, %add3A_619 : i32
          %get3A_621 = arith.index_cast %add3A_620 : i32 to index
          %get3A_622 = arith.constant 48 : index
          %get3A_623 = tpu.vector_load %arg14[%get3A_621, %get3A_622] {strides = array<i32>} : memref<208x128xf32, #tpu.memory_space<vmem>>, vector<16xf32>,
          %add3A_624 = arith.addf %get3A_618, %get3A_623 : vector<16xf32>
          %get3A_625 = arith.index_cast %add3A_372 : i32 to index
          %get3A_626 = arith.constant 64 : index
          %get3A_627 = tpu.vector_load %arg13[%get3A_625, %get3A_626] {strides = array<i32>} : memref<201x128xf32, #tpu.memory_space<vmem>>, vector<16xf32>,
          %add3A_628 = arith.constant 1 : i32
          %add3A_629 = arith.addi %add3A_372, %add3A_628 : i32
          %get3A_630 = arith.index_cast %add3A_629 : i32 to index
          %get3A_631 = arith.constant 64 : index
          %get3A_632 = tpu.vector_load %arg14[%get3A_630, %get3A_631] {strides = array<i32>} : memref<208x128xf32, #tpu.memory_space<vmem>>, vector<16xf32>,
          %add3A_633 = arith.addf %get3A_627, %get3A_632 : vector<16xf32>
          %get3A_634 = arith.index_cast %add3A_372 : i32 to index
          %get3A_635 = arith.constant 80 : index
          %get3A_636 = tpu.vector_load %arg13[%get3A_634, %get3A_635] {strides = array<i32>} : memref<201x128xf32, #tpu.memory_space<vmem>>, vector<16xf32>,
          %add3A_637 = arith.constant 1 : i32
          %add3A_638 = arith.addi %add3A_372, %add3A_637 : i32
          %get3A_639 = arith.index_cast %add3A_638 : i32 to index
          %get3A_640 = arith.constant 80 : index
          %get3A_641 = tpu.vector_load %arg14[%get3A_639, %get3A_640] {strides = array<i32>} : memref<208x128xf32, #tpu.memory_space<vmem>>, vector<16xf32>,
          %add3A_642 = arith.addf %get3A_636, %get3A_641 : vector<16xf32>
          %get3A_643 = arith.index_cast %add3A_372 : i32 to index
          %get3A_644 = arith.constant 96 : index
          %get3A_645 = tpu.vector_load %arg13[%get3A_643, %get3A_644] {strides = array<i32>} : memref<201x128xf32, #tpu.memory_space<vmem>>, vector<16xf32>,
          %add3A_646 = arith.constant 1 : i32
          %add3A_647 = arith.addi %add3A_372, %add3A_646 : i32
          %get3A_648 = arith.index_cast %add3A_647 : i32 to index
          %get3A_649 = arith.constant 96 : index
          %get3A_650 = tpu.vector_load %arg14[%get3A_648, %get3A_649] {strides = array<i32>} : memref<208x128xf32, #tpu.memory_space<vmem>>, vector<16xf32>,
          %add3A_651 = arith.addf %get3A_645, %get3A_650 : vector<16xf32>
          %get3A_652 = arith.index_cast %add3A_372 : i32 to index
          %get3A_653 = arith.constant 112 : index
          %get3A_654 = tpu.vector_load %arg13[%get3A_652, %get3A_653] {strides = array<i32>} : memref<201x128xf32, #tpu.memory_space<vmem>>, vector<16xf32>,
          %add3A_655 = arith.constant 1 : i32
          %add3A_656 = arith.addi %add3A_372, %add3A_655 : i32
          %get3A_657 = arith.index_cast %add3A_656 : i32 to index
          %get3A_658 = arith.constant 112 : index
          %get3A_659 = tpu.vector_load %arg14[%get3A_657, %get3A_658] {strides = array<i32>} : memref<208x128xf32, #tpu.memory_space<vmem>>, vector<16xf32>,
          %add3A_660 = arith.addf %get3A_654, %get3A_659 : vector<16xf32>
          %mul3A_661 = arith.mulf %add3A_381, %add3A_381 : vector<16xf32>
          %add3A_662 = arith.addf %add3A_381, %add3A_390 : vector<16xf32>
          %mul3A_663 = arith.mulf %add3A_390, %add3A_390 : vector<16xf32>
          %add3A_664 = arith.addf %mul3A_661, %mul3A_663 : vector<16xf32>
          %add3A_665 = arith.addf %add3A_662, %add3A_399 : vector<16xf32>
          %mul3A_666 = arith.mulf %add3A_399, %add3A_399 : vector<16xf32>
          %add3A_667 = arith.addf %add3A_664, %mul3A_666 : vector<16xf32>
          %add3A_668 = arith.addf %add3A_665, %add3A_408 : vector<16xf32>
          %mul3A_669 = arith.mulf %add3A_408, %add3A_408 : vector<16xf32>
          %add3A_670 = arith.addf %add3A_667, %mul3A_669 : vector<16xf32>
          %add3A_671 = arith.addf %add3A_668, %add3A_417 : vector<16xf32>
          %mul3A_672 = arith.mulf %add3A_417, %add3A_417 : vector<16xf32>
          %add3A_673 = arith.addf %add3A_670, %mul3A_672 : vector<16xf32>
          %add3A_674 = arith.addf %add3A_671, %add3A_426 : vector<16xf32>
          %mul3A_675 = arith.mulf %add3A_426, %add3A_426 : vector<16xf32>
          %add3A_676 = arith.addf %add3A_673, %mul3A_675 : vector<16xf32>
          %add3A_677 = arith.addf %add3A_674, %add3A_435 : vector<16xf32>
          %mul3A_678 = arith.mulf %add3A_435, %add3A_435 : vector<16xf32>
          %add3A_679 = arith.addf %add3A_676, %mul3A_678 : vector<16xf32>
          %add3A_680 = arith.addf %add3A_677, %add3A_444 : vector<16xf32>
          %mul3A_681 = arith.mulf %add3A_444, %add3A_444 : vector<16xf32>
          %add3A_682 = arith.addf %add3A_679, %mul3A_681 : vector<16xf32>
          %reduce_sum3A_683 = arith.constant true
          %reduce_sum3A_684 = vector.broadcast %reduce_sum3A_683 : i1 to vector<16xi1>
          %reduce_sum3A_685 = tpu.scan <sum>, %add3A_680 masked %reduce_sum3A_684 : vector<16xf32>, vector<16xi1> -> vector<16xf32>
          %reduce_sum3A_686 = vector.extract %reduce_sum3A_685[15] : f32 from vector<16xf32>
          %reduce_sum3A_687 = arith.constant true
          %reduce_sum3A_688 = vector.broadcast %reduce_sum3A_687 : i1 to vector<16xi1>
          %reduce_sum3A_689 = tpu.scan <sum>, %add3A_682 masked %reduce_sum3A_688 : vector<16xf32>, vector<16xi1> -> vector<16xf32>
          %reduce_sum3A_690 = vector.extract %reduce_sum3A_689[15] : f32 from vector<16xf32>
          %broadcast_in_dim3A_691 = vector.broadcast %reduce_sum3A_686 : f32 to vector<16xf32>
          %mul3A_692 = arith.constant 7.812500e-03 : f32
          %mul3A_693 = vector.broadcast %mul3A_692 : f32 to vector<16xf32>
          %mul3A_694 = arith.mulf %broadcast_in_dim3A_691, %mul3A_693 : vector<16xf32>
          %broadcast_in_dim3A_695 = vector.broadcast %reduce_sum3A_690 : f32 to vector<16xf32>
          %mul3A_696 = arith.constant 7.812500e-03 : f32
          %mul3A_697 = vector.broadcast %mul3A_696 : f32 to vector<16xf32>
          %mul3A_698 = arith.mulf %broadcast_in_dim3A_695, %mul3A_697 : vector<16xf32>
          %mul3A_699 = arith.mulf %mul3A_694, %mul3A_694 : vector<16xf32>
          %sub3A_700 = arith.subf %mul3A_698, %mul3A_699 : vector<16xf32>
          %max3A_701 = arith.constant 0.000000e+00 : f32
          %max3A_702 = vector.broadcast %max3A_701 : f32 to vector<16xf32>
          %max3A_703 = arith.maximumf %sub3A_700, %max3A_702 : vector<16xf32>
          %add3A_704 = arith.constant 9.99999996E-13 : f32
          %add3A_705 = vector.broadcast %add3A_704 : f32 to vector<16xf32>
          %add3A_706 = arith.addf %max3A_703, %add3A_705 : vector<16xf32>
          %bitcast3A_707 = vector.bitcast %add3A_706 : vector<16xf32> to vector<16xi32>
          %shift_right_logical3A_708 = arith.constant 1 : i32
          %shift_right_logical3A_709 = vector.broadcast %shift_right_logical3A_708 : i32 to vector<16xi32>
          %shift_right_logical3A_710 = arith.shrui %bitcast3A_707, %shift_right_logical3A_709 : vector<16xi32>
          %sub3A_711 = arith.constant 1597463007 : i32
          %sub3A_712 = vector.broadcast %sub3A_711 : i32 to vector<16xi32>
          %sub3A_713 = arith.subi %sub3A_712, %shift_right_logical3A_710 : vector<16xi32>
          %bitcast3A_714 = vector.bitcast %sub3A_713 : vector<16xi32> to vector<16xf32>
          %mul3A_715 = arith.constant 5.000000e-01 : f32
          %mul3A_716 = vector.broadcast %mul3A_715 : f32 to vector<16xf32>
          %mul3A_717 = arith.mulf %mul3A_716, %add3A_706 : vector<16xf32>
          %mul3A_718 = arith.mulf %bitcast3A_714, %bitcast3A_714 : vector<16xf32>
          %mul3A_719 = arith.mulf %mul3A_717, %mul3A_718 : vector<16xf32>
          %sub3A_720 = arith.constant 1.500000e+00 : f32
          %sub3A_721 = vector.broadcast %sub3A_720 : f32 to vector<16xf32>
          %sub3A_722 = arith.subf %sub3A_721, %mul3A_719 : vector<16xf32>
          %mul3A_723 = arith.mulf %bitcast3A_714, %sub3A_722 : vector<16xf32>
          %mul3A_724 = arith.mulf %mul3A_723, %mul3A_723 : vector<16xf32>
          %mul3A_725 = arith.mulf %mul3A_717, %mul3A_724 : vector<16xf32>
          %sub3A_726 = arith.constant 1.500000e+00 : f32
          %sub3A_727 = vector.broadcast %sub3A_726 : f32 to vector<16xf32>
          %sub3A_728 = arith.subf %sub3A_727, %mul3A_725 : vector<16xf32>
          %mul3A_729 = arith.mulf %mul3A_723, %sub3A_728 : vector<16xf32>
          %sub3A_730 = arith.subf %add3A_381, %mul3A_694 : vector<16xf32>
          %mul3A_731 = arith.mulf %sub3A_730, %mul3A_729 : vector<16xf32>
          %mul3A_732 = arith.mulf %mul3A_731, %get3A_5 : vector<16xf32>
          %add3A_733 = arith.addf %mul3A_732, %get3A_21 : vector<16xf32>
          %sub3A_734 = arith.subf %add3A_390, %mul3A_694 : vector<16xf32>
          %mul3A_735 = arith.mulf %sub3A_734, %mul3A_729 : vector<16xf32>
          %mul3A_736 = arith.mulf %mul3A_735, %get3A_7 : vector<16xf32>
          %add3A_737 = arith.addf %mul3A_736, %get3A_23 : vector<16xf32>
          %sub3A_738 = arith.subf %add3A_399, %mul3A_694 : vector<16xf32>
          %mul3A_739 = arith.mulf %sub3A_738, %mul3A_729 : vector<16xf32>
          %mul3A_740 = arith.mulf %mul3A_739, %get3A_9 : vector<16xf32>
          %add3A_741 = arith.addf %mul3A_740, %get3A_25 : vector<16xf32>
          %sub3A_742 = arith.subf %add3A_408, %mul3A_694 : vector<16xf32>
          %mul3A_743 = arith.mulf %sub3A_742, %mul3A_729 : vector<16xf32>
          %mul3A_744 = arith.mulf %mul3A_743, %get3A_11 : vector<16xf32>
          %add3A_745 = arith.addf %mul3A_744, %get3A_27 : vector<16xf32>
          %sub3A_746 = arith.subf %add3A_417, %mul3A_694 : vector<16xf32>
          %mul3A_747 = arith.mulf %sub3A_746, %mul3A_729 : vector<16xf32>
          %mul3A_748 = arith.mulf %mul3A_747, %get3A_13 : vector<16xf32>
          %add3A_749 = arith.addf %mul3A_748, %get3A_29 : vector<16xf32>
          %sub3A_750 = arith.subf %add3A_426, %mul3A_694 : vector<16xf32>
          %mul3A_751 = arith.mulf %sub3A_750, %mul3A_729 : vector<16xf32>
          %mul3A_752 = arith.mulf %mul3A_751, %get3A_15 : vector<16xf32>
          %add3A_753 = arith.addf %mul3A_752, %get3A_31 : vector<16xf32>
          %sub3A_754 = arith.subf %add3A_435, %mul3A_694 : vector<16xf32>
          %mul3A_755 = arith.mulf %sub3A_754, %mul3A_729 : vector<16xf32>
          %mul3A_756 = arith.mulf %mul3A_755, %get3A_17 : vector<16xf32>
          %add3A_757 = arith.addf %mul3A_756, %get3A_33 : vector<16xf32>
          %sub3A_758 = arith.subf %add3A_444, %mul3A_694 : vector<16xf32>
          %mul3A_759 = arith.mulf %sub3A_758, %mul3A_729 : vector<16xf32>
          %mul3A_760 = arith.mulf %mul3A_759, %get3A_19 : vector<16xf32>
          %add3A_761 = arith.addf %mul3A_760, %get3A_35 : vector<16xf32>
          %mul3A_762 = arith.mulf %add3A_453, %add3A_453 : vector<16xf32>
          %add3A_763 = arith.addf %add3A_453, %add3A_462 : vector<16xf32>
          %mul3A_764 = arith.mulf %add3A_462, %add3A_462 : vector<16xf32>
          %add3A_765 = arith.addf %mul3A_762, %mul3A_764 : vector<16xf32>
          %add3A_766 = arith.addf %add3A_763, %add3A_471 : vector<16xf32>
          %mul3A_767 = arith.mulf %add3A_471, %add3A_471 : vector<16xf32>
          %add3A_768 = arith.addf %add3A_765, %mul3A_767 : vector<16xf32>
          %add3A_769 = arith.addf %add3A_766, %add3A_480 : vector<16xf32>
          %mul3A_770 = arith.mulf %add3A_480, %add3A_480 : vector<16xf32>
          %add3A_771 = arith.addf %add3A_768, %mul3A_770 : vector<16xf32>
          %add3A_772 = arith.addf %add3A_769, %add3A_489 : vector<16xf32>
          %mul3A_773 = arith.mulf %add3A_489, %add3A_489 : vector<16xf32>
          %add3A_774 = arith.addf %add3A_771, %mul3A_773 : vector<16xf32>
          %add3A_775 = arith.addf %add3A_772, %add3A_498 : vector<16xf32>
          %mul3A_776 = arith.mulf %add3A_498, %add3A_498 : vector<16xf32>
          %add3A_777 = arith.addf %add3A_774, %mul3A_776 : vector<16xf32>
          %add3A_778 = arith.addf %add3A_775, %add3A_507 : vector<16xf32>
          %mul3A_779 = arith.mulf %add3A_507, %add3A_507 : vector<16xf32>
          %add3A_780 = arith.addf %add3A_777, %mul3A_779 : vector<16xf32>
          %add3A_781 = arith.addf %add3A_778, %add3A_516 : vector<16xf32>
          %mul3A_782 = arith.mulf %add3A_516, %add3A_516 : vector<16xf32>
          %add3A_783 = arith.addf %add3A_780, %mul3A_782 : vector<16xf32>
          %reduce_sum3A_784 = arith.constant true
          %reduce_sum3A_785 = vector.broadcast %reduce_sum3A_784 : i1 to vector<16xi1>
          %reduce_sum3A_786 = tpu.scan <sum>, %add3A_781 masked %reduce_sum3A_785 : vector<16xf32>, vector<16xi1> -> vector<16xf32>
          %reduce_sum3A_787 = vector.extract %reduce_sum3A_786[15] : f32 from vector<16xf32>
          %reduce_sum3A_788 = arith.constant true
          %reduce_sum3A_789 = vector.broadcast %reduce_sum3A_788 : i1 to vector<16xi1>
          %reduce_sum3A_790 = tpu.scan <sum>, %add3A_783 masked %reduce_sum3A_789 : vector<16xf32>, vector<16xi1> -> vector<16xf32>
          %reduce_sum3A_791 = vector.extract %reduce_sum3A_790[15] : f32 from vector<16xf32>
          %broadcast_in_dim3A_792 = vector.broadcast %reduce_sum3A_787 : f32 to vector<16xf32>
          %mul3A_793 = arith.constant 7.812500e-03 : f32
          %mul3A_794 = vector.broadcast %mul3A_793 : f32 to vector<16xf32>
          %mul3A_795 = arith.mulf %broadcast_in_dim3A_792, %mul3A_794 : vector<16xf32>
          %broadcast_in_dim3A_796 = vector.broadcast %reduce_sum3A_791 : f32 to vector<16xf32>
          %mul3A_797 = arith.constant 7.812500e-03 : f32
          %mul3A_798 = vector.broadcast %mul3A_797 : f32 to vector<16xf32>
          %mul3A_799 = arith.mulf %broadcast_in_dim3A_796, %mul3A_798 : vector<16xf32>
          %mul3A_800 = arith.mulf %mul3A_795, %mul3A_795 : vector<16xf32>
          %sub3A_801 = arith.subf %mul3A_799, %mul3A_800 : vector<16xf32>
          %max3A_802 = arith.constant 0.000000e+00 : f32
          %max3A_803 = vector.broadcast %max3A_802 : f32 to vector<16xf32>
          %max3A_804 = arith.maximumf %sub3A_801, %max3A_803 : vector<16xf32>
          %add3A_805 = arith.constant 9.99999996E-13 : f32
          %add3A_806 = vector.broadcast %add3A_805 : f32 to vector<16xf32>
          %add3A_807 = arith.addf %max3A_804, %add3A_806 : vector<16xf32>
          %bitcast3A_808 = vector.bitcast %add3A_807 : vector<16xf32> to vector<16xi32>
          %shift_right_logical3A_809 = arith.constant 1 : i32
          %shift_right_logical3A_810 = vector.broadcast %shift_right_logical3A_809 : i32 to vector<16xi32>
          %shift_right_logical3A_811 = arith.shrui %bitcast3A_808, %shift_right_logical3A_810 : vector<16xi32>
          %sub3A_812 = arith.constant 1597463007 : i32
          %sub3A_813 = vector.broadcast %sub3A_812 : i32 to vector<16xi32>
          %sub3A_814 = arith.subi %sub3A_813, %shift_right_logical3A_811 : vector<16xi32>
          %bitcast3A_815 = vector.bitcast %sub3A_814 : vector<16xi32> to vector<16xf32>
          %mul3A_816 = arith.constant 5.000000e-01 : f32
          %mul3A_817 = vector.broadcast %mul3A_816 : f32 to vector<16xf32>
          %mul3A_818 = arith.mulf %mul3A_817, %add3A_807 : vector<16xf32>
          %mul3A_819 = arith.mulf %bitcast3A_815, %bitcast3A_815 : vector<16xf32>
          %mul3A_820 = arith.mulf %mul3A_818, %mul3A_819 : vector<16xf32>
          %sub3A_821 = arith.constant 1.500000e+00 : f32
          %sub3A_822 = vector.broadcast %sub3A_821 : f32 to vector<16xf32>
          %sub3A_823 = arith.subf %sub3A_822, %mul3A_820 : vector<16xf32>
          %mul3A_824 = arith.mulf %bitcast3A_815, %sub3A_823 : vector<16xf32>
          %mul3A_825 = arith.mulf %mul3A_824, %mul3A_824 : vector<16xf32>
          %mul3A_826 = arith.mulf %mul3A_818, %mul3A_825 : vector<16xf32>
          %sub3A_827 = arith.constant 1.500000e+00 : f32
          %sub3A_828 = vector.broadcast %sub3A_827 : f32 to vector<16xf32>
          %sub3A_829 = arith.subf %sub3A_828, %mul3A_826 : vector<16xf32>
          %mul3A_830 = arith.mulf %mul3A_824, %sub3A_829 : vector<16xf32>
          %sub3A_831 = arith.subf %add3A_453, %mul3A_795 : vector<16xf32>
          %mul3A_832 = arith.mulf %sub3A_831, %mul3A_830 : vector<16xf32>
          %mul3A_833 = arith.mulf %mul3A_832, %get3A_5 : vector<16xf32>
          %add3A_834 = arith.addf %mul3A_833, %get3A_21 : vector<16xf32>
          %sub3A_835 = arith.subf %add3A_462, %mul3A_795 : vector<16xf32>
          %mul3A_836 = arith.mulf %sub3A_835, %mul3A_830 : vector<16xf32>
          %mul3A_837 = arith.mulf %mul3A_836, %get3A_7 : vector<16xf32>
          %add3A_838 = arith.addf %mul3A_837, %get3A_23 : vector<16xf32>
          %sub3A_839 = arith.subf %add3A_471, %mul3A_795 : vector<16xf32>
          %mul3A_840 = arith.mulf %sub3A_839, %mul3A_830 : vector<16xf32>
          %mul3A_841 = arith.mulf %mul3A_840, %get3A_9 : vector<16xf32>
          %add3A_842 = arith.addf %mul3A_841, %get3A_25 : vector<16xf32>
          %sub3A_843 = arith.subf %add3A_480, %mul3A_795 : vector<16xf32>
          %mul3A_844 = arith.mulf %sub3A_843, %mul3A_830 : vector<16xf32>
          %mul3A_845 = arith.mulf %mul3A_844, %get3A_11 : vector<16xf32>
          %add3A_846 = arith.addf %mul3A_845, %get3A_27 : vector<16xf32>
          %sub3A_847 = arith.subf %add3A_489, %mul3A_795 : vector<16xf32>
          %mul3A_848 = arith.mulf %sub3A_847, %mul3A_830 : vector<16xf32>
          %mul3A_849 = arith.mulf %mul3A_848, %get3A_13 : vector<16xf32>
          %add3A_850 = arith.addf %mul3A_849, %get3A_29 : vector<16xf32>
          %sub3A_851 = arith.subf %add3A_498, %mul3A_795 : vector<16xf32>
          %mul3A_852 = arith.mulf %sub3A_851, %mul3A_830 : vector<16xf32>
          %mul3A_853 = arith.mulf %mul3A_852, %get3A_15 : vector<16xf32>
          %add3A_854 = arith.addf %mul3A_853, %get3A_31 : vector<16xf32>
          %sub3A_855 = arith.subf %add3A_507, %mul3A_795 : vector<16xf32>
          %mul3A_856 = arith.mulf %sub3A_855, %mul3A_830 : vector<16xf32>
          %mul3A_857 = arith.mulf %mul3A_856, %get3A_17 : vector<16xf32>
          %add3A_858 = arith.addf %mul3A_857, %get3A_33 : vector<16xf32>
          %sub3A_859 = arith.subf %add3A_516, %mul3A_795 : vector<16xf32>
          %mul3A_860 = arith.mulf %sub3A_859, %mul3A_830 : vector<16xf32>
          %mul3A_861 = arith.mulf %mul3A_860, %get3A_19 : vector<16xf32>
          %add3A_862 = arith.addf %mul3A_861, %get3A_35 : vector<16xf32>
          %mul3A_863 = arith.mulf %add3A_525, %add3A_525 : vector<16xf32>
          %add3A_864 = arith.addf %add3A_525, %add3A_534 : vector<16xf32>
          %mul3A_865 = arith.mulf %add3A_534, %add3A_534 : vector<16xf32>
          %add3A_866 = arith.addf %mul3A_863, %mul3A_865 : vector<16xf32>
          %add3A_867 = arith.addf %add3A_864, %add3A_543 : vector<16xf32>
          %mul3A_868 = arith.mulf %add3A_543, %add3A_543 : vector<16xf32>
          %add3A_869 = arith.addf %add3A_866, %mul3A_868 : vector<16xf32>
          %add3A_870 = arith.addf %add3A_867, %add3A_552 : vector<16xf32>
          %mul3A_871 = arith.mulf %add3A_552, %add3A_552 : vector<16xf32>
          %add3A_872 = arith.addf %add3A_869, %mul3A_871 : vector<16xf32>
          %add3A_873 = arith.addf %add3A_870, %add3A_561 : vector<16xf32>
          %mul3A_874 = arith.mulf %add3A_561, %add3A_561 : vector<16xf32>
          %add3A_875 = arith.addf %add3A_872, %mul3A_874 : vector<16xf32>
          %add3A_876 = arith.addf %add3A_873, %add3A_570 : vector<16xf32>
          %mul3A_877 = arith.mulf %add3A_570, %add3A_570 : vector<16xf32>
          %add3A_878 = arith.addf %add3A_875, %mul3A_877 : vector<16xf32>
          %add3A_879 = arith.addf %add3A_876, %add3A_579 : vector<16xf32>
          %mul3A_880 = arith.mulf %add3A_579, %add3A_579 : vector<16xf32>
          %add3A_881 = arith.addf %add3A_878, %mul3A_880 : vector<16xf32>
          %add3A_882 = arith.addf %add3A_879, %add3A_588 : vector<16xf32>
          %mul3A_883 = arith.mulf %add3A_588, %add3A_588 : vector<16xf32>
          %add3A_884 = arith.addf %add3A_881, %mul3A_883 : vector<16xf32>
          %reduce_sum3A_885 = arith.constant true
          %reduce_sum3A_886 = vector.broadcast %reduce_sum3A_885 : i1 to vector<16xi1>
          %reduce_sum3A_887 = tpu.scan <sum>, %add3A_882 masked %reduce_sum3A_886 : vector<16xf32>, vector<16xi1> -> vector<16xf32>
          %reduce_sum3A_888 = vector.extract %reduce_sum3A_887[15] : f32 from vector<16xf32>
          %reduce_sum3A_889 = arith.constant true
          %reduce_sum3A_890 = vector.broadcast %reduce_sum3A_889 : i1 to vector<16xi1>
          %reduce_sum3A_891 = tpu.scan <sum>, %add3A_884 masked %reduce_sum3A_890 : vector<16xf32>, vector<16xi1> -> vector<16xf32>
          %reduce_sum3A_892 = vector.extract %reduce_sum3A_891[15] : f32 from vector<16xf32>
          %broadcast_in_dim3A_893 = vector.broadcast %reduce_sum3A_888 : f32 to vector<16xf32>
          %mul3A_894 = arith.constant 7.812500e-03 : f32
          %mul3A_895 = vector.broadcast %mul3A_894 : f32 to vector<16xf32>
          %mul3A_896 = arith.mulf %broadcast_in_dim3A_893, %mul3A_895 : vector<16xf32>
          %broadcast_in_dim3A_897 = vector.broadcast %reduce_sum3A_892 : f32 to vector<16xf32>
          %mul3A_898 = arith.constant 7.812500e-03 : f32
          %mul3A_899 = vector.broadcast %mul3A_898 : f32 to vector<16xf32>
          %mul3A_900 = arith.mulf %broadcast_in_dim3A_897, %mul3A_899 : vector<16xf32>
          %mul3A_901 = arith.mulf %mul3A_896, %mul3A_896 : vector<16xf32>
          %sub3A_902 = arith.subf %mul3A_900, %mul3A_901 : vector<16xf32>
          %max3A_903 = arith.constant 0.000000e+00 : f32
          %max3A_904 = vector.broadcast %max3A_903 : f32 to vector<16xf32>
          %max3A_905 = arith.maximumf %sub3A_902, %max3A_904 : vector<16xf32>
          %add3A_906 = arith.constant 9.99999996E-13 : f32
          %add3A_907 = vector.broadcast %add3A_906 : f32 to vector<16xf32>
          %add3A_908 = arith.addf %max3A_905, %add3A_907 : vector<16xf32>
          %bitcast3A_909 = vector.bitcast %add3A_908 : vector<16xf32> to vector<16xi32>
          %shift_right_logical3A_910 = arith.constant 1 : i32
          %shift_right_logical3A_911 = vector.broadcast %shift_right_logical3A_910 : i32 to vector<16xi32>
          %shift_right_logical3A_912 = arith.shrui %bitcast3A_909, %shift_right_logical3A_911 : vector<16xi32>
          %sub3A_913 = arith.constant 1597463007 : i32
          %sub3A_914 = vector.broadcast %sub3A_913 : i32 to vector<16xi32>
          %sub3A_915 = arith.subi %sub3A_914, %shift_right_logical3A_912 : vector<16xi32>
          %bitcast3A_916 = vector.bitcast %sub3A_915 : vector<16xi32> to vector<16xf32>
          %mul3A_917 = arith.constant 5.000000e-01 : f32
          %mul3A_918 = vector.broadcast %mul3A_917 : f32 to vector<16xf32>
          %mul3A_919 = arith.mulf %mul3A_918, %add3A_908 : vector<16xf32>
          %mul3A_920 = arith.mulf %bitcast3A_916, %bitcast3A_916 : vector<16xf32>
          %mul3A_921 = arith.mulf %mul3A_919, %mul3A_920 : vector<16xf32>
          %sub3A_922 = arith.constant 1.500000e+00 : f32
          %sub3A_923 = vector.broadcast %sub3A_922 : f32 to vector<16xf32>
          %sub3A_924 = arith.subf %sub3A_923, %mul3A_921 : vector<16xf32>
          %mul3A_925 = arith.mulf %bitcast3A_916, %sub3A_924 : vector<16xf32>
          %mul3A_926 = arith.mulf %mul3A_925, %mul3A_925 : vector<16xf32>
          %mul3A_927 = arith.mulf %mul3A_919, %mul3A_926 : vector<16xf32>
          %sub3A_928 = arith.constant 1.500000e+00 : f32
          %sub3A_929 = vector.broadcast %sub3A_928 : f32 to vector<16xf32>
          %sub3A_930 = arith.subf %sub3A_929, %mul3A_927 : vector<16xf32>
          %mul3A_931 = arith.mulf %mul3A_925, %sub3A_930 : vector<16xf32>
          %sub3A_932 = arith.subf %add3A_525, %mul3A_896 : vector<16xf32>
          %mul3A_933 = arith.mulf %sub3A_932, %mul3A_931 : vector<16xf32>
          %mul3A_934 = arith.mulf %mul3A_933, %get3A_5 : vector<16xf32>
          %add3A_935 = arith.addf %mul3A_934, %get3A_21 : vector<16xf32>
          %sub3A_936 = arith.subf %add3A_534, %mul3A_896 : vector<16xf32>
          %mul3A_937 = arith.mulf %sub3A_936, %mul3A_931 : vector<16xf32>
          %mul3A_938 = arith.mulf %mul3A_937, %get3A_7 : vector<16xf32>
          %add3A_939 = arith.addf %mul3A_938, %get3A_23 : vector<16xf32>
          %sub3A_940 = arith.subf %add3A_543, %mul3A_896 : vector<16xf32>
          %mul3A_941 = arith.mulf %sub3A_940, %mul3A_931 : vector<16xf32>
          %mul3A_942 = arith.mulf %mul3A_941, %get3A_9 : vector<16xf32>
          %add3A_943 = arith.addf %mul3A_942, %get3A_25 : vector<16xf32>
          %sub3A_944 = arith.subf %add3A_552, %mul3A_896 : vector<16xf32>
          %mul3A_945 = arith.mulf %sub3A_944, %mul3A_931 : vector<16xf32>
          %mul3A_946 = arith.mulf %mul3A_945, %get3A_11 : vector<16xf32>
          %add3A_947 = arith.addf %mul3A_946, %get3A_27 : vector<16xf32>
          %sub3A_948 = arith.subf %add3A_561, %mul3A_896 : vector<16xf32>
          %mul3A_949 = arith.mulf %sub3A_948, %mul3A_931 : vector<16xf32>
          %mul3A_950 = arith.mulf %mul3A_949, %get3A_13 : vector<16xf32>
          %add3A_951 = arith.addf %mul3A_950, %get3A_29 : vector<16xf32>
          %sub3A_952 = arith.subf %add3A_570, %mul3A_896 : vector<16xf32>
          %mul3A_953 = arith.mulf %sub3A_952, %mul3A_931 : vector<16xf32>
          %mul3A_954 = arith.mulf %mul3A_953, %get3A_15 : vector<16xf32>
          %add3A_955 = arith.addf %mul3A_954, %get3A_31 : vector<16xf32>
          %sub3A_956 = arith.subf %add3A_579, %mul3A_896 : vector<16xf32>
          %mul3A_957 = arith.mulf %sub3A_956, %mul3A_931 : vector<16xf32>
          %mul3A_958 = arith.mulf %mul3A_957, %get3A_17 : vector<16xf32>
          %add3A_959 = arith.addf %mul3A_958, %get3A_33 : vector<16xf32>
          %sub3A_960 = arith.subf %add3A_588, %mul3A_896 : vector<16xf32>
          %mul3A_961 = arith.mulf %sub3A_960, %mul3A_931 : vector<16xf32>
          %mul3A_962 = arith.mulf %mul3A_961, %get3A_19 : vector<16xf32>
          %add3A_963 = arith.addf %mul3A_962, %get3A_35 : vector<16xf32>
          %mul3A_964 = arith.mulf %add3A_597, %add3A_597 : vector<16xf32>
          %add3A_965 = arith.addf %add3A_597, %add3A_606 : vector<16xf32>
          %mul3A_966 = arith.mulf %add3A_606, %add3A_606 : vector<16xf32>
          %add3A_967 = arith.addf %mul3A_964, %mul3A_966 : vector<16xf32>
          %add3A_968 = arith.addf %add3A_965, %add3A_615 : vector<16xf32>
          %mul3A_969 = arith.mulf %add3A_615, %add3A_615 : vector<16xf32>
          %add3A_970 = arith.addf %add3A_967, %mul3A_969 : vector<16xf32>
          %add3A_971 = arith.addf %add3A_968, %add3A_624 : vector<16xf32>
          %mul3A_972 = arith.mulf %add3A_624, %add3A_624 : vector<16xf32>
          %add3A_973 = arith.addf %add3A_970, %mul3A_972 : vector<16xf32>
          %add3A_974 = arith.addf %add3A_971, %add3A_633 : vector<16xf32>
          %mul3A_975 = arith.mulf %add3A_633, %add3A_633 : vector<16xf32>
          %add3A_976 = arith.addf %add3A_973, %mul3A_975 : vector<16xf32>
          %add3A_977 = arith.addf %add3A_974, %add3A_642 : vector<16xf32>
          %mul3A_978 = arith.mulf %add3A_642, %add3A_642 : vector<16xf32>
          %add3A_979 = arith.addf %add3A_976, %mul3A_978 : vector<16xf32>
          %add3A_980 = arith.addf %add3A_977, %add3A_651 : vector<16xf32>
          %mul3A_981 = arith.mulf %add3A_651, %add3A_651 : vector<16xf32>
          %add3A_982 = arith.addf %add3A_979, %mul3A_981 : vector<16xf32>
          %add3A_983 = arith.addf %add3A_980, %add3A_660 : vector<16xf32>
          %mul3A_984 = arith.mulf %add3A_660, %add3A_660 : vector<16xf32>
          %add3A_985 = arith.addf %add3A_982, %mul3A_984 : vector<16xf32>
          %reduce_sum3A_986 = arith.constant true
          %reduce_sum3A_987 = vector.broadcast %reduce_sum3A_986 : i1 to vector<16xi1>
          %reduce_sum3A_988 = tpu.scan <sum>, %add3A_983 masked %reduce_sum3A_987 : vector<16xf32>, vector<16xi1> -> vector<16xf32>
          %reduce_sum3A_989 = vector.extract %reduce_sum3A_988[15] : f32 from vector<16xf32>
          %reduce_sum3A_990 = arith.constant true
          %reduce_sum3A_991 = vector.broadcast %reduce_sum3A_990 : i1 to vector<16xi1>
          %reduce_sum3A_992 = tpu.scan <sum>, %add3A_985 masked %reduce_sum3A_991 : vector<16xf32>, vector<16xi1> -> vector<16xf32>
          %reduce_sum3A_993 = vector.extract %reduce_sum3A_992[15] : f32 from vector<16xf32>
          %broadcast_in_dim3A_994 = vector.broadcast %reduce_sum3A_989 : f32 to vector<16xf32>
          %mul3A_995 = arith.constant 7.812500e-03 : f32
          %mul3A_996 = vector.broadcast %mul3A_995 : f32 to vector<16xf32>
          %mul3A_997 = arith.mulf %broadcast_in_dim3A_994, %mul3A_996 : vector<16xf32>
          %broadcast_in_dim3A_998 = vector.broadcast %reduce_sum3A_993 : f32 to vector<16xf32>
          %mul3A_999 = arith.constant 7.812500e-03 : f32
          %mul3A_1000 = vector.broadcast %mul3A_999 : f32 to vector<16xf32>
          %mul3A_1001 = arith.mulf %broadcast_in_dim3A_998, %mul3A_1000 : vector<16xf32>
          %mul3A_1002 = arith.mulf %mul3A_997, %mul3A_997 : vector<16xf32>
          %sub3A_1003 = arith.subf %mul3A_1001, %mul3A_1002 : vector<16xf32>
          %max3A_1004 = arith.constant 0.000000e+00 : f32
          %max3A_1005 = vector.broadcast %max3A_1004 : f32 to vector<16xf32>
          %max3A_1006 = arith.maximumf %sub3A_1003, %max3A_1005 : vector<16xf32>
          %add3A_1007 = arith.constant 9.99999996E-13 : f32
          %add3A_1008 = vector.broadcast %add3A_1007 : f32 to vector<16xf32>
          %add3A_1009 = arith.addf %max3A_1006, %add3A_1008 : vector<16xf32>
          %bitcast3A_1010 = vector.bitcast %add3A_1009 : vector<16xf32> to vector<16xi32>
          %shift_right_logical3A_1011 = arith.constant 1 : i32
          %shift_right_logical3A_1012 = vector.broadcast %shift_right_logical3A_1011 : i32 to vector<16xi32>
          %shift_right_logical3A_1013 = arith.shrui %bitcast3A_1010, %shift_right_logical3A_1012 : vector<16xi32>
          %sub3A_1014 = arith.constant 1597463007 : i32
          %sub3A_1015 = vector.broadcast %sub3A_1014 : i32 to vector<16xi32>
          %sub3A_1016 = arith.subi %sub3A_1015, %shift_right_logical3A_1013 : vector<16xi32>
          %bitcast3A_1017 = vector.bitcast %sub3A_1016 : vector<16xi32> to vector<16xf32>
          %mul3A_1018 = arith.constant 5.000000e-01 : f32
          %mul3A_1019 = vector.broadcast %mul3A_1018 : f32 to vector<16xf32>
          %mul3A_1020 = arith.mulf %mul3A_1019, %add3A_1009 : vector<16xf32>
          %mul3A_1021 = arith.mulf %bitcast3A_1017, %bitcast3A_1017 : vector<16xf32>
          %mul3A_1022 = arith.mulf %mul3A_1020, %mul3A_1021 : vector<16xf32>
          %sub3A_1023 = arith.constant 1.500000e+00 : f32
          %sub3A_1024 = vector.broadcast %sub3A_1023 : f32 to vector<16xf32>
          %sub3A_1025 = arith.subf %sub3A_1024, %mul3A_1022 : vector<16xf32>
          %mul3A_1026 = arith.mulf %bitcast3A_1017, %sub3A_1025 : vector<16xf32>
          %mul3A_1027 = arith.mulf %mul3A_1026, %mul3A_1026 : vector<16xf32>
          %mul3A_1028 = arith.mulf %mul3A_1020, %mul3A_1027 : vector<16xf32>
          %sub3A_1029 = arith.constant 1.500000e+00 : f32
          %sub3A_1030 = vector.broadcast %sub3A_1029 : f32 to vector<16xf32>
          %sub3A_1031 = arith.subf %sub3A_1030, %mul3A_1028 : vector<16xf32>
          %mul3A_1032 = arith.mulf %mul3A_1026, %sub3A_1031 : vector<16xf32>
          %sub3A_1033 = arith.subf %add3A_597, %mul3A_997 : vector<16xf32>
          %mul3A_1034 = arith.mulf %sub3A_1033, %mul3A_1032 : vector<16xf32>
          %mul3A_1035 = arith.mulf %mul3A_1034, %get3A_5 : vector<16xf32>
          %add3A_1036 = arith.addf %mul3A_1035, %get3A_21 : vector<16xf32>
          %sub3A_1037 = arith.subf %add3A_606, %mul3A_997 : vector<16xf32>
          %mul3A_1038 = arith.mulf %sub3A_1037, %mul3A_1032 : vector<16xf32>
          %mul3A_1039 = arith.mulf %mul3A_1038, %get3A_7 : vector<16xf32>
          %add3A_1040 = arith.addf %mul3A_1039, %get3A_23 : vector<16xf32>
          %sub3A_1041 = arith.subf %add3A_615, %mul3A_997 : vector<16xf32>
          %mul3A_1042 = arith.mulf %sub3A_1041, %mul3A_1032 : vector<16xf32>
          %mul3A_1043 = arith.mulf %mul3A_1042, %get3A_9 : vector<16xf32>
          %add3A_1044 = arith.addf %mul3A_1043, %get3A_25 : vector<16xf32>
          %sub3A_1045 = arith.subf %add3A_624, %mul3A_997 : vector<16xf32>
          %mul3A_1046 = arith.mulf %sub3A_1045, %mul3A_1032 : vector<16xf32>
          %mul3A_1047 = arith.mulf %mul3A_1046, %get3A_11 : vector<16xf32>
          %add3A_1048 = arith.addf %mul3A_1047, %get3A_27 : vector<16xf32>
          %sub3A_1049 = arith.subf %add3A_633, %mul3A_997 : vector<16xf32>
          %mul3A_1050 = arith.mulf %sub3A_1049, %mul3A_1032 : vector<16xf32>
          %mul3A_1051 = arith.mulf %mul3A_1050, %get3A_13 : vector<16xf32>
          %add3A_1052 = arith.addf %mul3A_1051, %get3A_29 : vector<16xf32>
          %sub3A_1053 = arith.subf %add3A_642, %mul3A_997 : vector<16xf32>
          %mul3A_1054 = arith.mulf %sub3A_1053, %mul3A_1032 : vector<16xf32>
          %mul3A_1055 = arith.mulf %mul3A_1054, %get3A_15 : vector<16xf32>
          %add3A_1056 = arith.addf %mul3A_1055, %get3A_31 : vector<16xf32>
          %sub3A_1057 = arith.subf %add3A_651, %mul3A_997 : vector<16xf32>
          %mul3A_1058 = arith.mulf %sub3A_1057, %mul3A_1032 : vector<16xf32>
          %mul3A_1059 = arith.mulf %mul3A_1058, %get3A_17 : vector<16xf32>
          %add3A_1060 = arith.addf %mul3A_1059, %get3A_33 : vector<16xf32>
          %sub3A_1061 = arith.subf %add3A_660, %mul3A_997 : vector<16xf32>
          %mul3A_1062 = arith.mulf %sub3A_1061, %mul3A_1032 : vector<16xf32>
          %mul3A_1063 = arith.mulf %mul3A_1062, %get3A_19 : vector<16xf32>
          %add3A_1064 = arith.addf %mul3A_1063, %get3A_35 : vector<16xf32>
          %swap3A_1065 = arith.index_cast %add3A_360 : i32 to index
          %swap3A_1066 = arith.constant 0 : index
          %swap3A_1067 = tpu.vector_load %arg13[%swap3A_1065, %swap3A_1066] {strides = array<i32>} : memref<201x128xf32, #tpu.memory_space<vmem>>, vector<16xf32>,
          tpu.vector_store %arg13[%swap3A_1065, %swap3A_1066], %add3A_733 {strides = array<i32>} : memref<201x128xf32, #tpu.memory_space<vmem>>, vector<16xf32>,
          %swap3A_1068 = arith.index_cast %add3A_360 : i32 to index
          %swap3A_1069 = arith.constant 16 : index
          %swap3A_1070 = tpu.vector_load %arg13[%swap3A_1068, %swap3A_1069] {strides = array<i32>} : memref<201x128xf32, #tpu.memory_space<vmem>>, vector<16xf32>,
          tpu.vector_store %arg13[%swap3A_1068, %swap3A_1069], %add3A_737 {strides = array<i32>} : memref<201x128xf32, #tpu.memory_space<vmem>>, vector<16xf32>,
          %swap3A_1071 = arith.index_cast %add3A_360 : i32 to index
          %swap3A_1072 = arith.constant 32 : index
          %swap3A_1073 = tpu.vector_load %arg13[%swap3A_1071, %swap3A_1072] {strides = array<i32>} : memref<201x128xf32, #tpu.memory_space<vmem>>, vector<16xf32>,
          tpu.vector_store %arg13[%swap3A_1071, %swap3A_1072], %add3A_741 {strides = array<i32>} : memref<201x128xf32, #tpu.memory_space<vmem>>, vector<16xf32>,
          %swap3A_1074 = arith.index_cast %add3A_360 : i32 to index
          %swap3A_1075 = arith.constant 48 : index
          %swap3A_1076 = tpu.vector_load %arg13[%swap3A_1074, %swap3A_1075] {strides = array<i32>} : memref<201x128xf32, #tpu.memory_space<vmem>>, vector<16xf32>,
          tpu.vector_store %arg13[%swap3A_1074, %swap3A_1075], %add3A_745 {strides = array<i32>} : memref<201x128xf32, #tpu.memory_space<vmem>>, vector<16xf32>,
          %swap3A_1077 = arith.index_cast %add3A_360 : i32 to index
          %swap3A_1078 = arith.constant 64 : index
          %swap3A_1079 = tpu.vector_load %arg13[%swap3A_1077, %swap3A_1078] {strides = array<i32>} : memref<201x128xf32, #tpu.memory_space<vmem>>, vector<16xf32>,
          tpu.vector_store %arg13[%swap3A_1077, %swap3A_1078], %add3A_749 {strides = array<i32>} : memref<201x128xf32, #tpu.memory_space<vmem>>, vector<16xf32>,
          %swap3A_1080 = arith.index_cast %add3A_360 : i32 to index
          %swap3A_1081 = arith.constant 80 : index
          %swap3A_1082 = tpu.vector_load %arg13[%swap3A_1080, %swap3A_1081] {strides = array<i32>} : memref<201x128xf32, #tpu.memory_space<vmem>>, vector<16xf32>,
          tpu.vector_store %arg13[%swap3A_1080, %swap3A_1081], %add3A_753 {strides = array<i32>} : memref<201x128xf32, #tpu.memory_space<vmem>>, vector<16xf32>,
          %swap3A_1083 = arith.index_cast %add3A_360 : i32 to index
          %swap3A_1084 = arith.constant 96 : index
          %swap3A_1085 = tpu.vector_load %arg13[%swap3A_1083, %swap3A_1084] {strides = array<i32>} : memref<201x128xf32, #tpu.memory_space<vmem>>, vector<16xf32>,
          tpu.vector_store %arg13[%swap3A_1083, %swap3A_1084], %add3A_757 {strides = array<i32>} : memref<201x128xf32, #tpu.memory_space<vmem>>, vector<16xf32>,
          %swap3A_1086 = arith.index_cast %add3A_360 : i32 to index
          %swap3A_1087 = arith.constant 112 : index
          %swap3A_1088 = tpu.vector_load %arg13[%swap3A_1086, %swap3A_1087] {strides = array<i32>} : memref<201x128xf32, #tpu.memory_space<vmem>>, vector<16xf32>,
          tpu.vector_store %arg13[%swap3A_1086, %swap3A_1087], %add3A_761 {strides = array<i32>} : memref<201x128xf32, #tpu.memory_space<vmem>>, vector<16xf32>,
          %swap3A_1089 = arith.index_cast %add3A_364 : i32 to index
          %swap3A_1090 = arith.constant 0 : index
          %swap3A_1091 = tpu.vector_load %arg13[%swap3A_1089, %swap3A_1090] {strides = array<i32>} : memref<201x128xf32, #tpu.memory_space<vmem>>, vector<16xf32>,
          tpu.vector_store %arg13[%swap3A_1089, %swap3A_1090], %add3A_834 {strides = array<i32>} : memref<201x128xf32, #tpu.memory_space<vmem>>, vector<16xf32>,
          %swap3A_1092 = arith.index_cast %add3A_364 : i32 to index
          %swap3A_1093 = arith.constant 16 : index
          %swap3A_1094 = tpu.vector_load %arg13[%swap3A_1092, %swap3A_1093] {strides = array<i32>} : memref<201x128xf32, #tpu.memory_space<vmem>>, vector<16xf32>,
          tpu.vector_store %arg13[%swap3A_1092, %swap3A_1093], %add3A_838 {strides = array<i32>} : memref<201x128xf32, #tpu.memory_space<vmem>>, vector<16xf32>,
          %swap3A_1095 = arith.index_cast %add3A_364 : i32 to index
          %swap3A_1096 = arith.constant 32 : index
          %swap3A_1097 = tpu.vector_load %arg13[%swap3A_1095, %swap3A_1096] {strides = array<i32>} : memref<201x128xf32, #tpu.memory_space<vmem>>, vector<16xf32>,
          tpu.vector_store %arg13[%swap3A_1095, %swap3A_1096], %add3A_842 {strides = array<i32>} : memref<201x128xf32, #tpu.memory_space<vmem>>, vector<16xf32>,
          %swap3A_1098 = arith.index_cast %add3A_364 : i32 to index
          %swap3A_1099 = arith.constant 48 : index
          %swap3A_1100 = tpu.vector_load %arg13[%swap3A_1098, %swap3A_1099] {strides = array<i32>} : memref<201x128xf32, #tpu.memory_space<vmem>>, vector<16xf32>,
          tpu.vector_store %arg13[%swap3A_1098, %swap3A_1099], %add3A_846 {strides = array<i32>} : memref<201x128xf32, #tpu.memory_space<vmem>>, vector<16xf32>,
          %swap3A_1101 = arith.index_cast %add3A_364 : i32 to index
          %swap3A_1102 = arith.constant 64 : index
          %swap3A_1103 = tpu.vector_load %arg13[%swap3A_1101, %swap3A_1102] {strides = array<i32>} : memref<201x128xf32, #tpu.memory_space<vmem>>, vector<16xf32>,
          tpu.vector_store %arg13[%swap3A_1101, %swap3A_1102], %add3A_850 {strides = array<i32>} : memref<201x128xf32, #tpu.memory_space<vmem>>, vector<16xf32>,
          %swap3A_1104 = arith.index_cast %add3A_364 : i32 to index
          %swap3A_1105 = arith.constant 80 : index
          %swap3A_1106 = tpu.vector_load %arg13[%swap3A_1104, %swap3A_1105] {strides = array<i32>} : memref<201x128xf32, #tpu.memory_space<vmem>>, vector<16xf32>,
          tpu.vector_store %arg13[%swap3A_1104, %swap3A_1105], %add3A_854 {strides = array<i32>} : memref<201x128xf32, #tpu.memory_space<vmem>>, vector<16xf32>,
          %swap3A_1107 = arith.index_cast %add3A_364 : i32 to index
          %swap3A_1108 = arith.constant 96 : index
          %swap3A_1109 = tpu.vector_load %arg13[%swap3A_1107, %swap3A_1108] {strides = array<i32>} : memref<201x128xf32, #tpu.memory_space<vmem>>, vector<16xf32>,
          tpu.vector_store %arg13[%swap3A_1107, %swap3A_1108], %add3A_858 {strides = array<i32>} : memref<201x128xf32, #tpu.memory_space<vmem>>, vector<16xf32>,
          %swap3A_1110 = arith.index_cast %add3A_364 : i32 to index
          %swap3A_1111 = arith.constant 112 : index
          %swap3A_1112 = tpu.vector_load %arg13[%swap3A_1110, %swap3A_1111] {strides = array<i32>} : memref<201x128xf32, #tpu.memory_space<vmem>>, vector<16xf32>,
          tpu.vector_store %arg13[%swap3A_1110, %swap3A_1111], %add3A_862 {strides = array<i32>} : memref<201x128xf32, #tpu.memory_space<vmem>>, vector<16xf32>,
          %swap3A_1113 = arith.index_cast %add3A_368 : i32 to index
          %swap3A_1114 = arith.constant 0 : index
          %swap3A_1115 = tpu.vector_load %arg13[%swap3A_1113, %swap3A_1114] {strides = array<i32>} : memref<201x128xf32, #tpu.memory_space<vmem>>, vector<16xf32>,
          tpu.vector_store %arg13[%swap3A_1113, %swap3A_1114], %add3A_935 {strides = array<i32>} : memref<201x128xf32, #tpu.memory_space<vmem>>, vector<16xf32>,
          %swap3A_1116 = arith.index_cast %add3A_368 : i32 to index
          %swap3A_1117 = arith.constant 16 : index
          %swap3A_1118 = tpu.vector_load %arg13[%swap3A_1116, %swap3A_1117] {strides = array<i32>} : memref<201x128xf32, #tpu.memory_space<vmem>>, vector<16xf32>,
          tpu.vector_store %arg13[%swap3A_1116, %swap3A_1117], %add3A_939 {strides = array<i32>} : memref<201x128xf32, #tpu.memory_space<vmem>>, vector<16xf32>,
          %swap3A_1119 = arith.index_cast %add3A_368 : i32 to index
          %swap3A_1120 = arith.constant 32 : index
          %swap3A_1121 = tpu.vector_load %arg13[%swap3A_1119, %swap3A_1120] {strides = array<i32>} : memref<201x128xf32, #tpu.memory_space<vmem>>, vector<16xf32>,
          tpu.vector_store %arg13[%swap3A_1119, %swap3A_1120], %add3A_943 {strides = array<i32>} : memref<201x128xf32, #tpu.memory_space<vmem>>, vector<16xf32>,
          %swap3A_1122 = arith.index_cast %add3A_368 : i32 to index
          %swap3A_1123 = arith.constant 48 : index
          %swap3A_1124 = tpu.vector_load %arg13[%swap3A_1122, %swap3A_1123] {strides = array<i32>} : memref<201x128xf32, #tpu.memory_space<vmem>>, vector<16xf32>,
          tpu.vector_store %arg13[%swap3A_1122, %swap3A_1123], %add3A_947 {strides = array<i32>} : memref<201x128xf32, #tpu.memory_space<vmem>>, vector<16xf32>,
          %swap3A_1125 = arith.index_cast %add3A_368 : i32 to index
          %swap3A_1126 = arith.constant 64 : index
          %swap3A_1127 = tpu.vector_load %arg13[%swap3A_1125, %swap3A_1126] {strides = array<i32>} : memref<201x128xf32, #tpu.memory_space<vmem>>, vector<16xf32>,
          tpu.vector_store %arg13[%swap3A_1125, %swap3A_1126], %add3A_951 {strides = array<i32>} : memref<201x128xf32, #tpu.memory_space<vmem>>, vector<16xf32>,
          %swap3A_1128 = arith.index_cast %add3A_368 : i32 to index
          %swap3A_1129 = arith.constant 80 : index
          %swap3A_1130 = tpu.vector_load %arg13[%swap3A_1128, %swap3A_1129] {strides = array<i32>} : memref<201x128xf32, #tpu.memory_space<vmem>>, vector<16xf32>,
          tpu.vector_store %arg13[%swap3A_1128, %swap3A_1129], %add3A_955 {strides = array<i32>} : memref<201x128xf32, #tpu.memory_space<vmem>>, vector<16xf32>,
          %swap3A_1131 = arith.index_cast %add3A_368 : i32 to index
          %swap3A_1132 = arith.constant 96 : index
          %swap3A_1133 = tpu.vector_load %arg13[%swap3A_1131, %swap3A_1132] {strides = array<i32>} : memref<201x128xf32, #tpu.memory_space<vmem>>, vector<16xf32>,
          tpu.vector_store %arg13[%swap3A_1131, %swap3A_1132], %add3A_959 {strides = array<i32>} : memref<201x128xf32, #tpu.memory_space<vmem>>, vector<16xf32>,
          %swap3A_1134 = arith.index_cast %add3A_368 : i32 to index
          %swap3A_1135 = arith.constant 112 : index
          %swap3A_1136 = tpu.vector_load %arg13[%swap3A_1134, %swap3A_1135] {strides = array<i32>} : memref<201x128xf32, #tpu.memory_space<vmem>>, vector<16xf32>,
          tpu.vector_store %arg13[%swap3A_1134, %swap3A_1135], %add3A_963 {strides = array<i32>} : memref<201x128xf32, #tpu.memory_space<vmem>>, vector<16xf32>,
          %swap3A_1137 = arith.index_cast %add3A_372 : i32 to index
          %swap3A_1138 = arith.constant 0 : index
          %swap3A_1139 = tpu.vector_load %arg13[%swap3A_1137, %swap3A_1138] {strides = array<i32>} : memref<201x128xf32, #tpu.memory_space<vmem>>, vector<16xf32>,
          tpu.vector_store %arg13[%swap3A_1137, %swap3A_1138], %add3A_1036 {strides = array<i32>} : memref<201x128xf32, #tpu.memory_space<vmem>>, vector<16xf32>,
          %swap3A_1140 = arith.index_cast %add3A_372 : i32 to index
          %swap3A_1141 = arith.constant 16 : index
          %swap3A_1142 = tpu.vector_load %arg13[%swap3A_1140, %swap3A_1141] {strides = array<i32>} : memref<201x128xf32, #tpu.memory_space<vmem>>, vector<16xf32>,
          tpu.vector_store %arg13[%swap3A_1140, %swap3A_1141], %add3A_1040 {strides = array<i32>} : memref<201x128xf32, #tpu.memory_space<vmem>>, vector<16xf32>,
          %swap3A_1143 = arith.index_cast %add3A_372 : i32 to index
          %swap3A_1144 = arith.constant 32 : index
          %swap3A_1145 = tpu.vector_load %arg13[%swap3A_1143, %swap3A_1144] {strides = array<i32>} : memref<201x128xf32, #tpu.memory_space<vmem>>, vector<16xf32>,
          tpu.vector_store %arg13[%swap3A_1143, %swap3A_1144], %add3A_1044 {strides = array<i32>} : memref<201x128xf32, #tpu.memory_space<vmem>>, vector<16xf32>,
          %swap3A_1146 = arith.index_cast %add3A_372 : i32 to index
          %swap3A_1147 = arith.constant 48 : index
          %swap3A_1148 = tpu.vector_load %arg13[%swap3A_1146, %swap3A_1147] {strides = array<i32>} : memref<201x128xf32, #tpu.memory_space<vmem>>, vector<16xf32>,
          tpu.vector_store %arg13[%swap3A_1146, %swap3A_1147], %add3A_1048 {strides = array<i32>} : memref<201x128xf32, #tpu.memory_space<vmem>>, vector<16xf32>,
          %swap3A_1149 = arith.index_cast %add3A_372 : i32 to index
          %swap3A_1150 = arith.constant 64 : index
          %swap3A_1151 = tpu.vector_load %arg13[%swap3A_1149, %swap3A_1150] {strides = array<i32>} : memref<201x128xf32, #tpu.memory_space<vmem>>, vector<16xf32>,
          tpu.vector_store %arg13[%swap3A_1149, %swap3A_1150], %add3A_1052 {strides = array<i32>} : memref<201x128xf32, #tpu.memory_space<vmem>>, vector<16xf32>,
          %swap3A_1152 = arith.index_cast %add3A_372 : i32 to index
          %swap3A_1153 = arith.constant 80 : index
          %swap3A_1154 = tpu.vector_load %arg13[%swap3A_1152, %swap3A_1153] {strides = array<i32>} : memref<201x128xf32, #tpu.memory_space<vmem>>, vector<16xf32>,
          tpu.vector_store %arg13[%swap3A_1152, %swap3A_1153], %add3A_1056 {strides = array<i32>} : memref<201x128xf32, #tpu.memory_space<vmem>>, vector<16xf32>,
          %swap3A_1155 = arith.index_cast %add3A_372 : i32 to index
          %swap3A_1156 = arith.constant 96 : index
          %swap3A_1157 = tpu.vector_load %arg13[%swap3A_1155, %swap3A_1156] {strides = array<i32>} : memref<201x128xf32, #tpu.memory_space<vmem>>, vector<16xf32>,
          tpu.vector_store %arg13[%swap3A_1155, %swap3A_1156], %add3A_1060 {strides = array<i32>} : memref<201x128xf32, #tpu.memory_space<vmem>>, vector<16xf32>,
          %swap3A_1158 = arith.index_cast %add3A_372 : i32 to index
          %swap3A_1159 = arith.constant 112 : index
          %swap3A_1160 = tpu.vector_load %arg13[%swap3A_1158, %swap3A_1159] {strides = array<i32>} : memref<201x128xf32, #tpu.memory_space<vmem>>, vector<16xf32>,
          tpu.vector_store %arg13[%swap3A_1158, %swap3A_1159], %add3A_1064 {strides = array<i32>} : memref<201x128xf32, #tpu.memory_space<vmem>>, vector<16xf32>,
        }
        %scan3A_339 = arith.constant 50 : i32
        %add3A_340 = arith.addi %mul3A_2, %add3A_125 : i32
        %dma_start3A_341 = arith.constant 0 : i32
        %dma_start3A_342 = arith.constant 0 : i32
        %dma_start3A_343 = tpu.memref_slice %arg8[%add3A_340, %dma_start3A_341, %dma_start3A_342] : memref<1024x201x128xf32, #tpu.memory_space<hbm>> -> memref<1x201x128xf32, #tpu.memory_space<hbm>>
        %dma_start3A_344 = tpu.memref_squeeze %dma_start3A_343 : memref<1x201x128xf32, #tpu.memory_space<hbm>> -> memref<201x128xf32, #tpu.memory_space<hbm>>
        %dma_start3A_345 = arith.constant 0 : i32
        %dma_start3A_346 = arith.constant 0 : i32
        %dma_start3A_347 = tpu.memref_slice %arg8[%add3A_340, %dma_start3A_345, %dma_start3A_346] : memref<1024x201x128xf32, #tpu.memory_space<hbm>> -> memref<1x201x128xf32, #tpu.memory_space<hbm>>
        %dma_start3A_348 = tpu.memref_squeeze %dma_start3A_347 : memref<1x201x128xf32, #tpu.memory_space<hbm>> -> memref<201x128xf32, #tpu.memory_space<hbm>>
        tpu.enqueue_dma source(%arg13 : memref<201x128xf32, #tpu.memory_space<vmem>>) target(%dma_start3A_348 : memref<201x128xf32, #tpu.memory_space<hbm>>) target_semaphore(%arg22 : memref<!tpu.dma_semaphore, #tpu.memory_space<semaphore_mem>>)
        %add3A_349 = arith.constant 2 : i32
        %add3A_350 = arith.addi %add3A_125, %add3A_349 : i32
        %lt3A_351 = arith.constant 32 : i32
        %lt3A_352 = arith.cmpi slt, %add3A_350, %lt3A_351 : i32
        %convert_element_type3A_353 = arith.extui %lt3A_352 : i1 to i32
        %cond3A_354 = arith.constant 0 : i32
        %cond3A_355 = arith.cmpi ne, %convert_element_type3A_353, %cond3A_354 : i32
        scf.if %cond3A_355 {
          %ge3A = arith.constant 1 : i32
          %ge3A_356 = arith.cmpi sge, %add3A_125, %ge3A : i32
          %convert_element_type3A_357 = arith.extui %ge3A_356 : i1 to i32
          %cond3A_358 = arith.constant 0 : i32
          %cond3A_359 = arith.cmpi ne, %convert_element_type3A_357, %cond3A_358 : i32
          scf.if %cond3A_359 {
            %add3A_382 = arith.addi %mul3A_2, %add3A_125 : i32
            %sub3A_383 = arith.constant 1 : i32
            %sub3A_384 = arith.subi %add3A_382, %sub3A_383 : i32
            %dma_wait3A_385 = arith.constant 0 : i32
            %dma_wait3A_386 = arith.constant 0 : i32
            %dma_wait3A_387 = tpu.memref_slice %arg8[%sub3A_384, %dma_wait3A_385, %dma_wait3A_386] : memref<1024x201x128xf32, #tpu.memory_space<hbm>> -> memref<1x201x128xf32, #tpu.memory_space<hbm>>
            %dma_wait3A_388 = tpu.memref_squeeze %dma_wait3A_387 : memref<1x201x128xf32, #tpu.memory_space<hbm>> -> memref<201x128xf32, #tpu.memory_space<hbm>>
            %dma_wait3A_389 = arith.constant 0 : i32
            %dma_wait3A_390 = arith.constant 0 : i32
            %dma_wait3A_391 = tpu.memref_slice %arg8[%sub3A_384, %dma_wait3A_389, %dma_wait3A_390] : memref<1024x201x128xf32, #tpu.memory_space<hbm>> -> memref<1x201x128xf32, #tpu.memory_space<hbm>>
            %dma_wait3A_392 = tpu.memref_squeeze %dma_wait3A_391 : memref<1x201x128xf32, #tpu.memory_space<hbm>> -> memref<201x128xf32, #tpu.memory_space<hbm>>
            tpu.wait_dma2 semaphore(%arg21 : memref<!tpu.dma_semaphore, #tpu.memory_space<semaphore_mem>>) src(%arg12 : memref<201x128xf32, #tpu.memory_space<vmem>>) dst(%dma_wait3A_392 : memref<201x128xf32, #tpu.memory_space<hbm>>)
          } else {
          }
          %add3A_360 = arith.constant 2 : i32
          %add3A_361 = arith.addi %add3A_125, %add3A_360 : i32
          %mul3A_362 = arith.constant 200 : i32
          %mul3A_363 = arith.muli %add3A_361, %mul3A_362 : i32
          %dma_start3A_364 = arith.constant 1 : i32
          %dma_start3A_365 = arith.constant 0 : i32
          %dma_start3A_366 = tpu.memref_slice %arg12[%dma_start3A_364, %dma_start3A_365] : memref<201x128xf32, #tpu.memory_space<vmem>> -> memref<104x128xf32, #tpu.memory_space<vmem>>
          %dma_start3A_367 = tpu.memref_slice %arg9[%mul3A_363] : memref<6400xi32, #tpu.memory_space<vmem>> -> memref<104xi32, #tpu.memory_space<vmem>>
          %dma_start3A_368 = arith.constant 0 : i32
          %dma_start3A_369 = arith.constant 0 : i32
          %dma_start3A_370 = tpu.memref_slice %arg4[%dma_start3A_368, %dma_start3A_369] : memref<100000x128xf32, #tpu.memory_space<hbm>> -> memref<100000x128xf32, #tpu.memory_space<hbm>>
          tpu.enqueue_indirect_dma source(%dma_start3A_370 : memref<100000x128xf32, #tpu.memory_space<hbm>>) target(%dma_start3A_366 : memref<104x128xf32, #tpu.memory_space<vmem>>) offsets(%dma_start3A_367 : memref<104xi32, #tpu.memory_space<vmem>>) semaphore(%arg18 : memref<!tpu.dma_semaphore, #tpu.memory_space<semaphore_mem>>)
          %mul3A_371 = arith.constant 200 : i32
          %mul3A_372 = arith.muli %add3A_361, %mul3A_371 : i32
          %add3A_373 = arith.constant 104 : i32
          %add3A_374 = arith.addi %mul3A_372, %add3A_373 : i32
          %dma_start3A_375 = arith.constant 105 : i32
          %dma_start3A_376 = arith.constant 0 : i32
          %dma_start3A_377 = tpu.memref_slice %arg12[%dma_start3A_375, %dma_start3A_376] : memref<201x128xf32, #tpu.memory_space<vmem>> -> memref<96x128xf32, #tpu.memory_space<vmem>>
          %dma_start3A_378 = tpu.memref_slice %arg9[%add3A_374] : memref<6400xi32, #tpu.memory_space<vmem>> -> memref<96xi32, #tpu.memory_space<vmem>>
          %dma_start3A_379 = arith.constant 0 : i32
          %dma_start3A_380 = arith.constant 0 : i32
          %dma_start3A_381 = tpu.memref_slice %arg4[%dma_start3A_379, %dma_start3A_380] : memref<100000x128xf32, #tpu.memory_space<hbm>> -> memref<100000x128xf32, #tpu.memory_space<hbm>>
          tpu.enqueue_indirect_dma source(%dma_start3A_381 : memref<100000x128xf32, #tpu.memory_space<hbm>>) target(%dma_start3A_377 : memref<96x128xf32, #tpu.memory_space<vmem>>) offsets(%dma_start3A_378 : memref<96xi32, #tpu.memory_space<vmem>>) semaphore(%arg18 : memref<!tpu.dma_semaphore, #tpu.memory_space<semaphore_mem>>)
        } else {
        }
      } else {
      }
    }
    %scan3A_71 = arith.constant 11 : i32
    %add3A_72 = arith.constant 32 : i32
    %add3A_73 = arith.addi %mul3A_2, %add3A_72 : i32
    %sub3A = arith.constant 3 : i32
    %sub3A_74 = arith.subi %add3A_73, %sub3A : i32
    %dma_wait3A = arith.constant 0 : i32
    %dma_wait3A_75 = arith.constant 0 : i32
    %dma_wait3A_76 = tpu.memref_slice %arg8[%sub3A_74, %dma_wait3A, %dma_wait3A_75] : memref<1024x201x128xf32, #tpu.memory_space<hbm>> -> memref<1x201x128xf32, #tpu.memory_space<hbm>>
    %dma_wait3A_77 = tpu.memref_squeeze %dma_wait3A_76 : memref<1x201x128xf32, #tpu.memory_space<hbm>> -> memref<201x128xf32, #tpu.memory_space<hbm>>
    %dma_wait3A_78 = arith.constant 0 : i32
    %dma_wait3A_79 = arith.constant 0 : i32
    %dma_wait3A_80 = tpu.memref_slice %arg8[%sub3A_74, %dma_wait3A_78, %dma_wait3A_79] : memref<1024x201x128xf32, #tpu.memory_space<hbm>> -> memref<1x201x128xf32, #tpu.memory_space<hbm>>
    %dma_wait3A_81 = tpu.memref_squeeze %dma_wait3A_80 : memref<1x201x128xf32, #tpu.memory_space<hbm>> -> memref<201x128xf32, #tpu.memory_space<hbm>>
    tpu.wait_dma2 semaphore(%arg22 : memref<!tpu.dma_semaphore, #tpu.memory_space<semaphore_mem>>) src(%arg13 : memref<201x128xf32, #tpu.memory_space<vmem>>) dst(%dma_wait3A_81 : memref<201x128xf32, #tpu.memory_space<hbm>>)
    %add3A_82 = arith.constant 32 : i32
    %add3A_83 = arith.addi %mul3A_2, %add3A_82 : i32
    %sub3A_84 = arith.constant 2 : i32
    %sub3A_85 = arith.subi %add3A_83, %sub3A_84 : i32
    %dma_wait3A_86 = arith.constant 0 : i32
    %dma_wait3A_87 = arith.constant 0 : i32
    %dma_wait3A_88 = tpu.memref_slice %arg8[%sub3A_85, %dma_wait3A_86, %dma_wait3A_87] : memref<1024x201x128xf32, #tpu.memory_space<hbm>> -> memref<1x201x128xf32, #tpu.memory_space<hbm>>
    %dma_wait3A_89 = tpu.memref_squeeze %dma_wait3A_88 : memref<1x201x128xf32, #tpu.memory_space<hbm>> -> memref<201x128xf32, #tpu.memory_space<hbm>>
    %dma_wait3A_90 = arith.constant 0 : i32
    %dma_wait3A_91 = arith.constant 0 : i32
    %dma_wait3A_92 = tpu.memref_slice %arg8[%sub3A_85, %dma_wait3A_90, %dma_wait3A_91] : memref<1024x201x128xf32, #tpu.memory_space<hbm>> -> memref<1x201x128xf32, #tpu.memory_space<hbm>>
    %dma_wait3A_93 = tpu.memref_squeeze %dma_wait3A_92 : memref<1x201x128xf32, #tpu.memory_space<hbm>> -> memref<201x128xf32, #tpu.memory_space<hbm>>
    tpu.wait_dma2 semaphore(%arg20 : memref<!tpu.dma_semaphore, #tpu.memory_space<semaphore_mem>>) src(%arg11 : memref<201x128xf32, #tpu.memory_space<vmem>>) dst(%dma_wait3A_93 : memref<201x128xf32, #tpu.memory_space<hbm>>)
    %add3A_94 = arith.constant 32 : i32
    %add3A_95 = arith.addi %mul3A_2, %add3A_94 : i32
    %sub3A_96 = arith.constant 1 : i32
    %sub3A_97 = arith.subi %add3A_95, %sub3A_96 : i32
    %dma_wait3A_98 = arith.constant 0 : i32
    %dma_wait3A_99 = arith.constant 0 : i32
    %dma_wait3A_100 = tpu.memref_slice %arg8[%sub3A_97, %dma_wait3A_98, %dma_wait3A_99] : memref<1024x201x128xf32, #tpu.memory_space<hbm>> -> memref<1x201x128xf32, #tpu.memory_space<hbm>>
    %dma_wait3A_101 = tpu.memref_squeeze %dma_wait3A_100 : memref<1x201x128xf32, #tpu.memory_space<hbm>> -> memref<201x128xf32, #tpu.memory_space<hbm>>
    %dma_wait3A_102 = arith.constant 0 : i32
    %dma_wait3A_103 = arith.constant 0 : i32
    %dma_wait3A_104 = tpu.memref_slice %arg8[%sub3A_97, %dma_wait3A_102, %dma_wait3A_103] : memref<1024x201x128xf32, #tpu.memory_space<hbm>> -> memref<1x201x128xf32, #tpu.memory_space<hbm>>
    %dma_wait3A_105 = tpu.memref_squeeze %dma_wait3A_104 : memref<1x201x128xf32, #tpu.memory_space<hbm>> -> memref<201x128xf32, #tpu.memory_space<hbm>>
    tpu.wait_dma2 semaphore(%arg21 : memref<!tpu.dma_semaphore, #tpu.memory_space<semaphore_mem>>) src(%arg12 : memref<201x128xf32, #tpu.memory_space<vmem>>) dst(%dma_wait3A_105 : memref<201x128xf32, #tpu.memory_space<hbm>>)
    return
  }
}

</mosaic_0001>

<sc_bundles>
// kernel: kernel.3.cloned.1.call-start
scs
__scs_entry_jumppad:
0x0: {  	(pc) =	sbr.rel $0x88, $3  }
0x1: {  	(tag) =	ssettag $0x0;
	lr =	simm.s32 $0x1  }
0x2: {  	[smem:$0x3F9B] =	sst lr;
	_ =	strace $0xD0000000  }
0x3: {  	_ = 	snop  }
0x4: {  	_ = 	snop  }
0x5: {  	_ = 	snop  }
0x6: {  	_ = 	snop  }
0x7: {  	_ = 	snop  }
__scs_overlays_trampoline_lowered:
0x8: {  	[smem:$0x3FAA] =	sst s0  }
0x9: {  	[smem:$0x3FAB] =	sst s1  }
0xa: {  	[smem:$0x3FAC] =	sst s2  }
0xb: {  	[smem:$0x3FAD] =	sst s3  }
0xc: {  	[smem:$0x3FAE] =	sst s4  }
0xd: {  	[smem:$0x3FAF] =	sst s5  }
0xe: {  	[smem:$0x3FB0] =	sst s6  }
0xf: {  	[smem:$0x3FB1] =	sst s7  }
0x10: {  	[smem:$0x3FB2] =	sst s8  }
0x11: {  	[smem:$0x3FB3] =	sst s9;
	s0 =	simm.s32 @!p0 $0x0  }
0x12: {  	s1 =	sld [smem:$0x3F99];
	s0 =	simm.s32 @p0 $0x1  }
0x13: {  	[smem:$0x3FB4] =	sst s0;
	s0 =	simm.s32 @!p1 $0x0  }
0x14: {  	s2 =	sld [smem:$0x3F98];
	s0 =	simm.s32 @p1 $0x1  }
0x15: {  	[smem:$0x3FB5] =	sst s0;
	s0 =	simm.s32 @!p2 $0x0  }
0x16: {  	s3 =	sld [smem:$0x3FDB];
	s0 =	simm.s32 @p2 $0x1  }
0x17: {  	s4 =	simm.s32 $0x1BF5;
	[smem:$0x3FB7] =	sst s0  }
0x18: {  	s0 =	sld [smem:$0x3F9A];
	_ =	swait.ge [sflag:s4], $0x0  }
0x19: {  	s7 =	sld [smem:$0x3F9B]  }
0x1a: {  	s8 =	sadd.s32 $0xFFFFE003, lr  }
0x1b: {  	s9 =	sadd.s32 $0xFFFFFEF7, lr;
	s5 =	simm.s32 $0xFFFFFFFF;
	p2 =	slt.u32 s8, $0xFFFFF086  }
0x1c: {  	p1 =	slt.u32 s9, $0xF7A;
	s5 =	simm.s32 @!p2 $0x0  }
0x1d: {  	s5 =	simm.s32 @p1 $0x1;
	p0 =	seq.s32 s7, s2  }
0x1e: {  	s7 =	smul.u32 @!p0 $0xF7A, s2;
	p2 =	seq.s32 @!p0 s5, $0x0  }
0x1f: {  	s9 =	smul.u32 $0xF7A, s1;
	s8 =	simm.s32 @!p0 $0x1BF5;
	p2 =	por !p2, p0  }
0x20: {  	[sflag:s8] =	ssyncset.s32 @!p0 $0xFFFFF086;
	s6 =	sadd.s32 @!p0 s3, s7;
	s7 =	simm.s32 @!p0 $0x108  }
0x21: {  	s3 =	sadd.s32 s3, s9;
	s6 =	sadd.s32 @!p0 $0x88, s6;
	s7 =	simm.s32 @p2 $0x1082  }
0x22: {  	[simem:s7], [sflag:s8] =	dma.local @!p0 [hbm:s6], $0xF7A  }
0x23: {  	s9 =	sor.u32 $0xD0000000, s2;
	s6 =	simm.s32 $0x108;
	_ =	swait.ge @!p0 [sflag:s8], $0x0  }
0x24: {  	s3 =	sadd.s32 $0x88, s3;
	s6 =	simm.s32 @!p1 $0x1082;
	[sflag:s4] =	ssyncset.s32 $0xFFFFF086  }
0x25: {  	[simem:s6], [sflag:s4] =	dma.local [hbm:s3], $0xF7A  }
0x26: {  	[smem:$0x3F9B] =	sst s1;
	(tag) =	ssettag s2;
	_ =	strace s9  }
0x27: {  	s1 =	sld [smem:$0x3FAB]  }
0x28: {  	s2 =	sld [smem:$0x3FAC]  }
0x29: {  	s4 =	sld [smem:$0x3FAE]  }
0x2a: {  	p0 =	seq.s32 s5, $0x0;
	s5 =	sld [smem:$0x3FAF]  }
0x2b: {  	s6 =	sld [smem:$0x3FB0]  }
0x2c: {  	s7 =	sld [smem:$0x3FB1]  }
0x2d: {  	s3 =	simm.s32 $0x108;
	s8 =	sld [smem:$0x3FB2]  }
0x2e: {  	s3 =	simm.s32 @!p0 $0x1082;
	s9 =	sld [smem:$0x3FB3]  }
0x2f: {  	lr =	sadd.s32 s0, s3;
	s0 =	sld [smem:$0x3FAA]  }
0x30: {  	s3 =	sld [smem:$0x3FAD]  }
0x31: {  	[smem:$0x3FB6] =	sst s10  }
0x32: {  	s10 =	sld [smem:$0x3FB4];
	_ =	sdelay $0x3  }
0x33: {  	p0 =	seq.s32 s10, $0x1;
	s10 =	sld [smem:$0x3FB6];
	_ =	sdelay $0x3  }
0x34: {  	[smem:$0x3FB6] =	sst s10  }
0x35: {  	s10 =	sld [smem:$0x3FB5];
	_ =	sdelay $0x3  }
0x36: {  	p1 =	seq.s32 s10, $0x1;
	s10 =	sld [smem:$0x3FB6];
	_ =	sdelay $0x3  }
0x37: {  	[smem:$0x3FB6] =	sst s10  }
0x38: {  	s10 =	sld [smem:$0x3FB7]  }
0x39: {  	_ = 	snop;
	(pc) =	sbr.ind lr, $3  }
0x3a: {  	_ = 	snop  }
0x3b: {  	_ = 	snop  }
0x3c: {  	p2 =	seq.s32 s10, $0x1;
	s10 =	sld [smem:$0x3FB6]  }
0x3d: {  	_ =	shalt  }
0x3e: {  	_ =	shalt  }
0x3f: {  	_ =	shalt  }
0x40: {  	_ =	shalt  }
0x41: {  	_ =	shalt  }
0x42: {  	_ =	shalt  }
0x43: {  	_ =	shalt  }
0x44: {  	_ =	shalt  }
0x45: {  	_ =	shalt  }
0x46: {  	_ =	shalt  }
0x47: {  	_ =	shalt  }
0x48: {  	_ =	shalt  }
0x49: {  	_ =	shalt  }
0x4a: {  	_ =	shalt  }
0x4b: {  	_ =	shalt  }
0x4c: {  	_ =	shalt  }
0x4d: {  	_ =	shalt  }
0x4e: {  	_ =	shalt  }
0x4f: {  	_ =	shalt  }
0x50: {  	_ =	shalt  }
0x51: {  	_ =	shalt  }
0x52: {  	_ =	shalt  }
0x53: {  	_ =	shalt  }
0x54: {  	_ =	shalt  }
0x55: {  	_ =	shalt  }
0x56: {  	_ =	shalt  }
0x57: {  	_ =	shalt  }
0x58: {  	_ =	shalt  }
0x59: {  	_ =	shalt  }
0x5a: {  	_ =	shalt  }
0x5b: {  	_ =	shalt  }
0x5c: {  	_ =	shalt  }
0x5d: {  	_ =	shalt  }
0x5e: {  	_ =	shalt  }
0x5f: {  	_ =	shalt  }
0x60: {  	_ =	shalt  }
0x61: {  	_ =	shalt  }
0x62: {  	_ =	shalt  }
0x63: {  	_ =	shalt  }
0x64: {  	_ =	shalt  }
0x65: {  	_ =	shalt  }
0x66: {  	_ =	shalt  }
0x67: {  	_ =	shalt  }
0x68: {  	_ =	shalt  }
0x69: {  	_ =	shalt  }
0x6a: {  	_ =	shalt  }
0x6b: {  	_ =	shalt  }
0x6c: {  	_ =	shalt  }
0x6d: {  	_ =	shalt  }
0x6e: {  	_ =	shalt  }
0x6f: {  	_ =	shalt  }
0x70: {  	_ =	shalt  }
0x71: {  	_ =	shalt  }
0x72: {  	_ =	shalt  }
0x73: {  	_ =	shalt  }
0x74: {  	_ =	shalt  }
0x75: {  	_ =	shalt  }
0x76: {  	_ =	shalt  }
0x77: {  	_ =	shalt  }
0x78: {  	_ =	shalt  }
0x79: {  	_ =	shalt  }
0x7a: {  	_ =	shalt  }
0x7b: {  	_ =	shalt  }
0x7c: {  	_ =	shalt  }
0x7d: {  	_ =	shalt  }
0x7e: {  	_ =	shalt  }
0x7f: {  	_ =	shalt  }
0x80: {  	_ =	shalt  }
0x81: {  	_ =	shalt  }
0x82: {  	_ =	shalt  }
0x83: {  	_ =	shalt  }
0x84: {  	_ =	shalt  }
0x85: {  	_ =	shalt  }
0x86: {  	_ =	shalt  }
0x87: {  	_ =	shalt  }
.Lfunc_end0:
.L_simem_size_0:
called_computation_lowered:
.L_overlay_start_0:
0x88: {  	s2 =	sld [smem:$0x3FD9]  }
0x89: {  	s3 =	sld [smem:$0x3FFE];
	_ =	sdelay $0x1  }
0x8a: {  	s1 =	srdreg.scid  }
0x8b: {  	s0 =	sand.u32 $0x1, s1  }
0x8c: {  	s17 =	sshll.u32 s0, $0xA;
	s2 =	sadd.s32 s3, s2  }
0x8d: {  	s2 =	sadd.s32 s2, s17  }
0x8e: {  	[smem:$0x3FC2] =	sst s2  }
0x8f: {  	_ = 	snop  }
0x90: {  	s2 =	sld [smem:$0x3FC8]  }
0x91: {  	s18 =	sld [smem:$0x3FC7]  }
0x92: {  	s4 =	sld [smem:$0x3FC6]  }
0x93: {  	s5 =	sld [smem:$0x3FC5]  }
0x94: {  	s6 =	sld [smem:$0x3FC4]  }
0x95: {  	s7 =	sld [smem:$0x3FD0];
	(tm) =	ssettm $0x1  }
0x96: {  	s8 =	sld [smem:$0x3FFB];
	_ =	sdelay $0x3  }
0x97: {  	_ =	strace s8  }
0x98: {  	s8 =	sld [smem:$0x3FFC];
	_ =	sdelay $0x3  }
0x99: {  	_ =	strace s8  }
0x9a: {  	s8 =	sld [smem:$0x3FFD];
	_ =	sdelay $0x3  }
0x9b: {  	_ =	strace s8  }
0x9c: {  	_ =	strace $0x8FFFFFFF  }
0x9d: {  	s19 =	sld [smem:$0x3FDB];
	_ =	sdelay $0x1  }
0x9e: {  	s9 =	simm.s32 $_scs_section_size  }
0x9f: {  	s10 =	simm.s32 $_size__tile_overlayer_lowered;
	s11 =	simm.s32 $_tile_overlayer_lowered  }
0xa0: {  	s22 =	simm.s32 $0x1BFF;
	s21 =	sshll.u32 s11, $0x1;
	s8 =	sadd.s32 s9, s19  }
0xa1: {  	s12 =	simm.s32 $0x0;
	s20 =	sshll.u32 s10, $0x1;
	s10 =	sadd.s32 s21, s8  }
0xa2: {  	[timem:s12], [sflag:s22] =	dma.local [hbm:s10], s20  }
0xa3: {  	_ =	swait.ge [sflag:s22], s20  }
0xa4: {  	s9 =	ssub.s32 $0x0, s20;
	[sflag:s22] =	ssyncset.done $0x0  }
0xa5: {  	[sflag:s22] =	ssyncadd.s32 s9;
	_ =	sdelay $0x1  }
0xa6: {  	s23 =	simm.s32 $0x1B8B  }
0xa7: {  	_ =	swait.ge [sflag:s23], $0x1  }
0xa8: {  	[sflag:s23] =	ssyncset.done $0x0  }
0xa9: {  	s25 =	simm.s32 $0x1B8E;
	s24 =	sld [smem:$0x3FFE];
	[sflag:s23] =	ssyncadd.s32 $0xFFFFFFFF  }
0xaa: {  	s26 =	simm.s32 $execute0_lowered;
	[smem:$0x3FD2] =	sst s25  }
0xab: {  	s10 =	sshll.u32 s26, $0x1;
	_ =	strace $0x80000046;
	[dreg:$0x1] =	wrdreg $0xFFFFFFFF  }
0xac: {  	s28 =	simm.s32 $_size_execute0_lowered;
	s8 =	sadd.s32 s8, s10;
	[dreg:$0x0] =	wrdreg $0x0  }
0xad: {  	s10 =	sshll.u32 s28, $0x1;
	[dreg:$0x2] =	wrdreg s8  }
0xae: {  	[dreg:$0x3] =	wrdreg s10  }
0xaf: {  	[dreg:$0x4] =	wrdreg $0xC0  }
0xb0: {  	_ =	task [dreg:s12], $0x5FFFF  }
0xb1: {  	[dreg:$0x1] =	wrdreg $0xFFFFFFFF  }
0xb2: {  	[dreg:$0x0] =	wrdreg $0x60  }
0xb3: {  	[dreg:$0x2] =	wrdreg s7  }
0xb4: {  	[dreg:$0x3] =	wrdreg s2  }
0xb5: {  	[dreg:$0x4] =	wrdreg s18  }
0xb6: {  	[dreg:$0x5] =	wrdreg s4  }
0xb7: {  	[dreg:$0x6] =	wrdreg s5  }
0xb8: {  	[dreg:$0x7] =	wrdreg s6  }
0xb9: {  	[dreg:$0x8] =	wrdreg s24  }
0xba: {  	[dreg:$0x9] =	wrdreg $0x9  }
0xbb: {  	_ =	task.clear_ibuf [dreg:s12], $0xAFFFF;
	_ =	strace $0x90000046  }
0xbc: {  	s29 =	simm.s32 $0x9;
	_ =	strace $0x80000048  }
0xbd: {  	_ =	swait.ge [sflag:s29], $0x1  }
0xbe: {  	[sflag:s29] =	ssyncadd.s32 $0xFFFFFFFF  }
0xbf: {  	_ =	strace $0x90000048  }
0xc0: {  	_ =	sfence  }
0xc1: {  	s30 =	sld [smem:$0x0];
	_ =	sdelay $0x2  }
0xc2: {  	s31 =	sshll.u32 s1, $0xD;
	s1 =	sshrl.u32 s1, $0x2  }
0xc3: {  	s3 =	sand.u32 $0x4000, s31;
	s1 =	sadd.s32 s1, s30  }
0xc4: {  	s0 =	sor.u32 s3, s0;
	s1 =	sshll.u32 s1, $0x11  }
0xc5: {  	s0 =	sor.u32 s1, s0  }
0xc6: {  	s0 =	sadd.s32 $0x8F2B, s0  }
0xc7: {  	[sflag:s0] =	ssyncadd.remote.s32 $0x1  }
0xc8: {  	_ =	sfence.sel $0xFFFF  }
0xc9: {  	[dreg:$0x0] =	wrdreg $0xFFFFFFFF;
	(pc) =	sbr.abs _section_cstart, $3  }
0xca: {  	[dreg:$0x1] =	wrdreg $0xFFFFFFFF  }
0xcb: {  	_ =	task.clear_ibuf [dreg:s12], $0x2FFFF;
	_ =	strace $0x9FFFFFFF  }
0xcc: {  	(tm) =	ssettm $0x7FFFFFFF  }
0xcd: {  	_ =	shalt  }
tec
execute0_lowered:
.L_overlay_start_1:
0x0: {  	(tag) =	ssettag $0x1  }
0x1: {  	s1 =	rddreg [dreg:$0x0]  }
0x2: {  	s2 =	rddreg [dreg:$0x1]  }
0x3: {  	s0 =	rddreg [dreg:$0x2]  }
0x4: {  	s3 =	rddreg [dreg:$0x6]  }
0x5: {  	s4 =	srdreg.scid;
	s5 =	stileid.u32  }
0x6: {  	s6 =	simm.s32 $0x0;
	s13 =	simm.s32 $0x7;
	s17 =	simm.s32 $0x68  }
0x7: {  	s18 =	simm.s32 $0x2980;
	s19 =	simm.s32 $0x60;
	s20 =	simm.s32 $0x5D80  }
0x8: {  	s22 =	simm.s32 $0x9180;
	s28 =	simm.s32 $0xF980;
	s29 =	simm.s32 $0x12D80  }
0x9: {  	s30 =	simm.s32 $0x2;
	s31 =	simm.s32 $0x9100;
	s12 =	simm.s32 $0x0  }
0xa: {  	s4 =	sand.u32 $0x1, s4;
	s5 =	sshll.u32 s5, $0x1;
	[smem:$0x7FF] =	sst s6  }
0xb: {  	s7 =	sadd.s32 $0x400, s3;
	s8 =	ssub.s32 $0x2, s4;
	s4 =	sor.u32 s4, s5  }
0xc: {  	s3 =	simm.s32 $0x4;
	_ =	strace $0x80000047;
	s9 =	smul.u32 $0x320, s4  }
.Ltmp0:
0xd: {  	s5 =	simm.s32 $0xF900;
	s24 =	sshrl.u32 s8, $0x1;
	(pc) =	sbr.rel .LBB2_1-.Ltmp0, $4  }
0xe: {  	s26 =	sshll.u32 s4, $0x9;
	s25 =	ssub.s32 s8, s24;
	s8 =	sshll.u32 s4, $0x5  }
0xf: {  	s10 =	sadd.s32 s2, s26;
	s24 =	simm.s32 $0xC580;
	s26 =	simm.s32 $0x2900  }
0x10: {  	s2 =	simm.s32 $0x5;
	s4 =	simm.s32 $0x3;
	s9 =	sadd.s32 s1, s9  }
0x11: {  	s11 =	smax.u32 s25, $0x1;
	s25 =	simm.s32 $0x1;
	s1 =	simm.s32 $0x6  }
.LBB2_14:
0x12: {  	_ =	swait.ge [sflag:s1], $0x6480  }
0x13: {  	[sflag:s1] =	ssyncset.done $0x0  }
0x14: {  	s12 =	sadd.s32 $0x1, s12;
	[sflag:s1] =	ssyncadd.s32 $0xFFFF9B80  }
0x15: {  	p0 =	sne.s32 s12, s11;
	_ =	swait.ge [sflag:s3], $0x6480  }
.Ltmp1:
0x16: {  	[sflag:s3] =	ssyncset.done $0x0;
	(pc) =	sbr.rel @!p0 .LBB2_15-.Ltmp1, $4  }
0x17: {  	[sflag:s3] =	ssyncadd.s32 $0xFFFF9B80  }
0x18: {  	_ =	swait.ge [sflag:s2], $0x6480  }
0x19: {  	[sflag:s2] =	ssyncset.done $0x0  }
0x1a: {  	[sflag:s2] =	ssyncadd.s32 $0xFFFF9B80  }
.LBB2_1:
0x1b: {  	s14 =	rddreg [dreg:$0x3];
	s15 =	simm.s32 $0x16100  }
0x1c: {  	[tilespmem:s15], [sflag:$0x7] =	stream.linear.gather [hbm4b:s14+s6], $0x6800, $0x38;
	[tilespmem:$0x1CA00] =	vst v63  }
0x1d: {  	_ =	swait.ge [sflag:s13], $0x6800  }
0x1e: {  	[sflag:s13] =	ssyncset.done $0x0  }
0x1f: {  	[sflag:s13] =	ssyncadd.s32 $0xFFFF9800  }
0x20: {  	s16 =	simm.s32 $0x1C900;
	s15 =	rddreg [dreg:$0x4]  }
0x21: {  	[tilespmem:s16], [sflag:$0x7] =	stream.linear.gather [hbm4b:s15+s6], $0x80, $0x38;
	[tilespmem:$0x1CA00] =	vst v63  }
0x22: {  	_ =	swait.ge [sflag:s13], $0x80  }
0x23: {  	[sflag:s13] =	ssyncset.done $0x0  }
0x24: {  	[sflag:s13] =	ssyncadd.s32 $0xFFFFFF80  }
0x25: {  	s23 =	simm.s32 $0x1C980;
	s21 =	rddreg [dreg:$0x5]  }
0x26: {  	[tilespmem:s23], [sflag:$0x7] =	stream.linear.gather [hbm4b:s21+s6], $0x80, $0x38;
	[tilespmem:$0x1CA00] =	vst v63  }
0x27: {  	_ =	swait.ge [sflag:s13], $0x80  }
0x28: {  	[sflag:s13] =	ssyncset.done $0x0  }
0x29: {  	[sflag:s13] =	ssyncadd.s32 $0xFFFFFF80  }
0x2a: {  	[tilespmem:s6], [sflag:$0x7] =	stream.linear.gather [hbm4b:s9+s6], $0x1900, $0x38;
	[tilespmem:$0x1CA00] =	vst v63  }
0x2b: {  	_ =	swait.ge [sflag:s13], $0x1900  }
0x2c: {  	[sflag:s13] =	ssyncset.done $0x0  }
0x2d: {  	s16 =	simm.s32 $0x1900;
	[sflag:s13] =	ssyncadd.s32 $0xFFFFE700  }
0x2e: {  	[tilespmem:s16], [sflag:$0x7] =	stream.linear.gather [hbm4b:s10+s6], $0x1000, $0x38;
	[tilespmem:$0x1CA00] =	vst v63  }
0x2f: {  	_ =	swait.ge [sflag:s13], $0x1000  }
0x30: {  	[sflag:s13] =	ssyncset.done $0x0  }
0x31: {  	[sflag:s13] =	ssyncadd.s32 $0xFFFFF000  }
0x32: {  	v0 =	vld [tilespmem:$0x1C900]  }
0x33: {  	v1 =	vld [tilespmem:$0x1C910]  }
0x34: {  	v2 =	vld [tilespmem:$0x1C920]  }
0x35: {  	v3 =	vld [tilespmem:$0x1C930]  }
0x36: {  	v4 =	vld [tilespmem:$0x1C940]  }
0x37: {  	v5 =	vld [tilespmem:$0x1C950]  }
0x38: {  	v6 =	vld [tilespmem:$0x1C960]  }
0x39: {  	v7 =	vld [tilespmem:$0x1C970]  }
0x3a: {  	v8 =	vld [tilespmem:$0x1C980]  }
0x3b: {  	v9 =	vld [tilespmem:$0x1C990]  }
0x3c: {  	v10 =	vld [tilespmem:$0x1C9A0]  }
0x3d: {  	v11 =	vld [tilespmem:$0x1C9B0]  }
0x3e: {  	v12 =	vld [tilespmem:$0x1C9C0]  }
0x3f: {  	v13 =	vld [tilespmem:$0x1C9D0]  }
0x40: {  	v14 =	vld [tilespmem:$0x1C9E0]  }
0x41: {  	v15 =	vld [tilespmem:$0x1C9F0];
	[tilespmem:s18], [sflag:$0x1] =	stream.indirect.gather [hbm4b:s0+s17], $0x80, s6, s17, $0xb8  }
0x42: {  	_ = 	snop  }
0x43: {  	[tilespmem:s20], [sflag:$0x1] =	stream.indirect.gather [hbm4b:s0+s19], $0x80, s17, s19, $0xb8;
	[tilespmem:$0x1CA00] =	vst v63  }
0x44: {  	s21 =	simm.s32 $0xC8  }
0x45: {  	[tilespmem:s22], [sflag:$0x2] =	stream.indirect.gather [hbm4b:s0+s17], $0x80, s21, s17, $0xb8;
	[tilespmem:$0x1CA00] =	vst v63  }
0x46: {  	s14 =	simm.s32 $0x0;
	s23 =	simm.s32 $0x130  }
0x47: {  	[tilespmem:s24], [sflag:$0x2] =	stream.indirect.gather [hbm4b:s0+s19], $0x80, s23, s19, $0xb8;
	[tilespmem:$0x1CA00] =	vst v63  }
.LBB2_2:
0x48: {  	_ =	swait.ge [sflag:s25], $0x6400;
	s15 =	smul.u32 $0x600, s14  }
0x49: {  	[sflag:s25] =	ssyncset.done $0x0  }
0x4a: {  	[sflag:s25] =	ssyncadd.s32 $0xFFFF9C00;
	s15 =	sshra.s32 s15, $0x2  }
0x4b: {  	v16 =	vld [tilespmem:s15+$0x1900]  }
0x4c: {  	v17 =	vld [tilespmem:$0x16180]  }
0x4d: {  	v18 =	vld [tilespmem:s15+$0x1910]  }
0x4e: {  	v19 =	vld [tilespmem:$0x16190]  }
0x4f: {  	v20 =	vld [tilespmem:s15+$0x1920]  }
0x50: {  	v21 =	vld [tilespmem:$0x161A0]  }
0x51: {  	v22 =	vld [tilespmem:s15+$0x1930]  }
0x52: {  	v23 =	vld [tilespmem:$0x161B0]  }
0x53: {  	v24 =	vld [tilespmem:s15+$0x1940]  }
0x54: {  	v42 =	vld [tilespmem:$0x161C0];
	v16 =	vadd.f32 v17, v16;
	v17 =	vadd.f32 v19, v18  }
0x55: {  	v44 =	vld [tilespmem:s15+$0x1950];
	v43 =	vadd.f32 v21, v20  }
0x56: {  	v45 =	vld [tilespmem:$0x161D0];
	v25 =	vmul.f32 v16, v16;
	v26 =	vadd.f32 v17, v16;
	v27 =	vmul.f32 v17, v17  }
0x57: {  	v46 =	vld [tilespmem:s15+$0x1960];
	v22 =	vadd.f32 v23, v22  }
0x58: {  	v28 =	vld [tilespmem:$0x161E0];
	v47 =	vmul.f32 v43, v43;
	v25 =	vadd.f32 v27, v25;
	v26 =	vadd.f32 v43, v26  }
0x59: {  	v48 =	vld [tilespmem:s15+$0x1970];
	v18 =	vadd.f32 v42, v24  }
0x5a: {  	v29 =	vld [tilespmem:$0x161F0];
	v49 =	vmul.f32 v22, v22;
	v25 =	vadd.f32 v47, v25;
	v26 =	vadd.f32 v22, v26  }
0x5b: {  	v20 =	vadd.f32 v45, v44  }
0x5c: {  	v52 =	vmul.f32 v18, v18;
	v50 =	vadd.f32 v49, v25;
	v51 =	vadd.f32 v18, v26  }
0x5d: {  	v23 =	vadd.f32 v28, v46  }
0x5e: {  	v53 =	vmul.f32 v20, v20;
	v21 =	vadd.f32 v52, v50;
	v25 =	vadd.f32 v20, v51  }
0x5f: {  	v24 =	vadd.f32 v29, v48  }
0x60: {  	v54 =	vmul.f32 v23, v23;
	v21 =	vadd.f32 v53, v21;
	v25 =	vadd.f32 v23, v25;
	_ =	sdelay $0x1  }
0x61: {  	v55 =	vmul.f32 v24, v24;
	v21 =	vadd.f32 v54, v21;
	v25 =	vadd.f32 v24, v25;
	_ =	sdelay $0x1  }
0x62: {  	v21 =	vadd.f32 v55, v21;
	(xrf2) =	vadd.scan.msk.f32 $0xffff, v25;
	_ =	sdelay $0x1  }
0x63: {  	(xrf2) =	vadd.scan.msk.f32 $0xffff, v21;
	_ =	sdelay $0x7  }
0x64: {  	v56, _, _ =	vpop (xrf2)  }
0x65: {  	v21 =	vmul.f32 $7.812500000e-03, v56  }
0x66: {  	v57, _, _ =	vpop (xrf2)  }
0x67: {  	v25 =	vmul.f32 $7.812500000e-03, v57;
	v58 =	vmul.f32 v21, v21;
	_ =	sdelay $0x1  }
0x68: {  	v25 =	vsub.f32 v25, v58;
	_ =	sdelay $0x1  }
0x69: {  	v25 =	vmax.f32 v25, $0.0e+00  }
0x6a: {  	v25 =	vadd.f32 $9.999999960e-13, v25;
	_ =	sdelay $0x1  }
0x6b: {  	v25 =	vbroadcast v25, $0xF;
	_ =	sdelay $0x1  }
0x6c: {  	v59 =	vshrl.u32 v25, $0x1  }
0x6d: {  	v26 =	vsub.s32 $0x5F3759DF, v59  }
0x6e: {  	v25 =	vmul.f32 $5.000000000e-01, v25;
	v60 =	vmul.f32 v26, v26;
	_ =	sdelay $0x1  }
0x6f: {  	v27 =	vmul.f32 v60, v25;
	_ =	sdelay $0x1  }
0x70: {  	v27 =	vsub.f32 $1.500000000e+00, v27;
	_ =	sdelay $0x1  }
0x71: {  	v26 =	vmul.f32 v26, v27;
	_ =	sdelay $0x1  }
0x72: {  	v27 =	vmul.f32 v26, v26;
	_ =	sdelay $0x1  }
0x73: {  	v25 =	vmul.f32 v27, v25;
	_ =	sdelay $0x1  }
0x74: {  	v21 =	vbroadcast v21, $0xF;
	v25 =	vsub.f32 $1.500000000e+00, v25;
	_ =	sdelay $0x1  }
0x75: {  	v16 =	vsub.f32 v16, v21;
	v25 =	vmul.f32 v25, v26  }
0x76: {  	v17 =	vsub.f32 v17, v21  }
0x77: {  	v19 =	vsub.f32 v43, v21;
	v22 =	vsub.f32 v22, v21;
	v16 =	vmul.f32 v25, v16  }
0x78: {  	v18 =	vsub.f32 v18, v21;
	v20 =	vsub.f32 v20, v21;
	v17 =	vmul.f32 v25, v17  }
0x79: {  	v23 =	vsub.f32 v23, v21;
	v19 =	vmul.f32 v25, v19;
	v16 =	vmul.f32 v16, v0  }
0x7a: {  	v21 =	vsub.f32 v24, v21;
	v20 =	vmul.f32 v25, v20;
	v17 =	vmul.f32 v17, v1  }
0x7b: {  	v22 =	vmul.f32 v25, v22;
	v19 =	vmul.f32 v19, v2;
	v16 =	vadd.f32 v16, v8  }
0x7c: {  	v18 =	vmul.f32 v25, v18;
	v20 =	vmul.f32 v20, v5;
	v17 =	vadd.f32 v17, v9  }
0x7d: {  	v23 =	vmul.f32 v25, v23;
	v22 =	vmul.f32 v22, v3;
	v19 =	vadd.f32 v19, v10;
	[tilespmem:$0x2900] =	vst v16  }
0x7e: {  	v21 =	vmul.f32 v25, v21;
	v18 =	vmul.f32 v18, v4;
	v62 =	vadd.f32 v20, v13;
	[tilespmem:$0x2910] =	vst v17  }
0x7f: {  	v61 =	vmul.f32 v23, v6;
	v16 =	vadd.f32 v22, v11;
	[tilespmem:$0x2920] =	vst v19  }
0x80: {  	v63 =	vmul.f32 v21, v7;
	v17 =	vadd.f32 v18, v12;
	[tilespmem:$0x2950] =	vst v62  }
0x81: {  	[tilespmem:$0x2930] =	vst v16;
	v16 =	vadd.f32 v61, v14  }
0x82: {  	[tilespmem:$0x2940] =	vst v17;
	v17 =	vadd.f32 v63, v15  }
0x83: {  	[tilespmem:$0x2960] =	vst v16  }
0x84: {  	s15 =	simm.s32 $0x0;
	[tilespmem:$0x2970] =	vst v17  }
.LBB2_3:
0x85: {  	s16 =	sshra.s32 s15, $0x2  }
0x86: {  	v16 =	vld [tilespmem:s16+$0x2980]  }
0x87: {  	v17 =	vld [tilespmem:s16+$0x16200]  }
0x88: {  	v18 =	vld [tilespmem:s16+$0x2990]  }
0x89: {  	v19 =	vld [tilespmem:s16+$0x16210]  }
0x8a: {  	v20 =	vld [tilespmem:s16+$0x29A0]  }
0x8b: {  	v21 =	vld [tilespmem:s16+$0x16220]  }
0x8c: {  	v22 =	vld [tilespmem:s16+$0x29B0]  }
0x8d: {  	v23 =	vld [tilespmem:s16+$0x16230]  }
0x8e: {  	v24 =	vld [tilespmem:s16+$0x29C0]  }
0x8f: {  	v25 =	vld [tilespmem:s16+$0x16240]  }
0x90: {  	v26 =	vld [tilespmem:s16+$0x29D0]  }
0x91: {  	v29 =	vld [tilespmem:s16+$0x16250]  }
0x92: {  	v33 =	vld [tilespmem:s16+$0x29E0]  }
0x93: {  	v35 =	vld [tilespmem:s16+$0x16260]  }
0x94: {  	v37 =	vld [tilespmem:s16+$0x29F0]  }
0x95: {  	v38 =	vld [tilespmem:s16+$0x16270]  }
0x96: {  	v39 =	vld [tilespmem:s16+$0x2A00]  }
0x97: {  	v40 =	vld [tilespmem:s16+$0x16280]  }
0x98: {  	v41 =	vld [tilespmem:s16+$0x2A10]  }
0x99: {  	v56 =	vld [tilespmem:s16+$0x162A0]  }
0x9a: {  	v57 =	vld [tilespmem:s16+$0x2A30]  }
0x9b: {  	v62 =	vld [tilespmem:s16+$0x2A60]  }
0x9c: {  	v63 =	vld [tilespmem:s16+$0x162E0]  }
0x9d: {  	v48 =	vld [tilespmem:s16+$0x2A80];
	v31 =	vadd.f32 v17, v16  }
0x9e: {  	v49 =	vld [tilespmem:s16+$0x16300];
	v30 =	vadd.f32 v19, v18;
	v27 =	vadd.f32 v21, v20  }
0x9f: {  	v58 =	vld [tilespmem:s16+$0x162B0];
	v28 =	vadd.f32 v23, v22;
	v32 =	vadd.f32 v25, v24  }
0xa0: {  	v16 =	vld [tilespmem:s16+$0x16290];
	v19 =	vadd.f32 v30, v31;
	v60 =	vmul.f32 v31, v31;
	v34 =	vmul.f32 v30, v30  }
0xa1: {  	v59 =	vld [tilespmem:s16+$0x2A40];
	v37 =	vadd.f32 v38, v37;
	v38 =	vadd.f32 v40, v39  }
0xa2: {  	v17 =	vld [tilespmem:s16+$0x2A20];
	v36 =	vmul.f32 v27, v27;
	v19 =	vadd.f32 v27, v19;
	v23 =	vadd.f32 v34, v60  }
0xa3: {  	v61 =	vld [tilespmem:s16+$0x162C0];
	v45 =	vadd.f32 v63, v62;
	v20 =	vadd.f32 v49, v48  }
0xa4: {  	v43 =	vld [tilespmem:s16+$0x162F0];
	v42 =	vmul.f32 v28, v28;
	v19 =	vadd.f32 v28, v19;
	v23 =	vadd.f32 v36, v23  }
0xa5: {  	v25 =	vld [tilespmem:s16+$0x2A50];
	v34 =	vadd.f32 v29, v26;
	v39 =	vadd.f32 v16, v41  }
0xa6: {  	v46 =	vmul.f32 v32, v32;
	v26 =	vld [tilespmem:s16+$0x162D0];
	v19 =	vadd.f32 v32, v19;
	v23 =	vadd.f32 v42, v23  }
0xa7: {  	v50 =	vld [tilespmem:s16+$0x2A90];
	v40 =	vadd.f32 v56, v17;
	v36 =	vadd.f32 v35, v33  }
0xa8: {  	v54 =	vld [tilespmem:s16+$0x16320];
	v47 =	vmul.f32 v34, v34;
	v19 =	vadd.f32 v34, v19;
	v23 =	vadd.f32 v46, v23  }
0xa9: {  	v62 =	vld [tilespmem:s16+$0x2AC0];
	v55 =	vmul.f32 v38, v38;
	v56 =	vadd.f32 v39, v38;
	v42 =	vadd.f32 v58, v57  }
0xaa: {  	v17 =	vld [tilespmem:s16+$0x2AA0];
	v44 =	vmul.f32 v36, v36;
	v19 =	vadd.f32 v36, v19;
	v23 =	vadd.f32 v47, v23  }
0xab: {  	v35 =	vld [tilespmem:s16+$0x2A70];
	v41 =	vmul.f32 v39, v39;
	v60 =	vadd.f32 v40, v56;
	v46 =	vadd.f32 v26, v25  }
0xac: {  	v53 =	vmul.f32 v37, v37;
	v16 =	vld [tilespmem:s16+$0x16310];
	v19 =	vadd.f32 v37, v19;
	v52 =	vadd.f32 v44, v23  }
0xad: {  	v63 =	vld [tilespmem:s16+$0x16340];
	v44 =	vadd.f32 v61, v59;
	v59 =	vadd.f32 v41, v55;
	v61 =	vmul.f32 v40, v40  }
0xae: {  	v57 =	vld [tilespmem:s16+$0x2AB0];
	v41 =	vadd.f32 v42, v60;
	(xrf2) =	vadd.scan.msk.f32 $0xffff, v19;
	v18 =	vadd.f32 v53, v52  }
0xaf: {  	v58 =	vld [tilespmem:s16+$0x16330];
	v51 =	vmul.f32 v42, v42;
	v17 =	vadd.f32 v54, v17;
	v33 =	vadd.f32 v61, v59  }
0xb0: {  	v47 =	vadd.f32 v43, v35;
	v52 =	vadd.f32 v44, v41;
	(xrf2) =	vadd.scan.msk.f32 $0xffff, v18  }
0xb1: {  	v53 =	vmul.f32 v44, v44;
	v19 =	vadd.f32 v16, v50;
	v18 =	vadd.f32 v51, v33  }
0xb2: {  	v16 =	vadd.f32 v63, v62;
	v23 =	vadd.f32 v46, v52  }
0xb3: {  	v55 =	vmul.f32 v46, v46;
	v59 =	vadd.f32 v19, v20;
	v29 =	vadd.f32 v53, v18  }
0xb4: {  	v21 =	vld [tilespmem:s16+$0x2AD0];
	v60 =	vmul.f32 v19, v19;
	v18 =	vadd.f32 v58, v57;
	v58 =	vmul.f32 v20, v20  }
0xb5: {  	v22 =	vld [tilespmem:s16+$0x16350];
	v23 =	vadd.f32 v45, v23;
	v57 =	vmul.f32 v45, v45;
	v56 =	vadd.f32 v55, v29  }
0xb6: {  	v24 =	vld [tilespmem:s16+$0x2AE0];
	v63 =	vmul.f32 v17, v17;
	v35 =	vadd.f32 v17, v59;
	v33 =	vadd.f32 v60, v58  }
0xb7: {  	v61 =	vmul.f32 v47, v47;
	v29 =	vld [tilespmem:s16+$0x16360];
	v23 =	vadd.f32 v47, v23;
	v25 =	vadd.f32 v57, v56  }
0xb8: {  	v49 =	vld [tilespmem:s16+$0x16370];
	v58 =	vmul.f32 v18, v18;
	v56 =	vadd.f32 v63, v33;
	v54, _, _ =	vpop (xrf2)  }
0xb9: {  	v43 =	vld [tilespmem:s16+$0x2AF0];
	v57 =	vadd.f32 v18, v35;
	v25 =	vadd.f32 v61, v25;
	(xrf2) =	vadd.scan.msk.f32 $0xffff, v23;
	v48 =	vmul.f32 $7.812500000e-03, v54  }
0xba: {  	v21 =	vadd.f32 v22, v21;
	v26 =	vld [tilespmem:s16+$0x16380];
	v59 =	vmul.f32 v16, v16;
	v23 =	vadd.f32 v58, v56;
	v62, _, _ =	vpop (xrf2)  }
0xbb: {  	v41 =	vld [tilespmem:s16+$0x2B10];
	v33 =	vadd.f32 v16, v57;
	(xrf2) =	vadd.scan.msk.f32 $0xffff, v25;
	v50 =	vmul.f32 $7.812500000e-03, v62;
	v52 =	vmul.f32 v48, v48  }
0xbc: {  	v51 =	vld [tilespmem:s16+$0x2B00];
	v61 =	vmul.f32 v21, v21;
	v22 =	vadd.f32 v29, v24;
	v35 =	vadd.f32 v59, v23  }
0xbd: {  	v53 =	vld [tilespmem:s16+$0x163B0];
	v33 =	vadd.f32 v21, v33;
	v48 =	vbroadcast v48, $0xF;
	v50 =	vsub.f32 v50, v52  }
0xbe: {  	v55 =	vld [tilespmem:s16+$0x2B50];
	v23 =	vadd.f32 v49, v43;
	v62 =	vmul.f32 v22, v22;
	v35 =	vadd.f32 v61, v35  }
0xbf: {  	v58 =	vld [tilespmem:s16+$0x163D0];
	v33 =	vadd.f32 v22, v33;
	v31 =	vsub.f32 v31, v48;
	v60 =	vmax.f32 v50, $0.0e+00  }
0xc0: {  	v25 =	vld [tilespmem:s16+$0x16390];
	v30 =	vsub.f32 v30, v48;
	v29 =	vadd.f32 $9.999999960e-13, v60  }
0xc1: {  	v24 =	vld [tilespmem:s16+$0x2B20];
	v63 =	vmul.f32 v23, v23;
	v35 =	vadd.f32 v62, v35;
	v33 =	vadd.f32 v23, v33  }
0xc2: {  	v27 =	vsub.f32 v27, v48;
	v28 =	vsub.f32 v28, v48;
	v50 =	vld [tilespmem:s16+$0x163A0];
	v29 =	vbroadcast v29, $0xF  }
0xc3: {  	v54 =	vld [tilespmem:s16+$0x163C0];
	v32 =	vsub.f32 v32, v48;
	v35 =	vadd.f32 v63, v35;
	v57, _, _ =	vpop (xrf2);
	(xrf2) =	vadd.scan.msk.f32 $0xffff, v33  }
0xc4: {  	v49 =	vld [tilespmem:s16+$0x2B30];
	v34 =	vsub.f32 v34, v48;
	v57 =	vmul.f32 $7.812500000e-03, v57;
	v56 =	vshrl.u32 v29, $0x1  }
0xc5: {  	v59 =	vld [tilespmem:s16+$0x2B60];
	v41 =	vadd.f32 v25, v41;
	v25 =	vadd.f32 v58, v55;
	v43, _, _ =	vpop (xrf2);
	(xrf2) =	vadd.scan.msk.f32 $0xffff, v35;
	v56 =	vsub.s32 $0x5F3759DF, v56  }
0xc6: {  	v61 =	vld [tilespmem:s16+$0x163E0];
	v33 =	vmul.f32 $7.812500000e-03, v43;
	v62 =	vmul.f32 v57, v57;
	v43 =	vadd.f32 v26, v51  }
0xc7: {  	v52 =	vld [tilespmem:s16+$0x2B40];
	v60 =	vmul.f32 $5.000000000e-01, v29;
	v35 =	vadd.f32 v50, v24;
	v29 =	vmul.f32 v56, v56  }
0xc8: {  	v50 =	vld [tilespmem:s16+$0x163F0];
	v62 =	vsub.f32 v33, v62;
	v58 =	vadd.f32 v41, v43  }
0xc9: {  	v36 =	vsub.f32 v36, v48;
	v37 =	vsub.f32 v37, v48;
	v26 =	vld [tilespmem:s16+$0x2B70];
	v29 =	vmul.f32 v29, v60  }
0xca: {  	v33 =	vadd.f32 v53, v49;
	v62 =	vmax.f32 v62, $0.0e+00;
	v53 =	vadd.f32 v35, v58  }
0xcb: {  	v24 =	vadd.f32 v61, v59;
	v63 =	vsub.f32 $1.500000000e+00, v29  }
0xcc: {  	v59 =	vmul.f32 v41, v41;
	v29 =	vadd.f32 v54, v52;
	v53 =	vadd.f32 v33, v53  }
0xcd: {  	v51 =	vadd.f32 $9.999999960e-13, v62;
	v49 =	vmul.f32 v56, v63;
	v63 =	vmul.f32 v43, v43;
	v62, _, _ =	vpop (xrf2)  }
0xce: {  	v26 =	vadd.f32 v50, v26;
	v55 =	vmul.f32 $7.812500000e-03, v62;
	v53 =	vadd.f32 v29, v53  }
0xcf: {  	v61 =	vmul.f32 v49, v49;
	v52 =	vadd.f32 v59, v63;
	v63 =	vmul.f32 v35, v35;
	v62, _, _ =	vpop (xrf2)  }
0xd0: {  	v51 =	vbroadcast v51, $0xF;
	v58 =	vmul.f32 $7.812500000e-03, v62;
	v53 =	vadd.f32 v25, v53  }
0xd1: {  	v50 =	vmul.f32 v61, v60;
	v52 =	vadd.f32 v63, v52;
	v63 =	vmul.f32 v33, v33  }
0xd2: {  	v61 =	vshrl.u32 v51, $0x1;
	v60 =	vmul.f32 v55, v55;
	v51 =	vmul.f32 $5.000000000e-01, v51  }
0xd3: {  	v56 =	vsub.s32 $0x5F3759DF, v61;
	v61 =	vmul.f32 v29, v29;
	v53 =	vadd.f32 v24, v53  }
0xd4: {  	v52 =	vadd.f32 v63, v52;
	v62 =	vmul.f32 v56, v56;
	v50 =	vsub.f32 $1.500000000e+00, v50  }
0xd5: {  	v58 =	vsub.f32 v58, v60;
	v63 =	vmul.f32 v25, v25;
	v60 =	vmul.f32 v24, v24  }
0xd6: {  	v53 =	vadd.f32 v26, v53;
	v52 =	vadd.f32 v61, v52;
	v49 =	vmul.f32 v50, v49  }
0xd7: {  	v59 =	vmul.f32 v62, v51;
	v58 =	vmax.f32 v58, $0.0e+00;
	v61 =	vmul.f32 v26, v26  }
0xd8: {  	v58 =	vadd.f32 $9.999999960e-13, v58;
	v31 =	vmul.f32 v49, v31;
	v30 =	vmul.f32 v49, v30  }
0xd9: {  	v52 =	vadd.f32 v63, v52;
	v27 =	vmul.f32 v49, v27;
	v28 =	vmul.f32 v49, v28  }
0xda: {  	v59 =	vsub.f32 $1.500000000e+00, v59;
	v32 =	vmul.f32 v49, v32;
	v34 =	vmul.f32 v49, v34  }
0xdb: {  	(xrf2) =	vadd.scan.msk.f32 $0xffff, v53;
	v36 =	vmul.f32 v49, v36;
	v37 =	vmul.f32 v49, v37  }
0xdc: {  	v63 =	vbroadcast v58, $0xF;
	v52 =	vadd.f32 v60, v52;
	v62 =	vmul.f32 v56, v59  }
0xdd: {  	v60 =	vbroadcast v57, $0xF;
	v31 =	vmul.f32 v31, v0  }
0xde: {  	v30 =	vmul.f32 v30, v1;
	v27 =	vmul.f32 v27, v2;
	v52 =	vadd.f32 v61, v52  }
0xdf: {  	v28 =	vmul.f32 v28, v3;
	v32 =	vmul.f32 v32, v4  }
0xe0: {  	v34 =	vmul.f32 v34, v5;
	v36 =	vmul.f32 v36, v6;
	(xrf2) =	vadd.scan.msk.f32 $0xffff, v52  }
0xe1: {  	v37 =	vmul.f32 v37, v7;
	v58 =	vshrl.u32 v63, $0x1;
	v56 =	vmul.f32 v62, v62  }
0xe2: {  	v53 =	vmul.f32 $5.000000000e-01, v63;
	v38 =	vsub.f32 v38, v60;
	v39 =	vsub.f32 v39, v60  }
0xe3: {  	v40 =	vsub.f32 v40, v60;
	v42 =	vsub.f32 v42, v60;
	v51 =	vmul.f32 v56, v51  }
0xe4: {  	v44 =	vsub.f32 v44, v60;
	v46 =	vsub.f32 v46, v60;
	v52 =	vsub.s32 $0x5F3759DF, v58  }
0xe5: {  	v45 =	vsub.f32 v45, v60;
	v59 =	vmul.f32 v52, v52;
	v51 =	vsub.f32 $1.500000000e+00, v51;
	v61, _, _ =	vpop (xrf2)  }
0xe6: {  	v47 =	vsub.f32 v47, v60;
	v31 =	vadd.f32 v31, v8;
	v49 =	vmul.f32 $7.812500000e-03, v61  }
0xe7: {  	v30 =	vadd.f32 v30, v9;
	v54 =	vmul.f32 v59, v53;
	v50 =	vmul.f32 v51, v62  }
0xe8: {  	v27 =	vadd.f32 v27, v10;
	v28 =	vadd.f32 v28, v11;
	v63 =	vmul.f32 v49, v49  }
0xe9: {  	v54 =	vsub.f32 $1.500000000e+00, v54;
	v38 =	vmul.f32 v50, v38;
	v39 =	vmul.f32 v50, v39  }
0xea: {  	v32 =	vadd.f32 v32, v12;
	v40 =	vmul.f32 v50, v40;
	v42 =	vmul.f32 v50, v42;
	v62, _, _ =	vpop (xrf2)  }
0xeb: {  	v34 =	vadd.f32 v34, v13;
	v51 =	vmul.f32 v52, v54;
	v54 =	vmul.f32 $7.812500000e-03, v62  }
0xec: {  	v36 =	vadd.f32 v36, v14;
	v44 =	vmul.f32 v50, v44;
	v46 =	vmul.f32 v50, v46  }
0xed: {  	v45 =	vmul.f32 v50, v45;
	v52 =	vmul.f32 v51, v51;
	v61 =	vsub.f32 v54, v63  }
0xee: {  	v37 =	vadd.f32 v37, v15;
	v47 =	vmul.f32 v50, v47;
	v38 =	vmul.f32 v38, v0  }
0xef: {  	v39 =	vmul.f32 v39, v1;
	v60 =	vmul.f32 v52, v53;
	v52 =	vmax.f32 v61, $0.0e+00  }
0xf0: {  	v40 =	vmul.f32 v40, v2;
	v42 =	vmul.f32 v42, v3;
	v52 =	vadd.f32 $9.999999960e-13, v52  }
0xf1: {  	v44 =	vmul.f32 v44, v4;
	v57 =	vmul.f32 v46, v5;
	v38 =	vadd.f32 v38, v8  }
0xf2: {  	v63 =	vbroadcast v55, $0xF;
	v48 =	vsub.f32 $1.500000000e+00, v60;
	v52 =	vbroadcast v52, $0xF  }
0xf3: {  	v58 =	vmul.f32 v45, v6;
	v39 =	vadd.f32 v39, v9;
	v40 =	vadd.f32 v40, v10  }
0xf4: {  	[tilespmem:s16+$0x2980] =	vst v31;
	v48 =	vmul.f32 v48, v51;
	v20 =	vsub.f32 v20, v63;
	v62 =	vshrl.u32 v52, $0x1  }
0xf5: {  	[tilespmem:s16+$0x2990] =	vst v30;
	v19 =	vsub.f32 v19, v63;
	v17 =	vsub.f32 v17, v63;
	v50 =	vsub.s32 $0x5F3759DF, v62  }
0xf6: {  	[tilespmem:s16+$0x29A0] =	vst v27;
	v18 =	vsub.f32 v18, v63;
	v52 =	vmul.f32 $5.000000000e-01, v52;
	v54 =	vmul.f32 v50, v50  }
0xf7: {  	[tilespmem:s16+$0x29B0] =	vst v28;
	v59 =	vmul.f32 v47, v7;
	v16 =	vsub.f32 v16, v63;
	v21 =	vsub.f32 v21, v63  }
0xf8: {  	[tilespmem:s16+$0x29C0] =	vst v32;
	v22 =	vsub.f32 v22, v63;
	v20 =	vmul.f32 v48, v20;
	v31 =	vmul.f32 v54, v52  }
0xf9: {  	[tilespmem:s16+$0x29D0] =	vst v34;
	v23 =	vsub.f32 v23, v63;
	v19 =	vmul.f32 v48, v19;
	v17 =	vmul.f32 v48, v17  }
0xfa: {  	[tilespmem:s16+$0x29E0] =	vst v36;
	v18 =	vmul.f32 v48, v18;
	v16 =	vmul.f32 v48, v16;
	v31 =	vsub.f32 $1.500000000e+00, v31  }
0xfb: {  	[tilespmem:s16+$0x29F0] =	vst v37;
	v56 =	vadd.f32 v44, v12;
	v21 =	vmul.f32 v48, v21;
	v22 =	vmul.f32 v48, v22  }
0xfc: {  	v27 =	vadd.f32 v58, v14;
	[tilespmem:s16+$0x2A00] =	vst v38;
	v23 =	vmul.f32 v48, v23;
	v31 =	vmul.f32 v50, v31  }
0xfd: {  	v28 =	vadd.f32 v59, v15;
	[tilespmem:s16+$0x2A10] =	vst v39;
	v20 =	vmul.f32 v20, v0;
	v19 =	vmul.f32 v19, v1  }
0xfe: {  	[tilespmem:s16+$0x2A20] =	vst v40;
	v55 =	vadd.f32 v42, v11;
	v17 =	vmul.f32 v17, v2;
	v61 =	vmul.f32 v31, v31  }
0xff: {  	[tilespmem:s16+$0x2A40] =	vst v56;
	v60 =	vadd.f32 v57, v13;
	v18 =	vmul.f32 v18, v3;
	v16 =	vmul.f32 v16, v4  }
0x100: {  	[tilespmem:s16+$0x2A60] =	vst v27;
	v21 =	vmul.f32 v21, v5;
	v20 =	vadd.f32 v20, v8;
	v34 =	vmul.f32 v61, v52  }
0x101: {  	[tilespmem:s16+$0x2A70] =	vst v28;
	v22 =	vmul.f32 v22, v6;
	v19 =	vadd.f32 v19, v9;
	v17 =	vadd.f32 v17, v10  }
0x102: {  	[tilespmem:s16+$0x2A30] =	vst v55;
	v18 =	vadd.f32 v18, v11;
	v62 =	vbroadcast v49, $0xF;
	v34 =	vsub.f32 $1.500000000e+00, v34  }
0x103: {  	[tilespmem:s16+$0x2A50] =	vst v60;
	v39 =	vmul.f32 v23, v7;
	v16 =	vadd.f32 v16, v12;
	v38 =	vadd.f32 v21, v13  }
0x104: {  	v63 =	vsub.f32 v43, v62;
	v36 =	vsub.f32 v41, v62;
	[tilespmem:s16+$0x2A80] =	vst v20;
	v31 =	vmul.f32 v34, v31  }
0x105: {  	[tilespmem:s16+$0x2A90] =	vst v19;
	v41 =	vadd.f32 v22, v14;
	v43 =	vsub.f32 v35, v62  }
0x106: {  	[tilespmem:s16+$0x2AA0] =	vst v17;
	v17 =	vadd.f32 v39, v15;
	v45 =	vsub.f32 v33, v62;
	v37 =	vmul.f32 v31, v63  }
0x107: {  	[tilespmem:s16+$0x2AB0] =	vst v18;
	v48 =	vsub.f32 v29, v62;
	v24 =	vsub.f32 v24, v62;
	v40 =	vmul.f32 v31, v36  }
0x108: {  	[tilespmem:s16+$0x2AC0] =	vst v16;
	v55 =	vsub.f32 v26, v62;
	v47 =	vmul.f32 v31, v43;
	v42 =	vmul.f32 v37, v0  }
0x109: {  	[tilespmem:s16+$0x2AD0] =	vst v38;
	v50 =	vsub.f32 v25, v62;
	v49 =	vmul.f32 v31, v45;
	v44 =	vmul.f32 v40, v1  }
0x10a: {  	[tilespmem:s16+$0x2AE0] =	vst v41;
	v57 =	vmul.f32 v31, v24;
	v51 =	vmul.f32 v47, v2;
	v46 =	vadd.f32 v42, v8  }
0x10b: {  	[tilespmem:s16+$0x2AF0] =	vst v17;
	v52 =	vmul.f32 v31, v48;
	v53 =	vmul.f32 v49, v3;
	v16 =	vadd.f32 v44, v9  }
0x10c: {  	v54 =	vmul.f32 v31, v50;
	v61 =	vmul.f32 v57, v6;
	v17 =	vadd.f32 v51, v10;
	[tilespmem:s16+$0x2B00] =	vst v46  }
0x10d: {  	v60 =	vmul.f32 v31, v55;
	v56 =	vmul.f32 v52, v4;
	v58 =	vadd.f32 v53, v11;
	[tilespmem:s16+$0x2B10] =	vst v16  }
0x10e: {  	p0 =	sne.s32 s15, $0x18800;
	v59 =	vmul.f32 v54, v5;
	v63 =	vadd.f32 v61, v14;
	[tilespmem:s16+$0x2B20] =	vst v17  }
.Ltmp2:
0x10f: {  	v62 =	vmul.f32 v60, v7;
	v16 =	vadd.f32 v56, v12;
	[tilespmem:s16+$0x2B30] =	vst v58;
	(pc) =	sbr.rel @p0 .LBB2_3-.Ltmp2, $4  }
0x110: {  	v17 =	vadd.f32 v59, v13;
	[tilespmem:s16+$0x2B60] =	vst v63  }
0x111: {  	[tilespmem:s16+$0x2B40] =	vst v16;
	v16 =	vadd.f32 v62, v15  }
0x112: {  	[tilespmem:s16+$0x2B50] =	vst v17  }
0x113: {  	s15 =	sadd.s32 $0x800, s15;
	[tilespmem:s16+$0x2B70] =	vst v16  }
0x114: {  	s15 =	smul.u32 $0x3, s14  }
0x115: {  	p0 =	seq.s32 s14, $0x0  }
.Ltmp3:
0x116: {  	s16 =	sadd.s32 s8, s15;
	(pc) =	sbr.rel @p0 .LBB2_7-.Ltmp3, $3  }
0x117: {  	s16 =	smul.u32 $0xD00, s16;
	_ =	sdelay $0x1  }
0x118: {  	s16 =	sadd.s32 s7, s16  }
0x119: {  	[hbm4b:s16+s6] =	stream.linear.scatter [tilespmem:s26], [sflag:$0x4], $0x6480, $0x38;
	[tilespmem:$0x1CA00] =	vst v63  }
0x11a: {  	p0 =	seq.s32 s14, $0xA  }
.Ltmp4:
0x11b: {  	_ = 	snop;
	(pc) =	sbr.rel @p0 .LBB2_8-.Ltmp4, $1  }
0x11c: {  	_ =	sdelay $0x3  }
0x11d: {  	_ =	swait.ge [sflag:s1], $0x6480  }
0x11e: {  	[sflag:s1] =	ssyncset.done $0x0  }
0x11f: {  	[sflag:s1] =	ssyncadd.s32 $0xFFFF9B80  }
.LBB2_7:
0x120: {  	s16 =	smul.u32 $0x960, s14;
	_ =	sdelay $0x1  }
0x121: {  	s16 =	sshra.s32 s16, $0x2  }
0x122: {  	s21 =	sadd.s32 $0x190, s16  }
0x123: {  	[tilespmem:s28], [sflag:$0x3] =	stream.indirect.gather [hbm4b:s0+s17], $0x80, s21, s17, $0xb8;
	[tilespmem:$0x1CA00] =	vst v63  }
0x124: {  	s16 =	sadd.s32 $0x1F8, s16  }
0x125: {  	[tilespmem:s29], [sflag:$0x3] =	stream.indirect.gather [hbm4b:s0+s19], $0x80, s16, s19, $0xb8;
	[tilespmem:$0x1CA00] =	vst v63  }
.LBB2_8:
0x126: {  	s16 =	sadd.s32 $0x1, s15;
	_ =	swait.ge [sflag:s30], $0x6400  }
0x127: {  	[sflag:s30] =	ssyncset.done $0x0;
	s21 =	sshll.u32 s16, $0x7  }
0x128: {  	[sflag:s30] =	ssyncadd.s32 $0xFFFF9C00;
	s21 =	sand.u32 $0x3FFFFF80, s21  }
0x129: {  	v16 =	vld [tilespmem:s21+$0x1900]  }
0x12a: {  	v17 =	vld [tilespmem:$0x16180]  }
0x12b: {  	v18 =	vld [tilespmem:s21+$0x1910]  }
0x12c: {  	v19 =	vld [tilespmem:$0x16190]  }
0x12d: {  	v20 =	vld [tilespmem:s21+$0x1920]  }
0x12e: {  	v21 =	vld [tilespmem:$0x161A0]  }
0x12f: {  	v22 =	vld [tilespmem:s21+$0x1930]  }
0x130: {  	v23 =	vld [tilespmem:$0x161B0]  }
0x131: {  	v24 =	vld [tilespmem:s21+$0x1940]  }
0x132: {  	v42 =	vld [tilespmem:$0x161C0];
	v16 =	vadd.f32 v17, v16;
	v17 =	vadd.f32 v19, v18  }
0x133: {  	v44 =	vld [tilespmem:s21+$0x1950];
	v43 =	vadd.f32 v21, v20  }
0x134: {  	v45 =	vld [tilespmem:$0x161D0];
	v25 =	vmul.f32 v16, v16;
	v26 =	vadd.f32 v17, v16;
	v27 =	vmul.f32 v17, v17  }
0x135: {  	v46 =	vld [tilespmem:s21+$0x1960];
	v22 =	vadd.f32 v23, v22  }
0x136: {  	v28 =	vld [tilespmem:$0x161E0];
	v47 =	vmul.f32 v43, v43;
	v25 =	vadd.f32 v27, v25;
	v26 =	vadd.f32 v43, v26  }
0x137: {  	v48 =	vld [tilespmem:s21+$0x1970];
	v18 =	vadd.f32 v42, v24  }
0x138: {  	v29 =	vld [tilespmem:$0x161F0];
	v49 =	vmul.f32 v22, v22;
	v25 =	vadd.f32 v47, v25;
	v26 =	vadd.f32 v22, v26  }
0x139: {  	v20 =	vadd.f32 v45, v44  }
0x13a: {  	v52 =	vmul.f32 v18, v18;
	v50 =	vadd.f32 v49, v25;
	v51 =	vadd.f32 v18, v26  }
0x13b: {  	v23 =	vadd.f32 v28, v46  }
0x13c: {  	v53 =	vmul.f32 v20, v20;
	v21 =	vadd.f32 v52, v50;
	v25 =	vadd.f32 v20, v51  }
0x13d: {  	v24 =	vadd.f32 v29, v48  }
0x13e: {  	v54 =	vmul.f32 v23, v23;
	v21 =	vadd.f32 v53, v21;
	v25 =	vadd.f32 v23, v25;
	_ =	sdelay $0x1  }
0x13f: {  	v55 =	vmul.f32 v24, v24;
	v21 =	vadd.f32 v54, v21;
	v25 =	vadd.f32 v24, v25;
	_ =	sdelay $0x1  }
0x140: {  	v21 =	vadd.f32 v55, v21;
	(xrf2) =	vadd.scan.msk.f32 $0xffff, v25;
	_ =	sdelay $0x1  }
0x141: {  	(xrf2) =	vadd.scan.msk.f32 $0xffff, v21;
	_ =	sdelay $0x7  }
0x142: {  	v56, _, _ =	vpop (xrf2)  }
0x143: {  	v21 =	vmul.f32 $7.812500000e-03, v56  }
0x144: {  	v57, _, _ =	vpop (xrf2)  }
0x145: {  	v25 =	vmul.f32 $7.812500000e-03, v57;
	v58 =	vmul.f32 v21, v21;
	_ =	sdelay $0x1  }
0x146: {  	v25 =	vsub.f32 v25, v58;
	_ =	sdelay $0x1  }
0x147: {  	v25 =	vmax.f32 v25, $0.0e+00  }
0x148: {  	v25 =	vadd.f32 $9.999999960e-13, v25;
	_ =	sdelay $0x1  }
0x149: {  	v25 =	vbroadcast v25, $0xF;
	_ =	sdelay $0x1  }
0x14a: {  	v59 =	vshrl.u32 v25, $0x1  }
0x14b: {  	v26 =	vsub.s32 $0x5F3759DF, v59  }
0x14c: {  	v25 =	vmul.f32 $5.000000000e-01, v25;
	v60 =	vmul.f32 v26, v26;
	_ =	sdelay $0x1  }
0x14d: {  	v27 =	vmul.f32 v60, v25;
	_ =	sdelay $0x1  }
0x14e: {  	v27 =	vsub.f32 $1.500000000e+00, v27;
	_ =	sdelay $0x1  }
0x14f: {  	v26 =	vmul.f32 v26, v27;
	_ =	sdelay $0x1  }
0x150: {  	v27 =	vmul.f32 v26, v26;
	_ =	sdelay $0x1  }
0x151: {  	v25 =	vmul.f32 v27, v25;
	_ =	sdelay $0x1  }
0x152: {  	v21 =	vbroadcast v21, $0xF;
	v25 =	vsub.f32 $1.500000000e+00, v25;
	_ =	sdelay $0x1  }
0x153: {  	v16 =	vsub.f32 v16, v21;
	v25 =	vmul.f32 v25, v26  }
0x154: {  	v17 =	vsub.f32 v17, v21  }
0x155: {  	v19 =	vsub.f32 v43, v21;
	v22 =	vsub.f32 v22, v21;
	v16 =	vmul.f32 v25, v16  }
0x156: {  	v18 =	vsub.f32 v18, v21;
	v20 =	vsub.f32 v20, v21;
	v17 =	vmul.f32 v25, v17  }
0x157: {  	v23 =	vsub.f32 v23, v21;
	v19 =	vmul.f32 v25, v19;
	v16 =	vmul.f32 v16, v0  }
0x158: {  	v21 =	vsub.f32 v24, v21;
	v20 =	vmul.f32 v25, v20;
	v17 =	vmul.f32 v17, v1  }
0x159: {  	v22 =	vmul.f32 v25, v22;
	v19 =	vmul.f32 v19, v2;
	v16 =	vadd.f32 v16, v8  }
0x15a: {  	v18 =	vmul.f32 v25, v18;
	v20 =	vmul.f32 v20, v5;
	v17 =	vadd.f32 v17, v9  }
0x15b: {  	v23 =	vmul.f32 v25, v23;
	v22 =	vmul.f32 v22, v3;
	v19 =	vadd.f32 v19, v10;
	[tilespmem:$0x9100] =	vst v16  }
0x15c: {  	v21 =	vmul.f32 v25, v21;
	v18 =	vmul.f32 v18, v4;
	v62 =	vadd.f32 v20, v13;
	[tilespmem:$0x9110] =	vst v17  }
0x15d: {  	v61 =	vmul.f32 v23, v6;
	v16 =	vadd.f32 v22, v11;
	[tilespmem:$0x9120] =	vst v19  }
0x15e: {  	v63 =	vmul.f32 v21, v7;
	v17 =	vadd.f32 v18, v12;
	[tilespmem:$0x9150] =	vst v62  }
0x15f: {  	[tilespmem:$0x9130] =	vst v16;
	v16 =	vadd.f32 v61, v14  }
0x160: {  	[tilespmem:$0x9140] =	vst v17;
	v17 =	vadd.f32 v63, v15  }
0x161: {  	[tilespmem:$0x9160] =	vst v16  }
0x162: {  	s21 =	simm.s32 $0x0;
	[tilespmem:$0x9170] =	vst v17  }
.LBB2_9:
0x163: {  	s23 =	sshra.s32 s21, $0x2  }
0x164: {  	v16 =	vld [tilespmem:s23+$0x9180]  }
0x165: {  	v17 =	vld [tilespmem:s23+$0x16200]  }
0x166: {  	v18 =	vld [tilespmem:s23+$0x9190]  }
0x167: {  	v19 =	vld [tilespmem:s23+$0x16210]  }
0x168: {  	v20 =	vld [tilespmem:s23+$0x91A0]  }
0x169: {  	v21 =	vld [tilespmem:s23+$0x16220]  }
0x16a: {  	v22 =	vld [tilespmem:s23+$0x91B0]  }
0x16b: {  	v23 =	vld [tilespmem:s23+$0x16230]  }
0x16c: {  	v24 =	vld [tilespmem:s23+$0x91C0]  }
0x16d: {  	v25 =	vld [tilespmem:s23+$0x16240]  }
0x16e: {  	v26 =	vld [tilespmem:s23+$0x91D0]  }
0x16f: {  	v29 =	vld [tilespmem:s23+$0x16250]  }
0x170: {  	v33 =	vld [tilespmem:s23+$0x91E0]  }
0x171: {  	v35 =	vld [tilespmem:s23+$0x16260]  }
0x172: {  	v37 =	vld [tilespmem:s23+$0x91F0]  }
0x173: {  	v38 =	vld [tilespmem:s23+$0x16270]  }
0x174: {  	v39 =	vld [tilespmem:s23+$0x9200]  }
0x175: {  	v40 =	vld [tilespmem:s23+$0x16280]  }
0x176: {  	v41 =	vld [tilespmem:s23+$0x9210]  }
0x177: {  	v56 =	vld [tilespmem:s23+$0x162A0]  }
0x178: {  	v57 =	vld [tilespmem:s23+$0x9230]  }
0x179: {  	v62 =	vld [tilespmem:s23+$0x9260]  }
0x17a: {  	v63 =	vld [tilespmem:s23+$0x162E0]  }
0x17b: {  	v48 =	vld [tilespmem:s23+$0x9280];
	v31 =	vadd.f32 v17, v16  }
0x17c: {  	v49 =	vld [tilespmem:s23+$0x16300];
	v30 =	vadd.f32 v19, v18;
	v27 =	vadd.f32 v21, v20  }
0x17d: {  	v58 =	vld [tilespmem:s23+$0x162B0];
	v28 =	vadd.f32 v23, v22;
	v32 =	vadd.f32 v25, v24  }
0x17e: {  	v16 =	vld [tilespmem:s23+$0x16290];
	v19 =	vadd.f32 v30, v31;
	v60 =	vmul.f32 v31, v31;
	v34 =	vmul.f32 v30, v30  }
0x17f: {  	v59 =	vld [tilespmem:s23+$0x9240];
	v37 =	vadd.f32 v38, v37;
	v38 =	vadd.f32 v40, v39  }
0x180: {  	v17 =	vld [tilespmem:s23+$0x9220];
	v36 =	vmul.f32 v27, v27;
	v19 =	vadd.f32 v27, v19;
	v23 =	vadd.f32 v34, v60  }
0x181: {  	v61 =	vld [tilespmem:s23+$0x162C0];
	v45 =	vadd.f32 v63, v62;
	v20 =	vadd.f32 v49, v48  }
0x182: {  	v43 =	vld [tilespmem:s23+$0x162F0];
	v42 =	vmul.f32 v28, v28;
	v19 =	vadd.f32 v28, v19;
	v23 =	vadd.f32 v36, v23  }
0x183: {  	v25 =	vld [tilespmem:s23+$0x9250];
	v34 =	vadd.f32 v29, v26;
	v39 =	vadd.f32 v16, v41  }
0x184: {  	v46 =	vmul.f32 v32, v32;
	v26 =	vld [tilespmem:s23+$0x162D0];
	v19 =	vadd.f32 v32, v19;
	v23 =	vadd.f32 v42, v23  }
0x185: {  	v50 =	vld [tilespmem:s23+$0x9290];
	v40 =	vadd.f32 v56, v17;
	v36 =	vadd.f32 v35, v33  }
0x186: {  	v54 =	vld [tilespmem:s23+$0x16320];
	v47 =	vmul.f32 v34, v34;
	v19 =	vadd.f32 v34, v19;
	v23 =	vadd.f32 v46, v23  }
0x187: {  	v62 =	vld [tilespmem:s23+$0x92C0];
	v55 =	vmul.f32 v38, v38;
	v56 =	vadd.f32 v39, v38;
	v42 =	vadd.f32 v58, v57  }
0x188: {  	v17 =	vld [tilespmem:s23+$0x92A0];
	v44 =	vmul.f32 v36, v36;
	v19 =	vadd.f32 v36, v19;
	v23 =	vadd.f32 v47, v23  }
0x189: {  	v35 =	vld [tilespmem:s23+$0x9270];
	v41 =	vmul.f32 v39, v39;
	v60 =	vadd.f32 v40, v56;
	v46 =	vadd.f32 v26, v25  }
0x18a: {  	v53 =	vmul.f32 v37, v37;
	v16 =	vld [tilespmem:s23+$0x16310];
	v19 =	vadd.f32 v37, v19;
	v52 =	vadd.f32 v44, v23  }
0x18b: {  	v63 =	vld [tilespmem:s23+$0x16340];
	v44 =	vadd.f32 v61, v59;
	v59 =	vadd.f32 v41, v55;
	v61 =	vmul.f32 v40, v40  }
0x18c: {  	v57 =	vld [tilespmem:s23+$0x92B0];
	v41 =	vadd.f32 v42, v60;
	(xrf2) =	vadd.scan.msk.f32 $0xffff, v19;
	v18 =	vadd.f32 v53, v52  }
0x18d: {  	v58 =	vld [tilespmem:s23+$0x16330];
	v51 =	vmul.f32 v42, v42;
	v17 =	vadd.f32 v54, v17;
	v33 =	vadd.f32 v61, v59  }
0x18e: {  	v47 =	vadd.f32 v43, v35;
	v52 =	vadd.f32 v44, v41;
	(xrf2) =	vadd.scan.msk.f32 $0xffff, v18  }
0x18f: {  	v53 =	vmul.f32 v44, v44;
	v19 =	vadd.f32 v16, v50;
	v18 =	vadd.f32 v51, v33  }
0x190: {  	v16 =	vadd.f32 v63, v62;
	v23 =	vadd.f32 v46, v52  }
0x191: {  	v55 =	vmul.f32 v46, v46;
	v59 =	vadd.f32 v19, v20;
	v29 =	vadd.f32 v53, v18  }
0x192: {  	v21 =	vld [tilespmem:s23+$0x92D0];
	v60 =	vmul.f32 v19, v19;
	v18 =	vadd.f32 v58, v57;
	v58 =	vmul.f32 v20, v20  }
0x193: {  	v22 =	vld [tilespmem:s23+$0x16350];
	v23 =	vadd.f32 v45, v23;
	v57 =	vmul.f32 v45, v45;
	v56 =	vadd.f32 v55, v29  }
0x194: {  	v24 =	vld [tilespmem:s23+$0x92E0];
	v63 =	vmul.f32 v17, v17;
	v35 =	vadd.f32 v17, v59;
	v33 =	vadd.f32 v60, v58  }
0x195: {  	v61 =	vmul.f32 v47, v47;
	v29 =	vld [tilespmem:s23+$0x16360];
	v23 =	vadd.f32 v47, v23;
	v25 =	vadd.f32 v57, v56  }
0x196: {  	v49 =	vld [tilespmem:s23+$0x16370];
	v58 =	vmul.f32 v18, v18;
	v56 =	vadd.f32 v63, v33;
	v54, _, _ =	vpop (xrf2)  }
0x197: {  	v43 =	vld [tilespmem:s23+$0x92F0];
	v57 =	vadd.f32 v18, v35;
	v25 =	vadd.f32 v61, v25;
	(xrf2) =	vadd.scan.msk.f32 $0xffff, v23;
	v48 =	vmul.f32 $7.812500000e-03, v54  }
0x198: {  	v21 =	vadd.f32 v22, v21;
	v26 =	vld [tilespmem:s23+$0x16380];
	v59 =	vmul.f32 v16, v16;
	v23 =	vadd.f32 v58, v56;
	v62, _, _ =	vpop (xrf2)  }
0x199: {  	v41 =	vld [tilespmem:s23+$0x9310];
	v33 =	vadd.f32 v16, v57;
	(xrf2) =	vadd.scan.msk.f32 $0xffff, v25;
	v50 =	vmul.f32 $7.812500000e-03, v62;
	v52 =	vmul.f32 v48, v48  }
0x19a: {  	v51 =	vld [tilespmem:s23+$0x9300];
	v61 =	vmul.f32 v21, v21;
	v22 =	vadd.f32 v29, v24;
	v35 =	vadd.f32 v59, v23  }
0x19b: {  	v53 =	vld [tilespmem:s23+$0x163B0];
	v33 =	vadd.f32 v21, v33;
	v48 =	vbroadcast v48, $0xF;
	v50 =	vsub.f32 v50, v52  }
0x19c: {  	v55 =	vld [tilespmem:s23+$0x9350];
	v23 =	vadd.f32 v49, v43;
	v62 =	vmul.f32 v22, v22;
	v35 =	vadd.f32 v61, v35  }
0x19d: {  	v58 =	vld [tilespmem:s23+$0x163D0];
	v33 =	vadd.f32 v22, v33;
	v31 =	vsub.f32 v31, v48;
	v60 =	vmax.f32 v50, $0.0e+00  }
0x19e: {  	v25 =	vld [tilespmem:s23+$0x16390];
	v30 =	vsub.f32 v30, v48;
	v29 =	vadd.f32 $9.999999960e-13, v60  }
0x19f: {  	v24 =	vld [tilespmem:s23+$0x9320];
	v63 =	vmul.f32 v23, v23;
	v35 =	vadd.f32 v62, v35;
	v33 =	vadd.f32 v23, v33  }
0x1a0: {  	v27 =	vsub.f32 v27, v48;
	v28 =	vsub.f32 v28, v48;
	v50 =	vld [tilespmem:s23+$0x163A0];
	v29 =	vbroadcast v29, $0xF  }
0x1a1: {  	v54 =	vld [tilespmem:s23+$0x163C0];
	v32 =	vsub.f32 v32, v48;
	v35 =	vadd.f32 v63, v35;
	v57, _, _ =	vpop (xrf2);
	(xrf2) =	vadd.scan.msk.f32 $0xffff, v33  }
0x1a2: {  	v49 =	vld [tilespmem:s23+$0x9330];
	v34 =	vsub.f32 v34, v48;
	v57 =	vmul.f32 $7.812500000e-03, v57;
	v56 =	vshrl.u32 v29, $0x1  }
0x1a3: {  	v59 =	vld [tilespmem:s23+$0x9360];
	v41 =	vadd.f32 v25, v41;
	v25 =	vadd.f32 v58, v55;
	v43, _, _ =	vpop (xrf2);
	(xrf2) =	vadd.scan.msk.f32 $0xffff, v35;
	v56 =	vsub.s32 $0x5F3759DF, v56  }
0x1a4: {  	v61 =	vld [tilespmem:s23+$0x163E0];
	v33 =	vmul.f32 $7.812500000e-03, v43;
	v62 =	vmul.f32 v57, v57;
	v43 =	vadd.f32 v26, v51  }
0x1a5: {  	v52 =	vld [tilespmem:s23+$0x9340];
	v60 =	vmul.f32 $5.000000000e-01, v29;
	v35 =	vadd.f32 v50, v24;
	v29 =	vmul.f32 v56, v56  }
0x1a6: {  	v50 =	vld [tilespmem:s23+$0x163F0];
	v62 =	vsub.f32 v33, v62;
	v58 =	vadd.f32 v41, v43  }
0x1a7: {  	v36 =	vsub.f32 v36, v48;
	v37 =	vsub.f32 v37, v48;
	v26 =	vld [tilespmem:s23+$0x9370];
	v29 =	vmul.f32 v29, v60  }
0x1a8: {  	v33 =	vadd.f32 v53, v49;
	v62 =	vmax.f32 v62, $0.0e+00;
	v53 =	vadd.f32 v35, v58  }
0x1a9: {  	v24 =	vadd.f32 v61, v59;
	v63 =	vsub.f32 $1.500000000e+00, v29  }
0x1aa: {  	v59 =	vmul.f32 v41, v41;
	v29 =	vadd.f32 v54, v52;
	v53 =	vadd.f32 v33, v53  }
0x1ab: {  	v51 =	vadd.f32 $9.999999960e-13, v62;
	v49 =	vmul.f32 v56, v63;
	v63 =	vmul.f32 v43, v43;
	v62, _, _ =	vpop (xrf2)  }
0x1ac: {  	v26 =	vadd.f32 v50, v26;
	v55 =	vmul.f32 $7.812500000e-03, v62;
	v53 =	vadd.f32 v29, v53  }
0x1ad: {  	v61 =	vmul.f32 v49, v49;
	v52 =	vadd.f32 v59, v63;
	v63 =	vmul.f32 v35, v35;
	v62, _, _ =	vpop (xrf2)  }
0x1ae: {  	v51 =	vbroadcast v51, $0xF;
	v58 =	vmul.f32 $7.812500000e-03, v62;
	v53 =	vadd.f32 v25, v53  }
0x1af: {  	v50 =	vmul.f32 v61, v60;
	v52 =	vadd.f32 v63, v52;
	v63 =	vmul.f32 v33, v33  }
0x1b0: {  	v61 =	vshrl.u32 v51, $0x1;
	v60 =	vmul.f32 v55, v55;
	v51 =	vmul.f32 $5.000000000e-01, v51  }
0x1b1: {  	v56 =	vsub.s32 $0x5F3759DF, v61;
	v61 =	vmul.f32 v29, v29;
	v53 =	vadd.f32 v24, v53  }
0x1b2: {  	v52 =	vadd.f32 v63, v52;
	v62 =	vmul.f32 v56, v56;
	v50 =	vsub.f32 $1.500000000e+00, v50  }
0x1b3: {  	v58 =	vsub.f32 v58, v60;
	v63 =	vmul.f32 v25, v25;
	v60 =	vmul.f32 v24, v24  }
0x1b4: {  	v53 =	vadd.f32 v26, v53;
	v52 =	vadd.f32 v61, v52;
	v49 =	vmul.f32 v50, v49  }
0x1b5: {  	v59 =	vmul.f32 v62, v51;
	v58 =	vmax.f32 v58, $0.0e+00;
	v61 =	vmul.f32 v26, v26  }
0x1b6: {  	v58 =	vadd.f32 $9.999999960e-13, v58;
	v31 =	vmul.f32 v49, v31;
	v30 =	vmul.f32 v49, v30  }
0x1b7: {  	v52 =	vadd.f32 v63, v52;
	v27 =	vmul.f32 v49, v27;
	v28 =	vmul.f32 v49, v28  }
0x1b8: {  	v59 =	vsub.f32 $1.500000000e+00, v59;
	v32 =	vmul.f32 v49, v32;
	v34 =	vmul.f32 v49, v34  }
0x1b9: {  	(xrf2) =	vadd.scan.msk.f32 $0xffff, v53;
	v36 =	vmul.f32 v49, v36;
	v37 =	vmul.f32 v49, v37  }
0x1ba: {  	v63 =	vbroadcast v58, $0xF;
	v52 =	vadd.f32 v60, v52;
	v62 =	vmul.f32 v56, v59  }
0x1bb: {  	v60 =	vbroadcast v57, $0xF;
	v31 =	vmul.f32 v31, v0  }
0x1bc: {  	v30 =	vmul.f32 v30, v1;
	v27 =	vmul.f32 v27, v2;
	v52 =	vadd.f32 v61, v52  }
0x1bd: {  	v28 =	vmul.f32 v28, v3;
	v32 =	vmul.f32 v32, v4  }
0x1be: {  	v34 =	vmul.f32 v34, v5;
	v36 =	vmul.f32 v36, v6;
	(xrf2) =	vadd.scan.msk.f32 $0xffff, v52  }
0x1bf: {  	v37 =	vmul.f32 v37, v7;
	v58 =	vshrl.u32 v63, $0x1;
	v56 =	vmul.f32 v62, v62  }
0x1c0: {  	v53 =	vmul.f32 $5.000000000e-01, v63;
	v38 =	vsub.f32 v38, v60;
	v39 =	vsub.f32 v39, v60  }
0x1c1: {  	v40 =	vsub.f32 v40, v60;
	v42 =	vsub.f32 v42, v60;
	v51 =	vmul.f32 v56, v51  }
0x1c2: {  	v44 =	vsub.f32 v44, v60;
	v46 =	vsub.f32 v46, v60;
	v52 =	vsub.s32 $0x5F3759DF, v58  }
0x1c3: {  	v45 =	vsub.f32 v45, v60;
	v59 =	vmul.f32 v52, v52;
	v51 =	vsub.f32 $1.500000000e+00, v51;
	v61, _, _ =	vpop (xrf2)  }
0x1c4: {  	v47 =	vsub.f32 v47, v60;
	v31 =	vadd.f32 v31, v8;
	v49 =	vmul.f32 $7.812500000e-03, v61  }
0x1c5: {  	v30 =	vadd.f32 v30, v9;
	v54 =	vmul.f32 v59, v53;
	v50 =	vmul.f32 v51, v62  }
0x1c6: {  	v27 =	vadd.f32 v27, v10;
	v28 =	vadd.f32 v28, v11;
	v63 =	vmul.f32 v49, v49  }
0x1c7: {  	v54 =	vsub.f32 $1.500000000e+00, v54;
	v38 =	vmul.f32 v50, v38;
	v39 =	vmul.f32 v50, v39  }
0x1c8: {  	v32 =	vadd.f32 v32, v12;
	v40 =	vmul.f32 v50, v40;
	v42 =	vmul.f32 v50, v42;
	v62, _, _ =	vpop (xrf2)  }
0x1c9: {  	v34 =	vadd.f32 v34, v13;
	v51 =	vmul.f32 v52, v54;
	v54 =	vmul.f32 $7.812500000e-03, v62  }
0x1ca: {  	v36 =	vadd.f32 v36, v14;
	v44 =	vmul.f32 v50, v44;
	v46 =	vmul.f32 v50, v46  }
0x1cb: {  	v45 =	vmul.f32 v50, v45;
	v52 =	vmul.f32 v51, v51;
	v61 =	vsub.f32 v54, v63  }
0x1cc: {  	v37 =	vadd.f32 v37, v15;
	v47 =	vmul.f32 v50, v47;
	v38 =	vmul.f32 v38, v0  }
0x1cd: {  	v39 =	vmul.f32 v39, v1;
	v60 =	vmul.f32 v52, v53;
	v52 =	vmax.f32 v61, $0.0e+00  }
0x1ce: {  	v40 =	vmul.f32 v40, v2;
	v42 =	vmul.f32 v42, v3;
	v52 =	vadd.f32 $9.999999960e-13, v52  }
0x1cf: {  	v44 =	vmul.f32 v44, v4;
	v57 =	vmul.f32 v46, v5;
	v38 =	vadd.f32 v38, v8  }
0x1d0: {  	v63 =	vbroadcast v55, $0xF;
	v48 =	vsub.f32 $1.500000000e+00, v60;
	v52 =	vbroadcast v52, $0xF  }
0x1d1: {  	v58 =	vmul.f32 v45, v6;
	v39 =	vadd.f32 v39, v9;
	v40 =	vadd.f32 v40, v10  }
0x1d2: {  	[tilespmem:s23+$0x9180] =	vst v31;
	v48 =	vmul.f32 v48, v51;
	v20 =	vsub.f32 v20, v63;
	v62 =	vshrl.u32 v52, $0x1  }
0x1d3: {  	[tilespmem:s23+$0x9190] =	vst v30;
	v19 =	vsub.f32 v19, v63;
	v17 =	vsub.f32 v17, v63;
	v50 =	vsub.s32 $0x5F3759DF, v62  }
0x1d4: {  	[tilespmem:s23+$0x91A0] =	vst v27;
	v18 =	vsub.f32 v18, v63;
	v52 =	vmul.f32 $5.000000000e-01, v52;
	v54 =	vmul.f32 v50, v50  }
0x1d5: {  	[tilespmem:s23+$0x91B0] =	vst v28;
	v59 =	vmul.f32 v47, v7;
	v16 =	vsub.f32 v16, v63;
	v21 =	vsub.f32 v21, v63  }
0x1d6: {  	[tilespmem:s23+$0x91C0] =	vst v32;
	v22 =	vsub.f32 v22, v63;
	v20 =	vmul.f32 v48, v20;
	v31 =	vmul.f32 v54, v52  }
0x1d7: {  	[tilespmem:s23+$0x91D0] =	vst v34;
	v23 =	vsub.f32 v23, v63;
	v19 =	vmul.f32 v48, v19;
	v17 =	vmul.f32 v48, v17  }
0x1d8: {  	[tilespmem:s23+$0x91E0] =	vst v36;
	v18 =	vmul.f32 v48, v18;
	v16 =	vmul.f32 v48, v16;
	v31 =	vsub.f32 $1.500000000e+00, v31  }
0x1d9: {  	[tilespmem:s23+$0x91F0] =	vst v37;
	v56 =	vadd.f32 v44, v12;
	v21 =	vmul.f32 v48, v21;
	v22 =	vmul.f32 v48, v22  }
0x1da: {  	v27 =	vadd.f32 v58, v14;
	[tilespmem:s23+$0x9200] =	vst v38;
	v23 =	vmul.f32 v48, v23;
	v31 =	vmul.f32 v50, v31  }
0x1db: {  	v28 =	vadd.f32 v59, v15;
	[tilespmem:s23+$0x9210] =	vst v39;
	v20 =	vmul.f32 v20, v0;
	v19 =	vmul.f32 v19, v1  }
0x1dc: {  	[tilespmem:s23+$0x9220] =	vst v40;
	v55 =	vadd.f32 v42, v11;
	v17 =	vmul.f32 v17, v2;
	v61 =	vmul.f32 v31, v31  }
0x1dd: {  	[tilespmem:s23+$0x9240] =	vst v56;
	v60 =	vadd.f32 v57, v13;
	v18 =	vmul.f32 v18, v3;
	v16 =	vmul.f32 v16, v4  }
0x1de: {  	[tilespmem:s23+$0x9260] =	vst v27;
	v21 =	vmul.f32 v21, v5;
	v20 =	vadd.f32 v20, v8;
	v34 =	vmul.f32 v61, v52  }
0x1df: {  	[tilespmem:s23+$0x9270] =	vst v28;
	v22 =	vmul.f32 v22, v6;
	v19 =	vadd.f32 v19, v9;
	v17 =	vadd.f32 v17, v10  }
0x1e0: {  	[tilespmem:s23+$0x9230] =	vst v55;
	v18 =	vadd.f32 v18, v11;
	v62 =	vbroadcast v49, $0xF;
	v34 =	vsub.f32 $1.500000000e+00, v34  }
0x1e1: {  	[tilespmem:s23+$0x9250] =	vst v60;
	v39 =	vmul.f32 v23, v7;
	v16 =	vadd.f32 v16, v12;
	v38 =	vadd.f32 v21, v13  }
0x1e2: {  	v63 =	vsub.f32 v43, v62;
	v36 =	vsub.f32 v41, v62;
	[tilespmem:s23+$0x9280] =	vst v20;
	v31 =	vmul.f32 v34, v31  }
0x1e3: {  	[tilespmem:s23+$0x9290] =	vst v19;
	v41 =	vadd.f32 v22, v14;
	v43 =	vsub.f32 v35, v62  }
0x1e4: {  	[tilespmem:s23+$0x92A0] =	vst v17;
	v17 =	vadd.f32 v39, v15;
	v45 =	vsub.f32 v33, v62;
	v37 =	vmul.f32 v31, v63  }
0x1e5: {  	[tilespmem:s23+$0x92B0] =	vst v18;
	v48 =	vsub.f32 v29, v62;
	v24 =	vsub.f32 v24, v62;
	v40 =	vmul.f32 v31, v36  }
0x1e6: {  	[tilespmem:s23+$0x92C0] =	vst v16;
	v55 =	vsub.f32 v26, v62;
	v47 =	vmul.f32 v31, v43;
	v42 =	vmul.f32 v37, v0  }
0x1e7: {  	[tilespmem:s23+$0x92D0] =	vst v38;
	v50 =	vsub.f32 v25, v62;
	v49 =	vmul.f32 v31, v45;
	v44 =	vmul.f32 v40, v1  }
0x1e8: {  	[tilespmem:s23+$0x92E0] =	vst v41;
	v57 =	vmul.f32 v31, v24;
	v51 =	vmul.f32 v47, v2;
	v46 =	vadd.f32 v42, v8  }
0x1e9: {  	[tilespmem:s23+$0x92F0] =	vst v17;
	v52 =	vmul.f32 v31, v48;
	v53 =	vmul.f32 v49, v3;
	v16 =	vadd.f32 v44, v9  }
0x1ea: {  	v54 =	vmul.f32 v31, v50;
	v61 =	vmul.f32 v57, v6;
	v17 =	vadd.f32 v51, v10;
	[tilespmem:s23+$0x9300] =	vst v46  }
0x1eb: {  	v60 =	vmul.f32 v31, v55;
	v56 =	vmul.f32 v52, v4;
	v58 =	vadd.f32 v53, v11;
	[tilespmem:s23+$0x9310] =	vst v16  }
0x1ec: {  	p0 =	sne.s32 s21, $0x18800;
	v59 =	vmul.f32 v54, v5;
	v63 =	vadd.f32 v61, v14;
	[tilespmem:s23+$0x9320] =	vst v17  }
.Ltmp5:
0x1ed: {  	v62 =	vmul.f32 v60, v7;
	v16 =	vadd.f32 v56, v12;
	[tilespmem:s23+$0x9330] =	vst v58;
	(pc) =	sbr.rel @p0 .LBB2_9-.Ltmp5, $4  }
0x1ee: {  	v17 =	vadd.f32 v59, v13;
	[tilespmem:s23+$0x9360] =	vst v63  }
0x1ef: {  	[tilespmem:s23+$0x9340] =	vst v16;
	v16 =	vadd.f32 v62, v15  }
0x1f0: {  	[tilespmem:s23+$0x9350] =	vst v17  }
0x1f1: {  	s21 =	sadd.s32 $0x800, s21;
	[tilespmem:s23+$0x9370] =	vst v16  }
0x1f2: {  	p0 =	seq.s32 s14, $0xA  }
.Ltmp6:
0x1f3: {  	s16 =	sadd.s32 s8, s16;
	(pc) =	sbr.rel @p0 .LBB2_14-.Ltmp6, $3  }
0x1f4: {  	s16 =	smul.u32 $0xD00, s16;
	_ =	sdelay $0x1  }
0x1f5: {  	s16 =	sadd.s32 s7, s16  }
0x1f6: {  	[hbm4b:s16+s6] =	stream.linear.scatter [tilespmem:s31], [sflag:$0x5], $0x6480, $0x38;
	[tilespmem:$0x1CA00] =	vst v63  }
0x1f7: {  	s16 =	smul.u32 $0x960, s14  }
0x1f8: {  	_ =	swait.ge [sflag:s3], $0x6480  }
0x1f9: {  	[sflag:s3] =	ssyncset.done $0x0;
	s16 =	sshra.s32 s16, $0x2  }
0x1fa: {  	[sflag:s3] =	ssyncadd.s32 $0xFFFF9B80;
	s21 =	sadd.s32 $0x258, s16  }
0x1fb: {  	[tilespmem:s18], [sflag:$0x1] =	stream.indirect.gather [hbm4b:s0+s17], $0x80, s21, s17, $0xb8;
	[tilespmem:$0x1CA00] =	vst v63  }
0x1fc: {  	s23 =	sadd.s32 $0x2C0, s16  }
0x1fd: {  	[tilespmem:s20], [sflag:$0x1] =	stream.indirect.gather [hbm4b:s0+s19], $0x80, s23, s19, $0xb8;
	[tilespmem:$0x1CA00] =	vst v63  }
0x1fe: {  	s15 =	sadd.s32 $0x2, s15;
	_ =	swait.ge [sflag:s4], $0x6400  }
0x1ff: {  	s23 =	sshll.u32 s15, $0x7;
	[sflag:s4] =	ssyncset.done $0x0  }
0x200: {  	s21 =	sand.u32 $0x3FFFFF80, s23;
	[sflag:s4] =	ssyncadd.s32 $0xFFFF9C00  }
0x201: {  	v16 =	vld [tilespmem:s21+$0x1900]  }
0x202: {  	v17 =	vld [tilespmem:$0x16180]  }
0x203: {  	v18 =	vld [tilespmem:s21+$0x1910]  }
0x204: {  	v19 =	vld [tilespmem:$0x16190]  }
0x205: {  	v20 =	vld [tilespmem:s21+$0x1920]  }
0x206: {  	v21 =	vld [tilespmem:$0x161A0]  }
0x207: {  	v22 =	vld [tilespmem:s21+$0x1930]  }
0x208: {  	v23 =	vld [tilespmem:$0x161B0]  }
0x209: {  	v24 =	vld [tilespmem:s21+$0x1940]  }
0x20a: {  	v42 =	vld [tilespmem:$0x161C0];
	v16 =	vadd.f32 v17, v16;
	v17 =	vadd.f32 v19, v18  }
0x20b: {  	v44 =	vld [tilespmem:s21+$0x1950];
	v43 =	vadd.f32 v21, v20  }
0x20c: {  	v45 =	vld [tilespmem:$0x161D0];
	v25 =	vmul.f32 v16, v16;
	v26 =	vadd.f32 v17, v16;
	v27 =	vmul.f32 v17, v17  }
0x20d: {  	v46 =	vld [tilespmem:s21+$0x1960];
	v22 =	vadd.f32 v23, v22  }
0x20e: {  	v28 =	vld [tilespmem:$0x161E0];
	v47 =	vmul.f32 v43, v43;
	v25 =	vadd.f32 v27, v25;
	v26 =	vadd.f32 v43, v26  }
0x20f: {  	v48 =	vld [tilespmem:s21+$0x1970];
	v18 =	vadd.f32 v42, v24  }
0x210: {  	v29 =	vld [tilespmem:$0x161F0];
	v49 =	vmul.f32 v22, v22;
	v25 =	vadd.f32 v47, v25;
	v26 =	vadd.f32 v22, v26  }
0x211: {  	v20 =	vadd.f32 v45, v44  }
0x212: {  	v52 =	vmul.f32 v18, v18;
	v50 =	vadd.f32 v49, v25;
	v51 =	vadd.f32 v18, v26  }
0x213: {  	v23 =	vadd.f32 v28, v46  }
0x214: {  	v53 =	vmul.f32 v20, v20;
	v21 =	vadd.f32 v52, v50;
	v25 =	vadd.f32 v20, v51  }
0x215: {  	v24 =	vadd.f32 v29, v48  }
0x216: {  	v54 =	vmul.f32 v23, v23;
	v21 =	vadd.f32 v53, v21;
	v25 =	vadd.f32 v23, v25;
	_ =	sdelay $0x1  }
0x217: {  	v55 =	vmul.f32 v24, v24;
	v21 =	vadd.f32 v54, v21;
	v25 =	vadd.f32 v24, v25;
	_ =	sdelay $0x1  }
0x218: {  	v21 =	vadd.f32 v55, v21;
	(xrf2) =	vadd.scan.msk.f32 $0xffff, v25;
	_ =	sdelay $0x1  }
0x219: {  	(xrf2) =	vadd.scan.msk.f32 $0xffff, v21;
	_ =	sdelay $0x7  }
0x21a: {  	v56, _, _ =	vpop (xrf2)  }
0x21b: {  	v21 =	vmul.f32 $7.812500000e-03, v56  }
0x21c: {  	v57, _, _ =	vpop (xrf2)  }
0x21d: {  	v25 =	vmul.f32 $7.812500000e-03, v57;
	v58 =	vmul.f32 v21, v21;
	_ =	sdelay $0x1  }
0x21e: {  	v25 =	vsub.f32 v25, v58;
	_ =	sdelay $0x1  }
0x21f: {  	v25 =	vmax.f32 v25, $0.0e+00  }
0x220: {  	v25 =	vadd.f32 $9.999999960e-13, v25;
	_ =	sdelay $0x1  }
0x221: {  	v25 =	vbroadcast v25, $0xF;
	_ =	sdelay $0x1  }
0x222: {  	v59 =	vshrl.u32 v25, $0x1  }
0x223: {  	v26 =	vsub.s32 $0x5F3759DF, v59  }
0x224: {  	v25 =	vmul.f32 $5.000000000e-01, v25;
	v60 =	vmul.f32 v26, v26;
	_ =	sdelay $0x1  }
0x225: {  	v27 =	vmul.f32 v60, v25;
	_ =	sdelay $0x1  }
0x226: {  	v27 =	vsub.f32 $1.500000000e+00, v27;
	_ =	sdelay $0x1  }
0x227: {  	v26 =	vmul.f32 v26, v27;
	_ =	sdelay $0x1  }
0x228: {  	v27 =	vmul.f32 v26, v26;
	_ =	sdelay $0x1  }
0x229: {  	v25 =	vmul.f32 v27, v25;
	_ =	sdelay $0x1  }
0x22a: {  	v21 =	vbroadcast v21, $0xF;
	v25 =	vsub.f32 $1.500000000e+00, v25;
	_ =	sdelay $0x1  }
0x22b: {  	v16 =	vsub.f32 v16, v21;
	v25 =	vmul.f32 v25, v26  }
0x22c: {  	v17 =	vsub.f32 v17, v21  }
0x22d: {  	v19 =	vsub.f32 v43, v21;
	v22 =	vsub.f32 v22, v21;
	v16 =	vmul.f32 v25, v16  }
0x22e: {  	v18 =	vsub.f32 v18, v21;
	v20 =	vsub.f32 v20, v21;
	v17 =	vmul.f32 v25, v17  }
0x22f: {  	v23 =	vsub.f32 v23, v21;
	v19 =	vmul.f32 v25, v19;
	v16 =	vmul.f32 v16, v0  }
0x230: {  	v21 =	vsub.f32 v24, v21;
	v20 =	vmul.f32 v25, v20;
	v17 =	vmul.f32 v17, v1  }
0x231: {  	v22 =	vmul.f32 v25, v22;
	v19 =	vmul.f32 v19, v2;
	v16 =	vadd.f32 v16, v8  }
0x232: {  	v18 =	vmul.f32 v25, v18;
	v20 =	vmul.f32 v20, v5;
	v17 =	vadd.f32 v17, v9  }
0x233: {  	v23 =	vmul.f32 v25, v23;
	v22 =	vmul.f32 v22, v3;
	v19 =	vadd.f32 v19, v10;
	[tilespmem:$0xF900] =	vst v16  }
0x234: {  	v21 =	vmul.f32 v25, v21;
	v18 =	vmul.f32 v18, v4;
	v62 =	vadd.f32 v20, v13;
	[tilespmem:$0xF910] =	vst v17  }
0x235: {  	v61 =	vmul.f32 v23, v6;
	v16 =	vadd.f32 v22, v11;
	[tilespmem:$0xF920] =	vst v19  }
0x236: {  	v63 =	vmul.f32 v21, v7;
	v17 =	vadd.f32 v18, v12;
	[tilespmem:$0xF950] =	vst v62  }
0x237: {  	[tilespmem:$0xF930] =	vst v16;
	v16 =	vadd.f32 v61, v14  }
0x238: {  	[tilespmem:$0xF940] =	vst v17;
	v17 =	vadd.f32 v63, v15  }
0x239: {  	[tilespmem:$0xF960] =	vst v16  }
0x23a: {  	s21 =	simm.s32 $0x0;
	[tilespmem:$0xF970] =	vst v17  }
.LBB2_12:
0x23b: {  	s23 =	sshra.s32 s21, $0x2  }
0x23c: {  	v16 =	vld [tilespmem:s23+$0xF980]  }
0x23d: {  	v17 =	vld [tilespmem:s23+$0x16200]  }
0x23e: {  	v18 =	vld [tilespmem:s23+$0xF990]  }
0x23f: {  	v19 =	vld [tilespmem:s23+$0x16210]  }
0x240: {  	v20 =	vld [tilespmem:s23+$0xF9A0]  }
0x241: {  	v21 =	vld [tilespmem:s23+$0x16220]  }
0x242: {  	v22 =	vld [tilespmem:s23+$0xF9B0]  }
0x243: {  	v23 =	vld [tilespmem:s23+$0x16230]  }
0x244: {  	v24 =	vld [tilespmem:s23+$0xF9C0]  }
0x245: {  	v25 =	vld [tilespmem:s23+$0x16240]  }
0x246: {  	v26 =	vld [tilespmem:s23+$0xF9D0]  }
0x247: {  	v29 =	vld [tilespmem:s23+$0x16250]  }
0x248: {  	v33 =	vld [tilespmem:s23+$0xF9E0]  }
0x249: {  	v35 =	vld [tilespmem:s23+$0x16260]  }
0x24a: {  	v37 =	vld [tilespmem:s23+$0xF9F0]  }
0x24b: {  	v38 =	vld [tilespmem:s23+$0x16270]  }
0x24c: {  	v39 =	vld [tilespmem:s23+$0xFA00]  }
0x24d: {  	v40 =	vld [tilespmem:s23+$0x16280]  }
0x24e: {  	v41 =	vld [tilespmem:s23+$0xFA10]  }
0x24f: {  	v56 =	vld [tilespmem:s23+$0x162A0]  }
0x250: {  	v57 =	vld [tilespmem:s23+$0xFA30]  }
0x251: {  	v62 =	vld [tilespmem:s23+$0xFA60]  }
0x252: {  	v63 =	vld [tilespmem:s23+$0x162E0]  }
0x253: {  	v48 =	vld [tilespmem:s23+$0xFA80];
	v31 =	vadd.f32 v17, v16  }
0x254: {  	v49 =	vld [tilespmem:s23+$0x16300];
	v30 =	vadd.f32 v19, v18;
	v27 =	vadd.f32 v21, v20  }
0x255: {  	v58 =	vld [tilespmem:s23+$0x162B0];
	v28 =	vadd.f32 v23, v22;
	v32 =	vadd.f32 v25, v24  }
0x256: {  	v16 =	vld [tilespmem:s23+$0x16290];
	v19 =	vadd.f32 v30, v31;
	v60 =	vmul.f32 v31, v31;
	v34 =	vmul.f32 v30, v30  }
0x257: {  	v59 =	vld [tilespmem:s23+$0xFA40];
	v37 =	vadd.f32 v38, v37;
	v38 =	vadd.f32 v40, v39  }
0x258: {  	v17 =	vld [tilespmem:s23+$0xFA20];
	v36 =	vmul.f32 v27, v27;
	v19 =	vadd.f32 v27, v19;
	v23 =	vadd.f32 v34, v60  }
0x259: {  	v61 =	vld [tilespmem:s23+$0x162C0];
	v45 =	vadd.f32 v63, v62;
	v20 =	vadd.f32 v49, v48  }
0x25a: {  	v43 =	vld [tilespmem:s23+$0x162F0];
	v42 =	vmul.f32 v28, v28;
	v19 =	vadd.f32 v28, v19;
	v23 =	vadd.f32 v36, v23  }
0x25b: {  	v25 =	vld [tilespmem:s23+$0xFA50];
	v34 =	vadd.f32 v29, v26;
	v39 =	vadd.f32 v16, v41  }
0x25c: {  	v46 =	vmul.f32 v32, v32;
	v26 =	vld [tilespmem:s23+$0x162D0];
	v19 =	vadd.f32 v32, v19;
	v23 =	vadd.f32 v42, v23  }
0x25d: {  	v50 =	vld [tilespmem:s23+$0xFA90];
	v40 =	vadd.f32 v56, v17;
	v36 =	vadd.f32 v35, v33  }
0x25e: {  	v54 =	vld [tilespmem:s23+$0x16320];
	v47 =	vmul.f32 v34, v34;
	v19 =	vadd.f32 v34, v19;
	v23 =	vadd.f32 v46, v23  }
0x25f: {  	v62 =	vld [tilespmem:s23+$0xFAC0];
	v55 =	vmul.f32 v38, v38;
	v56 =	vadd.f32 v39, v38;
	v42 =	vadd.f32 v58, v57  }
0x260: {  	v17 =	vld [tilespmem:s23+$0xFAA0];
	v44 =	vmul.f32 v36, v36;
	v19 =	vadd.f32 v36, v19;
	v23 =	vadd.f32 v47, v23  }
0x261: {  	v35 =	vld [tilespmem:s23+$0xFA70];
	v41 =	vmul.f32 v39, v39;
	v60 =	vadd.f32 v40, v56;
	v46 =	vadd.f32 v26, v25  }
0x262: {  	v53 =	vmul.f32 v37, v37;
	v16 =	vld [tilespmem:s23+$0x16310];
	v19 =	vadd.f32 v37, v19;
	v52 =	vadd.f32 v44, v23  }
0x263: {  	v63 =	vld [tilespmem:s23+$0x16340];
	v44 =	vadd.f32 v61, v59;
	v59 =	vadd.f32 v41, v55;
	v61 =	vmul.f32 v40, v40  }
0x264: {  	v57 =	vld [tilespmem:s23+$0xFAB0];
	v41 =	vadd.f32 v42, v60;
	(xrf2) =	vadd.scan.msk.f32 $0xffff, v19;
	v18 =	vadd.f32 v53, v52  }
0x265: {  	v58 =	vld [tilespmem:s23+$0x16330];
	v51 =	vmul.f32 v42, v42;
	v17 =	vadd.f32 v54, v17;
	v33 =	vadd.f32 v61, v59  }
0x266: {  	v47 =	vadd.f32 v43, v35;
	v52 =	vadd.f32 v44, v41;
	(xrf2) =	vadd.scan.msk.f32 $0xffff, v18  }
0x267: {  	v53 =	vmul.f32 v44, v44;
	v19 =	vadd.f32 v16, v50;
	v18 =	vadd.f32 v51, v33  }
0x268: {  	v16 =	vadd.f32 v63, v62;
	v23 =	vadd.f32 v46, v52  }
0x269: {  	v55 =	vmul.f32 v46, v46;
	v59 =	vadd.f32 v19, v20;
	v29 =	vadd.f32 v53, v18  }
0x26a: {  	v21 =	vld [tilespmem:s23+$0xFAD0];
	v60 =	vmul.f32 v19, v19;
	v18 =	vadd.f32 v58, v57;
	v58 =	vmul.f32 v20, v20  }
0x26b: {  	v22 =	vld [tilespmem:s23+$0x16350];
	v23 =	vadd.f32 v45, v23;
	v57 =	vmul.f32 v45, v45;
	v56 =	vadd.f32 v55, v29  }
0x26c: {  	v24 =	vld [tilespmem:s23+$0xFAE0];
	v63 =	vmul.f32 v17, v17;
	v35 =	vadd.f32 v17, v59;
	v33 =	vadd.f32 v60, v58  }
0x26d: {  	v61 =	vmul.f32 v47, v47;
	v29 =	vld [tilespmem:s23+$0x16360];
	v23 =	vadd.f32 v47, v23;
	v25 =	vadd.f32 v57, v56  }
0x26e: {  	v49 =	vld [tilespmem:s23+$0x16370];
	v58 =	vmul.f32 v18, v18;
	v56 =	vadd.f32 v63, v33;
	v54, _, _ =	vpop (xrf2)  }
0x26f: {  	v43 =	vld [tilespmem:s23+$0xFAF0];
	v57 =	vadd.f32 v18, v35;
	v25 =	vadd.f32 v61, v25;
	(xrf2) =	vadd.scan.msk.f32 $0xffff, v23;
	v48 =	vmul.f32 $7.812500000e-03, v54  }
0x270: {  	v21 =	vadd.f32 v22, v21;
	v26 =	vld [tilespmem:s23+$0x16380];
	v59 =	vmul.f32 v16, v16;
	v23 =	vadd.f32 v58, v56;
	v62, _, _ =	vpop (xrf2)  }
0x271: {  	v41 =	vld [tilespmem:s23+$0xFB10];
	v33 =	vadd.f32 v16, v57;
	(xrf2) =	vadd.scan.msk.f32 $0xffff, v25;
	v50 =	vmul.f32 $7.812500000e-03, v62;
	v52 =	vmul.f32 v48, v48  }
0x272: {  	v51 =	vld [tilespmem:s23+$0xFB00];
	v61 =	vmul.f32 v21, v21;
	v22 =	vadd.f32 v29, v24;
	v35 =	vadd.f32 v59, v23  }
0x273: {  	v53 =	vld [tilespmem:s23+$0x163B0];
	v33 =	vadd.f32 v21, v33;
	v48 =	vbroadcast v48, $0xF;
	v50 =	vsub.f32 v50, v52  }
0x274: {  	v55 =	vld [tilespmem:s23+$0xFB50];
	v23 =	vadd.f32 v49, v43;
	v62 =	vmul.f32 v22, v22;
	v35 =	vadd.f32 v61, v35  }
0x275: {  	v58 =	vld [tilespmem:s23+$0x163D0];
	v33 =	vadd.f32 v22, v33;
	v31 =	vsub.f32 v31, v48;
	v60 =	vmax.f32 v50, $0.0e+00  }
0x276: {  	v25 =	vld [tilespmem:s23+$0x16390];
	v30 =	vsub.f32 v30, v48;
	v29 =	vadd.f32 $9.999999960e-13, v60  }
0x277: {  	v24 =	vld [tilespmem:s23+$0xFB20];
	v63 =	vmul.f32 v23, v23;
	v35 =	vadd.f32 v62, v35;
	v33 =	vadd.f32 v23, v33  }
0x278: {  	v27 =	vsub.f32 v27, v48;
	v28 =	vsub.f32 v28, v48;
	v50 =	vld [tilespmem:s23+$0x163A0];
	v29 =	vbroadcast v29, $0xF  }
0x279: {  	v54 =	vld [tilespmem:s23+$0x163C0];
	v32 =	vsub.f32 v32, v48;
	v35 =	vadd.f32 v63, v35;
	v57, _, _ =	vpop (xrf2);
	(xrf2) =	vadd.scan.msk.f32 $0xffff, v33  }
0x27a: {  	v49 =	vld [tilespmem:s23+$0xFB30];
	v34 =	vsub.f32 v34, v48;
	v57 =	vmul.f32 $7.812500000e-03, v57;
	v56 =	vshrl.u32 v29, $0x1  }
0x27b: {  	v59 =	vld [tilespmem:s23+$0xFB60];
	v41 =	vadd.f32 v25, v41;
	v25 =	vadd.f32 v58, v55;
	v43, _, _ =	vpop (xrf2);
	(xrf2) =	vadd.scan.msk.f32 $0xffff, v35;
	v56 =	vsub.s32 $0x5F3759DF, v56  }
0x27c: {  	v61 =	vld [tilespmem:s23+$0x163E0];
	v33 =	vmul.f32 $7.812500000e-03, v43;
	v62 =	vmul.f32 v57, v57;
	v43 =	vadd.f32 v26, v51  }
0x27d: {  	v52 =	vld [tilespmem:s23+$0xFB40];
	v60 =	vmul.f32 $5.000000000e-01, v29;
	v35 =	vadd.f32 v50, v24;
	v29 =	vmul.f32 v56, v56  }
0x27e: {  	v50 =	vld [tilespmem:s23+$0x163F0];
	v62 =	vsub.f32 v33, v62;
	v58 =	vadd.f32 v41, v43  }
0x27f: {  	v36 =	vsub.f32 v36, v48;
	v37 =	vsub.f32 v37, v48;
	v26 =	vld [tilespmem:s23+$0xFB70];
	v29 =	vmul.f32 v29, v60  }
0x280: {  	v33 =	vadd.f32 v53, v49;
	v62 =	vmax.f32 v62, $0.0e+00;
	v53 =	vadd.f32 v35, v58  }
0x281: {  	v24 =	vadd.f32 v61, v59;
	v63 =	vsub.f32 $1.500000000e+00, v29  }
0x282: {  	v59 =	vmul.f32 v41, v41;
	v29 =	vadd.f32 v54, v52;
	v53 =	vadd.f32 v33, v53  }
0x283: {  	v51 =	vadd.f32 $9.999999960e-13, v62;
	v49 =	vmul.f32 v56, v63;
	v63 =	vmul.f32 v43, v43;
	v62, _, _ =	vpop (xrf2)  }
0x284: {  	v26 =	vadd.f32 v50, v26;
	v55 =	vmul.f32 $7.812500000e-03, v62;
	v53 =	vadd.f32 v29, v53  }
0x285: {  	v61 =	vmul.f32 v49, v49;
	v52 =	vadd.f32 v59, v63;
	v63 =	vmul.f32 v35, v35;
	v62, _, _ =	vpop (xrf2)  }
0x286: {  	v51 =	vbroadcast v51, $0xF;
	v58 =	vmul.f32 $7.812500000e-03, v62;
	v53 =	vadd.f32 v25, v53  }
0x287: {  	v50 =	vmul.f32 v61, v60;
	v52 =	vadd.f32 v63, v52;
	v63 =	vmul.f32 v33, v33  }
0x288: {  	v61 =	vshrl.u32 v51, $0x1;
	v60 =	vmul.f32 v55, v55;
	v51 =	vmul.f32 $5.000000000e-01, v51  }
0x289: {  	v56 =	vsub.s32 $0x5F3759DF, v61;
	v61 =	vmul.f32 v29, v29;
	v53 =	vadd.f32 v24, v53  }
0x28a: {  	v52 =	vadd.f32 v63, v52;
	v62 =	vmul.f32 v56, v56;
	v50 =	vsub.f32 $1.500000000e+00, v50  }
0x28b: {  	v58 =	vsub.f32 v58, v60;
	v63 =	vmul.f32 v25, v25;
	v60 =	vmul.f32 v24, v24  }
0x28c: {  	v53 =	vadd.f32 v26, v53;
	v52 =	vadd.f32 v61, v52;
	v49 =	vmul.f32 v50, v49  }
0x28d: {  	v59 =	vmul.f32 v62, v51;
	v58 =	vmax.f32 v58, $0.0e+00;
	v61 =	vmul.f32 v26, v26  }
0x28e: {  	v58 =	vadd.f32 $9.999999960e-13, v58;
	v31 =	vmul.f32 v49, v31;
	v30 =	vmul.f32 v49, v30  }
0x28f: {  	v52 =	vadd.f32 v63, v52;
	v27 =	vmul.f32 v49, v27;
	v28 =	vmul.f32 v49, v28  }
0x290: {  	v59 =	vsub.f32 $1.500000000e+00, v59;
	v32 =	vmul.f32 v49, v32;
	v34 =	vmul.f32 v49, v34  }
0x291: {  	(xrf2) =	vadd.scan.msk.f32 $0xffff, v53;
	v36 =	vmul.f32 v49, v36;
	v37 =	vmul.f32 v49, v37  }
0x292: {  	v63 =	vbroadcast v58, $0xF;
	v52 =	vadd.f32 v60, v52;
	v62 =	vmul.f32 v56, v59  }
0x293: {  	v60 =	vbroadcast v57, $0xF;
	v31 =	vmul.f32 v31, v0  }
0x294: {  	v30 =	vmul.f32 v30, v1;
	v27 =	vmul.f32 v27, v2;
	v52 =	vadd.f32 v61, v52  }
0x295: {  	v28 =	vmul.f32 v28, v3;
	v32 =	vmul.f32 v32, v4  }
0x296: {  	v34 =	vmul.f32 v34, v5;
	v36 =	vmul.f32 v36, v6;
	(xrf2) =	vadd.scan.msk.f32 $0xffff, v52  }
0x297: {  	v37 =	vmul.f32 v37, v7;
	v58 =	vshrl.u32 v63, $0x1;
	v56 =	vmul.f32 v62, v62  }
0x298: {  	v53 =	vmul.f32 $5.000000000e-01, v63;
	v38 =	vsub.f32 v38, v60;
	v39 =	vsub.f32 v39, v60  }
0x299: {  	v40 =	vsub.f32 v40, v60;
	v42 =	vsub.f32 v42, v60;
	v51 =	vmul.f32 v56, v51  }
0x29a: {  	v44 =	vsub.f32 v44, v60;
	v46 =	vsub.f32 v46, v60;
	v52 =	vsub.s32 $0x5F3759DF, v58  }
0x29b: {  	v45 =	vsub.f32 v45, v60;
	v59 =	vmul.f32 v52, v52;
	v51 =	vsub.f32 $1.500000000e+00, v51;
	v61, _, _ =	vpop (xrf2)  }
0x29c: {  	v47 =	vsub.f32 v47, v60;
	v31 =	vadd.f32 v31, v8;
	v49 =	vmul.f32 $7.812500000e-03, v61  }
0x29d: {  	v30 =	vadd.f32 v30, v9;
	v54 =	vmul.f32 v59, v53;
	v50 =	vmul.f32 v51, v62  }
0x29e: {  	v27 =	vadd.f32 v27, v10;
	v28 =	vadd.f32 v28, v11;
	v63 =	vmul.f32 v49, v49  }
0x29f: {  	v54 =	vsub.f32 $1.500000000e+00, v54;
	v38 =	vmul.f32 v50, v38;
	v39 =	vmul.f32 v50, v39  }
0x2a0: {  	v32 =	vadd.f32 v32, v12;
	v40 =	vmul.f32 v50, v40;
	v42 =	vmul.f32 v50, v42;
	v62, _, _ =	vpop (xrf2)  }
0x2a1: {  	v34 =	vadd.f32 v34, v13;
	v51 =	vmul.f32 v52, v54;
	v54 =	vmul.f32 $7.812500000e-03, v62  }
0x2a2: {  	v36 =	vadd.f32 v36, v14;
	v44 =	vmul.f32 v50, v44;
	v46 =	vmul.f32 v50, v46  }
0x2a3: {  	v45 =	vmul.f32 v50, v45;
	v52 =	vmul.f32 v51, v51;
	v61 =	vsub.f32 v54, v63  }
0x2a4: {  	v37 =	vadd.f32 v37, v15;
	v47 =	vmul.f32 v50, v47;
	v38 =	vmul.f32 v38, v0  }
0x2a5: {  	v39 =	vmul.f32 v39, v1;
	v60 =	vmul.f32 v52, v53;
	v52 =	vmax.f32 v61, $0.0e+00  }
0x2a6: {  	v40 =	vmul.f32 v40, v2;
	v42 =	vmul.f32 v42, v3;
	v52 =	vadd.f32 $9.999999960e-13, v52  }
0x2a7: {  	v44 =	vmul.f32 v44, v4;
	v57 =	vmul.f32 v46, v5;
	v38 =	vadd.f32 v38, v8  }
0x2a8: {  	v63 =	vbroadcast v55, $0xF;
	v48 =	vsub.f32 $1.500000000e+00, v60;
	v52 =	vbroadcast v52, $0xF  }
0x2a9: {  	v58 =	vmul.f32 v45, v6;
	v39 =	vadd.f32 v39, v9;
	v40 =	vadd.f32 v40, v10  }
0x2aa: {  	[tilespmem:s23+$0xF980] =	vst v31;
	v48 =	vmul.f32 v48, v51;
	v20 =	vsub.f32 v20, v63;
	v62 =	vshrl.u32 v52, $0x1  }
0x2ab: {  	[tilespmem:s23+$0xF990] =	vst v30;
	v19 =	vsub.f32 v19, v63;
	v17 =	vsub.f32 v17, v63;
	v50 =	vsub.s32 $0x5F3759DF, v62  }
0x2ac: {  	[tilespmem:s23+$0xF9A0] =	vst v27;
	v18 =	vsub.f32 v18, v63;
	v52 =	vmul.f32 $5.000000000e-01, v52;
	v54 =	vmul.f32 v50, v50  }
0x2ad: {  	[tilespmem:s23+$0xF9B0] =	vst v28;
	v59 =	vmul.f32 v47, v7;
	v16 =	vsub.f32 v16, v63;
	v21 =	vsub.f32 v21, v63  }
0x2ae: {  	[tilespmem:s23+$0xF9C0] =	vst v32;
	v22 =	vsub.f32 v22, v63;
	v20 =	vmul.f32 v48, v20;
	v31 =	vmul.f32 v54, v52  }
0x2af: {  	[tilespmem:s23+$0xF9D0] =	vst v34;
	v23 =	vsub.f32 v23, v63;
	v19 =	vmul.f32 v48, v19;
	v17 =	vmul.f32 v48, v17  }
0x2b0: {  	[tilespmem:s23+$0xF9E0] =	vst v36;
	v18 =	vmul.f32 v48, v18;
	v16 =	vmul.f32 v48, v16;
	v31 =	vsub.f32 $1.500000000e+00, v31  }
0x2b1: {  	[tilespmem:s23+$0xF9F0] =	vst v37;
	v56 =	vadd.f32 v44, v12;
	v21 =	vmul.f32 v48, v21;
	v22 =	vmul.f32 v48, v22  }
0x2b2: {  	v27 =	vadd.f32 v58, v14;
	[tilespmem:s23+$0xFA00] =	vst v38;
	v23 =	vmul.f32 v48, v23;
	v31 =	vmul.f32 v50, v31  }
0x2b3: {  	v28 =	vadd.f32 v59, v15;
	[tilespmem:s23+$0xFA10] =	vst v39;
	v20 =	vmul.f32 v20, v0;
	v19 =	vmul.f32 v19, v1  }
0x2b4: {  	[tilespmem:s23+$0xFA20] =	vst v40;
	v55 =	vadd.f32 v42, v11;
	v17 =	vmul.f32 v17, v2;
	v61 =	vmul.f32 v31, v31  }
0x2b5: {  	[tilespmem:s23+$0xFA40] =	vst v56;
	v60 =	vadd.f32 v57, v13;
	v18 =	vmul.f32 v18, v3;
	v16 =	vmul.f32 v16, v4  }
0x2b6: {  	[tilespmem:s23+$0xFA60] =	vst v27;
	v21 =	vmul.f32 v21, v5;
	v20 =	vadd.f32 v20, v8;
	v34 =	vmul.f32 v61, v52  }
0x2b7: {  	[tilespmem:s23+$0xFA70] =	vst v28;
	v22 =	vmul.f32 v22, v6;
	v19 =	vadd.f32 v19, v9;
	v17 =	vadd.f32 v17, v10  }
0x2b8: {  	[tilespmem:s23+$0xFA30] =	vst v55;
	v18 =	vadd.f32 v18, v11;
	v62 =	vbroadcast v49, $0xF;
	v34 =	vsub.f32 $1.500000000e+00, v34  }
0x2b9: {  	[tilespmem:s23+$0xFA50] =	vst v60;
	v39 =	vmul.f32 v23, v7;
	v16 =	vadd.f32 v16, v12;
	v38 =	vadd.f32 v21, v13  }
0x2ba: {  	v63 =	vsub.f32 v43, v62;
	v36 =	vsub.f32 v41, v62;
	[tilespmem:s23+$0xFA80] =	vst v20;
	v31 =	vmul.f32 v34, v31  }
0x2bb: {  	[tilespmem:s23+$0xFA90] =	vst v19;
	v41 =	vadd.f32 v22, v14;
	v43 =	vsub.f32 v35, v62  }
0x2bc: {  	[tilespmem:s23+$0xFAA0] =	vst v17;
	v17 =	vadd.f32 v39, v15;
	v45 =	vsub.f32 v33, v62;
	v37 =	vmul.f32 v31, v63  }
0x2bd: {  	[tilespmem:s23+$0xFAB0] =	vst v18;
	v48 =	vsub.f32 v29, v62;
	v24 =	vsub.f32 v24, v62;
	v40 =	vmul.f32 v31, v36  }
0x2be: {  	[tilespmem:s23+$0xFAC0] =	vst v16;
	v55 =	vsub.f32 v26, v62;
	v47 =	vmul.f32 v31, v43;
	v42 =	vmul.f32 v37, v0  }
0x2bf: {  	[tilespmem:s23+$0xFAD0] =	vst v38;
	v50 =	vsub.f32 v25, v62;
	v49 =	vmul.f32 v31, v45;
	v44 =	vmul.f32 v40, v1  }
0x2c0: {  	[tilespmem:s23+$0xFAE0] =	vst v41;
	v57 =	vmul.f32 v31, v24;
	v51 =	vmul.f32 v47, v2;
	v46 =	vadd.f32 v42, v8  }
0x2c1: {  	[tilespmem:s23+$0xFAF0] =	vst v17;
	v52 =	vmul.f32 v31, v48;
	v53 =	vmul.f32 v49, v3;
	v16 =	vadd.f32 v44, v9  }
0x2c2: {  	v54 =	vmul.f32 v31, v50;
	v61 =	vmul.f32 v57, v6;
	v17 =	vadd.f32 v51, v10;
	[tilespmem:s23+$0xFB00] =	vst v46  }
0x2c3: {  	v60 =	vmul.f32 v31, v55;
	v56 =	vmul.f32 v52, v4;
	v58 =	vadd.f32 v53, v11;
	[tilespmem:s23+$0xFB10] =	vst v16  }
0x2c4: {  	p0 =	sne.s32 s21, $0x18800;
	v59 =	vmul.f32 v54, v5;
	v63 =	vadd.f32 v61, v14;
	[tilespmem:s23+$0xFB20] =	vst v17  }
.Ltmp7:
0x2c5: {  	v62 =	vmul.f32 v60, v7;
	v16 =	vadd.f32 v56, v12;
	[tilespmem:s23+$0xFB30] =	vst v58;
	(pc) =	sbr.rel @p0 .LBB2_12-.Ltmp7, $4  }
0x2c6: {  	v17 =	vadd.f32 v59, v13;
	[tilespmem:s23+$0xFB60] =	vst v63  }
0x2c7: {  	[tilespmem:s23+$0xFB40] =	vst v16;
	v16 =	vadd.f32 v62, v15  }
0x2c8: {  	[tilespmem:s23+$0xFB50] =	vst v17  }
0x2c9: {  	s21 =	sadd.s32 $0x800, s21;
	[tilespmem:s23+$0xFB70] =	vst v16  }
0x2ca: {  	s15 =	sadd.s32 s8, s15  }
0x2cb: {  	s15 =	smul.u32 $0xD00, s15;
	_ =	sdelay $0x1  }
0x2cc: {  	s15 =	sadd.s32 s7, s15  }
0x2cd: {  	[hbm4b:s15+s6] =	stream.linear.scatter [tilespmem:s5], [sflag:$0x6], $0x6480, $0x38;
	[tilespmem:$0x1CA00] =	vst v63  }
0x2ce: {  	_ =	swait.ge [sflag:s2], $0x6480  }
.Ltmp8:
0x2cf: {  	[sflag:s2] =	ssyncset.done $0x0;
	(pc) =	sbr.rel .LBB2_2-.Ltmp8, $4  }
0x2d0: {  	s21 =	sadd.s32 $0x320, s16;
	[sflag:s2] =	ssyncadd.s32 $0xFFFF9B80  }
0x2d1: {  	[tilespmem:s22], [sflag:$0x2] =	stream.indirect.gather [hbm4b:s0+s17], $0x80, s21, s17, $0xb8;
	[tilespmem:$0x1CA00] =	vst v63  }
0x2d2: {  	s23 =	sadd.s32 $0x388, s16;
	s14 =	sadd.s32 $0x1, s14  }
0x2d3: {  	[tilespmem:s24], [sflag:$0x2] =	stream.indirect.gather [hbm4b:s0+s19], $0x80, s23, s19, $0xb8;
	[tilespmem:$0x1CA00] =	vst v63  }
.LBB2_15:
0x2d4: {  	_ =	sfence.sel $0x180000  }
0x2d5: {  	[bflag:$0x0] =	sbarrier.arrive $0xFFFF  }
0x2d6: {  	_ =	strace $0x90000047  }
0x2d7: {  	s0 =	stileid.u32;
	[bflag:$0x2] =	sbarrier.arrive $0xFFFF  }
0x2d8: {  	p0 =	sne.s32 s0, $0x0;
	s0 =	rddreg [dreg:$0x7]  }
0x2d9: {  	s0 =	sadd.s32 @!p0 $0x100000, s0  }
0x2da: {  	[sflag:s0] =	ssyncadd.tile.s32 @!p0 $0x1;
	_ =	shalt  }
.Lfunc_end2:
_tile_overlayer_lowered:
.L_overlay_start_2:
0x2db: {  	(tag) =	ssettag $0x2  }
0x2dc: {  	s0 =	rddreg [dreg:$0x0];
	s2 =	stileid.u32  }
0x2dd: {  	s1 =	rddreg [dreg:$0x1];
	p0 =	sne.s32 s2, $0x0  }
0x2de: {  	s3 =	rddreg [dreg:$0x2];
	[bflag:$0x3] =	sbarrier.arrive $0xFFFF;
	s2 =	simm.s32 @!p0 $0x1C07  }
0x2df: {  	[timem:s3], [sflag:s2] =	dma.local @!p0 [hbm:s0], s1  }
0x2e0: {  	s0 =	simm.s32 @!p0 $0x7  }
0x2e1: {  	_ =	swait.ge @!p0 [sflag:s0], s1  }
0x2e2: {  	s1 =	ssub.s32 @!p0 $0x0, s1;
	[sflag:s0] =	ssyncset.done @!p0 $0x0  }
0x2e3: {  	[sflag:s0] =	ssyncadd.s32 @!p0 s1  }
0x2e4: {  	[bflag:$0x3] =	sbarrier.arrive $0xFFFF  }
0x2e5: {  	_ =	shalt  }

</sc_bundles>
